<compile_context>
chip_gen: v7x
topology: tpu7x:2x2x1
jax: 0.10.2.dev20260603
libtpu: 0.0.44.dev20260713+nightly
codegen_flags: <defaults>
</compile_context>

<pallas_src>
import jax
import jax.numpy as jnp
from jax import lax
from jax.experimental import pallas as pl
from jax.experimental.pallas import tpu as pltpu
from jax.experimental.pallas import tpu_sc as plsc

N = 10000
E = 320000
G = 64
NC, NS = 2, 16
KCH = 80
KE = 80
EPS = E // NS
NIT = EPS // KE
NROW = 10240
NH = NROW // 2
NPAD = NROW
RB = 640
NB = NROW // RB

_f32 = jnp.float32
_i32 = jnp.int32


def _sds(shape, dtype=_f32):
    return jax.ShapeDtypeStruct(shape, dtype)


def _deg_body(col_hbm, deg2_hbm, colv, onesv, fillv, deg_sp):
    c = lax.axis_index("c")
    s = lax.axis_index("s")
    w = c * NS + s
    for j in range(KCH // 16):
        onesv[pl.ds(j * 16, 16)] = jnp.ones((16,), _f32)
    ini = jnp.where(c == 0, 1.0, 0.0).astype(_f32)
    for j in range(640 // 16):
        fillv[pl.ds(j * 16, 16)] = jnp.zeros((16,), _f32) + ini
    pltpu.sync_copy(fillv, deg_sp.at[pl.ds(s * 640, 640)])
    pltpu.sync_copy(col_hbm.at[w], colv)
    plsc.subcore_barrier()

    def it(i, carry):
        pltpu.sync_copy(onesv, deg_sp.at[colv.at[i]], add=True)
        return carry

    lax.fori_loop(0, (E // 32) // KCH, it, 0)
    plsc.subcore_barrier()
    pltpu.sync_copy(deg_sp.at[pl.ds(s * 640, 640)],
                    deg2_hbm.at[pl.ds(c * NPAD + s * 640, 640)])


def _deg_call(col32):
    mesh = plsc.VectorSubcoreMesh(core_axis_name="c", subcore_axis_name="s")
    f = pl.kernel(
        _deg_body,
        out_type=_sds((2 * NPAD,)),
        mesh=mesh,
        scratch_types=[
            pltpu.VMEM((E // 32 // KCH, KCH), _i32),
            pltpu.VMEM((KCH,), _f32),
            pltpu.VMEM((640,), _f32),
            pltpu.VMEM_SHARED((NPAD,), _f32),
        ],
    )
    return f(col32)


def _mp_body(hs_hbm, row_hbm, col_hbm, z_hbm, rowva, rowvb, colva, colvb,
             sia, sib, gbufa, gbufb, ysp, sema, semb):
    c = lax.axis_index("c")
    s = lax.axis_index("s")
    npps = NH // NS
    base = c * NH
    pltpu.sync_copy(hs_hbm.at[pl.ds(base + s * npps, npps)],
                    ysp.at[pl.ds(s * npps, npps)])
    plsc.subcore_barrier()
    rowv = (rowva, rowvb)
    colv = (colva, colvb)
    si = (sia, sib)
    gbuf = (gbufa, gbufb)
    sem = (sema, semb)

    def load_idx(j, b):
        pltpu.sync_copy(row_hbm.at[s, j], rowv[b])
        pltpu.sync_copy(col_hbm.at[s, j], colv[b])
        for jj in range(KE // 16):
            sl = pl.ds(jj * 16, 16)
            lc = colv[b][sl] - base
            ok = (lc >= 0) & (lc < NH)
            si[b][sl] = jnp.where(ok, lc, NH)

    def fire(b):
        pltpu.async_copy(hs_hbm.at[rowv[b]], gbuf[b], sem[b])

    def drain(b):
        pltpu.make_async_copy(hs_hbm.at[rowv[b]], gbuf[b], sem[b]).wait()

    def scat(b):
        pltpu.sync_copy(gbuf[b], ysp.at[si[b]], add=True)

    load_idx(0, 0)
    fire(0)

    def it(j2, carry):
        j = 2 * j2
        load_idx(jnp.minimum(j + 1, NIT - 1), 1)
        fire(1)
        drain(0)
        scat(0)
        load_idx(jnp.minimum(j + 2, NIT - 1), 0)
        fire(0)
        drain(1)
        scat(1)
        return carry

    lax.fori_loop(0, NIT // 2, it, 0)
    drain(0)
    plsc.subcore_barrier()
    pltpu.sync_copy(ysp.at[pl.ds(s * npps, npps)],
                    z_hbm.at[pl.ds(base + s * npps, npps)])


def _mp_call(hs, row16, col16):
    mesh = plsc.VectorSubcoreMesh(core_axis_name="c", subcore_axis_name="s")
    f = pl.kernel(
        _mp_body,
        out_type=_sds((NROW, 2, 128)),
        mesh=mesh,
        scratch_types=[
            pltpu.VMEM((KE,), _i32),
            pltpu.VMEM((KE,), _i32),
            pltpu.VMEM((KE,), _i32),
            pltpu.VMEM((KE,), _i32),
            pltpu.VMEM((KE,), _i32),
            pltpu.VMEM((KE,), _i32),
            pltpu.VMEM((KE, 2, 128), _f32),
            pltpu.VMEM((KE, 2, 128), _f32),
            pltpu.VMEM_SHARED((NH + 8, 2, 128), _f32),
            pltpu.SemaphoreType.DMA,
            pltpu.SemaphoreType.DMA,
        ],
    )
    return f(hs, row16, col16)


def _mm1_body(x_ref, w_ref, deg_ref, o_ref):
    dinv = lax.rsqrt(deg_ref[...])
    h = jnp.dot(x_ref[...], w_ref[...], preferred_element_type=_f32,
                precision=lax.Precision.HIGHEST)
    o_ref[...] = h * dinv


def _mm1_call(x, W1, deg):
    return pl.pallas_call(
        _mm1_body,
        grid=(NB,),
        in_specs=[
            pl.BlockSpec((RB, 128), lambda i: (i, 0)),
            pl.BlockSpec((128, 256), lambda i: (0, 0)),
            pl.BlockSpec((RB, 1), lambda i: (i, 0)),
        ],
        out_specs=pl.BlockSpec((RB, 256), lambda i: (i, 0)),
        out_shape=_sds((NROW, 256)),
    )(x, W1, deg)


def _post_body(z_ref, deg_ref, b_ref, post_ref, cs_ref, cq_ref):
    i = pl.program_id(0)
    dinv = lax.rsqrt(deg_ref[...])
    y = jnp.maximum(z_ref[...] * dinv + b_ref[...], 0.0)
    post_ref[...] = y
    rowid = i * RB + lax.broadcasted_iota(_i32, (RB, 1), 0)
    ym = jnp.where(rowid < N, y, 0.0)
    cs = jnp.sum(ym, axis=0, keepdims=True)
    cq = jnp.sum(ym * ym, axis=0, keepdims=True)

    @pl.when(i == 0)
    def _():
        cs_ref[...] = cs
        cq_ref[...] = cq

    @pl.when(i > 0)
    def _():
        cs_ref[...] += cs
        cq_ref[...] += cq


def _post_call(z, deg, b1x256):
    return pl.pallas_call(
        _post_body,
        grid=(NB,),
        in_specs=[
            pl.BlockSpec((RB, 256), lambda i: (i, 0)),
            pl.BlockSpec((RB, 1), lambda i: (i, 0)),
            pl.BlockSpec((1, 256), lambda i: (0, 0)),
        ],
        out_specs=[
            pl.BlockSpec((RB, 256), lambda i: (i, 0)),
            pl.BlockSpec((1, 256), lambda i: (0, 0)),
            pl.BlockSpec((1, 256), lambda i: (0, 0)),
        ],
        out_shape=[_sds((NROW, 256)), _sds((1, 256)), _sds((1, 256))],
    )(z, deg, b1x256)


def _mm2_body(p_ref, w2_ref, a1_ref, c1_ref, deg_ref, o_ref):
    w = w2_ref[...] * a1_ref[...]
    acc = jnp.dot(p_ref[...], w, preferred_element_type=_f32,
                  precision=lax.Precision.HIGHEST)
    r = jnp.dot(c1_ref[...], w2_ref[...], preferred_element_type=_f32,
                precision=lax.Precision.HIGHEST)
    o_ref[...] = (acc + r) * lax.rsqrt(deg_ref[...])


def _mm2_call(post, W2, a1, c1, deg):
    return pl.pallas_call(
        _mm2_body,
        grid=(NB,),
        in_specs=[
            pl.BlockSpec((RB, 256), lambda i: (i, 0)),
            pl.BlockSpec((256, 256), lambda i: (0, 0)),
            pl.BlockSpec((256, 1), lambda i: (0, 0)),
            pl.BlockSpec((1, 256), lambda i: (0, 0)),
            pl.BlockSpec((RB, 1), lambda i: (i, 0)),
        ],
        out_specs=pl.BlockSpec((RB, 256), lambda i: (i, 0)),
        out_shape=_sds((NROW, 256)),
    )(post, W2, a1, c1, deg)


def _post2_body(z_ref, deg_ref, b_ref, bt_ref, y2_ref, cs_ref, cq_ref,
                s_ref, cnt_ref):
    i = pl.program_id(0)
    dinv = lax.rsqrt(deg_ref[...])
    y = jnp.maximum(z_ref[...] * dinv + b_ref[...], 0.0)
    y2_ref[...] = y
    rowid = i * RB + lax.broadcasted_iota(_i32, (RB, 1), 0)
    ym = jnp.where(rowid < N, y, 0.0)
    cs = jnp.sum(ym, axis=0, keepdims=True)
    cq = jnp.sum(ym * ym, axis=0, keepdims=True)
    gids = lax.broadcasted_iota(_i32, (1, G), 1)
    maskf = (bt_ref[...] == gids).astype(_f32)
    sblk = lax.dot_general(maskf, y, (((0,), (0,)), ((), ())),
                           preferred_element_type=_f32,
                           precision=lax.Precision.HIGHEST)
    cb = jnp.sum(maskf, axis=0, keepdims=True)

    @pl.when(i == 0)
    def _():
        cs_ref[...] = cs
        cq_ref[...] = cq
        s_ref[...] = sblk
        cnt_ref[...] = cb

    @pl.when(i > 0)
    def _():
        cs_ref[...] += cs
        cq_ref[...] += cq
        s_ref[...] += sblk
        cnt_ref[...] += cb


def _post2_call(z2, deg, b2x256, batch_col):
    return pl.pallas_call(
        _post2_body,
        grid=(NB,),
        in_specs=[
            pl.BlockSpec((RB, 256), lambda i: (i, 0)),
            pl.BlockSpec((RB, 1), lambda i: (i, 0)),
            pl.BlockSpec((1, 256), lambda i: (0, 0)),
            pl.BlockSpec((RB, 1), lambda i: (i, 0)),
        ],
        out_specs=[
            pl.BlockSpec((RB, 256), lambda i: (i, 0)),
            pl.BlockSpec((1, 256), lambda i: (0, 0)),
            pl.BlockSpec((1, 256), lambda i: (0, 0)),
            pl.BlockSpec((G, 256), lambda i: (0, 0)),
            pl.BlockSpec((1, G), lambda i: (0, 0)),
        ],
        out_shape=[_sds((NROW, 256)), _sds((1, 256)), _sds((1, 256)),
                   _sds((G, 256)), _sds((1, G))],
    )(z2, deg, b2x256, batch_col)


def _poolmm_body(y2_ref, st_ref, ct_ref, mx_ref, mn_ref):
    gb = pl.program_id(0)
    T = 32
    neg = jnp.full((T, 128), -jnp.inf, _f32)
    pos = jnp.full((T, 128), jnp.inf, _f32)

    for gg in range(8):
        g = gb * 8 + gg
        s = st_ref[0, g]
        n = ct_ref[0, g]
        s8 = pl.multiple_of((s // 8) * 8, 8)

        def tbody(i, carry):
            mx0, mx1, mn0, mn1 = carry
            b0 = pl.multiple_of(s8 + i * T, 8)
            r0 = y2_ref[pl.ds(b0, T), 0:128]
            r1 = y2_ref[pl.ds(b0, T), 128:256]
            ridx0 = b0 + lax.broadcasted_iota(_i32, (T, 1), 0)
            m0 = (ridx0 >= s) & (ridx0 < s + n)
            mx0 = jnp.maximum(mx0, jnp.where(m0, r0, -jnp.inf))
            mx1 = jnp.maximum(mx1, jnp.where(m0, r1, -jnp.inf))
            mn0 = jnp.minimum(mn0, jnp.where(m0, r0, jnp.inf))
            mn1 = jnp.minimum(mn1, jnp.where(m0, r1, jnp.inf))
            return mx0, mx1, mn0, mn1

        nt = (n + s - s8 + T - 1) // T
        mx0, mx1, mn0, mn1 = lax.fori_loop(0, nt, tbody,
                                           (neg, neg, pos, pos))
        mx_ref[gg:gg + 1, :] = jnp.concatenate(
            [jnp.max(mx0, axis=0, keepdims=True),
             jnp.max(mx1, axis=0, keepdims=True)], axis=1)
        mn_ref[gg:gg + 1, :] = jnp.concatenate(
            [jnp.min(mn0, axis=0, keepdims=True),
             jnp.min(mn1, axis=0, keepdims=True)], axis=1)


def _poolmm_call(y2, starts, cnts):
    return pl.pallas_call(
        _poolmm_body,
        grid=(G // 8,),
        in_specs=[
            pl.BlockSpec((NROW, 256), lambda g: (0, 0)),
            pl.BlockSpec(memory_space=pltpu.SMEM),
            pl.BlockSpec(memory_space=pltpu.SMEM),
        ],
        out_specs=[
            pl.BlockSpec((8, 256), lambda g: (g, 0)),
            pl.BlockSpec((8, 256), lambda g: (g, 0)),
        ],
        out_shape=[_sds((G, 256)), _sds((G, 256))],
    )(y2, starts, cnts)


def _head_body(s_ref, mx_ref, mn_ref, cnt_ref, a2_ref, c2_ref, wl_ref,
               bl_ref, o_ref):
    a2 = a2_ref[...]
    c2 = c2_ref[...]
    cnt = cnt_ref[...]
    x0 = s_ref[...] * a2 + cnt * c2
    x1 = x0 / jnp.maximum(cnt, 1.0)
    x2 = jnp.where(a2 > 0, mx_ref[...] * a2 + c2,
                   jnp.where(a2 < 0, mn_ref[...] * a2 + c2, c2))
    hp = lax.Precision.HIGHEST
    out = (jnp.dot(x0, wl_ref[0:256, :], preferred_element_type=_f32,
                   precision=hp)
           + jnp.dot(x1, wl_ref[256:512, :], preferred_element_type=_f32,
                     precision=hp)
           + jnp.dot(x2, wl_ref[512:768, :], preferred_element_type=_f32,
                     precision=hp))
    o_ref[...] = out + bl_ref[...]


def _head_call(S, mx, mn, cnt, a2, c2, Wl, bl):
    return pl.pallas_call(
        _head_body,
        out_shape=_sds((G, 128)),
    )(S, mx, mn, cnt, a2, c2, Wl, bl)


def kernel(x, edge_index, batch, W1, b1, W2, b2, g1, bt1, g2, bt2, Wl, bl):
    row = edge_index[0].astype(_i32)
    col = edge_index[1].astype(_i32)
    row16 = row.reshape(NS, NIT, KE)
    col16 = col.reshape(NS, NIT, KE)
    col32 = col.reshape(32, E // 32 // KCH, KCH)
    x_p = jnp.pad(x, ((0, NROW - N), (0, 0)))
    batch_col = jnp.pad(batch.astype(_i32), (0, NROW - N),
                        constant_values=G).reshape(NROW, 1)

    deg2 = _deg_call(col32)
    deg = (deg2[:NPAD] + deg2[NPAD:]).reshape(NROW, 1)

    hs1 = _mm1_call(x_p, W1, deg)
    z1 = _mp_call(hs1.reshape(NROW, 2, 128), row16,
                  col16).reshape(NROW, 256)
    post, cs1, cq1 = _post_call(z1, deg, b1.reshape(1, 256))

    mean1 = cs1.reshape(256) / N
    var1 = cq1.reshape(256) / N - mean1 * mean1
    a1 = g1 * lax.rsqrt(var1 + 1e-5)
    c1 = bt1 - mean1 * a1

    hs2 = _mm2_call(post, W2, a1.reshape(256, 1), c1.reshape(1, 256), deg)
    z2 = _mp_call(hs2.reshape(NROW, 2, 128), row16,
                  col16).reshape(NROW, 256)
    y2, cs2, cq2, S, cnt = _post2_call(z2, deg, b2.reshape(1, 256), batch_col)

    mean2 = cs2.reshape(256) / N
    var2 = cq2.reshape(256) / N - mean2 * mean2
    a2 = g2 * lax.rsqrt(var2 + 1e-5)
    c2 = bt2 - mean2 * a2

    cnt_i = cnt.reshape(G).astype(_i32)
    starts = jnp.concatenate(
        [jnp.zeros((1,), _i32), jnp.cumsum(cnt_i)[:-1]]).reshape(1, G)

    mx, mn = _poolmm_call(y2, starts, cnt_i.reshape(1, G))
    return _head_call(S, mx, mn, cnt.reshape(G, 1), a2.reshape(1, 256),
                      c2.reshape(1, 256), Wl, bl.reshape(1, 128))

# --- scband reference (transcript-rebuilt; emitter-appended) ---
"""Pipeline reference for scband-gcnn-3p-uw-81063212744715 (READ-ONLY COPY).

The authoritative reference and input builder live on the scoring server;
editing this copy changes nothing except your own understanding.
"""

import jax, jax.numpy as jnp
import numpy as np

N = 10000
E = 320000
IN_F = 128
C1 = 256
C2 = 256
OUT_F = 128
G = 64


def setup_inputs(seed: int = 0) -> dict:
    key = jax.random.key(seed)
    ks = jax.random.split(key, 16)
    x = jax.random.normal(ks[0], (N, IN_F), dtype=jnp.float32)
    edge_index = jax.random.randint(ks[1], (2, E), 0, N, dtype=jnp.int64)
    batch = jnp.sort(jax.random.randint(ks[2], (N,), 0, G, dtype=jnp.int64))
    W1 = jax.random.normal(ks[3], (IN_F, C1), dtype=jnp.float32) * 0.05
    b1 = jnp.zeros((C1,), dtype=jnp.float32)
    W2 = jax.random.normal(ks[4], (C1, C2), dtype=jnp.float32) * 0.05
    b2 = jnp.zeros((C2,), dtype=jnp.float32)
    g1 = jnp.ones((C1,), dtype=jnp.float32)
    bt1 = jnp.zeros((C1,), dtype=jnp.float32)
    g2 = jnp.ones((C2,), dtype=jnp.float32)
    bt2 = jnp.zeros((C2,), dtype=jnp.float32)
    Wl = jax.random.normal(ks[5], (C2 * 3, OUT_F), dtype=jnp.float32) * 0.05
    bl = jnp.zeros((OUT_F,), dtype=jnp.float32)
    return {"x": x, "edge_index": edge_index, "batch": batch,
            "W1": W1, "b1": b1, "W2": W2, "b2": b2,
            "g1": g1, "bt1": bt1, "g2": g2, "bt2": bt2,
            "Wl": Wl, "bl": bl}


def _gcn_conv(x, edge_index, W, b):
    # PyG GCNConv: x' = D^{-1/2} (A + I) D^{-1/2} (X W) + b
    h = x @ W
    loop = jnp.arange(N, dtype=edge_index.dtype)
    row = jnp.concatenate([edge_index[0], loop])
    col = jnp.concatenate([edge_index[1], loop])
    deg = jnp.zeros((N,), dtype=h.dtype).at[col].add(1.0)
    dinv = jnp.where(deg > 0, jax.lax.rsqrt(deg), 0.0)
    norm = dinv[row] * dinv[col]
    msg = h[row] * norm[:, None]
    out = jnp.zeros((N, h.shape[1]), dtype=h.dtype).at[col].add(msg)
    return out + b


def _batchnorm(x, gamma, beta):
    mean = jnp.mean(x, axis=0)
    var = jnp.var(x, axis=0)
    return (x - mean) * jax.lax.rsqrt(var + 1e-5) * gamma + beta


def reference(x, edge_index, batch, W1, b1, W2, b2, g1, bt1, g2, bt2, Wl, bl):
    h = jax.nn.relu(_gcn_conv(x, edge_index, W1, b1))
    h = _batchnorm(h, g1, bt1)
    # dropout is identity in eval mode
    h = jax.nn.relu(_gcn_conv(h, edge_index, W2, b2))
    h = _batchnorm(h, g2, bt2)
    x0 = jax.ops.segment_sum(h, batch, num_segments=G)
    cnt = jax.ops.segment_sum(jnp.ones((N,), dtype=h.dtype), batch, num_segments=G)
    x1 = x0 / jnp.clip(cnt, 1.0)[:, None]
    x2 = jax.ops.segment_max(h, batch, num_segments=G)
    pooled = jnp.concatenate([x0, x1, x2], axis=-1)
    return pooled @ Wl + bl

if __name__ == "__main__":
    import jax
    _d = setup_inputs()
    print(jax.jit(kernel)(*tuple(_d.values())))

</pallas_src>

<mosaic_0001>
#map = affine_map<(d0, d1) -> (0, 0, 0)>
module attributes {stable_mosaic.version = 14 : i64} {
  func.func @_mp_body(%arg0: i32, %arg1: i32, %arg2: memref<10240x2x128xf32, #tpu.memory_space<hbm>>, %arg3: memref<16x250x80xi32, #tpu.memory_space<hbm>>, %arg4: memref<16x250x80xi32, #tpu.memory_space<hbm>>, %arg5: memref<10240x2x128xf32, #tpu.memory_space<hbm>>, %arg6: memref<80xi32, #tpu.memory_space<vmem>>, %arg7: memref<80xi32, #tpu.memory_space<vmem>>, %arg8: memref<80xi32, #tpu.memory_space<vmem>>, %arg9: memref<80xi32, #tpu.memory_space<vmem>>, %arg10: memref<80xi32, #tpu.memory_space<vmem>>, %arg11: memref<80xi32, #tpu.memory_space<vmem>>, %arg12: memref<80x2x128xf32, #tpu.memory_space<vmem>>, %arg13: memref<80x2x128xf32, #tpu.memory_space<vmem>>, %arg14: memref<5128x2x128xf32, #tpu.memory_space<vmem_shared>>, %arg15: memref<!tpu.dma_semaphore, #tpu.memory_space<semaphore_mem>>, %arg16: memref<!tpu.dma_semaphore, #tpu.memory_space<semaphore_mem>>) attributes {dimension_semantics = [#tpu.dimension_semantics<core_parallel>, #tpu.dimension_semantics<subcore_parallel>], iteration_bounds = array<i64: 2, 16>, scalar_prefetch = 0 : i64, scratch_operands = 11 : i64, tpu.core_type = #tpu.core_type<sc_vector_subcore>, window_params = [{transform_indices = #map}, {transform_indices = #map}, {transform_indices = #map}, {transform_indices = #map}]} {
    %mul3A = arith.constant 5120 : i32
    %mul3A_0 = arith.muli %arg0, %mul3A : i32
    %mul3A_1 = arith.constant 320 : i32
    %mul3A_2 = arith.muli %arg1, %mul3A_1 : i32
    %add3A = arith.addi %mul3A_0, %mul3A_2 : i32
    %mul3A_3 = arith.constant 320 : i32
    %mul3A_4 = arith.muli %arg1, %mul3A_3 : i32
    "tpu.region"() ({
      %run_scoped3A_109 = tpu.sem_alloc : memref<!tpu.dma_semaphore, #tpu.memory_space<semaphore_mem>>
      %dma_start3A_110 = arith.constant 0 : i32
      %dma_start3A_111 = arith.constant 0 : i32
      %dma_start3A_112 = tpu.memref_slice %arg14[%mul3A_4, %dma_start3A_110, %dma_start3A_111] : memref<5128x2x128xf32, #tpu.memory_space<vmem_shared>> -> memref<320x2x128xf32, #tpu.memory_space<vmem_shared>>
      %dma_start3A_113 = arith.constant 0 : i32
      %dma_start3A_114 = arith.constant 0 : i32
      %dma_start3A_115 = tpu.memref_slice %arg2[%add3A, %dma_start3A_113, %dma_start3A_114] : memref<10240x2x128xf32, #tpu.memory_space<hbm>> -> memref<320x2x128xf32, #tpu.memory_space<hbm>>
      tpu.enqueue_dma source(%dma_start3A_115 : memref<320x2x128xf32, #tpu.memory_space<hbm>>) target(%dma_start3A_112 : memref<320x2x128xf32, #tpu.memory_space<vmem_shared>>) target_semaphore(%run_scoped3A_109 : memref<!tpu.dma_semaphore, #tpu.memory_space<semaphore_mem>>)
      %dma_wait3A_116 = arith.constant 0 : i32
      %dma_wait3A_117 = arith.constant 0 : i32
      %dma_wait3A_118 = tpu.memref_slice %arg14[%mul3A_4, %dma_wait3A_116, %dma_wait3A_117] : memref<5128x2x128xf32, #tpu.memory_space<vmem_shared>> -> memref<320x2x128xf32, #tpu.memory_space<vmem_shared>>
      %dma_wait3A_119 = arith.constant 0 : i32
      %dma_wait3A_120 = arith.constant 0 : i32
      %dma_wait3A_121 = tpu.memref_slice %arg2[%add3A, %dma_wait3A_119, %dma_wait3A_120] : memref<10240x2x128xf32, #tpu.memory_space<hbm>> -> memref<320x2x128xf32, #tpu.memory_space<hbm>>
      tpu.wait_dma2 semaphore(%run_scoped3A_109 : memref<!tpu.dma_semaphore, #tpu.memory_space<semaphore_mem>>) src(%dma_wait3A_121 : memref<320x2x128xf32, #tpu.memory_space<hbm>>) dst(%dma_wait3A_118 : memref<320x2x128xf32, #tpu.memory_space<vmem_shared>>)
      tpu.yield
    }) : () -> ()
    %barrier3A = arith.constant 0 : index
    tpu.barrier barrier_id(%barrier3A)
    %run_scoped3A = arith.constant 0 : i32
    "tpu.region"() ({
      %run_scoped3A_109 = tpu.sem_alloc : memref<!tpu.dma_semaphore, #tpu.memory_space<semaphore_mem>>
      %dma_start3A_110 = arith.constant 0 : i32
      %dma_start3A_111 = tpu.memref_slice %arg3[%arg1, %run_scoped3A, %dma_start3A_110] : memref<16x250x80xi32, #tpu.memory_space<hbm>> -> memref<1x1x80xi32, #tpu.memory_space<hbm>>
      %dma_start3A_112 = tpu.memref_squeeze %dma_start3A_111 : memref<1x1x80xi32, #tpu.memory_space<hbm>> -> memref<80xi32, #tpu.memory_space<hbm>>
      %dma_start3A_113 = arith.constant 0 : i32
      %dma_start3A_114 = tpu.memref_slice %arg3[%arg1, %run_scoped3A, %dma_start3A_113] : memref<16x250x80xi32, #tpu.memory_space<hbm>> -> memref<1x1x80xi32, #tpu.memory_space<hbm>>
      %dma_start3A_115 = tpu.memref_squeeze %dma_start3A_114 : memref<1x1x80xi32, #tpu.memory_space<hbm>> -> memref<80xi32, #tpu.memory_space<hbm>>
      tpu.enqueue_dma source(%dma_start3A_115 : memref<80xi32, #tpu.memory_space<hbm>>) target(%arg6 : memref<80xi32, #tpu.memory_space<vmem>>) target_semaphore(%run_scoped3A_109 : memref<!tpu.dma_semaphore, #tpu.memory_space<semaphore_mem>>)
      %dma_wait3A_116 = arith.constant 0 : i32
      %dma_wait3A_117 = tpu.memref_slice %arg3[%arg1, %run_scoped3A, %dma_wait3A_116] : memref<16x250x80xi32, #tpu.memory_space<hbm>> -> memref<1x1x80xi32, #tpu.memory_space<hbm>>
      %dma_wait3A_118 = tpu.memref_squeeze %dma_wait3A_117 : memref<1x1x80xi32, #tpu.memory_space<hbm>> -> memref<80xi32, #tpu.memory_space<hbm>>
      %dma_wait3A_119 = arith.constant 0 : i32
      %dma_wait3A_120 = tpu.memref_slice %arg3[%arg1, %run_scoped3A, %dma_wait3A_119] : memref<16x250x80xi32, #tpu.memory_space<hbm>> -> memref<1x1x80xi32, #tpu.memory_space<hbm>>
      %dma_wait3A_121 = tpu.memref_squeeze %dma_wait3A_120 : memref<1x1x80xi32, #tpu.memory_space<hbm>> -> memref<80xi32, #tpu.memory_space<hbm>>
      tpu.wait_dma2 semaphore(%run_scoped3A_109 : memref<!tpu.dma_semaphore, #tpu.memory_space<semaphore_mem>>) src(%dma_wait3A_121 : memref<80xi32, #tpu.memory_space<hbm>>) dst(%arg6 : memref<80xi32, #tpu.memory_space<vmem>>)
      tpu.yield
    }) : () -> ()
    %run_scoped3A_5 = arith.constant 0 : i32
    "tpu.region"() ({
      %run_scoped3A_109 = tpu.sem_alloc : memref<!tpu.dma_semaphore, #tpu.memory_space<semaphore_mem>>
      %dma_start3A_110 = arith.constant 0 : i32
      %dma_start3A_111 = tpu.memref_slice %arg4[%arg1, %run_scoped3A_5, %dma_start3A_110] : memref<16x250x80xi32, #tpu.memory_space<hbm>> -> memref<1x1x80xi32, #tpu.memory_space<hbm>>
      %dma_start3A_112 = tpu.memref_squeeze %dma_start3A_111 : memref<1x1x80xi32, #tpu.memory_space<hbm>> -> memref<80xi32, #tpu.memory_space<hbm>>
      %dma_start3A_113 = arith.constant 0 : i32
      %dma_start3A_114 = tpu.memref_slice %arg4[%arg1, %run_scoped3A_5, %dma_start3A_113] : memref<16x250x80xi32, #tpu.memory_space<hbm>> -> memref<1x1x80xi32, #tpu.memory_space<hbm>>
      %dma_start3A_115 = tpu.memref_squeeze %dma_start3A_114 : memref<1x1x80xi32, #tpu.memory_space<hbm>> -> memref<80xi32, #tpu.memory_space<hbm>>
      tpu.enqueue_dma source(%dma_start3A_115 : memref<80xi32, #tpu.memory_space<hbm>>) target(%arg8 : memref<80xi32, #tpu.memory_space<vmem>>) target_semaphore(%run_scoped3A_109 : memref<!tpu.dma_semaphore, #tpu.memory_space<semaphore_mem>>)
      %dma_wait3A_116 = arith.constant 0 : i32
      %dma_wait3A_117 = tpu.memref_slice %arg4[%arg1, %run_scoped3A_5, %dma_wait3A_116] : memref<16x250x80xi32, #tpu.memory_space<hbm>> -> memref<1x1x80xi32, #tpu.memory_space<hbm>>
      %dma_wait3A_118 = tpu.memref_squeeze %dma_wait3A_117 : memref<1x1x80xi32, #tpu.memory_space<hbm>> -> memref<80xi32, #tpu.memory_space<hbm>>
      %dma_wait3A_119 = arith.constant 0 : i32
      %dma_wait3A_120 = tpu.memref_slice %arg4[%arg1, %run_scoped3A_5, %dma_wait3A_119] : memref<16x250x80xi32, #tpu.memory_space<hbm>> -> memref<1x1x80xi32, #tpu.memory_space<hbm>>
      %dma_wait3A_121 = tpu.memref_squeeze %dma_wait3A_120 : memref<1x1x80xi32, #tpu.memory_space<hbm>> -> memref<80xi32, #tpu.memory_space<hbm>>
      tpu.wait_dma2 semaphore(%run_scoped3A_109 : memref<!tpu.dma_semaphore, #tpu.memory_space<semaphore_mem>>) src(%dma_wait3A_121 : memref<80xi32, #tpu.memory_space<hbm>>) dst(%arg8 : memref<80xi32, #tpu.memory_space<vmem>>)
      tpu.yield
    }) : () -> ()
    %get3A = arith.constant 0 : index
    %get3A_6 = tpu.vector_load %arg8[%get3A] {strides = array<i32>} : memref<80xi32, #tpu.memory_space<vmem>>, vector<16xi32>,
    %get3A_7 = vector.shape_cast %get3A_6 : vector<16xi32> to vector<16xi32>
    %sub3A = vector.broadcast %mul3A_0 : i32 to vector<16xi32>
    %sub3A_8 = arith.subi %get3A_7, %sub3A : vector<16xi32>
    %ge3A = arith.constant 0 : i32
    %ge3A_9 = vector.broadcast %ge3A : i32 to vector<16xi32>
    %ge3A_10 = arith.cmpi sge, %sub3A_8, %ge3A_9 : vector<16xi32>
    %lt3A = arith.constant 5120 : i32
    %lt3A_11 = vector.broadcast %lt3A : i32 to vector<16xi32>
    %lt3A_12 = arith.cmpi slt, %sub3A_8, %lt3A_11 : vector<16xi32>
    %and3A = arith.andi %ge3A_10, %lt3A_12 : vector<16xi1>
    %jit3A = arith.constant 5120 : i32
    %broadcast_in_dim3A = vector.broadcast %jit3A : i32 to vector<16xi32>
    %select_n3A = arith.select %and3A, %sub3A_8, %broadcast_in_dim3A : vector<16xi1>, vector<16xi32>
    %swap3A = arith.constant 0 : index
    %swap3A_13 = tpu.vector_load %arg10[%swap3A] {strides = array<i32>} : memref<80xi32, #tpu.memory_space<vmem>>, vector<16xi32>,
    %swap3A_14 = vector.shape_cast %swap3A_13 : vector<16xi32> to vector<16xi32>
    %swap3A_15 = vector.shape_cast %select_n3A : vector<16xi32> to vector<16xi32>
    tpu.vector_store %arg10[%swap3A], %swap3A_15 {strides = array<i32>} : memref<80xi32, #tpu.memory_space<vmem>>, vector<16xi32>,
    %get3A_16 = arith.constant 16 : index
    %get3A_17 = tpu.vector_load %arg8[%get3A_16] {strides = array<i32>} : memref<80xi32, #tpu.memory_space<vmem>>, vector<16xi32>,
    %get3A_18 = vector.shape_cast %get3A_17 : vector<16xi32> to vector<16xi32>
    %sub3A_19 = vector.broadcast %mul3A_0 : i32 to vector<16xi32>
    %sub3A_20 = arith.subi %get3A_18, %sub3A_19 : vector<16xi32>
    %ge3A_21 = arith.constant 0 : i32
    %ge3A_22 = vector.broadcast %ge3A_21 : i32 to vector<16xi32>
    %ge3A_23 = arith.cmpi sge, %sub3A_20, %ge3A_22 : vector<16xi32>
    %lt3A_24 = arith.constant 5120 : i32
    %lt3A_25 = vector.broadcast %lt3A_24 : i32 to vector<16xi32>
    %lt3A_26 = arith.cmpi slt, %sub3A_20, %lt3A_25 : vector<16xi32>
    %and3A_27 = arith.andi %ge3A_23, %lt3A_26 : vector<16xi1>
    %jit3A_28 = arith.constant 5120 : i32
    %broadcast_in_dim3A_29 = vector.broadcast %jit3A_28 : i32 to vector<16xi32>
    %select_n3A_30 = arith.select %and3A_27, %sub3A_20, %broadcast_in_dim3A_29 : vector<16xi1>, vector<16xi32>
    %swap3A_31 = arith.constant 16 : index
    %swap3A_32 = tpu.vector_load %arg10[%swap3A_31] {strides = array<i32>} : memref<80xi32, #tpu.memory_space<vmem>>, vector<16xi32>,
    %swap3A_33 = vector.shape_cast %swap3A_32 : vector<16xi32> to vector<16xi32>
    %swap3A_34 = vector.shape_cast %select_n3A_30 : vector<16xi32> to vector<16xi32>
    tpu.vector_store %arg10[%swap3A_31], %swap3A_34 {strides = array<i32>} : memref<80xi32, #tpu.memory_space<vmem>>, vector<16xi32>,
    %get3A_35 = arith.constant 32 : index
    %get3A_36 = tpu.vector_load %arg8[%get3A_35] {strides = array<i32>} : memref<80xi32, #tpu.memory_space<vmem>>, vector<16xi32>,
    %get3A_37 = vector.shape_cast %get3A_36 : vector<16xi32> to vector<16xi32>
    %sub3A_38 = vector.broadcast %mul3A_0 : i32 to vector<16xi32>
    %sub3A_39 = arith.subi %get3A_37, %sub3A_38 : vector<16xi32>
    %ge3A_40 = arith.constant 0 : i32
    %ge3A_41 = vector.broadcast %ge3A_40 : i32 to vector<16xi32>
    %ge3A_42 = arith.cmpi sge, %sub3A_39, %ge3A_41 : vector<16xi32>
    %lt3A_43 = arith.constant 5120 : i32
    %lt3A_44 = vector.broadcast %lt3A_43 : i32 to vector<16xi32>
    %lt3A_45 = arith.cmpi slt, %sub3A_39, %lt3A_44 : vector<16xi32>
    %and3A_46 = arith.andi %ge3A_42, %lt3A_45 : vector<16xi1>
    %jit3A_47 = arith.constant 5120 : i32
    %broadcast_in_dim3A_48 = vector.broadcast %jit3A_47 : i32 to vector<16xi32>
    %select_n3A_49 = arith.select %and3A_46, %sub3A_39, %broadcast_in_dim3A_48 : vector<16xi1>, vector<16xi32>
    %swap3A_50 = arith.constant 32 : index
    %swap3A_51 = tpu.vector_load %arg10[%swap3A_50] {strides = array<i32>} : memref<80xi32, #tpu.memory_space<vmem>>, vector<16xi32>,
    %swap3A_52 = vector.shape_cast %swap3A_51 : vector<16xi32> to vector<16xi32>
    %swap3A_53 = vector.shape_cast %select_n3A_49 : vector<16xi32> to vector<16xi32>
    tpu.vector_store %arg10[%swap3A_50], %swap3A_53 {strides = array<i32>} : memref<80xi32, #tpu.memory_space<vmem>>, vector<16xi32>,
    %get3A_54 = arith.constant 48 : index
    %get3A_55 = tpu.vector_load %arg8[%get3A_54] {strides = array<i32>} : memref<80xi32, #tpu.memory_space<vmem>>, vector<16xi32>,
    %get3A_56 = vector.shape_cast %get3A_55 : vector<16xi32> to vector<16xi32>
    %sub3A_57 = vector.broadcast %mul3A_0 : i32 to vector<16xi32>
    %sub3A_58 = arith.subi %get3A_56, %sub3A_57 : vector<16xi32>
    %ge3A_59 = arith.constant 0 : i32
    %ge3A_60 = vector.broadcast %ge3A_59 : i32 to vector<16xi32>
    %ge3A_61 = arith.cmpi sge, %sub3A_58, %ge3A_60 : vector<16xi32>
    %lt3A_62 = arith.constant 5120 : i32
    %lt3A_63 = vector.broadcast %lt3A_62 : i32 to vector<16xi32>
    %lt3A_64 = arith.cmpi slt, %sub3A_58, %lt3A_63 : vector<16xi32>
    %and3A_65 = arith.andi %ge3A_61, %lt3A_64 : vector<16xi1>
    %jit3A_66 = arith.constant 5120 : i32
    %broadcast_in_dim3A_67 = vector.broadcast %jit3A_66 : i32 to vector<16xi32>
    %select_n3A_68 = arith.select %and3A_65, %sub3A_58, %broadcast_in_dim3A_67 : vector<16xi1>, vector<16xi32>
    %swap3A_69 = arith.constant 48 : index
    %swap3A_70 = tpu.vector_load %arg10[%swap3A_69] {strides = array<i32>} : memref<80xi32, #tpu.memory_space<vmem>>, vector<16xi32>,
    %swap3A_71 = vector.shape_cast %swap3A_70 : vector<16xi32> to vector<16xi32>
    %swap3A_72 = vector.shape_cast %select_n3A_68 : vector<16xi32> to vector<16xi32>
    tpu.vector_store %arg10[%swap3A_69], %swap3A_72 {strides = array<i32>} : memref<80xi32, #tpu.memory_space<vmem>>, vector<16xi32>,
    %get3A_73 = arith.constant 64 : index
    %get3A_74 = tpu.vector_load %arg8[%get3A_73] {strides = array<i32>} : memref<80xi32, #tpu.memory_space<vmem>>, vector<16xi32>,
    %get3A_75 = vector.shape_cast %get3A_74 : vector<16xi32> to vector<16xi32>
    %sub3A_76 = vector.broadcast %mul3A_0 : i32 to vector<16xi32>
    %sub3A_77 = arith.subi %get3A_75, %sub3A_76 : vector<16xi32>
    %ge3A_78 = arith.constant 0 : i32
    %ge3A_79 = vector.broadcast %ge3A_78 : i32 to vector<16xi32>
    %ge3A_80 = arith.cmpi sge, %sub3A_77, %ge3A_79 : vector<16xi32>
    %lt3A_81 = arith.constant 5120 : i32
    %lt3A_82 = vector.broadcast %lt3A_81 : i32 to vector<16xi32>
    %lt3A_83 = arith.cmpi slt, %sub3A_77, %lt3A_82 : vector<16xi32>
    %and3A_84 = arith.andi %ge3A_80, %lt3A_83 : vector<16xi1>
    %jit3A_85 = arith.constant 5120 : i32
    %broadcast_in_dim3A_86 = vector.broadcast %jit3A_85 : i32 to vector<16xi32>
    %select_n3A_87 = arith.select %and3A_84, %sub3A_77, %broadcast_in_dim3A_86 : vector<16xi1>, vector<16xi32>
    %swap3A_88 = arith.constant 64 : index
    %swap3A_89 = tpu.vector_load %arg10[%swap3A_88] {strides = array<i32>} : memref<80xi32, #tpu.memory_space<vmem>>, vector<16xi32>,
    %swap3A_90 = vector.shape_cast %swap3A_89 : vector<16xi32> to vector<16xi32>
    %swap3A_91 = vector.shape_cast %select_n3A_87 : vector<16xi32> to vector<16xi32>
    tpu.vector_store %arg10[%swap3A_88], %swap3A_91 {strides = array<i32>} : memref<80xi32, #tpu.memory_space<vmem>>, vector<16xi32>,
    %dma_start3A = arith.constant 0 : i32
    %dma_start3A_92 = arith.constant 0 : i32
    %dma_start3A_93 = arith.constant 0 : i32
    %dma_start3A_94 = tpu.memref_slice %arg2[%dma_start3A, %dma_start3A_92, %dma_start3A_93] : memref<10240x2x128xf32, #tpu.memory_space<hbm>> -> memref<10240x2x128xf32, #tpu.memory_space<hbm>>
    tpu.enqueue_indirect_dma source(%dma_start3A_94 : memref<10240x2x128xf32, #tpu.memory_space<hbm>>) target(%arg12 : memref<80x2x128xf32, #tpu.memory_space<vmem>>) offsets(%arg6 : memref<80xi32, #tpu.memory_space<vmem>>) semaphore(%arg15 : memref<!tpu.dma_semaphore, #tpu.memory_space<semaphore_mem>>)
    %scan3A = arith.constant 0 : i32
    %scan3A_95 = arith.constant 0 : i32
    %scan3A_96 = arith.constant 125 : i32
    %scan3A_97 = arith.addi %scan3A_95, %scan3A_96 : i32
    %scan3A_98 = arith.constant 1 : i32
    scf.for %scan3A_109 = %scan3A_95 to %scan3A_97 step %scan3A_98  : i32 {
      %mul3A_110 = arith.constant 2 : i32
      %mul3A_111 = arith.muli %mul3A_110, %scan3A_109 : i32
      %add3A_112 = arith.constant 1 : i32
      %add3A_113 = arith.addi %mul3A_111, %add3A_112 : i32
      %min3A = arith.constant 249 : i32
      %min3A_114 = arith.minsi %add3A_113, %min3A : i32
      "tpu.region"() ({
        %run_scoped3A_325 = tpu.sem_alloc : memref<!tpu.dma_semaphore, #tpu.memory_space<semaphore_mem>>
        %dma_start3A_326 = arith.constant 0 : i32
        %dma_start3A_327 = tpu.memref_slice %arg3[%arg1, %min3A_114, %dma_start3A_326] : memref<16x250x80xi32, #tpu.memory_space<hbm>> -> memref<1x1x80xi32, #tpu.memory_space<hbm>>
        %dma_start3A_328 = tpu.memref_squeeze %dma_start3A_327 : memref<1x1x80xi32, #tpu.memory_space<hbm>> -> memref<80xi32, #tpu.memory_space<hbm>>
        %dma_start3A_329 = arith.constant 0 : i32
        %dma_start3A_330 = tpu.memref_slice %arg3[%arg1, %min3A_114, %dma_start3A_329] : memref<16x250x80xi32, #tpu.memory_space<hbm>> -> memref<1x1x80xi32, #tpu.memory_space<hbm>>
        %dma_start3A_331 = tpu.memref_squeeze %dma_start3A_330 : memref<1x1x80xi32, #tpu.memory_space<hbm>> -> memref<80xi32, #tpu.memory_space<hbm>>
        tpu.enqueue_dma source(%dma_start3A_331 : memref<80xi32, #tpu.memory_space<hbm>>) target(%arg7 : memref<80xi32, #tpu.memory_space<vmem>>) target_semaphore(%run_scoped3A_325 : memref<!tpu.dma_semaphore, #tpu.memory_space<semaphore_mem>>)
        %dma_wait3A_332 = arith.constant 0 : i32
        %dma_wait3A_333 = tpu.memref_slice %arg3[%arg1, %min3A_114, %dma_wait3A_332] : memref<16x250x80xi32, #tpu.memory_space<hbm>> -> memref<1x1x80xi32, #tpu.memory_space<hbm>>
        %dma_wait3A_334 = tpu.memref_squeeze %dma_wait3A_333 : memref<1x1x80xi32, #tpu.memory_space<hbm>> -> memref<80xi32, #tpu.memory_space<hbm>>
        %dma_wait3A_335 = arith.constant 0 : i32
        %dma_wait3A_336 = tpu.memref_slice %arg3[%arg1, %min3A_114, %dma_wait3A_335] : memref<16x250x80xi32, #tpu.memory_space<hbm>> -> memref<1x1x80xi32, #tpu.memory_space<hbm>>
        %dma_wait3A_337 = tpu.memref_squeeze %dma_wait3A_336 : memref<1x1x80xi32, #tpu.memory_space<hbm>> -> memref<80xi32, #tpu.memory_space<hbm>>
        tpu.wait_dma2 semaphore(%run_scoped3A_325 : memref<!tpu.dma_semaphore, #tpu.memory_space<semaphore_mem>>) src(%dma_wait3A_337 : memref<80xi32, #tpu.memory_space<hbm>>) dst(%arg7 : memref<80xi32, #tpu.memory_space<vmem>>)
        tpu.yield
      }) : () -> ()
      "tpu.region"() ({
        %run_scoped3A_325 = tpu.sem_alloc : memref<!tpu.dma_semaphore, #tpu.memory_space<semaphore_mem>>
        %dma_start3A_326 = arith.constant 0 : i32
        %dma_start3A_327 = tpu.memref_slice %arg4[%arg1, %min3A_114, %dma_start3A_326] : memref<16x250x80xi32, #tpu.memory_space<hbm>> -> memref<1x1x80xi32, #tpu.memory_space<hbm>>
        %dma_start3A_328 = tpu.memref_squeeze %dma_start3A_327 : memref<1x1x80xi32, #tpu.memory_space<hbm>> -> memref<80xi32, #tpu.memory_space<hbm>>
        %dma_start3A_329 = arith.constant 0 : i32
        %dma_start3A_330 = tpu.memref_slice %arg4[%arg1, %min3A_114, %dma_start3A_329] : memref<16x250x80xi32, #tpu.memory_space<hbm>> -> memref<1x1x80xi32, #tpu.memory_space<hbm>>
        %dma_start3A_331 = tpu.memref_squeeze %dma_start3A_330 : memref<1x1x80xi32, #tpu.memory_space<hbm>> -> memref<80xi32, #tpu.memory_space<hbm>>
        tpu.enqueue_dma source(%dma_start3A_331 : memref<80xi32, #tpu.memory_space<hbm>>) target(%arg9 : memref<80xi32, #tpu.memory_space<vmem>>) target_semaphore(%run_scoped3A_325 : memref<!tpu.dma_semaphore, #tpu.memory_space<semaphore_mem>>)
        %dma_wait3A_332 = arith.constant 0 : i32
        %dma_wait3A_333 = tpu.memref_slice %arg4[%arg1, %min3A_114, %dma_wait3A_332] : memref<16x250x80xi32, #tpu.memory_space<hbm>> -> memref<1x1x80xi32, #tpu.memory_space<hbm>>
        %dma_wait3A_334 = tpu.memref_squeeze %dma_wait3A_333 : memref<1x1x80xi32, #tpu.memory_space<hbm>> -> memref<80xi32, #tpu.memory_space<hbm>>
        %dma_wait3A_335 = arith.constant 0 : i32
        %dma_wait3A_336 = tpu.memref_slice %arg4[%arg1, %min3A_114, %dma_wait3A_335] : memref<16x250x80xi32, #tpu.memory_space<hbm>> -> memref<1x1x80xi32, #tpu.memory_space<hbm>>
        %dma_wait3A_337 = tpu.memref_squeeze %dma_wait3A_336 : memref<1x1x80xi32, #tpu.memory_space<hbm>> -> memref<80xi32, #tpu.memory_space<hbm>>
        tpu.wait_dma2 semaphore(%run_scoped3A_325 : memref<!tpu.dma_semaphore, #tpu.memory_space<semaphore_mem>>) src(%dma_wait3A_337 : memref<80xi32, #tpu.memory_space<hbm>>) dst(%arg9 : memref<80xi32, #tpu.memory_space<vmem>>)
        tpu.yield
      }) : () -> ()
      %get3A_115 = arith.constant 0 : index
      %get3A_116 = tpu.vector_load %arg9[%get3A_115] {strides = array<i32>} : memref<80xi32, #tpu.memory_space<vmem>>, vector<16xi32>,
      %get3A_117 = vector.shape_cast %get3A_116 : vector<16xi32> to vector<16xi32>
      %sub3A_118 = vector.broadcast %mul3A_0 : i32 to vector<16xi32>
      %sub3A_119 = arith.subi %get3A_117, %sub3A_118 : vector<16xi32>
      %ge3A_120 = arith.constant 0 : i32
      %ge3A_121 = vector.broadcast %ge3A_120 : i32 to vector<16xi32>
      %ge3A_122 = arith.cmpi sge, %sub3A_119, %ge3A_121 : vector<16xi32>
      %lt3A_123 = arith.constant 5120 : i32
      %lt3A_124 = vector.broadcast %lt3A_123 : i32 to vector<16xi32>
      %lt3A_125 = arith.cmpi slt, %sub3A_119, %lt3A_124 : vector<16xi32>
      %and3A_126 = arith.andi %ge3A_122, %lt3A_125 : vector<16xi1>
      %jit3A_127 = arith.constant 5120 : i32
      %broadcast_in_dim3A_128 = vector.broadcast %jit3A_127 : i32 to vector<16xi32>
      %select_n3A_129 = arith.select %and3A_126, %sub3A_119, %broadcast_in_dim3A_128 : vector<16xi1>, vector<16xi32>
      %swap3A_130 = arith.constant 0 : index
      %swap3A_131 = tpu.vector_load %arg11[%swap3A_130] {strides = array<i32>} : memref<80xi32, #tpu.memory_space<vmem>>, vector<16xi32>,
      %swap3A_132 = vector.shape_cast %swap3A_131 : vector<16xi32> to vector<16xi32>
      %swap3A_133 = vector.shape_cast %select_n3A_129 : vector<16xi32> to vector<16xi32>
      tpu.vector_store %arg11[%swap3A_130], %swap3A_133 {strides = array<i32>} : memref<80xi32, #tpu.memory_space<vmem>>, vector<16xi32>,
      %get3A_134 = arith.constant 16 : index
      %get3A_135 = tpu.vector_load %arg9[%get3A_134] {strides = array<i32>} : memref<80xi32, #tpu.memory_space<vmem>>, vector<16xi32>,
      %get3A_136 = vector.shape_cast %get3A_135 : vector<16xi32> to vector<16xi32>
      %sub3A_137 = vector.broadcast %mul3A_0 : i32 to vector<16xi32>
      %sub3A_138 = arith.subi %get3A_136, %sub3A_137 : vector<16xi32>
      %ge3A_139 = arith.constant 0 : i32
      %ge3A_140 = vector.broadcast %ge3A_139 : i32 to vector<16xi32>
      %ge3A_141 = arith.cmpi sge, %sub3A_138, %ge3A_140 : vector<16xi32>
      %lt3A_142 = arith.constant 5120 : i32
      %lt3A_143 = vector.broadcast %lt3A_142 : i32 to vector<16xi32>
      %lt3A_144 = arith.cmpi slt, %sub3A_138, %lt3A_143 : vector<16xi32>
      %and3A_145 = arith.andi %ge3A_141, %lt3A_144 : vector<16xi1>
      %jit3A_146 = arith.constant 5120 : i32
      %broadcast_in_dim3A_147 = vector.broadcast %jit3A_146 : i32 to vector<16xi32>
      %select_n3A_148 = arith.select %and3A_145, %sub3A_138, %broadcast_in_dim3A_147 : vector<16xi1>, vector<16xi32>
      %swap3A_149 = arith.constant 16 : index
      %swap3A_150 = tpu.vector_load %arg11[%swap3A_149] {strides = array<i32>} : memref<80xi32, #tpu.memory_space<vmem>>, vector<16xi32>,
      %swap3A_151 = vector.shape_cast %swap3A_150 : vector<16xi32> to vector<16xi32>
      %swap3A_152 = vector.shape_cast %select_n3A_148 : vector<16xi32> to vector<16xi32>
      tpu.vector_store %arg11[%swap3A_149], %swap3A_152 {strides = array<i32>} : memref<80xi32, #tpu.memory_space<vmem>>, vector<16xi32>,
      %get3A_153 = arith.constant 32 : index
      %get3A_154 = tpu.vector_load %arg9[%get3A_153] {strides = array<i32>} : memref<80xi32, #tpu.memory_space<vmem>>, vector<16xi32>,
      %get3A_155 = vector.shape_cast %get3A_154 : vector<16xi32> to vector<16xi32>
      %sub3A_156 = vector.broadcast %mul3A_0 : i32 to vector<16xi32>
      %sub3A_157 = arith.subi %get3A_155, %sub3A_156 : vector<16xi32>
      %ge3A_158 = arith.constant 0 : i32
      %ge3A_159 = vector.broadcast %ge3A_158 : i32 to vector<16xi32>
      %ge3A_160 = arith.cmpi sge, %sub3A_157, %ge3A_159 : vector<16xi32>
      %lt3A_161 = arith.constant 5120 : i32
      %lt3A_162 = vector.broadcast %lt3A_161 : i32 to vector<16xi32>
      %lt3A_163 = arith.cmpi slt, %sub3A_157, %lt3A_162 : vector<16xi32>
      %and3A_164 = arith.andi %ge3A_160, %lt3A_163 : vector<16xi1>
      %jit3A_165 = arith.constant 5120 : i32
      %broadcast_in_dim3A_166 = vector.broadcast %jit3A_165 : i32 to vector<16xi32>
      %select_n3A_167 = arith.select %and3A_164, %sub3A_157, %broadcast_in_dim3A_166 : vector<16xi1>, vector<16xi32>
      %swap3A_168 = arith.constant 32 : index
      %swap3A_169 = tpu.vector_load %arg11[%swap3A_168] {strides = array<i32>} : memref<80xi32, #tpu.memory_space<vmem>>, vector<16xi32>,
      %swap3A_170 = vector.shape_cast %swap3A_169 : vector<16xi32> to vector<16xi32>
      %swap3A_171 = vector.shape_cast %select_n3A_167 : vector<16xi32> to vector<16xi32>
      tpu.vector_store %arg11[%swap3A_168], %swap3A_171 {strides = array<i32>} : memref<80xi32, #tpu.memory_space<vmem>>, vector<16xi32>,
      %get3A_172 = arith.constant 48 : index
      %get3A_173 = tpu.vector_load %arg9[%get3A_172] {strides = array<i32>} : memref<80xi32, #tpu.memory_space<vmem>>, vector<16xi32>,
      %get3A_174 = vector.shape_cast %get3A_173 : vector<16xi32> to vector<16xi32>
      %sub3A_175 = vector.broadcast %mul3A_0 : i32 to vector<16xi32>
      %sub3A_176 = arith.subi %get3A_174, %sub3A_175 : vector<16xi32>
      %ge3A_177 = arith.constant 0 : i32
      %ge3A_178 = vector.broadcast %ge3A_177 : i32 to vector<16xi32>
      %ge3A_179 = arith.cmpi sge, %sub3A_176, %ge3A_178 : vector<16xi32>
      %lt3A_180 = arith.constant 5120 : i32
      %lt3A_181 = vector.broadcast %lt3A_180 : i32 to vector<16xi32>
      %lt3A_182 = arith.cmpi slt, %sub3A_176, %lt3A_181 : vector<16xi32>
      %and3A_183 = arith.andi %ge3A_179, %lt3A_182 : vector<16xi1>
      %jit3A_184 = arith.constant 5120 : i32
      %broadcast_in_dim3A_185 = vector.broadcast %jit3A_184 : i32 to vector<16xi32>
      %select_n3A_186 = arith.select %and3A_183, %sub3A_176, %broadcast_in_dim3A_185 : vector<16xi1>, vector<16xi32>
      %swap3A_187 = arith.constant 48 : index
      %swap3A_188 = tpu.vector_load %arg11[%swap3A_187] {strides = array<i32>} : memref<80xi32, #tpu.memory_space<vmem>>, vector<16xi32>,
      %swap3A_189 = vector.shape_cast %swap3A_188 : vector<16xi32> to vector<16xi32>
      %swap3A_190 = vector.shape_cast %select_n3A_186 : vector<16xi32> to vector<16xi32>
      tpu.vector_store %arg11[%swap3A_187], %swap3A_190 {strides = array<i32>} : memref<80xi32, #tpu.memory_space<vmem>>, vector<16xi32>,
      %get3A_191 = arith.constant 64 : index
      %get3A_192 = tpu.vector_load %arg9[%get3A_191] {strides = array<i32>} : memref<80xi32, #tpu.memory_space<vmem>>, vector<16xi32>,
      %get3A_193 = vector.shape_cast %get3A_192 : vector<16xi32> to vector<16xi32>
      %sub3A_194 = vector.broadcast %mul3A_0 : i32 to vector<16xi32>
      %sub3A_195 = arith.subi %get3A_193, %sub3A_194 : vector<16xi32>
      %ge3A_196 = arith.constant 0 : i32
      %ge3A_197 = vector.broadcast %ge3A_196 : i32 to vector<16xi32>
      %ge3A_198 = arith.cmpi sge, %sub3A_195, %ge3A_197 : vector<16xi32>
      %lt3A_199 = arith.constant 5120 : i32
      %lt3A_200 = vector.broadcast %lt3A_199 : i32 to vector<16xi32>
      %lt3A_201 = arith.cmpi slt, %sub3A_195, %lt3A_200 : vector<16xi32>
      %and3A_202 = arith.andi %ge3A_198, %lt3A_201 : vector<16xi1>
      %jit3A_203 = arith.constant 5120 : i32
      %broadcast_in_dim3A_204 = vector.broadcast %jit3A_203 : i32 to vector<16xi32>
      %select_n3A_205 = arith.select %and3A_202, %sub3A_195, %broadcast_in_dim3A_204 : vector<16xi1>, vector<16xi32>
      %swap3A_206 = arith.constant 64 : index
      %swap3A_207 = tpu.vector_load %arg11[%swap3A_206] {strides = array<i32>} : memref<80xi32, #tpu.memory_space<vmem>>, vector<16xi32>,
      %swap3A_208 = vector.shape_cast %swap3A_207 : vector<16xi32> to vector<16xi32>
      %swap3A_209 = vector.shape_cast %select_n3A_205 : vector<16xi32> to vector<16xi32>
      tpu.vector_store %arg11[%swap3A_206], %swap3A_209 {strides = array<i32>} : memref<80xi32, #tpu.memory_space<vmem>>, vector<16xi32>,
      %dma_start3A_210 = arith.constant 0 : i32
      %dma_start3A_211 = arith.constant 0 : i32
      %dma_start3A_212 = arith.constant 0 : i32
      %dma_start3A_213 = tpu.memref_slice %arg2[%dma_start3A_210, %dma_start3A_211, %dma_start3A_212] : memref<10240x2x128xf32, #tpu.memory_space<hbm>> -> memref<10240x2x128xf32, #tpu.memory_space<hbm>>
      tpu.enqueue_indirect_dma source(%dma_start3A_213 : memref<10240x2x128xf32, #tpu.memory_space<hbm>>) target(%arg13 : memref<80x2x128xf32, #tpu.memory_space<vmem>>) offsets(%arg7 : memref<80xi32, #tpu.memory_space<vmem>>) semaphore(%arg16 : memref<!tpu.dma_semaphore, #tpu.memory_space<semaphore_mem>>)
      %dma_wait3A_214 = arith.constant 0 : i32
      %dma_wait3A_215 = arith.constant 0 : i32
      %dma_wait3A_216 = arith.constant 0 : i32
      %dma_wait3A_217 = tpu.memref_slice %arg2[%dma_wait3A_214, %dma_wait3A_215, %dma_wait3A_216] : memref<10240x2x128xf32, #tpu.memory_space<hbm>> -> memref<10240x2x128xf32, #tpu.memory_space<hbm>>
      tpu.wait_indirect_dma semaphore(%arg15 : memref<!tpu.dma_semaphore, #tpu.memory_space<semaphore_mem>>) src(%dma_wait3A_217 : memref<10240x2x128xf32, #tpu.memory_space<hbm>>) dst(%arg12 : memref<80x2x128xf32, #tpu.memory_space<vmem>>)
      "tpu.region"() ({
        %run_scoped3A_325 = tpu.sem_alloc : memref<!tpu.dma_semaphore, #tpu.memory_space<semaphore_mem>>
        %dma_start3A_326 = arith.constant 0 : i32
        %dma_start3A_327 = arith.constant 0 : i32
        %dma_start3A_328 = arith.constant 0 : i32
        %dma_start3A_329 = tpu.memref_slice %arg14[%dma_start3A_326, %dma_start3A_327, %dma_start3A_328] : memref<5128x2x128xf32, #tpu.memory_space<vmem_shared>> -> memref<5128x2x128xf32, #tpu.memory_space<vmem_shared>>
        tpu.enqueue_indirect_dma source(%arg12 : memref<80x2x128xf32, #tpu.memory_space<vmem>>) target(%dma_start3A_329 : memref<5128x2x128xf32, #tpu.memory_space<vmem_shared>>) offsets(%arg10 : memref<80xi32, #tpu.memory_space<vmem>>) semaphore(%run_scoped3A_325 : memref<!tpu.dma_semaphore, #tpu.memory_space<semaphore_mem>>) {add = true}
        %dma_wait3A_330 = arith.constant 0 : i32
        %dma_wait3A_331 = arith.constant 0 : i32
        %dma_wait3A_332 = arith.constant 0 : i32
        %dma_wait3A_333 = tpu.memref_slice %arg14[%dma_wait3A_330, %dma_wait3A_331, %dma_wait3A_332] : memref<5128x2x128xf32, #tpu.memory_space<vmem_shared>> -> memref<5128x2x128xf32, #tpu.memory_space<vmem_shared>>
        tpu.wait_indirect_dma semaphore(%run_scoped3A_325 : memref<!tpu.dma_semaphore, #tpu.memory_space<semaphore_mem>>) src(%arg12 : memref<80x2x128xf32, #tpu.memory_space<vmem>>) dst(%dma_wait3A_333 : memref<5128x2x128xf32, #tpu.memory_space<vmem_shared>>)
        tpu.yield
      }) : () -> ()
      %add3A_218 = arith.constant 2 : i32
      %add3A_219 = arith.addi %mul3A_111, %add3A_218 : i32
      %min3A_220 = arith.constant 249 : i32
      %min3A_221 = arith.minsi %add3A_219, %min3A_220 : i32
      "tpu.region"() ({
        %run_scoped3A_325 = tpu.sem_alloc : memref<!tpu.dma_semaphore, #tpu.memory_space<semaphore_mem>>
        %dma_start3A_326 = arith.constant 0 : i32
        %dma_start3A_327 = tpu.memref_slice %arg3[%arg1, %min3A_221, %dma_start3A_326] : memref<16x250x80xi32, #tpu.memory_space<hbm>> -> memref<1x1x80xi32, #tpu.memory_space<hbm>>
        %dma_start3A_328 = tpu.memref_squeeze %dma_start3A_327 : memref<1x1x80xi32, #tpu.memory_space<hbm>> -> memref<80xi32, #tpu.memory_space<hbm>>
        %dma_start3A_329 = arith.constant 0 : i32
        %dma_start3A_330 = tpu.memref_slice %arg3[%arg1, %min3A_221, %dma_start3A_329] : memref<16x250x80xi32, #tpu.memory_space<hbm>> -> memref<1x1x80xi32, #tpu.memory_space<hbm>>
        %dma_start3A_331 = tpu.memref_squeeze %dma_start3A_330 : memref<1x1x80xi32, #tpu.memory_space<hbm>> -> memref<80xi32, #tpu.memory_space<hbm>>
        tpu.enqueue_dma source(%dma_start3A_331 : memref<80xi32, #tpu.memory_space<hbm>>) target(%arg6 : memref<80xi32, #tpu.memory_space<vmem>>) target_semaphore(%run_scoped3A_325 : memref<!tpu.dma_semaphore, #tpu.memory_space<semaphore_mem>>)
        %dma_wait3A_332 = arith.constant 0 : i32
        %dma_wait3A_333 = tpu.memref_slice %arg3[%arg1, %min3A_221, %dma_wait3A_332] : memref<16x250x80xi32, #tpu.memory_space<hbm>> -> memref<1x1x80xi32, #tpu.memory_space<hbm>>
        %dma_wait3A_334 = tpu.memref_squeeze %dma_wait3A_333 : memref<1x1x80xi32, #tpu.memory_space<hbm>> -> memref<80xi32, #tpu.memory_space<hbm>>
        %dma_wait3A_335 = arith.constant 0 : i32
        %dma_wait3A_336 = tpu.memref_slice %arg3[%arg1, %min3A_221, %dma_wait3A_335] : memref<16x250x80xi32, #tpu.memory_space<hbm>> -> memref<1x1x80xi32, #tpu.memory_space<hbm>>
        %dma_wait3A_337 = tpu.memref_squeeze %dma_wait3A_336 : memref<1x1x80xi32, #tpu.memory_space<hbm>> -> memref<80xi32, #tpu.memory_space<hbm>>
        tpu.wait_dma2 semaphore(%run_scoped3A_325 : memref<!tpu.dma_semaphore, #tpu.memory_space<semaphore_mem>>) src(%dma_wait3A_337 : memref<80xi32, #tpu.memory_space<hbm>>) dst(%arg6 : memref<80xi32, #tpu.memory_space<vmem>>)
        tpu.yield
      }) : () -> ()
      "tpu.region"() ({
        %run_scoped3A_325 = tpu.sem_alloc : memref<!tpu.dma_semaphore, #tpu.memory_space<semaphore_mem>>
        %dma_start3A_326 = arith.constant 0 : i32
        %dma_start3A_327 = tpu.memref_slice %arg4[%arg1, %min3A_221, %dma_start3A_326] : memref<16x250x80xi32, #tpu.memory_space<hbm>> -> memref<1x1x80xi32, #tpu.memory_space<hbm>>
        %dma_start3A_328 = tpu.memref_squeeze %dma_start3A_327 : memref<1x1x80xi32, #tpu.memory_space<hbm>> -> memref<80xi32, #tpu.memory_space<hbm>>
        %dma_start3A_329 = arith.constant 0 : i32
        %dma_start3A_330 = tpu.memref_slice %arg4[%arg1, %min3A_221, %dma_start3A_329] : memref<16x250x80xi32, #tpu.memory_space<hbm>> -> memref<1x1x80xi32, #tpu.memory_space<hbm>>
        %dma_start3A_331 = tpu.memref_squeeze %dma_start3A_330 : memref<1x1x80xi32, #tpu.memory_space<hbm>> -> memref<80xi32, #tpu.memory_space<hbm>>
        tpu.enqueue_dma source(%dma_start3A_331 : memref<80xi32, #tpu.memory_space<hbm>>) target(%arg8 : memref<80xi32, #tpu.memory_space<vmem>>) target_semaphore(%run_scoped3A_325 : memref<!tpu.dma_semaphore, #tpu.memory_space<semaphore_mem>>)
        %dma_wait3A_332 = arith.constant 0 : i32
        %dma_wait3A_333 = tpu.memref_slice %arg4[%arg1, %min3A_221, %dma_wait3A_332] : memref<16x250x80xi32, #tpu.memory_space<hbm>> -> memref<1x1x80xi32, #tpu.memory_space<hbm>>
        %dma_wait3A_334 = tpu.memref_squeeze %dma_wait3A_333 : memref<1x1x80xi32, #tpu.memory_space<hbm>> -> memref<80xi32, #tpu.memory_space<hbm>>
        %dma_wait3A_335 = arith.constant 0 : i32
        %dma_wait3A_336 = tpu.memref_slice %arg4[%arg1, %min3A_221, %dma_wait3A_335] : memref<16x250x80xi32, #tpu.memory_space<hbm>> -> memref<1x1x80xi32, #tpu.memory_space<hbm>>
        %dma_wait3A_337 = tpu.memref_squeeze %dma_wait3A_336 : memref<1x1x80xi32, #tpu.memory_space<hbm>> -> memref<80xi32, #tpu.memory_space<hbm>>
        tpu.wait_dma2 semaphore(%run_scoped3A_325 : memref<!tpu.dma_semaphore, #tpu.memory_space<semaphore_mem>>) src(%dma_wait3A_337 : memref<80xi32, #tpu.memory_space<hbm>>) dst(%arg8 : memref<80xi32, #tpu.memory_space<vmem>>)
        tpu.yield
      }) : () -> ()
      %get3A_222 = arith.constant 0 : index
      %get3A_223 = tpu.vector_load %arg8[%get3A_222] {strides = array<i32>} : memref<80xi32, #tpu.memory_space<vmem>>, vector<16xi32>,
      %get3A_224 = vector.shape_cast %get3A_223 : vector<16xi32> to vector<16xi32>
      %sub3A_225 = vector.broadcast %mul3A_0 : i32 to vector<16xi32>
      %sub3A_226 = arith.subi %get3A_224, %sub3A_225 : vector<16xi32>
      %ge3A_227 = arith.constant 0 : i32
      %ge3A_228 = vector.broadcast %ge3A_227 : i32 to vector<16xi32>
      %ge3A_229 = arith.cmpi sge, %sub3A_226, %ge3A_228 : vector<16xi32>
      %lt3A_230 = arith.constant 5120 : i32
      %lt3A_231 = vector.broadcast %lt3A_230 : i32 to vector<16xi32>
      %lt3A_232 = arith.cmpi slt, %sub3A_226, %lt3A_231 : vector<16xi32>
      %and3A_233 = arith.andi %ge3A_229, %lt3A_232 : vector<16xi1>
      %jit3A_234 = arith.constant 5120 : i32
      %broadcast_in_dim3A_235 = vector.broadcast %jit3A_234 : i32 to vector<16xi32>
      %select_n3A_236 = arith.select %and3A_233, %sub3A_226, %broadcast_in_dim3A_235 : vector<16xi1>, vector<16xi32>
      %swap3A_237 = arith.constant 0 : index
      %swap3A_238 = tpu.vector_load %arg10[%swap3A_237] {strides = array<i32>} : memref<80xi32, #tpu.memory_space<vmem>>, vector<16xi32>,
      %swap3A_239 = vector.shape_cast %swap3A_238 : vector<16xi32> to vector<16xi32>
      %swap3A_240 = vector.shape_cast %select_n3A_236 : vector<16xi32> to vector<16xi32>
      tpu.vector_store %arg10[%swap3A_237], %swap3A_240 {strides = array<i32>} : memref<80xi32, #tpu.memory_space<vmem>>, vector<16xi32>,
      %get3A_241 = arith.constant 16 : index
      %get3A_242 = tpu.vector_load %arg8[%get3A_241] {strides = array<i32>} : memref<80xi32, #tpu.memory_space<vmem>>, vector<16xi32>,
      %get3A_243 = vector.shape_cast %get3A_242 : vector<16xi32> to vector<16xi32>
      %sub3A_244 = vector.broadcast %mul3A_0 : i32 to vector<16xi32>
      %sub3A_245 = arith.subi %get3A_243, %sub3A_244 : vector<16xi32>
      %ge3A_246 = arith.constant 0 : i32
      %ge3A_247 = vector.broadcast %ge3A_246 : i32 to vector<16xi32>
      %ge3A_248 = arith.cmpi sge, %sub3A_245, %ge3A_247 : vector<16xi32>
      %lt3A_249 = arith.constant 5120 : i32
      %lt3A_250 = vector.broadcast %lt3A_249 : i32 to vector<16xi32>
      %lt3A_251 = arith.cmpi slt, %sub3A_245, %lt3A_250 : vector<16xi32>
      %and3A_252 = arith.andi %ge3A_248, %lt3A_251 : vector<16xi1>
      %jit3A_253 = arith.constant 5120 : i32
      %broadcast_in_dim3A_254 = vector.broadcast %jit3A_253 : i32 to vector<16xi32>
      %select_n3A_255 = arith.select %and3A_252, %sub3A_245, %broadcast_in_dim3A_254 : vector<16xi1>, vector<16xi32>
      %swap3A_256 = arith.constant 16 : index
      %swap3A_257 = tpu.vector_load %arg10[%swap3A_256] {strides = array<i32>} : memref<80xi32, #tpu.memory_space<vmem>>, vector<16xi32>,
      %swap3A_258 = vector.shape_cast %swap3A_257 : vector<16xi32> to vector<16xi32>
      %swap3A_259 = vector.shape_cast %select_n3A_255 : vector<16xi32> to vector<16xi32>
      tpu.vector_store %arg10[%swap3A_256], %swap3A_259 {strides = array<i32>} : memref<80xi32, #tpu.memory_space<vmem>>, vector<16xi32>,
      %get3A_260 = arith.constant 32 : index
      %get3A_261 = tpu.vector_load %arg8[%get3A_260] {strides = array<i32>} : memref<80xi32, #tpu.memory_space<vmem>>, vector<16xi32>,
      %get3A_262 = vector.shape_cast %get3A_261 : vector<16xi32> to vector<16xi32>
      %sub3A_263 = vector.broadcast %mul3A_0 : i32 to vector<16xi32>
      %sub3A_264 = arith.subi %get3A_262, %sub3A_263 : vector<16xi32>
      %ge3A_265 = arith.constant 0 : i32
      %ge3A_266 = vector.broadcast %ge3A_265 : i32 to vector<16xi32>
      %ge3A_267 = arith.cmpi sge, %sub3A_264, %ge3A_266 : vector<16xi32>
      %lt3A_268 = arith.constant 5120 : i32
      %lt3A_269 = vector.broadcast %lt3A_268 : i32 to vector<16xi32>
      %lt3A_270 = arith.cmpi slt, %sub3A_264, %lt3A_269 : vector<16xi32>
      %and3A_271 = arith.andi %ge3A_267, %lt3A_270 : vector<16xi1>
      %jit3A_272 = arith.constant 5120 : i32
      %broadcast_in_dim3A_273 = vector.broadcast %jit3A_272 : i32 to vector<16xi32>
      %select_n3A_274 = arith.select %and3A_271, %sub3A_264, %broadcast_in_dim3A_273 : vector<16xi1>, vector<16xi32>
      %swap3A_275 = arith.constant 32 : index
      %swap3A_276 = tpu.vector_load %arg10[%swap3A_275] {strides = array<i32>} : memref<80xi32, #tpu.memory_space<vmem>>, vector<16xi32>,
      %swap3A_277 = vector.shape_cast %swap3A_276 : vector<16xi32> to vector<16xi32>
      %swap3A_278 = vector.shape_cast %select_n3A_274 : vector<16xi32> to vector<16xi32>
      tpu.vector_store %arg10[%swap3A_275], %swap3A_278 {strides = array<i32>} : memref<80xi32, #tpu.memory_space<vmem>>, vector<16xi32>,
      %get3A_279 = arith.constant 48 : index
      %get3A_280 = tpu.vector_load %arg8[%get3A_279] {strides = array<i32>} : memref<80xi32, #tpu.memory_space<vmem>>, vector<16xi32>,
      %get3A_281 = vector.shape_cast %get3A_280 : vector<16xi32> to vector<16xi32>
      %sub3A_282 = vector.broadcast %mul3A_0 : i32 to vector<16xi32>
      %sub3A_283 = arith.subi %get3A_281, %sub3A_282 : vector<16xi32>
      %ge3A_284 = arith.constant 0 : i32
      %ge3A_285 = vector.broadcast %ge3A_284 : i32 to vector<16xi32>
      %ge3A_286 = arith.cmpi sge, %sub3A_283, %ge3A_285 : vector<16xi32>
      %lt3A_287 = arith.constant 5120 : i32
      %lt3A_288 = vector.broadcast %lt3A_287 : i32 to vector<16xi32>
      %lt3A_289 = arith.cmpi slt, %sub3A_283, %lt3A_288 : vector<16xi32>
      %and3A_290 = arith.andi %ge3A_286, %lt3A_289 : vector<16xi1>
      %jit3A_291 = arith.constant 5120 : i32
      %broadcast_in_dim3A_292 = vector.broadcast %jit3A_291 : i32 to vector<16xi32>
      %select_n3A_293 = arith.select %and3A_290, %sub3A_283, %broadcast_in_dim3A_292 : vector<16xi1>, vector<16xi32>
      %swap3A_294 = arith.constant 48 : index
      %swap3A_295 = tpu.vector_load %arg10[%swap3A_294] {strides = array<i32>} : memref<80xi32, #tpu.memory_space<vmem>>, vector<16xi32>,
      %swap3A_296 = vector.shape_cast %swap3A_295 : vector<16xi32> to vector<16xi32>
      %swap3A_297 = vector.shape_cast %select_n3A_293 : vector<16xi32> to vector<16xi32>
      tpu.vector_store %arg10[%swap3A_294], %swap3A_297 {strides = array<i32>} : memref<80xi32, #tpu.memory_space<vmem>>, vector<16xi32>,
      %get3A_298 = arith.constant 64 : index
      %get3A_299 = tpu.vector_load %arg8[%get3A_298] {strides = array<i32>} : memref<80xi32, #tpu.memory_space<vmem>>, vector<16xi32>,
      %get3A_300 = vector.shape_cast %get3A_299 : vector<16xi32> to vector<16xi32>
      %sub3A_301 = vector.broadcast %mul3A_0 : i32 to vector<16xi32>
      %sub3A_302 = arith.subi %get3A_300, %sub3A_301 : vector<16xi32>
      %ge3A_303 = arith.constant 0 : i32
      %ge3A_304 = vector.broadcast %ge3A_303 : i32 to vector<16xi32>
      %ge3A_305 = arith.cmpi sge, %sub3A_302, %ge3A_304 : vector<16xi32>
      %lt3A_306 = arith.constant 5120 : i32
      %lt3A_307 = vector.broadcast %lt3A_306 : i32 to vector<16xi32>
      %lt3A_308 = arith.cmpi slt, %sub3A_302, %lt3A_307 : vector<16xi32>
      %and3A_309 = arith.andi %ge3A_305, %lt3A_308 : vector<16xi1>
      %jit3A_310 = arith.constant 5120 : i32
      %broadcast_in_dim3A_311 = vector.broadcast %jit3A_310 : i32 to vector<16xi32>
      %select_n3A_312 = arith.select %and3A_309, %sub3A_302, %broadcast_in_dim3A_311 : vector<16xi1>, vector<16xi32>
      %swap3A_313 = arith.constant 64 : index
      %swap3A_314 = tpu.vector_load %arg10[%swap3A_313] {strides = array<i32>} : memref<80xi32, #tpu.memory_space<vmem>>, vector<16xi32>,
      %swap3A_315 = vector.shape_cast %swap3A_314 : vector<16xi32> to vector<16xi32>
      %swap3A_316 = vector.shape_cast %select_n3A_312 : vector<16xi32> to vector<16xi32>
      tpu.vector_store %arg10[%swap3A_313], %swap3A_316 {strides = array<i32>} : memref<80xi32, #tpu.memory_space<vmem>>, vector<16xi32>,
      %dma_start3A_317 = arith.constant 0 : i32
      %dma_start3A_318 = arith.constant 0 : i32
      %dma_start3A_319 = arith.constant 0 : i32
      %dma_start3A_320 = tpu.memref_slice %arg2[%dma_start3A_317, %dma_start3A_318, %dma_start3A_319] : memref<10240x2x128xf32, #tpu.memory_space<hbm>> -> memref<10240x2x128xf32, #tpu.memory_space<hbm>>
      tpu.enqueue_indirect_dma source(%dma_start3A_320 : memref<10240x2x128xf32, #tpu.memory_space<hbm>>) target(%arg12 : memref<80x2x128xf32, #tpu.memory_space<vmem>>) offsets(%arg6 : memref<80xi32, #tpu.memory_space<vmem>>) semaphore(%arg15 : memref<!tpu.dma_semaphore, #tpu.memory_space<semaphore_mem>>)
      %dma_wait3A_321 = arith.constant 0 : i32
      %dma_wait3A_322 = arith.constant 0 : i32
      %dma_wait3A_323 = arith.constant 0 : i32
      %dma_wait3A_324 = tpu.memref_slice %arg2[%dma_wait3A_321, %dma_wait3A_322, %dma_wait3A_323] : memref<10240x2x128xf32, #tpu.memory_space<hbm>> -> memref<10240x2x128xf32, #tpu.memory_space<hbm>>
      tpu.wait_indirect_dma semaphore(%arg16 : memref<!tpu.dma_semaphore, #tpu.memory_space<semaphore_mem>>) src(%dma_wait3A_324 : memref<10240x2x128xf32, #tpu.memory_space<hbm>>) dst(%arg13 : memref<80x2x128xf32, #tpu.memory_space<vmem>>)
      "tpu.region"() ({
        %run_scoped3A_325 = tpu.sem_alloc : memref<!tpu.dma_semaphore, #tpu.memory_space<semaphore_mem>>
        %dma_start3A_326 = arith.constant 0 : i32
        %dma_start3A_327 = arith.constant 0 : i32
        %dma_start3A_328 = arith.constant 0 : i32
        %dma_start3A_329 = tpu.memref_slice %arg14[%dma_start3A_326, %dma_start3A_327, %dma_start3A_328] : memref<5128x2x128xf32, #tpu.memory_space<vmem_shared>> -> memref<5128x2x128xf32, #tpu.memory_space<vmem_shared>>
        tpu.enqueue_indirect_dma source(%arg13 : memref<80x2x128xf32, #tpu.memory_space<vmem>>) target(%dma_start3A_329 : memref<5128x2x128xf32, #tpu.memory_space<vmem_shared>>) offsets(%arg11 : memref<80xi32, #tpu.memory_space<vmem>>) semaphore(%run_scoped3A_325 : memref<!tpu.dma_semaphore, #tpu.memory_space<semaphore_mem>>) {add = true}
        %dma_wait3A_330 = arith.constant 0 : i32
        %dma_wait3A_331 = arith.constant 0 : i32
        %dma_wait3A_332 = arith.constant 0 : i32
        %dma_wait3A_333 = tpu.memref_slice %arg14[%dma_wait3A_330, %dma_wait3A_331, %dma_wait3A_332] : memref<5128x2x128xf32, #tpu.memory_space<vmem_shared>> -> memref<5128x2x128xf32, #tpu.memory_space<vmem_shared>>
        tpu.wait_indirect_dma semaphore(%run_scoped3A_325 : memref<!tpu.dma_semaphore, #tpu.memory_space<semaphore_mem>>) src(%arg13 : memref<80x2x128xf32, #tpu.memory_space<vmem>>) dst(%dma_wait3A_333 : memref<5128x2x128xf32, #tpu.memory_space<vmem_shared>>)
        tpu.yield
      }) : () -> ()
    }
    %scan3A_99 = arith.constant 125 : i32
    %dma_wait3A = arith.constant 0 : i32
    %dma_wait3A_100 = arith.constant 0 : i32
    %dma_wait3A_101 = arith.constant 0 : i32
    %dma_wait3A_102 = tpu.memref_slice %arg2[%dma_wait3A, %dma_wait3A_100, %dma_wait3A_101] : memref<10240x2x128xf32, #tpu.memory_space<hbm>> -> memref<10240x2x128xf32, #tpu.memory_space<hbm>>
    tpu.wait_indirect_dma semaphore(%arg15 : memref<!tpu.dma_semaphore, #tpu.memory_space<semaphore_mem>>) src(%dma_wait3A_102 : memref<10240x2x128xf32, #tpu.memory_space<hbm>>) dst(%arg12 : memref<80x2x128xf32, #tpu.memory_space<vmem>>)
    %barrier3A_103 = arith.constant 0 : index
    tpu.barrier barrier_id(%barrier3A_103)
    %mul3A_104 = arith.constant 320 : i32
    %mul3A_105 = arith.muli %arg1, %mul3A_104 : i32
    %mul3A_106 = arith.constant 320 : i32
    %mul3A_107 = arith.muli %arg1, %mul3A_106 : i32
    %add3A_108 = arith.addi %mul3A_0, %mul3A_107 : i32
    "tpu.region"() ({
      %run_scoped3A_109 = tpu.sem_alloc : memref<!tpu.dma_semaphore, #tpu.memory_space<semaphore_mem>>
      %dma_start3A_110 = arith.constant 0 : i32
      %dma_start3A_111 = arith.constant 0 : i32
      %dma_start3A_112 = tpu.memref_slice %arg5[%add3A_108, %dma_start3A_110, %dma_start3A_111] : memref<10240x2x128xf32, #tpu.memory_space<hbm>> -> memref<320x2x128xf32, #tpu.memory_space<hbm>>
      %dma_start3A_113 = arith.constant 0 : i32
      %dma_start3A_114 = arith.constant 0 : i32
      %dma_start3A_115 = tpu.memref_slice %arg14[%mul3A_105, %dma_start3A_113, %dma_start3A_114] : memref<5128x2x128xf32, #tpu.memory_space<vmem_shared>> -> memref<320x2x128xf32, #tpu.memory_space<vmem_shared>>
      tpu.enqueue_dma source(%dma_start3A_115 : memref<320x2x128xf32, #tpu.memory_space<vmem_shared>>) target(%dma_start3A_112 : memref<320x2x128xf32, #tpu.memory_space<hbm>>) target_semaphore(%run_scoped3A_109 : memref<!tpu.dma_semaphore, #tpu.memory_space<semaphore_mem>>)
      %dma_wait3A_116 = arith.constant 0 : i32
      %dma_wait3A_117 = arith.constant 0 : i32
      %dma_wait3A_118 = tpu.memref_slice %arg5[%add3A_108, %dma_wait3A_116, %dma_wait3A_117] : memref<10240x2x128xf32, #tpu.memory_space<hbm>> -> memref<320x2x128xf32, #tpu.memory_space<hbm>>
      %dma_wait3A_119 = arith.constant 0 : i32
      %dma_wait3A_120 = arith.constant 0 : i32
      %dma_wait3A_121 = tpu.memref_slice %arg14[%mul3A_105, %dma_wait3A_119, %dma_wait3A_120] : memref<5128x2x128xf32, #tpu.memory_space<vmem_shared>> -> memref<320x2x128xf32, #tpu.memory_space<vmem_shared>>
      tpu.wait_dma2 semaphore(%run_scoped3A_109 : memref<!tpu.dma_semaphore, #tpu.memory_space<semaphore_mem>>) src(%dma_wait3A_121 : memref<320x2x128xf32, #tpu.memory_space<vmem_shared>>) dst(%dma_wait3A_118 : memref<320x2x128xf32, #tpu.memory_space<hbm>>)
      tpu.yield
    }) : () -> ()
    return
  }
}

#map = affine_map<(d0, d1) -> (0, 0, 0)>
#map1 = affine_map<(d0, d1) -> (0)>
module attributes {stable_mosaic.version = 14 : i64} {
  func.func @_deg_body(%arg0: i32, %arg1: i32, %arg2: memref<32x125x80xi32, #tpu.memory_space<hbm>>, %arg3: memref<20480xf32, #tpu.memory_space<hbm>>, %arg4: memref<125x80xi32, #tpu.memory_space<vmem>>, %arg5: memref<80xf32, #tpu.memory_space<vmem>>, %arg6: memref<640xf32, #tpu.memory_space<vmem>>, %arg7: memref<10240xf32, #tpu.memory_space<vmem_shared>>) attributes {dimension_semantics = [#tpu.dimension_semantics<core_parallel>, #tpu.dimension_semantics<subcore_parallel>], iteration_bounds = array<i64: 2, 16>, scalar_prefetch = 0 : i64, scratch_operands = 4 : i64, tpu.core_type = #tpu.core_type<sc_vector_subcore>, window_params = [{transform_indices = #map}, {transform_indices = #map1}]} {
    %mul3A = arith.constant 16 : i32
    %mul3A_0 = arith.muli %arg0, %mul3A : i32
    %add3A = arith.addi %mul3A_0, %arg1 : i32
    %broadcast_in_dim3A = arith.constant 1.000000e+00 : f32
    %broadcast_in_dim3A_1 = vector.broadcast %broadcast_in_dim3A : f32 to vector<16xf32>
    %swap3A = arith.constant 0 : index
    %swap3A_2 = tpu.vector_load %arg5[%swap3A] {strides = array<i32>} : memref<80xf32, #tpu.memory_space<vmem>>, vector<16xf32>,
    %swap3A_3 = vector.shape_cast %swap3A_2 : vector<16xf32> to vector<16xf32>
    %swap3A_4 = vector.shape_cast %broadcast_in_dim3A_1 : vector<16xf32> to vector<16xf32>
    tpu.vector_store %arg5[%swap3A], %swap3A_4 {strides = array<i32>} : memref<80xf32, #tpu.memory_space<vmem>>, vector<16xf32>,
    %broadcast_in_dim3A_5 = arith.constant 1.000000e+00 : f32
    %broadcast_in_dim3A_6 = vector.broadcast %broadcast_in_dim3A_5 : f32 to vector<16xf32>
    %swap3A_7 = arith.constant 16 : index
    %swap3A_8 = tpu.vector_load %arg5[%swap3A_7] {strides = array<i32>} : memref<80xf32, #tpu.memory_space<vmem>>, vector<16xf32>,
    %swap3A_9 = vector.shape_cast %swap3A_8 : vector<16xf32> to vector<16xf32>
    %swap3A_10 = vector.shape_cast %broadcast_in_dim3A_6 : vector<16xf32> to vector<16xf32>
    tpu.vector_store %arg5[%swap3A_7], %swap3A_10 {strides = array<i32>} : memref<80xf32, #tpu.memory_space<vmem>>, vector<16xf32>,
    %broadcast_in_dim3A_11 = arith.constant 1.000000e+00 : f32
    %broadcast_in_dim3A_12 = vector.broadcast %broadcast_in_dim3A_11 : f32 to vector<16xf32>
    %swap3A_13 = arith.constant 32 : index
    %swap3A_14 = tpu.vector_load %arg5[%swap3A_13] {strides = array<i32>} : memref<80xf32, #tpu.memory_space<vmem>>, vector<16xf32>,
    %swap3A_15 = vector.shape_cast %swap3A_14 : vector<16xf32> to vector<16xf32>
    %swap3A_16 = vector.shape_cast %broadcast_in_dim3A_12 : vector<16xf32> to vector<16xf32>
    tpu.vector_store %arg5[%swap3A_13], %swap3A_16 {strides = array<i32>} : memref<80xf32, #tpu.memory_space<vmem>>, vector<16xf32>,
    %broadcast_in_dim3A_17 = arith.constant 1.000000e+00 : f32
    %broadcast_in_dim3A_18 = vector.broadcast %broadcast_in_dim3A_17 : f32 to vector<16xf32>
    %swap3A_19 = arith.constant 48 : index
    %swap3A_20 = tpu.vector_load %arg5[%swap3A_19] {strides = array<i32>} : memref<80xf32, #tpu.memory_space<vmem>>, vector<16xf32>,
    %swap3A_21 = vector.shape_cast %swap3A_20 : vector<16xf32> to vector<16xf32>
    %swap3A_22 = vector.shape_cast %broadcast_in_dim3A_18 : vector<16xf32> to vector<16xf32>
    tpu.vector_store %arg5[%swap3A_19], %swap3A_22 {strides = array<i32>} : memref<80xf32, #tpu.memory_space<vmem>>, vector<16xf32>,
    %broadcast_in_dim3A_23 = arith.constant 1.000000e+00 : f32
    %broadcast_in_dim3A_24 = vector.broadcast %broadcast_in_dim3A_23 : f32 to vector<16xf32>
    %swap3A_25 = arith.constant 64 : index
    %swap3A_26 = tpu.vector_load %arg5[%swap3A_25] {strides = array<i32>} : memref<80xf32, #tpu.memory_space<vmem>>, vector<16xf32>,
    %swap3A_27 = vector.shape_cast %swap3A_26 : vector<16xf32> to vector<16xf32>
    %swap3A_28 = vector.shape_cast %broadcast_in_dim3A_24 : vector<16xf32> to vector<16xf32>
    tpu.vector_store %arg5[%swap3A_25], %swap3A_28 {strides = array<i32>} : memref<80xf32, #tpu.memory_space<vmem>>, vector<16xf32>,
    %eq3A = arith.constant 0 : i32
    %eq3A_29 = arith.cmpi eq, %arg0, %eq3A : i32
    %jit3A = arith.constant 1.000000e+00 : f32
    %jit3A_30 = arith.constant 0.000000e+00 : f32
    %select_n3A = arith.select %eq3A_29, %jit3A, %jit3A_30 : f32
    %broadcast_in_dim3A_31 = arith.constant 0.000000e+00 : f32
    %broadcast_in_dim3A_32 = vector.broadcast %broadcast_in_dim3A_31 : f32 to vector<16xf32>
    %add3A_33 = vector.broadcast %select_n3A : f32 to vector<16xf32>
    %add3A_34 = arith.addf %broadcast_in_dim3A_32, %add3A_33 : vector<16xf32>
    %swap3A_35 = arith.constant 0 : index
    %swap3A_36 = tpu.vector_load %arg6[%swap3A_35] {strides = array<i32>} : memref<640xf32, #tpu.memory_space<vmem>>, vector<16xf32>,
    %swap3A_37 = vector.shape_cast %swap3A_36 : vector<16xf32> to vector<16xf32>
    %swap3A_38 = vector.shape_cast %add3A_34 : vector<16xf32> to vector<16xf32>
    tpu.vector_store %arg6[%swap3A_35], %swap3A_38 {strides = array<i32>} : memref<640xf32, #tpu.memory_space<vmem>>, vector<16xf32>,
    %broadcast_in_dim3A_39 = arith.constant 0.000000e+00 : f32
    %broadcast_in_dim3A_40 = vector.broadcast %broadcast_in_dim3A_39 : f32 to vector<16xf32>
    %add3A_41 = vector.broadcast %select_n3A : f32 to vector<16xf32>
    %add3A_42 = arith.addf %broadcast_in_dim3A_40, %add3A_41 : vector<16xf32>
    %swap3A_43 = arith.constant 16 : index
    %swap3A_44 = tpu.vector_load %arg6[%swap3A_43] {strides = array<i32>} : memref<640xf32, #tpu.memory_space<vmem>>, vector<16xf32>,
    %swap3A_45 = vector.shape_cast %swap3A_44 : vector<16xf32> to vector<16xf32>
    %swap3A_46 = vector.shape_cast %add3A_42 : vector<16xf32> to vector<16xf32>
    tpu.vector_store %arg6[%swap3A_43], %swap3A_46 {strides = array<i32>} : memref<640xf32, #tpu.memory_space<vmem>>, vector<16xf32>,
    %broadcast_in_dim3A_47 = arith.constant 0.000000e+00 : f32
    %broadcast_in_dim3A_48 = vector.broadcast %broadcast_in_dim3A_47 : f32 to vector<16xf32>
    %add3A_49 = vector.broadcast %select_n3A : f32 to vector<16xf32>
    %add3A_50 = arith.addf %broadcast_in_dim3A_48, %add3A_49 : vector<16xf32>
    %swap3A_51 = arith.constant 32 : index
    %swap3A_52 = tpu.vector_load %arg6[%swap3A_51] {strides = array<i32>} : memref<640xf32, #tpu.memory_space<vmem>>, vector<16xf32>,
    %swap3A_53 = vector.shape_cast %swap3A_52 : vector<16xf32> to vector<16xf32>
    %swap3A_54 = vector.shape_cast %add3A_50 : vector<16xf32> to vector<16xf32>
    tpu.vector_store %arg6[%swap3A_51], %swap3A_54 {strides = array<i32>} : memref<640xf32, #tpu.memory_space<vmem>>, vector<16xf32>,
    %broadcast_in_dim3A_55 = arith.constant 0.000000e+00 : f32
    %broadcast_in_dim3A_56 = vector.broadcast %broadcast_in_dim3A_55 : f32 to vector<16xf32>
    %add3A_57 = vector.broadcast %select_n3A : f32 to vector<16xf32>
    %add3A_58 = arith.addf %broadcast_in_dim3A_56, %add3A_57 : vector<16xf32>
    %swap3A_59 = arith.constant 48 : index
    %swap3A_60 = tpu.vector_load %arg6[%swap3A_59] {strides = array<i32>} : memref<640xf32, #tpu.memory_space<vmem>>, vector<16xf32>,
    %swap3A_61 = vector.shape_cast %swap3A_60 : vector<16xf32> to vector<16xf32>
    %swap3A_62 = vector.shape_cast %add3A_58 : vector<16xf32> to vector<16xf32>
    tpu.vector_store %arg6[%swap3A_59], %swap3A_62 {strides = array<i32>} : memref<640xf32, #tpu.memory_space<vmem>>, vector<16xf32>,
    %broadcast_in_dim3A_63 = arith.constant 0.000000e+00 : f32
    %broadcast_in_dim3A_64 = vector.broadcast %broadcast_in_dim3A_63 : f32 to vector<16xf32>
    %add3A_65 = vector.broadcast %select_n3A : f32 to vector<16xf32>
    %add3A_66 = arith.addf %broadcast_in_dim3A_64, %add3A_65 : vector<16xf32>
    %swap3A_67 = arith.constant 64 : index
    %swap3A_68 = tpu.vector_load %arg6[%swap3A_67] {strides = array<i32>} : memref<640xf32, #tpu.memory_space<vmem>>, vector<16xf32>,
    %swap3A_69 = vector.shape_cast %swap3A_68 : vector<16xf32> to vector<16xf32>
    %swap3A_70 = vector.shape_cast %add3A_66 : vector<16xf32> to vector<16xf32>
    tpu.vector_store %arg6[%swap3A_67], %swap3A_70 {strides = array<i32>} : memref<640xf32, #tpu.memory_space<vmem>>, vector<16xf32>,
    %broadcast_in_dim3A_71 = arith.constant 0.000000e+00 : f32
    %broadcast_in_dim3A_72 = vector.broadcast %broadcast_in_dim3A_71 : f32 to vector<16xf32>
    %add3A_73 = vector.broadcast %select_n3A : f32 to vector<16xf32>
    %add3A_74 = arith.addf %broadcast_in_dim3A_72, %add3A_73 : vector<16xf32>
    %swap3A_75 = arith.constant 80 : index
    %swap3A_76 = tpu.vector_load %arg6[%swap3A_75] {strides = array<i32>} : memref<640xf32, #tpu.memory_space<vmem>>, vector<16xf32>,
    %swap3A_77 = vector.shape_cast %swap3A_76 : vector<16xf32> to vector<16xf32>
    %swap3A_78 = vector.shape_cast %add3A_74 : vector<16xf32> to vector<16xf32>
    tpu.vector_store %arg6[%swap3A_75], %swap3A_78 {strides = array<i32>} : memref<640xf32, #tpu.memory_space<vmem>>, vector<16xf32>,
    %broadcast_in_dim3A_79 = arith.constant 0.000000e+00 : f32
    %broadcast_in_dim3A_80 = vector.broadcast %broadcast_in_dim3A_79 : f32 to vector<16xf32>
    %add3A_81 = vector.broadcast %select_n3A : f32 to vector<16xf32>
    %add3A_82 = arith.addf %broadcast_in_dim3A_80, %add3A_81 : vector<16xf32>
    %swap3A_83 = arith.constant 96 : index
    %swap3A_84 = tpu.vector_load %arg6[%swap3A_83] {strides = array<i32>} : memref<640xf32, #tpu.memory_space<vmem>>, vector<16xf32>,
    %swap3A_85 = vector.shape_cast %swap3A_84 : vector<16xf32> to vector<16xf32>
    %swap3A_86 = vector.shape_cast %add3A_82 : vector<16xf32> to vector<16xf32>
    tpu.vector_store %arg6[%swap3A_83], %swap3A_86 {strides = array<i32>} : memref<640xf32, #tpu.memory_space<vmem>>, vector<16xf32>,
    %broadcast_in_dim3A_87 = arith.constant 0.000000e+00 : f32
    %broadcast_in_dim3A_88 = vector.broadcast %broadcast_in_dim3A_87 : f32 to vector<16xf32>
    %add3A_89 = vector.broadcast %select_n3A : f32 to vector<16xf32>
    %add3A_90 = arith.addf %broadcast_in_dim3A_88, %add3A_89 : vector<16xf32>
    %swap3A_91 = arith.constant 112 : index
    %swap3A_92 = tpu.vector_load %arg6[%swap3A_91] {strides = array<i32>} : memref<640xf32, #tpu.memory_space<vmem>>, vector<16xf32>,
    %swap3A_93 = vector.shape_cast %swap3A_92 : vector<16xf32> to vector<16xf32>
    %swap3A_94 = vector.shape_cast %add3A_90 : vector<16xf32> to vector<16xf32>
    tpu.vector_store %arg6[%swap3A_91], %swap3A_94 {strides = array<i32>} : memref<640xf32, #tpu.memory_space<vmem>>, vector<16xf32>,
    %broadcast_in_dim3A_95 = arith.constant 0.000000e+00 : f32
    %broadcast_in_dim3A_96 = vector.broadcast %broadcast_in_dim3A_95 : f32 to vector<16xf32>
    %add3A_97 = vector.broadcast %select_n3A : f32 to vector<16xf32>
    %add3A_98 = arith.addf %broadcast_in_dim3A_96, %add3A_97 : vector<16xf32>
    %swap3A_99 = arith.constant 128 : index
    %swap3A_100 = tpu.vector_load %arg6[%swap3A_99] {strides = array<i32>} : memref<640xf32, #tpu.memory_space<vmem>>, vector<16xf32>,
    %swap3A_101 = vector.shape_cast %swap3A_100 : vector<16xf32> to vector<16xf32>
    %swap3A_102 = vector.shape_cast %add3A_98 : vector<16xf32> to vector<16xf32>
    tpu.vector_store %arg6[%swap3A_99], %swap3A_102 {strides = array<i32>} : memref<640xf32, #tpu.memory_space<vmem>>, vector<16xf32>,
    %broadcast_in_dim3A_103 = arith.constant 0.000000e+00 : f32
    %broadcast_in_dim3A_104 = vector.broadcast %broadcast_in_dim3A_103 : f32 to vector<16xf32>
    %add3A_105 = vector.broadcast %select_n3A : f32 to vector<16xf32>
    %add3A_106 = arith.addf %broadcast_in_dim3A_104, %add3A_105 : vector<16xf32>
    %swap3A_107 = arith.constant 144 : index
    %swap3A_108 = tpu.vector_load %arg6[%swap3A_107] {strides = array<i32>} : memref<640xf32, #tpu.memory_space<vmem>>, vector<16xf32>,
    %swap3A_109 = vector.shape_cast %swap3A_108 : vector<16xf32> to vector<16xf32>
    %swap3A_110 = vector.shape_cast %add3A_106 : vector<16xf32> to vector<16xf32>
    tpu.vector_store %arg6[%swap3A_107], %swap3A_110 {strides = array<i32>} : memref<640xf32, #tpu.memory_space<vmem>>, vector<16xf32>,
    %broadcast_in_dim3A_111 = arith.constant 0.000000e+00 : f32
    %broadcast_in_dim3A_112 = vector.broadcast %broadcast_in_dim3A_111 : f32 to vector<16xf32>
    %add3A_113 = vector.broadcast %select_n3A : f32 to vector<16xf32>
    %add3A_114 = arith.addf %broadcast_in_dim3A_112, %add3A_113 : vector<16xf32>
    %swap3A_115 = arith.constant 160 : index
    %swap3A_116 = tpu.vector_load %arg6[%swap3A_115] {strides = array<i32>} : memref<640xf32, #tpu.memory_space<vmem>>, vector<16xf32>,
    %swap3A_117 = vector.shape_cast %swap3A_116 : vector<16xf32> to vector<16xf32>
    %swap3A_118 = vector.shape_cast %add3A_114 : vector<16xf32> to vector<16xf32>
    tpu.vector_store %arg6[%swap3A_115], %swap3A_118 {strides = array<i32>} : memref<640xf32, #tpu.memory_space<vmem>>, vector<16xf32>,
    %broadcast_in_dim3A_119 = arith.constant 0.000000e+00 : f32
    %broadcast_in_dim3A_120 = vector.broadcast %broadcast_in_dim3A_119 : f32 to vector<16xf32>
    %add3A_121 = vector.broadcast %select_n3A : f32 to vector<16xf32>
    %add3A_122 = arith.addf %broadcast_in_dim3A_120, %add3A_121 : vector<16xf32>
    %swap3A_123 = arith.constant 176 : index
    %swap3A_124 = tpu.vector_load %arg6[%swap3A_123] {strides = array<i32>} : memref<640xf32, #tpu.memory_space<vmem>>, vector<16xf32>,
    %swap3A_125 = vector.shape_cast %swap3A_124 : vector<16xf32> to vector<16xf32>
    %swap3A_126 = vector.shape_cast %add3A_122 : vector<16xf32> to vector<16xf32>
    tpu.vector_store %arg6[%swap3A_123], %swap3A_126 {strides = array<i32>} : memref<640xf32, #tpu.memory_space<vmem>>, vector<16xf32>,
    %broadcast_in_dim3A_127 = arith.constant 0.000000e+00 : f32
    %broadcast_in_dim3A_128 = vector.broadcast %broadcast_in_dim3A_127 : f32 to vector<16xf32>
    %add3A_129 = vector.broadcast %select_n3A : f32 to vector<16xf32>
    %add3A_130 = arith.addf %broadcast_in_dim3A_128, %add3A_129 : vector<16xf32>
    %swap3A_131 = arith.constant 192 : index
    %swap3A_132 = tpu.vector_load %arg6[%swap3A_131] {strides = array<i32>} : memref<640xf32, #tpu.memory_space<vmem>>, vector<16xf32>,
    %swap3A_133 = vector.shape_cast %swap3A_132 : vector<16xf32> to vector<16xf32>
    %swap3A_134 = vector.shape_cast %add3A_130 : vector<16xf32> to vector<16xf32>
    tpu.vector_store %arg6[%swap3A_131], %swap3A_134 {strides = array<i32>} : memref<640xf32, #tpu.memory_space<vmem>>, vector<16xf32>,
    %broadcast_in_dim3A_135 = arith.constant 0.000000e+00 : f32
    %broadcast_in_dim3A_136 = vector.broadcast %broadcast_in_dim3A_135 : f32 to vector<16xf32>
    %add3A_137 = vector.broadcast %select_n3A : f32 to vector<16xf32>
    %add3A_138 = arith.addf %broadcast_in_dim3A_136, %add3A_137 : vector<16xf32>
    %swap3A_139 = arith.constant 208 : index
    %swap3A_140 = tpu.vector_load %arg6[%swap3A_139] {strides = array<i32>} : memref<640xf32, #tpu.memory_space<vmem>>, vector<16xf32>,
    %swap3A_141 = vector.shape_cast %swap3A_140 : vector<16xf32> to vector<16xf32>
    %swap3A_142 = vector.shape_cast %add3A_138 : vector<16xf32> to vector<16xf32>
    tpu.vector_store %arg6[%swap3A_139], %swap3A_142 {strides = array<i32>} : memref<640xf32, #tpu.memory_space<vmem>>, vector<16xf32>,
    %broadcast_in_dim3A_143 = arith.constant 0.000000e+00 : f32
    %broadcast_in_dim3A_144 = vector.broadcast %broadcast_in_dim3A_143 : f32 to vector<16xf32>
    %add3A_145 = vector.broadcast %select_n3A : f32 to vector<16xf32>
    %add3A_146 = arith.addf %broadcast_in_dim3A_144, %add3A_145 : vector<16xf32>
    %swap3A_147 = arith.constant 224 : index
    %swap3A_148 = tpu.vector_load %arg6[%swap3A_147] {strides = array<i32>} : memref<640xf32, #tpu.memory_space<vmem>>, vector<16xf32>,
    %swap3A_149 = vector.shape_cast %swap3A_148 : vector<16xf32> to vector<16xf32>
    %swap3A_150 = vector.shape_cast %add3A_146 : vector<16xf32> to vector<16xf32>
    tpu.vector_store %arg6[%swap3A_147], %swap3A_150 {strides = array<i32>} : memref<640xf32, #tpu.memory_space<vmem>>, vector<16xf32>,
    %broadcast_in_dim3A_151 = arith.constant 0.000000e+00 : f32
    %broadcast_in_dim3A_152 = vector.broadcast %broadcast_in_dim3A_151 : f32 to vector<16xf32>
    %add3A_153 = vector.broadcast %select_n3A : f32 to vector<16xf32>
    %add3A_154 = arith.addf %broadcast_in_dim3A_152, %add3A_153 : vector<16xf32>
    %swap3A_155 = arith.constant 240 : index
    %swap3A_156 = tpu.vector_load %arg6[%swap3A_155] {strides = array<i32>} : memref<640xf32, #tpu.memory_space<vmem>>, vector<16xf32>,
    %swap3A_157 = vector.shape_cast %swap3A_156 : vector<16xf32> to vector<16xf32>
    %swap3A_158 = vector.shape_cast %add3A_154 : vector<16xf32> to vector<16xf32>
    tpu.vector_store %arg6[%swap3A_155], %swap3A_158 {strides = array<i32>} : memref<640xf32, #tpu.memory_space<vmem>>, vector<16xf32>,
    %broadcast_in_dim3A_159 = arith.constant 0.000000e+00 : f32
    %broadcast_in_dim3A_160 = vector.broadcast %broadcast_in_dim3A_159 : f32 to vector<16xf32>
    %add3A_161 = vector.broadcast %select_n3A : f32 to vector<16xf32>
    %add3A_162 = arith.addf %broadcast_in_dim3A_160, %add3A_161 : vector<16xf32>
    %swap3A_163 = arith.constant 256 : index
    %swap3A_164 = tpu.vector_load %arg6[%swap3A_163] {strides = array<i32>} : memref<640xf32, #tpu.memory_space<vmem>>, vector<16xf32>,
    %swap3A_165 = vector.shape_cast %swap3A_164 : vector<16xf32> to vector<16xf32>
    %swap3A_166 = vector.shape_cast %add3A_162 : vector<16xf32> to vector<16xf32>
    tpu.vector_store %arg6[%swap3A_163], %swap3A_166 {strides = array<i32>} : memref<640xf32, #tpu.memory_space<vmem>>, vector<16xf32>,
    %broadcast_in_dim3A_167 = arith.constant 0.000000e+00 : f32
    %broadcast_in_dim3A_168 = vector.broadcast %broadcast_in_dim3A_167 : f32 to vector<16xf32>
    %add3A_169 = vector.broadcast %select_n3A : f32 to vector<16xf32>
    %add3A_170 = arith.addf %broadcast_in_dim3A_168, %add3A_169 : vector<16xf32>
    %swap3A_171 = arith.constant 272 : index
    %swap3A_172 = tpu.vector_load %arg6[%swap3A_171] {strides = array<i32>} : memref<640xf32, #tpu.memory_space<vmem>>, vector<16xf32>,
    %swap3A_173 = vector.shape_cast %swap3A_172 : vector<16xf32> to vector<16xf32>
    %swap3A_174 = vector.shape_cast %add3A_170 : vector<16xf32> to vector<16xf32>
    tpu.vector_store %arg6[%swap3A_171], %swap3A_174 {strides = array<i32>} : memref<640xf32, #tpu.memory_space<vmem>>, vector<16xf32>,
    %broadcast_in_dim3A_175 = arith.constant 0.000000e+00 : f32
    %broadcast_in_dim3A_176 = vector.broadcast %broadcast_in_dim3A_175 : f32 to vector<16xf32>
    %add3A_177 = vector.broadcast %select_n3A : f32 to vector<16xf32>
    %add3A_178 = arith.addf %broadcast_in_dim3A_176, %add3A_177 : vector<16xf32>
    %swap3A_179 = arith.constant 288 : index
    %swap3A_180 = tpu.vector_load %arg6[%swap3A_179] {strides = array<i32>} : memref<640xf32, #tpu.memory_space<vmem>>, vector<16xf32>,
    %swap3A_181 = vector.shape_cast %swap3A_180 : vector<16xf32> to vector<16xf32>
    %swap3A_182 = vector.shape_cast %add3A_178 : vector<16xf32> to vector<16xf32>
    tpu.vector_store %arg6[%swap3A_179], %swap3A_182 {strides = array<i32>} : memref<640xf32, #tpu.memory_space<vmem>>, vector<16xf32>,
    %broadcast_in_dim3A_183 = arith.constant 0.000000e+00 : f32
    %broadcast_in_dim3A_184 = vector.broadcast %broadcast_in_dim3A_183 : f32 to vector<16xf32>
    %add3A_185 = vector.broadcast %select_n3A : f32 to vector<16xf32>
    %add3A_186 = arith.addf %broadcast_in_dim3A_184, %add3A_185 : vector<16xf32>
    %swap3A_187 = arith.constant 304 : index
    %swap3A_188 = tpu.vector_load %arg6[%swap3A_187] {strides = array<i32>} : memref<640xf32, #tpu.memory_space<vmem>>, vector<16xf32>,
    %swap3A_189 = vector.shape_cast %swap3A_188 : vector<16xf32> to vector<16xf32>
    %swap3A_190 = vector.shape_cast %add3A_186 : vector<16xf32> to vector<16xf32>
    tpu.vector_store %arg6[%swap3A_187], %swap3A_190 {strides = array<i32>} : memref<640xf32, #tpu.memory_space<vmem>>, vector<16xf32>,
    %broadcast_in_dim3A_191 = arith.constant 0.000000e+00 : f32
    %broadcast_in_dim3A_192 = vector.broadcast %broadcast_in_dim3A_191 : f32 to vector<16xf32>
    %add3A_193 = vector.broadcast %select_n3A : f32 to vector<16xf32>
    %add3A_194 = arith.addf %broadcast_in_dim3A_192, %add3A_193 : vector<16xf32>
    %swap3A_195 = arith.constant 320 : index
    %swap3A_196 = tpu.vector_load %arg6[%swap3A_195] {strides = array<i32>} : memref<640xf32, #tpu.memory_space<vmem>>, vector<16xf32>,
    %swap3A_197 = vector.shape_cast %swap3A_196 : vector<16xf32> to vector<16xf32>
    %swap3A_198 = vector.shape_cast %add3A_194 : vector<16xf32> to vector<16xf32>
    tpu.vector_store %arg6[%swap3A_195], %swap3A_198 {strides = array<i32>} : memref<640xf32, #tpu.memory_space<vmem>>, vector<16xf32>,
    %broadcast_in_dim3A_199 = arith.constant 0.000000e+00 : f32
    %broadcast_in_dim3A_200 = vector.broadcast %broadcast_in_dim3A_199 : f32 to vector<16xf32>
    %add3A_201 = vector.broadcast %select_n3A : f32 to vector<16xf32>
    %add3A_202 = arith.addf %broadcast_in_dim3A_200, %add3A_201 : vector<16xf32>
    %swap3A_203 = arith.constant 336 : index
    %swap3A_204 = tpu.vector_load %arg6[%swap3A_203] {strides = array<i32>} : memref<640xf32, #tpu.memory_space<vmem>>, vector<16xf32>,
    %swap3A_205 = vector.shape_cast %swap3A_204 : vector<16xf32> to vector<16xf32>
    %swap3A_206 = vector.shape_cast %add3A_202 : vector<16xf32> to vector<16xf32>
    tpu.vector_store %arg6[%swap3A_203], %swap3A_206 {strides = array<i32>} : memref<640xf32, #tpu.memory_space<vmem>>, vector<16xf32>,
    %broadcast_in_dim3A_207 = arith.constant 0.000000e+00 : f32
    %broadcast_in_dim3A_208 = vector.broadcast %broadcast_in_dim3A_207 : f32 to vector<16xf32>
    %add3A_209 = vector.broadcast %select_n3A : f32 to vector<16xf32>
    %add3A_210 = arith.addf %broadcast_in_dim3A_208, %add3A_209 : vector<16xf32>
    %swap3A_211 = arith.constant 352 : index
    %swap3A_212 = tpu.vector_load %arg6[%swap3A_211] {strides = array<i32>} : memref<640xf32, #tpu.memory_space<vmem>>, vector<16xf32>,
    %swap3A_213 = vector.shape_cast %swap3A_212 : vector<16xf32> to vector<16xf32>
    %swap3A_214 = vector.shape_cast %add3A_210 : vector<16xf32> to vector<16xf32>
    tpu.vector_store %arg6[%swap3A_211], %swap3A_214 {strides = array<i32>} : memref<640xf32, #tpu.memory_space<vmem>>, vector<16xf32>,
    %broadcast_in_dim3A_215 = arith.constant 0.000000e+00 : f32
    %broadcast_in_dim3A_216 = vector.broadcast %broadcast_in_dim3A_215 : f32 to vector<16xf32>
    %add3A_217 = vector.broadcast %select_n3A : f32 to vector<16xf32>
    %add3A_218 = arith.addf %broadcast_in_dim3A_216, %add3A_217 : vector<16xf32>
    %swap3A_219 = arith.constant 368 : index
    %swap3A_220 = tpu.vector_load %arg6[%swap3A_219] {strides = array<i32>} : memref<640xf32, #tpu.memory_space<vmem>>, vector<16xf32>,
    %swap3A_221 = vector.shape_cast %swap3A_220 : vector<16xf32> to vector<16xf32>
    %swap3A_222 = vector.shape_cast %add3A_218 : vector<16xf32> to vector<16xf32>
    tpu.vector_store %arg6[%swap3A_219], %swap3A_222 {strides = array<i32>} : memref<640xf32, #tpu.memory_space<vmem>>, vector<16xf32>,
    %broadcast_in_dim3A_223 = arith.constant 0.000000e+00 : f32
    %broadcast_in_dim3A_224 = vector.broadcast %broadcast_in_dim3A_223 : f32 to vector<16xf32>
    %add3A_225 = vector.broadcast %select_n3A : f32 to vector<16xf32>
    %add3A_226 = arith.addf %broadcast_in_dim3A_224, %add3A_225 : vector<16xf32>
    %swap3A_227 = arith.constant 384 : index
    %swap3A_228 = tpu.vector_load %arg6[%swap3A_227] {strides = array<i32>} : memref<640xf32, #tpu.memory_space<vmem>>, vector<16xf32>,
    %swap3A_229 = vector.shape_cast %swap3A_228 : vector<16xf32> to vector<16xf32>
    %swap3A_230 = vector.shape_cast %add3A_226 : vector<16xf32> to vector<16xf32>
    tpu.vector_store %arg6[%swap3A_227], %swap3A_230 {strides = array<i32>} : memref<640xf32, #tpu.memory_space<vmem>>, vector<16xf32>,
    %broadcast_in_dim3A_231 = arith.constant 0.000000e+00 : f32
    %broadcast_in_dim3A_232 = vector.broadcast %broadcast_in_dim3A_231 : f32 to vector<16xf32>
    %add3A_233 = vector.broadcast %select_n3A : f32 to vector<16xf32>
    %add3A_234 = arith.addf %broadcast_in_dim3A_232, %add3A_233 : vector<16xf32>
    %swap3A_235 = arith.constant 400 : index
    %swap3A_236 = tpu.vector_load %arg6[%swap3A_235] {strides = array<i32>} : memref<640xf32, #tpu.memory_space<vmem>>, vector<16xf32>,
    %swap3A_237 = vector.shape_cast %swap3A_236 : vector<16xf32> to vector<16xf32>
    %swap3A_238 = vector.shape_cast %add3A_234 : vector<16xf32> to vector<16xf32>
    tpu.vector_store %arg6[%swap3A_235], %swap3A_238 {strides = array<i32>} : memref<640xf32, #tpu.memory_space<vmem>>, vector<16xf32>,
    %broadcast_in_dim3A_239 = arith.constant 0.000000e+00 : f32
    %broadcast_in_dim3A_240 = vector.broadcast %broadcast_in_dim3A_239 : f32 to vector<16xf32>
    %add3A_241 = vector.broadcast %select_n3A : f32 to vector<16xf32>
    %add3A_242 = arith.addf %broadcast_in_dim3A_240, %add3A_241 : vector<16xf32>
    %swap3A_243 = arith.constant 416 : index
    %swap3A_244 = tpu.vector_load %arg6[%swap3A_243] {strides = array<i32>} : memref<640xf32, #tpu.memory_space<vmem>>, vector<16xf32>,
    %swap3A_245 = vector.shape_cast %swap3A_244 : vector<16xf32> to vector<16xf32>
    %swap3A_246 = vector.shape_cast %add3A_242 : vector<16xf32> to vector<16xf32>
    tpu.vector_store %arg6[%swap3A_243], %swap3A_246 {strides = array<i32>} : memref<640xf32, #tpu.memory_space<vmem>>, vector<16xf32>,
    %broadcast_in_dim3A_247 = arith.constant 0.000000e+00 : f32
    %broadcast_in_dim3A_248 = vector.broadcast %broadcast_in_dim3A_247 : f32 to vector<16xf32>
    %add3A_249 = vector.broadcast %select_n3A : f32 to vector<16xf32>
    %add3A_250 = arith.addf %broadcast_in_dim3A_248, %add3A_249 : vector<16xf32>
    %swap3A_251 = arith.constant 432 : index
    %swap3A_252 = tpu.vector_load %arg6[%swap3A_251] {strides = array<i32>} : memref<640xf32, #tpu.memory_space<vmem>>, vector<16xf32>,
    %swap3A_253 = vector.shape_cast %swap3A_252 : vector<16xf32> to vector<16xf32>
    %swap3A_254 = vector.shape_cast %add3A_250 : vector<16xf32> to vector<16xf32>
    tpu.vector_store %arg6[%swap3A_251], %swap3A_254 {strides = array<i32>} : memref<640xf32, #tpu.memory_space<vmem>>, vector<16xf32>,
    %broadcast_in_dim3A_255 = arith.constant 0.000000e+00 : f32
    %broadcast_in_dim3A_256 = vector.broadcast %broadcast_in_dim3A_255 : f32 to vector<16xf32>
    %add3A_257 = vector.broadcast %select_n3A : f32 to vector<16xf32>
    %add3A_258 = arith.addf %broadcast_in_dim3A_256, %add3A_257 : vector<16xf32>
    %swap3A_259 = arith.constant 448 : index
    %swap3A_260 = tpu.vector_load %arg6[%swap3A_259] {strides = array<i32>} : memref<640xf32, #tpu.memory_space<vmem>>, vector<16xf32>,
    %swap3A_261 = vector.shape_cast %swap3A_260 : vector<16xf32> to vector<16xf32>
    %swap3A_262 = vector.shape_cast %add3A_258 : vector<16xf32> to vector<16xf32>
    tpu.vector_store %arg6[%swap3A_259], %swap3A_262 {strides = array<i32>} : memref<640xf32, #tpu.memory_space<vmem>>, vector<16xf32>,
    %broadcast_in_dim3A_263 = arith.constant 0.000000e+00 : f32
    %broadcast_in_dim3A_264 = vector.broadcast %broadcast_in_dim3A_263 : f32 to vector<16xf32>
    %add3A_265 = vector.broadcast %select_n3A : f32 to vector<16xf32>
    %add3A_266 = arith.addf %broadcast_in_dim3A_264, %add3A_265 : vector<16xf32>
    %swap3A_267 = arith.constant 464 : index
    %swap3A_268 = tpu.vector_load %arg6[%swap3A_267] {strides = array<i32>} : memref<640xf32, #tpu.memory_space<vmem>>, vector<16xf32>,
    %swap3A_269 = vector.shape_cast %swap3A_268 : vector<16xf32> to vector<16xf32>
    %swap3A_270 = vector.shape_cast %add3A_266 : vector<16xf32> to vector<16xf32>
    tpu.vector_store %arg6[%swap3A_267], %swap3A_270 {strides = array<i32>} : memref<640xf32, #tpu.memory_space<vmem>>, vector<16xf32>,
    %broadcast_in_dim3A_271 = arith.constant 0.000000e+00 : f32
    %broadcast_in_dim3A_272 = vector.broadcast %broadcast_in_dim3A_271 : f32 to vector<16xf32>
    %add3A_273 = vector.broadcast %select_n3A : f32 to vector<16xf32>
    %add3A_274 = arith.addf %broadcast_in_dim3A_272, %add3A_273 : vector<16xf32>
    %swap3A_275 = arith.constant 480 : index
    %swap3A_276 = tpu.vector_load %arg6[%swap3A_275] {strides = array<i32>} : memref<640xf32, #tpu.memory_space<vmem>>, vector<16xf32>,
    %swap3A_277 = vector.shape_cast %swap3A_276 : vector<16xf32> to vector<16xf32>
    %swap3A_278 = vector.shape_cast %add3A_274 : vector<16xf32> to vector<16xf32>
    tpu.vector_store %arg6[%swap3A_275], %swap3A_278 {strides = array<i32>} : memref<640xf32, #tpu.memory_space<vmem>>, vector<16xf32>,
    %broadcast_in_dim3A_279 = arith.constant 0.000000e+00 : f32
    %broadcast_in_dim3A_280 = vector.broadcast %broadcast_in_dim3A_279 : f32 to vector<16xf32>
    %add3A_281 = vector.broadcast %select_n3A : f32 to vector<16xf32>
    %add3A_282 = arith.addf %broadcast_in_dim3A_280, %add3A_281 : vector<16xf32>
    %swap3A_283 = arith.constant 496 : index
    %swap3A_284 = tpu.vector_load %arg6[%swap3A_283] {strides = array<i32>} : memref<640xf32, #tpu.memory_space<vmem>>, vector<16xf32>,
    %swap3A_285 = vector.shape_cast %swap3A_284 : vector<16xf32> to vector<16xf32>
    %swap3A_286 = vector.shape_cast %add3A_282 : vector<16xf32> to vector<16xf32>
    tpu.vector_store %arg6[%swap3A_283], %swap3A_286 {strides = array<i32>} : memref<640xf32, #tpu.memory_space<vmem>>, vector<16xf32>,
    %broadcast_in_dim3A_287 = arith.constant 0.000000e+00 : f32
    %broadcast_in_dim3A_288 = vector.broadcast %broadcast_in_dim3A_287 : f32 to vector<16xf32>
    %add3A_289 = vector.broadcast %select_n3A : f32 to vector<16xf32>
    %add3A_290 = arith.addf %broadcast_in_dim3A_288, %add3A_289 : vector<16xf32>
    %swap3A_291 = arith.constant 512 : index
    %swap3A_292 = tpu.vector_load %arg6[%swap3A_291] {strides = array<i32>} : memref<640xf32, #tpu.memory_space<vmem>>, vector<16xf32>,
    %swap3A_293 = vector.shape_cast %swap3A_292 : vector<16xf32> to vector<16xf32>
    %swap3A_294 = vector.shape_cast %add3A_290 : vector<16xf32> to vector<16xf32>
    tpu.vector_store %arg6[%swap3A_291], %swap3A_294 {strides = array<i32>} : memref<640xf32, #tpu.memory_space<vmem>>, vector<16xf32>,
    %broadcast_in_dim3A_295 = arith.constant 0.000000e+00 : f32
    %broadcast_in_dim3A_296 = vector.broadcast %broadcast_in_dim3A_295 : f32 to vector<16xf32>
    %add3A_297 = vector.broadcast %select_n3A : f32 to vector<16xf32>
    %add3A_298 = arith.addf %broadcast_in_dim3A_296, %add3A_297 : vector<16xf32>
    %swap3A_299 = arith.constant 528 : index
    %swap3A_300 = tpu.vector_load %arg6[%swap3A_299] {strides = array<i32>} : memref<640xf32, #tpu.memory_space<vmem>>, vector<16xf32>,
    %swap3A_301 = vector.shape_cast %swap3A_300 : vector<16xf32> to vector<16xf32>
    %swap3A_302 = vector.shape_cast %add3A_298 : vector<16xf32> to vector<16xf32>
    tpu.vector_store %arg6[%swap3A_299], %swap3A_302 {strides = array<i32>} : memref<640xf32, #tpu.memory_space<vmem>>, vector<16xf32>,
    %broadcast_in_dim3A_303 = arith.constant 0.000000e+00 : f32
    %broadcast_in_dim3A_304 = vector.broadcast %broadcast_in_dim3A_303 : f32 to vector<16xf32>
    %add3A_305 = vector.broadcast %select_n3A : f32 to vector<16xf32>
    %add3A_306 = arith.addf %broadcast_in_dim3A_304, %add3A_305 : vector<16xf32>
    %swap3A_307 = arith.constant 544 : index
    %swap3A_308 = tpu.vector_load %arg6[%swap3A_307] {strides = array<i32>} : memref<640xf32, #tpu.memory_space<vmem>>, vector<16xf32>,
    %swap3A_309 = vector.shape_cast %swap3A_308 : vector<16xf32> to vector<16xf32>
    %swap3A_310 = vector.shape_cast %add3A_306 : vector<16xf32> to vector<16xf32>
    tpu.vector_store %arg6[%swap3A_307], %swap3A_310 {strides = array<i32>} : memref<640xf32, #tpu.memory_space<vmem>>, vector<16xf32>,
    %broadcast_in_dim3A_311 = arith.constant 0.000000e+00 : f32
    %broadcast_in_dim3A_312 = vector.broadcast %broadcast_in_dim3A_311 : f32 to vector<16xf32>
    %add3A_313 = vector.broadcast %select_n3A : f32 to vector<16xf32>
    %add3A_314 = arith.addf %broadcast_in_dim3A_312, %add3A_313 : vector<16xf32>
    %swap3A_315 = arith.constant 560 : index
    %swap3A_316 = tpu.vector_load %arg6[%swap3A_315] {strides = array<i32>} : memref<640xf32, #tpu.memory_space<vmem>>, vector<16xf32>,
    %swap3A_317 = vector.shape_cast %swap3A_316 : vector<16xf32> to vector<16xf32>
    %swap3A_318 = vector.shape_cast %add3A_314 : vector<16xf32> to vector<16xf32>
    tpu.vector_store %arg6[%swap3A_315], %swap3A_318 {strides = array<i32>} : memref<640xf32, #tpu.memory_space<vmem>>, vector<16xf32>,
    %broadcast_in_dim3A_319 = arith.constant 0.000000e+00 : f32
    %broadcast_in_dim3A_320 = vector.broadcast %broadcast_in_dim3A_319 : f32 to vector<16xf32>
    %add3A_321 = vector.broadcast %select_n3A : f32 to vector<16xf32>
    %add3A_322 = arith.addf %broadcast_in_dim3A_320, %add3A_321 : vector<16xf32>
    %swap3A_323 = arith.constant 576 : index
    %swap3A_324 = tpu.vector_load %arg6[%swap3A_323] {strides = array<i32>} : memref<640xf32, #tpu.memory_space<vmem>>, vector<16xf32>,
    %swap3A_325 = vector.shape_cast %swap3A_324 : vector<16xf32> to vector<16xf32>
    %swap3A_326 = vector.shape_cast %add3A_322 : vector<16xf32> to vector<16xf32>
    tpu.vector_store %arg6[%swap3A_323], %swap3A_326 {strides = array<i32>} : memref<640xf32, #tpu.memory_space<vmem>>, vector<16xf32>,
    %broadcast_in_dim3A_327 = arith.constant 0.000000e+00 : f32
    %broadcast_in_dim3A_328 = vector.broadcast %broadcast_in_dim3A_327 : f32 to vector<16xf32>
    %add3A_329 = vector.broadcast %select_n3A : f32 to vector<16xf32>
    %add3A_330 = arith.addf %broadcast_in_dim3A_328, %add3A_329 : vector<16xf32>
    %swap3A_331 = arith.constant 592 : index
    %swap3A_332 = tpu.vector_load %arg6[%swap3A_331] {strides = array<i32>} : memref<640xf32, #tpu.memory_space<vmem>>, vector<16xf32>,
    %swap3A_333 = vector.shape_cast %swap3A_332 : vector<16xf32> to vector<16xf32>
    %swap3A_334 = vector.shape_cast %add3A_330 : vector<16xf32> to vector<16xf32>
    tpu.vector_store %arg6[%swap3A_331], %swap3A_334 {strides = array<i32>} : memref<640xf32, #tpu.memory_space<vmem>>, vector<16xf32>,
    %broadcast_in_dim3A_335 = arith.constant 0.000000e+00 : f32
    %broadcast_in_dim3A_336 = vector.broadcast %broadcast_in_dim3A_335 : f32 to vector<16xf32>
    %add3A_337 = vector.broadcast %select_n3A : f32 to vector<16xf32>
    %add3A_338 = arith.addf %broadcast_in_dim3A_336, %add3A_337 : vector<16xf32>
    %swap3A_339 = arith.constant 608 : index
    %swap3A_340 = tpu.vector_load %arg6[%swap3A_339] {strides = array<i32>} : memref<640xf32, #tpu.memory_space<vmem>>, vector<16xf32>,
    %swap3A_341 = vector.shape_cast %swap3A_340 : vector<16xf32> to vector<16xf32>
    %swap3A_342 = vector.shape_cast %add3A_338 : vector<16xf32> to vector<16xf32>
    tpu.vector_store %arg6[%swap3A_339], %swap3A_342 {strides = array<i32>} : memref<640xf32, #tpu.memory_space<vmem>>, vector<16xf32>,
    %broadcast_in_dim3A_343 = arith.constant 0.000000e+00 : f32
    %broadcast_in_dim3A_344 = vector.broadcast %broadcast_in_dim3A_343 : f32 to vector<16xf32>
    %add3A_345 = vector.broadcast %select_n3A : f32 to vector<16xf32>
    %add3A_346 = arith.addf %broadcast_in_dim3A_344, %add3A_345 : vector<16xf32>
    %swap3A_347 = arith.constant 624 : index
    %swap3A_348 = tpu.vector_load %arg6[%swap3A_347] {strides = array<i32>} : memref<640xf32, #tpu.memory_space<vmem>>, vector<16xf32>,
    %swap3A_349 = vector.shape_cast %swap3A_348 : vector<16xf32> to vector<16xf32>
    %swap3A_350 = vector.shape_cast %add3A_346 : vector<16xf32> to vector<16xf32>
    tpu.vector_store %arg6[%swap3A_347], %swap3A_350 {strides = array<i32>} : memref<640xf32, #tpu.memory_space<vmem>>, vector<16xf32>,
    %mul3A_351 = arith.constant 640 : i32
    %mul3A_352 = arith.muli %arg1, %mul3A_351 : i32
    "tpu.region"() ({
      %run_scoped3A = tpu.sem_alloc : memref<!tpu.dma_semaphore, #tpu.memory_space<semaphore_mem>>
      %dma_start3A = tpu.memref_slice %arg7[%mul3A_352] : memref<10240xf32, #tpu.memory_space<vmem_shared>> -> memref<640xf32, #tpu.memory_space<vmem_shared>>
      %dma_start3A_366 = tpu.memref_slice %arg7[%mul3A_352] : memref<10240xf32, #tpu.memory_space<vmem_shared>> -> memref<640xf32, #tpu.memory_space<vmem_shared>>
      tpu.enqueue_dma source(%arg6 : memref<640xf32, #tpu.memory_space<vmem>>) target(%dma_start3A_366 : memref<640xf32, #tpu.memory_space<vmem_shared>>) target_semaphore(%run_scoped3A : memref<!tpu.dma_semaphore, #tpu.memory_space<semaphore_mem>>)
      %dma_wait3A = tpu.memref_slice %arg7[%mul3A_352] : memref<10240xf32, #tpu.memory_space<vmem_shared>> -> memref<640xf32, #tpu.memory_space<vmem_shared>>
      %dma_wait3A_367 = tpu.memref_slice %arg7[%mul3A_352] : memref<10240xf32, #tpu.memory_space<vmem_shared>> -> memref<640xf32, #tpu.memory_space<vmem_shared>>
      tpu.wait_dma2 semaphore(%run_scoped3A : memref<!tpu.dma_semaphore, #tpu.memory_space<semaphore_mem>>) src(%arg6 : memref<640xf32, #tpu.memory_space<vmem>>) dst(%dma_wait3A_367 : memref<640xf32, #tpu.memory_space<vmem_shared>>)
      tpu.yield
    }) : () -> ()
    "tpu.region"() ({
      %run_scoped3A = tpu.sem_alloc : memref<!tpu.dma_semaphore, #tpu.memory_space<semaphore_mem>>
      %dma_start3A = arith.constant 0 : i32
      %dma_start3A_366 = arith.constant 0 : i32
      %dma_start3A_367 = tpu.memref_slice %arg2[%add3A, %dma_start3A, %dma_start3A_366] : memref<32x125x80xi32, #tpu.memory_space<hbm>> -> memref<1x125x80xi32, #tpu.memory_space<hbm>>
      %dma_start3A_368 = tpu.memref_squeeze %dma_start3A_367 : memref<1x125x80xi32, #tpu.memory_space<hbm>> -> memref<125x80xi32, #tpu.memory_space<hbm>>
      %dma_start3A_369 = arith.constant 0 : i32
      %dma_start3A_370 = arith.constant 0 : i32
      %dma_start3A_371 = tpu.memref_slice %arg2[%add3A, %dma_start3A_369, %dma_start3A_370] : memref<32x125x80xi32, #tpu.memory_space<hbm>> -> memref<1x125x80xi32, #tpu.memory_space<hbm>>
      %dma_start3A_372 = tpu.memref_squeeze %dma_start3A_371 : memref<1x125x80xi32, #tpu.memory_space<hbm>> -> memref<125x80xi32, #tpu.memory_space<hbm>>
      tpu.enqueue_dma source(%dma_start3A_372 : memref<125x80xi32, #tpu.memory_space<hbm>>) target(%arg4 : memref<125x80xi32, #tpu.memory_space<vmem>>) target_semaphore(%run_scoped3A : memref<!tpu.dma_semaphore, #tpu.memory_space<semaphore_mem>>)
      %dma_wait3A = arith.constant 0 : i32
      %dma_wait3A_373 = arith.constant 0 : i32
      %dma_wait3A_374 = tpu.memref_slice %arg2[%add3A, %dma_wait3A, %dma_wait3A_373] : memref<32x125x80xi32, #tpu.memory_space<hbm>> -> memref<1x125x80xi32, #tpu.memory_space<hbm>>
      %dma_wait3A_375 = tpu.memref_squeeze %dma_wait3A_374 : memref<1x125x80xi32, #tpu.memory_space<hbm>> -> memref<125x80xi32, #tpu.memory_space<hbm>>
      %dma_wait3A_376 = arith.constant 0 : i32
      %dma_wait3A_377 = arith.constant 0 : i32
      %dma_wait3A_378 = tpu.memref_slice %arg2[%add3A, %dma_wait3A_376, %dma_wait3A_377] : memref<32x125x80xi32, #tpu.memory_space<hbm>> -> memref<1x125x80xi32, #tpu.memory_space<hbm>>
      %dma_wait3A_379 = tpu.memref_squeeze %dma_wait3A_378 : memref<1x125x80xi32, #tpu.memory_space<hbm>> -> memref<125x80xi32, #tpu.memory_space<hbm>>
      tpu.wait_dma2 semaphore(%run_scoped3A : memref<!tpu.dma_semaphore, #tpu.memory_space<semaphore_mem>>) src(%dma_wait3A_379 : memref<125x80xi32, #tpu.memory_space<hbm>>) dst(%arg4 : memref<125x80xi32, #tpu.memory_space<vmem>>)
      tpu.yield
    }) : () -> ()
    %barrier3A = arith.constant 0 : index
    tpu.barrier barrier_id(%barrier3A)
    %scan3A = arith.constant 0 : i32
    %scan3A_353 = arith.constant 0 : i32
    %scan3A_354 = arith.constant 125 : i32
    %scan3A_355 = arith.addi %scan3A_353, %scan3A_354 : i32
    %scan3A_356 = arith.constant 1 : i32
    scf.for %scan3A_366 = %scan3A_353 to %scan3A_355 step %scan3A_356  : i32 {
      "tpu.region"() ({
        %run_scoped3A = tpu.sem_alloc : memref<!tpu.dma_semaphore, #tpu.memory_space<semaphore_mem>>
        %dma_start3A = arith.constant 0 : i32
        %dma_start3A_367 = tpu.memref_slice %arg4[%scan3A_366, %dma_start3A] : memref<125x80xi32, #tpu.memory_space<vmem>> -> memref<1x80xi32, #tpu.memory_space<vmem>>
        %dma_start3A_368 = tpu.memref_squeeze %dma_start3A_367 : memref<1x80xi32, #tpu.memory_space<vmem>> -> memref<80xi32, #tpu.memory_space<vmem>>
        %dma_start3A_369 = arith.constant 0 : i32
        %dma_start3A_370 = tpu.memref_slice %arg7[%dma_start3A_369] : memref<10240xf32, #tpu.memory_space<vmem_shared>> -> memref<10240xf32, #tpu.memory_space<vmem_shared>>
        tpu.enqueue_indirect_dma source(%arg5 : memref<80xf32, #tpu.memory_space<vmem>>) target(%dma_start3A_370 : memref<10240xf32, #tpu.memory_space<vmem_shared>>) offsets(%dma_start3A_368 : memref<80xi32, #tpu.memory_space<vmem>>) semaphore(%run_scoped3A : memref<!tpu.dma_semaphore, #tpu.memory_space<semaphore_mem>>) {add = true}
        %dma_wait3A = arith.constant 0 : i32
        %dma_wait3A_371 = tpu.memref_slice %arg4[%scan3A_366, %dma_wait3A] : memref<125x80xi32, #tpu.memory_space<vmem>> -> memref<1x80xi32, #tpu.memory_space<vmem>>
        %dma_wait3A_372 = tpu.memref_squeeze %dma_wait3A_371 : memref<1x80xi32, #tpu.memory_space<vmem>> -> memref<80xi32, #tpu.memory_space<vmem>>
        %dma_wait3A_373 = arith.constant 0 : i32
        %dma_wait3A_374 = tpu.memref_slice %arg7[%dma_wait3A_373] : memref<10240xf32, #tpu.memory_space<vmem_shared>> -> memref<10240xf32, #tpu.memory_space<vmem_shared>>
        tpu.wait_indirect_dma semaphore(%run_scoped3A : memref<!tpu.dma_semaphore, #tpu.memory_space<semaphore_mem>>) src(%arg5 : memref<80xf32, #tpu.memory_space<vmem>>) dst(%dma_wait3A_374 : memref<10240xf32, #tpu.memory_space<vmem_shared>>)
        tpu.yield
      }) : () -> ()
    }
    %scan3A_357 = arith.constant 125 : i32
    %barrier3A_358 = arith.constant 0 : index
    tpu.barrier barrier_id(%barrier3A_358)
    %mul3A_359 = arith.constant 640 : i32
    %mul3A_360 = arith.muli %arg1, %mul3A_359 : i32
    %mul3A_361 = arith.constant 10240 : i32
    %mul3A_362 = arith.muli %arg0, %mul3A_361 : i32
    %mul3A_363 = arith.constant 640 : i32
    %mul3A_364 = arith.muli %arg1, %mul3A_363 : i32
    %add3A_365 = arith.addi %mul3A_362, %mul3A_364 : i32
    "tpu.region"() ({
      %run_scoped3A = tpu.sem_alloc : memref<!tpu.dma_semaphore, #tpu.memory_space<semaphore_mem>>
      %dma_start3A = tpu.memref_slice %arg3[%add3A_365] : memref<20480xf32, #tpu.memory_space<hbm>> -> memref<640xf32, #tpu.memory_space<hbm>>
      %dma_start3A_366 = tpu.memref_slice %arg7[%mul3A_360] : memref<10240xf32, #tpu.memory_space<vmem_shared>> -> memref<640xf32, #tpu.memory_space<vmem_shared>>
      tpu.enqueue_dma source(%dma_start3A_366 : memref<640xf32, #tpu.memory_space<vmem_shared>>) target(%dma_start3A : memref<640xf32, #tpu.memory_space<hbm>>) target_semaphore(%run_scoped3A : memref<!tpu.dma_semaphore, #tpu.memory_space<semaphore_mem>>)
      %dma_wait3A = tpu.memref_slice %arg3[%add3A_365] : memref<20480xf32, #tpu.memory_space<hbm>> -> memref<640xf32, #tpu.memory_space<hbm>>
      %dma_wait3A_367 = tpu.memref_slice %arg7[%mul3A_360] : memref<10240xf32, #tpu.memory_space<vmem_shared>> -> memref<640xf32, #tpu.memory_space<vmem_shared>>
      tpu.wait_dma2 semaphore(%run_scoped3A : memref<!tpu.dma_semaphore, #tpu.memory_space<semaphore_mem>>) src(%dma_wait3A_367 : memref<640xf32, #tpu.memory_space<vmem_shared>>) dst(%dma_wait3A : memref<640xf32, #tpu.memory_space<hbm>>)
      tpu.yield
    }) : () -> ()
    return
  }
}

#map = affine_map<(d0, d1) -> (0, 0, 0)>
module attributes {stable_mosaic.version = 14 : i64} {
  func.func @_mp_body(%arg0: i32, %arg1: i32, %arg2: memref<10240x2x128xf32, #tpu.memory_space<hbm>>, %arg3: memref<16x250x80xi32, #tpu.memory_space<hbm>>, %arg4: memref<16x250x80xi32, #tpu.memory_space<hbm>>, %arg5: memref<10240x2x128xf32, #tpu.memory_space<hbm>>, %arg6: memref<80xi32, #tpu.memory_space<vmem>>, %arg7: memref<80xi32, #tpu.memory_space<vmem>>, %arg8: memref<80xi32, #tpu.memory_space<vmem>>, %arg9: memref<80xi32, #tpu.memory_space<vmem>>, %arg10: memref<80xi32, #tpu.memory_space<vmem>>, %arg11: memref<80xi32, #tpu.memory_space<vmem>>, %arg12: memref<80x2x128xf32, #tpu.memory_space<vmem>>, %arg13: memref<80x2x128xf32, #tpu.memory_space<vmem>>, %arg14: memref<5128x2x128xf32, #tpu.memory_space<vmem_shared>>, %arg15: memref<!tpu.dma_semaphore, #tpu.memory_space<semaphore_mem>>, %arg16: memref<!tpu.dma_semaphore, #tpu.memory_space<semaphore_mem>>) attributes {dimension_semantics = [#tpu.dimension_semantics<core_parallel>, #tpu.dimension_semantics<subcore_parallel>], iteration_bounds = array<i64: 2, 16>, scalar_prefetch = 0 : i64, scratch_operands = 11 : i64, tpu.core_type = #tpu.core_type<sc_vector_subcore>, window_params = [{transform_indices = #map}, {transform_indices = #map}, {transform_indices = #map}, {transform_indices = #map}]} {
    %mul3A = arith.constant 5120 : i32
    %mul3A_0 = arith.muli %arg0, %mul3A : i32
    %mul3A_1 = arith.constant 320 : i32
    %mul3A_2 = arith.muli %arg1, %mul3A_1 : i32
    %add3A = arith.addi %mul3A_0, %mul3A_2 : i32
    %mul3A_3 = arith.constant 320 : i32
    %mul3A_4 = arith.muli %arg1, %mul3A_3 : i32
    "tpu.region"() ({
      %run_scoped3A_109 = tpu.sem_alloc : memref<!tpu.dma_semaphore, #tpu.memory_space<semaphore_mem>>
      %dma_start3A_110 = arith.constant 0 : i32
      %dma_start3A_111 = arith.constant 0 : i32
      %dma_start3A_112 = tpu.memref_slice %arg14[%mul3A_4, %dma_start3A_110, %dma_start3A_111] : memref<5128x2x128xf32, #tpu.memory_space<vmem_shared>> -> memref<320x2x128xf32, #tpu.memory_space<vmem_shared>>
      %dma_start3A_113 = arith.constant 0 : i32
      %dma_start3A_114 = arith.constant 0 : i32
      %dma_start3A_115 = tpu.memref_slice %arg2[%add3A, %dma_start3A_113, %dma_start3A_114] : memref<10240x2x128xf32, #tpu.memory_space<hbm>> -> memref<320x2x128xf32, #tpu.memory_space<hbm>>
      tpu.enqueue_dma source(%dma_start3A_115 : memref<320x2x128xf32, #tpu.memory_space<hbm>>) target(%dma_start3A_112 : memref<320x2x128xf32, #tpu.memory_space<vmem_shared>>) target_semaphore(%run_scoped3A_109 : memref<!tpu.dma_semaphore, #tpu.memory_space<semaphore_mem>>)
      %dma_wait3A_116 = arith.constant 0 : i32
      %dma_wait3A_117 = arith.constant 0 : i32
      %dma_wait3A_118 = tpu.memref_slice %arg14[%mul3A_4, %dma_wait3A_116, %dma_wait3A_117] : memref<5128x2x128xf32, #tpu.memory_space<vmem_shared>> -> memref<320x2x128xf32, #tpu.memory_space<vmem_shared>>
      %dma_wait3A_119 = arith.constant 0 : i32
      %dma_wait3A_120 = arith.constant 0 : i32
      %dma_wait3A_121 = tpu.memref_slice %arg2[%add3A, %dma_wait3A_119, %dma_wait3A_120] : memref<10240x2x128xf32, #tpu.memory_space<hbm>> -> memref<320x2x128xf32, #tpu.memory_space<hbm>>
      tpu.wait_dma2 semaphore(%run_scoped3A_109 : memref<!tpu.dma_semaphore, #tpu.memory_space<semaphore_mem>>) src(%dma_wait3A_121 : memref<320x2x128xf32, #tpu.memory_space<hbm>>) dst(%dma_wait3A_118 : memref<320x2x128xf32, #tpu.memory_space<vmem_shared>>)
      tpu.yield
    }) : () -> ()
    %barrier3A = arith.constant 0 : index
    tpu.barrier barrier_id(%barrier3A)
    %run_scoped3A = arith.constant 0 : i32
    "tpu.region"() ({
      %run_scoped3A_109 = tpu.sem_alloc : memref<!tpu.dma_semaphore, #tpu.memory_space<semaphore_mem>>
      %dma_start3A_110 = arith.constant 0 : i32
      %dma_start3A_111 = tpu.memref_slice %arg3[%arg1, %run_scoped3A, %dma_start3A_110] : memref<16x250x80xi32, #tpu.memory_space<hbm>> -> memref<1x1x80xi32, #tpu.memory_space<hbm>>
      %dma_start3A_112 = tpu.memref_squeeze %dma_start3A_111 : memref<1x1x80xi32, #tpu.memory_space<hbm>> -> memref<80xi32, #tpu.memory_space<hbm>>
      %dma_start3A_113 = arith.constant 0 : i32
      %dma_start3A_114 = tpu.memref_slice %arg3[%arg1, %run_scoped3A, %dma_start3A_113] : memref<16x250x80xi32, #tpu.memory_space<hbm>> -> memref<1x1x80xi32, #tpu.memory_space<hbm>>
      %dma_start3A_115 = tpu.memref_squeeze %dma_start3A_114 : memref<1x1x80xi32, #tpu.memory_space<hbm>> -> memref<80xi32, #tpu.memory_space<hbm>>
      tpu.enqueue_dma source(%dma_start3A_115 : memref<80xi32, #tpu.memory_space<hbm>>) target(%arg6 : memref<80xi32, #tpu.memory_space<vmem>>) target_semaphore(%run_scoped3A_109 : memref<!tpu.dma_semaphore, #tpu.memory_space<semaphore_mem>>)
      %dma_wait3A_116 = arith.constant 0 : i32
      %dma_wait3A_117 = tpu.memref_slice %arg3[%arg1, %run_scoped3A, %dma_wait3A_116] : memref<16x250x80xi32, #tpu.memory_space<hbm>> -> memref<1x1x80xi32, #tpu.memory_space<hbm>>
      %dma_wait3A_118 = tpu.memref_squeeze %dma_wait3A_117 : memref<1x1x80xi32, #tpu.memory_space<hbm>> -> memref<80xi32, #tpu.memory_space<hbm>>
      %dma_wait3A_119 = arith.constant 0 : i32
      %dma_wait3A_120 = tpu.memref_slice %arg3[%arg1, %run_scoped3A, %dma_wait3A_119] : memref<16x250x80xi32, #tpu.memory_space<hbm>> -> memref<1x1x80xi32, #tpu.memory_space<hbm>>
      %dma_wait3A_121 = tpu.memref_squeeze %dma_wait3A_120 : memref<1x1x80xi32, #tpu.memory_space<hbm>> -> memref<80xi32, #tpu.memory_space<hbm>>
      tpu.wait_dma2 semaphore(%run_scoped3A_109 : memref<!tpu.dma_semaphore, #tpu.memory_space<semaphore_mem>>) src(%dma_wait3A_121 : memref<80xi32, #tpu.memory_space<hbm>>) dst(%arg6 : memref<80xi32, #tpu.memory_space<vmem>>)
      tpu.yield
    }) : () -> ()
    %run_scoped3A_5 = arith.constant 0 : i32
    "tpu.region"() ({
      %run_scoped3A_109 = tpu.sem_alloc : memref<!tpu.dma_semaphore, #tpu.memory_space<semaphore_mem>>
      %dma_start3A_110 = arith.constant 0 : i32
      %dma_start3A_111 = tpu.memref_slice %arg4[%arg1, %run_scoped3A_5, %dma_start3A_110] : memref<16x250x80xi32, #tpu.memory_space<hbm>> -> memref<1x1x80xi32, #tpu.memory_space<hbm>>
      %dma_start3A_112 = tpu.memref_squeeze %dma_start3A_111 : memref<1x1x80xi32, #tpu.memory_space<hbm>> -> memref<80xi32, #tpu.memory_space<hbm>>
      %dma_start3A_113 = arith.constant 0 : i32
      %dma_start3A_114 = tpu.memref_slice %arg4[%arg1, %run_scoped3A_5, %dma_start3A_113] : memref<16x250x80xi32, #tpu.memory_space<hbm>> -> memref<1x1x80xi32, #tpu.memory_space<hbm>>
      %dma_start3A_115 = tpu.memref_squeeze %dma_start3A_114 : memref<1x1x80xi32, #tpu.memory_space<hbm>> -> memref<80xi32, #tpu.memory_space<hbm>>
      tpu.enqueue_dma source(%dma_start3A_115 : memref<80xi32, #tpu.memory_space<hbm>>) target(%arg8 : memref<80xi32, #tpu.memory_space<vmem>>) target_semaphore(%run_scoped3A_109 : memref<!tpu.dma_semaphore, #tpu.memory_space<semaphore_mem>>)
      %dma_wait3A_116 = arith.constant 0 : i32
      %dma_wait3A_117 = tpu.memref_slice %arg4[%arg1, %run_scoped3A_5, %dma_wait3A_116] : memref<16x250x80xi32, #tpu.memory_space<hbm>> -> memref<1x1x80xi32, #tpu.memory_space<hbm>>
      %dma_wait3A_118 = tpu.memref_squeeze %dma_wait3A_117 : memref<1x1x80xi32, #tpu.memory_space<hbm>> -> memref<80xi32, #tpu.memory_space<hbm>>
      %dma_wait3A_119 = arith.constant 0 : i32
      %dma_wait3A_120 = tpu.memref_slice %arg4[%arg1, %run_scoped3A_5, %dma_wait3A_119] : memref<16x250x80xi32, #tpu.memory_space<hbm>> -> memref<1x1x80xi32, #tpu.memory_space<hbm>>
      %dma_wait3A_121 = tpu.memref_squeeze %dma_wait3A_120 : memref<1x1x80xi32, #tpu.memory_space<hbm>> -> memref<80xi32, #tpu.memory_space<hbm>>
      tpu.wait_dma2 semaphore(%run_scoped3A_109 : memref<!tpu.dma_semaphore, #tpu.memory_space<semaphore_mem>>) src(%dma_wait3A_121 : memref<80xi32, #tpu.memory_space<hbm>>) dst(%arg8 : memref<80xi32, #tpu.memory_space<vmem>>)
      tpu.yield
    }) : () -> ()
    %get3A = arith.constant 0 : index
    %get3A_6 = tpu.vector_load %arg8[%get3A] {strides = array<i32>} : memref<80xi32, #tpu.memory_space<vmem>>, vector<16xi32>,
    %get3A_7 = vector.shape_cast %get3A_6 : vector<16xi32> to vector<16xi32>
    %sub3A = vector.broadcast %mul3A_0 : i32 to vector<16xi32>
    %sub3A_8 = arith.subi %get3A_7, %sub3A : vector<16xi32>
    %ge3A = arith.constant 0 : i32
    %ge3A_9 = vector.broadcast %ge3A : i32 to vector<16xi32>
    %ge3A_10 = arith.cmpi sge, %sub3A_8, %ge3A_9 : vector<16xi32>
    %lt3A = arith.constant 5120 : i32
    %lt3A_11 = vector.broadcast %lt3A : i32 to vector<16xi32>
    %lt3A_12 = arith.cmpi slt, %sub3A_8, %lt3A_11 : vector<16xi32>
    %and3A = arith.andi %ge3A_10, %lt3A_12 : vector<16xi1>
    %jit3A = arith.constant 5120 : i32
    %broadcast_in_dim3A = vector.broadcast %jit3A : i32 to vector<16xi32>
    %select_n3A = arith.select %and3A, %sub3A_8, %broadcast_in_dim3A : vector<16xi1>, vector<16xi32>
    %swap3A = arith.constant 0 : index
    %swap3A_13 = tpu.vector_load %arg10[%swap3A] {strides = array<i32>} : memref<80xi32, #tpu.memory_space<vmem>>, vector<16xi32>,
    %swap3A_14 = vector.shape_cast %swap3A_13 : vector<16xi32> to vector<16xi32>
    %swap3A_15 = vector.shape_cast %select_n3A : vector<16xi32> to vector<16xi32>
    tpu.vector_store %arg10[%swap3A], %swap3A_15 {strides = array<i32>} : memref<80xi32, #tpu.memory_space<vmem>>, vector<16xi32>,
    %get3A_16 = arith.constant 16 : index
    %get3A_17 = tpu.vector_load %arg8[%get3A_16] {strides = array<i32>} : memref<80xi32, #tpu.memory_space<vmem>>, vector<16xi32>,
    %get3A_18 = vector.shape_cast %get3A_17 : vector<16xi32> to vector<16xi32>
    %sub3A_19 = vector.broadcast %mul3A_0 : i32 to vector<16xi32>
    %sub3A_20 = arith.subi %get3A_18, %sub3A_19 : vector<16xi32>
    %ge3A_21 = arith.constant 0 : i32
    %ge3A_22 = vector.broadcast %ge3A_21 : i32 to vector<16xi32>
    %ge3A_23 = arith.cmpi sge, %sub3A_20, %ge3A_22 : vector<16xi32>
    %lt3A_24 = arith.constant 5120 : i32
    %lt3A_25 = vector.broadcast %lt3A_24 : i32 to vector<16xi32>
    %lt3A_26 = arith.cmpi slt, %sub3A_20, %lt3A_25 : vector<16xi32>
    %and3A_27 = arith.andi %ge3A_23, %lt3A_26 : vector<16xi1>
    %jit3A_28 = arith.constant 5120 : i32
    %broadcast_in_dim3A_29 = vector.broadcast %jit3A_28 : i32 to vector<16xi32>
    %select_n3A_30 = arith.select %and3A_27, %sub3A_20, %broadcast_in_dim3A_29 : vector<16xi1>, vector<16xi32>
    %swap3A_31 = arith.constant 16 : index
    %swap3A_32 = tpu.vector_load %arg10[%swap3A_31] {strides = array<i32>} : memref<80xi32, #tpu.memory_space<vmem>>, vector<16xi32>,
    %swap3A_33 = vector.shape_cast %swap3A_32 : vector<16xi32> to vector<16xi32>
    %swap3A_34 = vector.shape_cast %select_n3A_30 : vector<16xi32> to vector<16xi32>
    tpu.vector_store %arg10[%swap3A_31], %swap3A_34 {strides = array<i32>} : memref<80xi32, #tpu.memory_space<vmem>>, vector<16xi32>,
    %get3A_35 = arith.constant 32 : index
    %get3A_36 = tpu.vector_load %arg8[%get3A_35] {strides = array<i32>} : memref<80xi32, #tpu.memory_space<vmem>>, vector<16xi32>,
    %get3A_37 = vector.shape_cast %get3A_36 : vector<16xi32> to vector<16xi32>
    %sub3A_38 = vector.broadcast %mul3A_0 : i32 to vector<16xi32>
    %sub3A_39 = arith.subi %get3A_37, %sub3A_38 : vector<16xi32>
    %ge3A_40 = arith.constant 0 : i32
    %ge3A_41 = vector.broadcast %ge3A_40 : i32 to vector<16xi32>
    %ge3A_42 = arith.cmpi sge, %sub3A_39, %ge3A_41 : vector<16xi32>
    %lt3A_43 = arith.constant 5120 : i32
    %lt3A_44 = vector.broadcast %lt3A_43 : i32 to vector<16xi32>
    %lt3A_45 = arith.cmpi slt, %sub3A_39, %lt3A_44 : vector<16xi32>
    %and3A_46 = arith.andi %ge3A_42, %lt3A_45 : vector<16xi1>
    %jit3A_47 = arith.constant 5120 : i32
    %broadcast_in_dim3A_48 = vector.broadcast %jit3A_47 : i32 to vector<16xi32>
    %select_n3A_49 = arith.select %and3A_46, %sub3A_39, %broadcast_in_dim3A_48 : vector<16xi1>, vector<16xi32>
    %swap3A_50 = arith.constant 32 : index
    %swap3A_51 = tpu.vector_load %arg10[%swap3A_50] {strides = array<i32>} : memref<80xi32, #tpu.memory_space<vmem>>, vector<16xi32>,
    %swap3A_52 = vector.shape_cast %swap3A_51 : vector<16xi32> to vector<16xi32>
    %swap3A_53 = vector.shape_cast %select_n3A_49 : vector<16xi32> to vector<16xi32>
    tpu.vector_store %arg10[%swap3A_50], %swap3A_53 {strides = array<i32>} : memref<80xi32, #tpu.memory_space<vmem>>, vector<16xi32>,
    %get3A_54 = arith.constant 48 : index
    %get3A_55 = tpu.vector_load %arg8[%get3A_54] {strides = array<i32>} : memref<80xi32, #tpu.memory_space<vmem>>, vector<16xi32>,
    %get3A_56 = vector.shape_cast %get3A_55 : vector<16xi32> to vector<16xi32>
    %sub3A_57 = vector.broadcast %mul3A_0 : i32 to vector<16xi32>
    %sub3A_58 = arith.subi %get3A_56, %sub3A_57 : vector<16xi32>
    %ge3A_59 = arith.constant 0 : i32
    %ge3A_60 = vector.broadcast %ge3A_59 : i32 to vector<16xi32>
    %ge3A_61 = arith.cmpi sge, %sub3A_58, %ge3A_60 : vector<16xi32>
    %lt3A_62 = arith.constant 5120 : i32
    %lt3A_63 = vector.broadcast %lt3A_62 : i32 to vector<16xi32>
    %lt3A_64 = arith.cmpi slt, %sub3A_58, %lt3A_63 : vector<16xi32>
    %and3A_65 = arith.andi %ge3A_61, %lt3A_64 : vector<16xi1>
    %jit3A_66 = arith.constant 5120 : i32
    %broadcast_in_dim3A_67 = vector.broadcast %jit3A_66 : i32 to vector<16xi32>
    %select_n3A_68 = arith.select %and3A_65, %sub3A_58, %broadcast_in_dim3A_67 : vector<16xi1>, vector<16xi32>
    %swap3A_69 = arith.constant 48 : index
    %swap3A_70 = tpu.vector_load %arg10[%swap3A_69] {strides = array<i32>} : memref<80xi32, #tpu.memory_space<vmem>>, vector<16xi32>,
    %swap3A_71 = vector.shape_cast %swap3A_70 : vector<16xi32> to vector<16xi32>
    %swap3A_72 = vector.shape_cast %select_n3A_68 : vector<16xi32> to vector<16xi32>
    tpu.vector_store %arg10[%swap3A_69], %swap3A_72 {strides = array<i32>} : memref<80xi32, #tpu.memory_space<vmem>>, vector<16xi32>,
    %get3A_73 = arith.constant 64 : index
    %get3A_74 = tpu.vector_load %arg8[%get3A_73] {strides = array<i32>} : memref<80xi32, #tpu.memory_space<vmem>>, vector<16xi32>,
    %get3A_75 = vector.shape_cast %get3A_74 : vector<16xi32> to vector<16xi32>
    %sub3A_76 = vector.broadcast %mul3A_0 : i32 to vector<16xi32>
    %sub3A_77 = arith.subi %get3A_75, %sub3A_76 : vector<16xi32>
    %ge3A_78 = arith.constant 0 : i32
    %ge3A_79 = vector.broadcast %ge3A_78 : i32 to vector<16xi32>
    %ge3A_80 = arith.cmpi sge, %sub3A_77, %ge3A_79 : vector<16xi32>
    %lt3A_81 = arith.constant 5120 : i32
    %lt3A_82 = vector.broadcast %lt3A_81 : i32 to vector<16xi32>
    %lt3A_83 = arith.cmpi slt, %sub3A_77, %lt3A_82 : vector<16xi32>
    %and3A_84 = arith.andi %ge3A_80, %lt3A_83 : vector<16xi1>
    %jit3A_85 = arith.constant 5120 : i32
    %broadcast_in_dim3A_86 = vector.broadcast %jit3A_85 : i32 to vector<16xi32>
    %select_n3A_87 = arith.select %and3A_84, %sub3A_77, %broadcast_in_dim3A_86 : vector<16xi1>, vector<16xi32>
    %swap3A_88 = arith.constant 64 : index
    %swap3A_89 = tpu.vector_load %arg10[%swap3A_88] {strides = array<i32>} : memref<80xi32, #tpu.memory_space<vmem>>, vector<16xi32>,
    %swap3A_90 = vector.shape_cast %swap3A_89 : vector<16xi32> to vector<16xi32>
    %swap3A_91 = vector.shape_cast %select_n3A_87 : vector<16xi32> to vector<16xi32>
    tpu.vector_store %arg10[%swap3A_88], %swap3A_91 {strides = array<i32>} : memref<80xi32, #tpu.memory_space<vmem>>, vector<16xi32>,
    %dma_start3A = arith.constant 0 : i32
    %dma_start3A_92 = arith.constant 0 : i32
    %dma_start3A_93 = arith.constant 0 : i32
    %dma_start3A_94 = tpu.memref_slice %arg2[%dma_start3A, %dma_start3A_92, %dma_start3A_93] : memref<10240x2x128xf32, #tpu.memory_space<hbm>> -> memref<10240x2x128xf32, #tpu.memory_space<hbm>>
    tpu.enqueue_indirect_dma source(%dma_start3A_94 : memref<10240x2x128xf32, #tpu.memory_space<hbm>>) target(%arg12 : memref<80x2x128xf32, #tpu.memory_space<vmem>>) offsets(%arg6 : memref<80xi32, #tpu.memory_space<vmem>>) semaphore(%arg15 : memref<!tpu.dma_semaphore, #tpu.memory_space<semaphore_mem>>)
    %scan3A = arith.constant 0 : i32
    %scan3A_95 = arith.constant 0 : i32
    %scan3A_96 = arith.constant 125 : i32
    %scan3A_97 = arith.addi %scan3A_95, %scan3A_96 : i32
    %scan3A_98 = arith.constant 1 : i32
    scf.for %scan3A_109 = %scan3A_95 to %scan3A_97 step %scan3A_98  : i32 {
      %mul3A_110 = arith.constant 2 : i32
      %mul3A_111 = arith.muli %mul3A_110, %scan3A_109 : i32
      %add3A_112 = arith.constant 1 : i32
      %add3A_113 = arith.addi %mul3A_111, %add3A_112 : i32
      %min3A = arith.constant 249 : i32
      %min3A_114 = arith.minsi %add3A_113, %min3A : i32
      "tpu.region"() ({
        %run_scoped3A_325 = tpu.sem_alloc : memref<!tpu.dma_semaphore, #tpu.memory_space<semaphore_mem>>
        %dma_start3A_326 = arith.constant 0 : i32
        %dma_start3A_327 = tpu.memref_slice %arg3[%arg1, %min3A_114, %dma_start3A_326] : memref<16x250x80xi32, #tpu.memory_space<hbm>> -> memref<1x1x80xi32, #tpu.memory_space<hbm>>
        %dma_start3A_328 = tpu.memref_squeeze %dma_start3A_327 : memref<1x1x80xi32, #tpu.memory_space<hbm>> -> memref<80xi32, #tpu.memory_space<hbm>>
        %dma_start3A_329 = arith.constant 0 : i32
        %dma_start3A_330 = tpu.memref_slice %arg3[%arg1, %min3A_114, %dma_start3A_329] : memref<16x250x80xi32, #tpu.memory_space<hbm>> -> memref<1x1x80xi32, #tpu.memory_space<hbm>>
        %dma_start3A_331 = tpu.memref_squeeze %dma_start3A_330 : memref<1x1x80xi32, #tpu.memory_space<hbm>> -> memref<80xi32, #tpu.memory_space<hbm>>
        tpu.enqueue_dma source(%dma_start3A_331 : memref<80xi32, #tpu.memory_space<hbm>>) target(%arg7 : memref<80xi32, #tpu.memory_space<vmem>>) target_semaphore(%run_scoped3A_325 : memref<!tpu.dma_semaphore, #tpu.memory_space<semaphore_mem>>)
        %dma_wait3A_332 = arith.constant 0 : i32
        %dma_wait3A_333 = tpu.memref_slice %arg3[%arg1, %min3A_114, %dma_wait3A_332] : memref<16x250x80xi32, #tpu.memory_space<hbm>> -> memref<1x1x80xi32, #tpu.memory_space<hbm>>
        %dma_wait3A_334 = tpu.memref_squeeze %dma_wait3A_333 : memref<1x1x80xi32, #tpu.memory_space<hbm>> -> memref<80xi32, #tpu.memory_space<hbm>>
        %dma_wait3A_335 = arith.constant 0 : i32
        %dma_wait3A_336 = tpu.memref_slice %arg3[%arg1, %min3A_114, %dma_wait3A_335] : memref<16x250x80xi32, #tpu.memory_space<hbm>> -> memref<1x1x80xi32, #tpu.memory_space<hbm>>
        %dma_wait3A_337 = tpu.memref_squeeze %dma_wait3A_336 : memref<1x1x80xi32, #tpu.memory_space<hbm>> -> memref<80xi32, #tpu.memory_space<hbm>>
        tpu.wait_dma2 semaphore(%run_scoped3A_325 : memref<!tpu.dma_semaphore, #tpu.memory_space<semaphore_mem>>) src(%dma_wait3A_337 : memref<80xi32, #tpu.memory_space<hbm>>) dst(%arg7 : memref<80xi32, #tpu.memory_space<vmem>>)
        tpu.yield
      }) : () -> ()
      "tpu.region"() ({
        %run_scoped3A_325 = tpu.sem_alloc : memref<!tpu.dma_semaphore, #tpu.memory_space<semaphore_mem>>
        %dma_start3A_326 = arith.constant 0 : i32
        %dma_start3A_327 = tpu.memref_slice %arg4[%arg1, %min3A_114, %dma_start3A_326] : memref<16x250x80xi32, #tpu.memory_space<hbm>> -> memref<1x1x80xi32, #tpu.memory_space<hbm>>
        %dma_start3A_328 = tpu.memref_squeeze %dma_start3A_327 : memref<1x1x80xi32, #tpu.memory_space<hbm>> -> memref<80xi32, #tpu.memory_space<hbm>>
        %dma_start3A_329 = arith.constant 0 : i32
        %dma_start3A_330 = tpu.memref_slice %arg4[%arg1, %min3A_114, %dma_start3A_329] : memref<16x250x80xi32, #tpu.memory_space<hbm>> -> memref<1x1x80xi32, #tpu.memory_space<hbm>>
        %dma_start3A_331 = tpu.memref_squeeze %dma_start3A_330 : memref<1x1x80xi32, #tpu.memory_space<hbm>> -> memref<80xi32, #tpu.memory_space<hbm>>
        tpu.enqueue_dma source(%dma_start3A_331 : memref<80xi32, #tpu.memory_space<hbm>>) target(%arg9 : memref<80xi32, #tpu.memory_space<vmem>>) target_semaphore(%run_scoped3A_325 : memref<!tpu.dma_semaphore, #tpu.memory_space<semaphore_mem>>)
        %dma_wait3A_332 = arith.constant 0 : i32
        %dma_wait3A_333 = tpu.memref_slice %arg4[%arg1, %min3A_114, %dma_wait3A_332] : memref<16x250x80xi32, #tpu.memory_space<hbm>> -> memref<1x1x80xi32, #tpu.memory_space<hbm>>
        %dma_wait3A_334 = tpu.memref_squeeze %dma_wait3A_333 : memref<1x1x80xi32, #tpu.memory_space<hbm>> -> memref<80xi32, #tpu.memory_space<hbm>>
        %dma_wait3A_335 = arith.constant 0 : i32
        %dma_wait3A_336 = tpu.memref_slice %arg4[%arg1, %min3A_114, %dma_wait3A_335] : memref<16x250x80xi32, #tpu.memory_space<hbm>> -> memref<1x1x80xi32, #tpu.memory_space<hbm>>
        %dma_wait3A_337 = tpu.memref_squeeze %dma_wait3A_336 : memref<1x1x80xi32, #tpu.memory_space<hbm>> -> memref<80xi32, #tpu.memory_space<hbm>>
        tpu.wait_dma2 semaphore(%run_scoped3A_325 : memref<!tpu.dma_semaphore, #tpu.memory_space<semaphore_mem>>) src(%dma_wait3A_337 : memref<80xi32, #tpu.memory_space<hbm>>) dst(%arg9 : memref<80xi32, #tpu.memory_space<vmem>>)
        tpu.yield
      }) : () -> ()
      %get3A_115 = arith.constant 0 : index
      %get3A_116 = tpu.vector_load %arg9[%get3A_115] {strides = array<i32>} : memref<80xi32, #tpu.memory_space<vmem>>, vector<16xi32>,
      %get3A_117 = vector.shape_cast %get3A_116 : vector<16xi32> to vector<16xi32>
      %sub3A_118 = vector.broadcast %mul3A_0 : i32 to vector<16xi32>
      %sub3A_119 = arith.subi %get3A_117, %sub3A_118 : vector<16xi32>
      %ge3A_120 = arith.constant 0 : i32
      %ge3A_121 = vector.broadcast %ge3A_120 : i32 to vector<16xi32>
      %ge3A_122 = arith.cmpi sge, %sub3A_119, %ge3A_121 : vector<16xi32>
      %lt3A_123 = arith.constant 5120 : i32
      %lt3A_124 = vector.broadcast %lt3A_123 : i32 to vector<16xi32>
      %lt3A_125 = arith.cmpi slt, %sub3A_119, %lt3A_124 : vector<16xi32>
      %and3A_126 = arith.andi %ge3A_122, %lt3A_125 : vector<16xi1>
      %jit3A_127 = arith.constant 5120 : i32
      %broadcast_in_dim3A_128 = vector.broadcast %jit3A_127 : i32 to vector<16xi32>
      %select_n3A_129 = arith.select %and3A_126, %sub3A_119, %broadcast_in_dim3A_128 : vector<16xi1>, vector<16xi32>
      %swap3A_130 = arith.constant 0 : index
      %swap3A_131 = tpu.vector_load %arg11[%swap3A_130] {strides = array<i32>} : memref<80xi32, #tpu.memory_space<vmem>>, vector<16xi32>,
      %swap3A_132 = vector.shape_cast %swap3A_131 : vector<16xi32> to vector<16xi32>
      %swap3A_133 = vector.shape_cast %select_n3A_129 : vector<16xi32> to vector<16xi32>
      tpu.vector_store %arg11[%swap3A_130], %swap3A_133 {strides = array<i32>} : memref<80xi32, #tpu.memory_space<vmem>>, vector<16xi32>,
      %get3A_134 = arith.constant 16 : index
      %get3A_135 = tpu.vector_load %arg9[%get3A_134] {strides = array<i32>} : memref<80xi32, #tpu.memory_space<vmem>>, vector<16xi32>,
      %get3A_136 = vector.shape_cast %get3A_135 : vector<16xi32> to vector<16xi32>
      %sub3A_137 = vector.broadcast %mul3A_0 : i32 to vector<16xi32>
      %sub3A_138 = arith.subi %get3A_136, %sub3A_137 : vector<16xi32>
      %ge3A_139 = arith.constant 0 : i32
      %ge3A_140 = vector.broadcast %ge3A_139 : i32 to vector<16xi32>
      %ge3A_141 = arith.cmpi sge, %sub3A_138, %ge3A_140 : vector<16xi32>
      %lt3A_142 = arith.constant 5120 : i32
      %lt3A_143 = vector.broadcast %lt3A_142 : i32 to vector<16xi32>
      %lt3A_144 = arith.cmpi slt, %sub3A_138, %lt3A_143 : vector<16xi32>
      %and3A_145 = arith.andi %ge3A_141, %lt3A_144 : vector<16xi1>
      %jit3A_146 = arith.constant 5120 : i32
      %broadcast_in_dim3A_147 = vector.broadcast %jit3A_146 : i32 to vector<16xi32>
      %select_n3A_148 = arith.select %and3A_145, %sub3A_138, %broadcast_in_dim3A_147 : vector<16xi1>, vector<16xi32>
      %swap3A_149 = arith.constant 16 : index
      %swap3A_150 = tpu.vector_load %arg11[%swap3A_149] {strides = array<i32>} : memref<80xi32, #tpu.memory_space<vmem>>, vector<16xi32>,
      %swap3A_151 = vector.shape_cast %swap3A_150 : vector<16xi32> to vector<16xi32>
      %swap3A_152 = vector.shape_cast %select_n3A_148 : vector<16xi32> to vector<16xi32>
      tpu.vector_store %arg11[%swap3A_149], %swap3A_152 {strides = array<i32>} : memref<80xi32, #tpu.memory_space<vmem>>, vector<16xi32>,
      %get3A_153 = arith.constant 32 : index
      %get3A_154 = tpu.vector_load %arg9[%get3A_153] {strides = array<i32>} : memref<80xi32, #tpu.memory_space<vmem>>, vector<16xi32>,
      %get3A_155 = vector.shape_cast %get3A_154 : vector<16xi32> to vector<16xi32>
      %sub3A_156 = vector.broadcast %mul3A_0 : i32 to vector<16xi32>
      %sub3A_157 = arith.subi %get3A_155, %sub3A_156 : vector<16xi32>
      %ge3A_158 = arith.constant 0 : i32
      %ge3A_159 = vector.broadcast %ge3A_158 : i32 to vector<16xi32>
      %ge3A_160 = arith.cmpi sge, %sub3A_157, %ge3A_159 : vector<16xi32>
      %lt3A_161 = arith.constant 5120 : i32
      %lt3A_162 = vector.broadcast %lt3A_161 : i32 to vector<16xi32>
      %lt3A_163 = arith.cmpi slt, %sub3A_157, %lt3A_162 : vector<16xi32>
      %and3A_164 = arith.andi %ge3A_160, %lt3A_163 : vector<16xi1>
      %jit3A_165 = arith.constant 5120 : i32
      %broadcast_in_dim3A_166 = vector.broadcast %jit3A_165 : i32 to vector<16xi32>
      %select_n3A_167 = arith.select %and3A_164, %sub3A_157, %broadcast_in_dim3A_166 : vector<16xi1>, vector<16xi32>
      %swap3A_168 = arith.constant 32 : index
      %swap3A_169 = tpu.vector_load %arg11[%swap3A_168] {strides = array<i32>} : memref<80xi32, #tpu.memory_space<vmem>>, vector<16xi32>,
      %swap3A_170 = vector.shape_cast %swap3A_169 : vector<16xi32> to vector<16xi32>
      %swap3A_171 = vector.shape_cast %select_n3A_167 : vector<16xi32> to vector<16xi32>
      tpu.vector_store %arg11[%swap3A_168], %swap3A_171 {strides = array<i32>} : memref<80xi32, #tpu.memory_space<vmem>>, vector<16xi32>,
      %get3A_172 = arith.constant 48 : index
      %get3A_173 = tpu.vector_load %arg9[%get3A_172] {strides = array<i32>} : memref<80xi32, #tpu.memory_space<vmem>>, vector<16xi32>,
      %get3A_174 = vector.shape_cast %get3A_173 : vector<16xi32> to vector<16xi32>
      %sub3A_175 = vector.broadcast %mul3A_0 : i32 to vector<16xi32>
      %sub3A_176 = arith.subi %get3A_174, %sub3A_175 : vector<16xi32>
      %ge3A_177 = arith.constant 0 : i32
      %ge3A_178 = vector.broadcast %ge3A_177 : i32 to vector<16xi32>
      %ge3A_179 = arith.cmpi sge, %sub3A_176, %ge3A_178 : vector<16xi32>
      %lt3A_180 = arith.constant 5120 : i32
      %lt3A_181 = vector.broadcast %lt3A_180 : i32 to vector<16xi32>
      %lt3A_182 = arith.cmpi slt, %sub3A_176, %lt3A_181 : vector<16xi32>
      %and3A_183 = arith.andi %ge3A_179, %lt3A_182 : vector<16xi1>
      %jit3A_184 = arith.constant 5120 : i32
      %broadcast_in_dim3A_185 = vector.broadcast %jit3A_184 : i32 to vector<16xi32>
      %select_n3A_186 = arith.select %and3A_183, %sub3A_176, %broadcast_in_dim3A_185 : vector<16xi1>, vector<16xi32>
      %swap3A_187 = arith.constant 48 : index
      %swap3A_188 = tpu.vector_load %arg11[%swap3A_187] {strides = array<i32>} : memref<80xi32, #tpu.memory_space<vmem>>, vector<16xi32>,
      %swap3A_189 = vector.shape_cast %swap3A_188 : vector<16xi32> to vector<16xi32>
      %swap3A_190 = vector.shape_cast %select_n3A_186 : vector<16xi32> to vector<16xi32>
      tpu.vector_store %arg11[%swap3A_187], %swap3A_190 {strides = array<i32>} : memref<80xi32, #tpu.memory_space<vmem>>, vector<16xi32>,
      %get3A_191 = arith.constant 64 : index
      %get3A_192 = tpu.vector_load %arg9[%get3A_191] {strides = array<i32>} : memref<80xi32, #tpu.memory_space<vmem>>, vector<16xi32>,
      %get3A_193 = vector.shape_cast %get3A_192 : vector<16xi32> to vector<16xi32>
      %sub3A_194 = vector.broadcast %mul3A_0 : i32 to vector<16xi32>
      %sub3A_195 = arith.subi %get3A_193, %sub3A_194 : vector<16xi32>
      %ge3A_196 = arith.constant 0 : i32
      %ge3A_197 = vector.broadcast %ge3A_196 : i32 to vector<16xi32>
      %ge3A_198 = arith.cmpi sge, %sub3A_195, %ge3A_197 : vector<16xi32>
      %lt3A_199 = arith.constant 5120 : i32
      %lt3A_200 = vector.broadcast %lt3A_199 : i32 to vector<16xi32>
      %lt3A_201 = arith.cmpi slt, %sub3A_195, %lt3A_200 : vector<16xi32>
      %and3A_202 = arith.andi %ge3A_198, %lt3A_201 : vector<16xi1>
      %jit3A_203 = arith.constant 5120 : i32
      %broadcast_in_dim3A_204 = vector.broadcast %jit3A_203 : i32 to vector<16xi32>
      %select_n3A_205 = arith.select %and3A_202, %sub3A_195, %broadcast_in_dim3A_204 : vector<16xi1>, vector<16xi32>
      %swap3A_206 = arith.constant 64 : index
      %swap3A_207 = tpu.vector_load %arg11[%swap3A_206] {strides = array<i32>} : memref<80xi32, #tpu.memory_space<vmem>>, vector<16xi32>,
      %swap3A_208 = vector.shape_cast %swap3A_207 : vector<16xi32> to vector<16xi32>
      %swap3A_209 = vector.shape_cast %select_n3A_205 : vector<16xi32> to vector<16xi32>
      tpu.vector_store %arg11[%swap3A_206], %swap3A_209 {strides = array<i32>} : memref<80xi32, #tpu.memory_space<vmem>>, vector<16xi32>,
      %dma_start3A_210 = arith.constant 0 : i32
      %dma_start3A_211 = arith.constant 0 : i32
      %dma_start3A_212 = arith.constant 0 : i32
      %dma_start3A_213 = tpu.memref_slice %arg2[%dma_start3A_210, %dma_start3A_211, %dma_start3A_212] : memref<10240x2x128xf32, #tpu.memory_space<hbm>> -> memref<10240x2x128xf32, #tpu.memory_space<hbm>>
      tpu.enqueue_indirect_dma source(%dma_start3A_213 : memref<10240x2x128xf32, #tpu.memory_space<hbm>>) target(%arg13 : memref<80x2x128xf32, #tpu.memory_space<vmem>>) offsets(%arg7 : memref<80xi32, #tpu.memory_space<vmem>>) semaphore(%arg16 : memref<!tpu.dma_semaphore, #tpu.memory_space<semaphore_mem>>)
      %dma_wait3A_214 = arith.constant 0 : i32
      %dma_wait3A_215 = arith.constant 0 : i32
      %dma_wait3A_216 = arith.constant 0 : i32
      %dma_wait3A_217 = tpu.memref_slice %arg2[%dma_wait3A_214, %dma_wait3A_215, %dma_wait3A_216] : memref<10240x2x128xf32, #tpu.memory_space<hbm>> -> memref<10240x2x128xf32, #tpu.memory_space<hbm>>
      tpu.wait_indirect_dma semaphore(%arg15 : memref<!tpu.dma_semaphore, #tpu.memory_space<semaphore_mem>>) src(%dma_wait3A_217 : memref<10240x2x128xf32, #tpu.memory_space<hbm>>) dst(%arg12 : memref<80x2x128xf32, #tpu.memory_space<vmem>>)
      "tpu.region"() ({
        %run_scoped3A_325 = tpu.sem_alloc : memref<!tpu.dma_semaphore, #tpu.memory_space<semaphore_mem>>
        %dma_start3A_326 = arith.constant 0 : i32
        %dma_start3A_327 = arith.constant 0 : i32
        %dma_start3A_328 = arith.constant 0 : i32
        %dma_start3A_329 = tpu.memref_slice %arg14[%dma_start3A_326, %dma_start3A_327, %dma_start3A_328] : memref<5128x2x128xf32, #tpu.memory_space<vmem_shared>> -> memref<5128x2x128xf32, #tpu.memory_space<vmem_shared>>
        tpu.enqueue_indirect_dma source(%arg12 : memref<80x2x128xf32, #tpu.memory_space<vmem>>) target(%dma_start3A_329 : memref<5128x2x128xf32, #tpu.memory_space<vmem_shared>>) offsets(%arg10 : memref<80xi32, #tpu.memory_space<vmem>>) semaphore(%run_scoped3A_325 : memref<!tpu.dma_semaphore, #tpu.memory_space<semaphore_mem>>) {add = true}
        %dma_wait3A_330 = arith.constant 0 : i32
        %dma_wait3A_331 = arith.constant 0 : i32
        %dma_wait3A_332 = arith.constant 0 : i32
        %dma_wait3A_333 = tpu.memref_slice %arg14[%dma_wait3A_330, %dma_wait3A_331, %dma_wait3A_332] : memref<5128x2x128xf32, #tpu.memory_space<vmem_shared>> -> memref<5128x2x128xf32, #tpu.memory_space<vmem_shared>>
        tpu.wait_indirect_dma semaphore(%run_scoped3A_325 : memref<!tpu.dma_semaphore, #tpu.memory_space<semaphore_mem>>) src(%arg12 : memref<80x2x128xf32, #tpu.memory_space<vmem>>) dst(%dma_wait3A_333 : memref<5128x2x128xf32, #tpu.memory_space<vmem_shared>>)
        tpu.yield
      }) : () -> ()
      %add3A_218 = arith.constant 2 : i32
      %add3A_219 = arith.addi %mul3A_111, %add3A_218 : i32
      %min3A_220 = arith.constant 249 : i32
      %min3A_221 = arith.minsi %add3A_219, %min3A_220 : i32
      "tpu.region"() ({
        %run_scoped3A_325 = tpu.sem_alloc : memref<!tpu.dma_semaphore, #tpu.memory_space<semaphore_mem>>
        %dma_start3A_326 = arith.constant 0 : i32
        %dma_start3A_327 = tpu.memref_slice %arg3[%arg1, %min3A_221, %dma_start3A_326] : memref<16x250x80xi32, #tpu.memory_space<hbm>> -> memref<1x1x80xi32, #tpu.memory_space<hbm>>
        %dma_start3A_328 = tpu.memref_squeeze %dma_start3A_327 : memref<1x1x80xi32, #tpu.memory_space<hbm>> -> memref<80xi32, #tpu.memory_space<hbm>>
        %dma_start3A_329 = arith.constant 0 : i32
        %dma_start3A_330 = tpu.memref_slice %arg3[%arg1, %min3A_221, %dma_start3A_329] : memref<16x250x80xi32, #tpu.memory_space<hbm>> -> memref<1x1x80xi32, #tpu.memory_space<hbm>>
        %dma_start3A_331 = tpu.memref_squeeze %dma_start3A_330 : memref<1x1x80xi32, #tpu.memory_space<hbm>> -> memref<80xi32, #tpu.memory_space<hbm>>
        tpu.enqueue_dma source(%dma_start3A_331 : memref<80xi32, #tpu.memory_space<hbm>>) target(%arg6 : memref<80xi32, #tpu.memory_space<vmem>>) target_semaphore(%run_scoped3A_325 : memref<!tpu.dma_semaphore, #tpu.memory_space<semaphore_mem>>)
        %dma_wait3A_332 = arith.constant 0 : i32
        %dma_wait3A_333 = tpu.memref_slice %arg3[%arg1, %min3A_221, %dma_wait3A_332] : memref<16x250x80xi32, #tpu.memory_space<hbm>> -> memref<1x1x80xi32, #tpu.memory_space<hbm>>
        %dma_wait3A_334 = tpu.memref_squeeze %dma_wait3A_333 : memref<1x1x80xi32, #tpu.memory_space<hbm>> -> memref<80xi32, #tpu.memory_space<hbm>>
        %dma_wait3A_335 = arith.constant 0 : i32
        %dma_wait3A_336 = tpu.memref_slice %arg3[%arg1, %min3A_221, %dma_wait3A_335] : memref<16x250x80xi32, #tpu.memory_space<hbm>> -> memref<1x1x80xi32, #tpu.memory_space<hbm>>
        %dma_wait3A_337 = tpu.memref_squeeze %dma_wait3A_336 : memref<1x1x80xi32, #tpu.memory_space<hbm>> -> memref<80xi32, #tpu.memory_space<hbm>>
        tpu.wait_dma2 semaphore(%run_scoped3A_325 : memref<!tpu.dma_semaphore, #tpu.memory_space<semaphore_mem>>) src(%dma_wait3A_337 : memref<80xi32, #tpu.memory_space<hbm>>) dst(%arg6 : memref<80xi32, #tpu.memory_space<vmem>>)
        tpu.yield
      }) : () -> ()
      "tpu.region"() ({
        %run_scoped3A_325 = tpu.sem_alloc : memref<!tpu.dma_semaphore, #tpu.memory_space<semaphore_mem>>
        %dma_start3A_326 = arith.constant 0 : i32
        %dma_start3A_327 = tpu.memref_slice %arg4[%arg1, %min3A_221, %dma_start3A_326] : memref<16x250x80xi32, #tpu.memory_space<hbm>> -> memref<1x1x80xi32, #tpu.memory_space<hbm>>
        %dma_start3A_328 = tpu.memref_squeeze %dma_start3A_327 : memref<1x1x80xi32, #tpu.memory_space<hbm>> -> memref<80xi32, #tpu.memory_space<hbm>>
        %dma_start3A_329 = arith.constant 0 : i32
        %dma_start3A_330 = tpu.memref_slice %arg4[%arg1, %min3A_221, %dma_start3A_329] : memref<16x250x80xi32, #tpu.memory_space<hbm>> -> memref<1x1x80xi32, #tpu.memory_space<hbm>>
        %dma_start3A_331 = tpu.memref_squeeze %dma_start3A_330 : memref<1x1x80xi32, #tpu.memory_space<hbm>> -> memref<80xi32, #tpu.memory_space<hbm>>
        tpu.enqueue_dma source(%dma_start3A_331 : memref<80xi32, #tpu.memory_space<hbm>>) target(%arg8 : memref<80xi32, #tpu.memory_space<vmem>>) target_semaphore(%run_scoped3A_325 : memref<!tpu.dma_semaphore, #tpu.memory_space<semaphore_mem>>)
        %dma_wait3A_332 = arith.constant 0 : i32
        %dma_wait3A_333 = tpu.memref_slice %arg4[%arg1, %min3A_221, %dma_wait3A_332] : memref<16x250x80xi32, #tpu.memory_space<hbm>> -> memref<1x1x80xi32, #tpu.memory_space<hbm>>
        %dma_wait3A_334 = tpu.memref_squeeze %dma_wait3A_333 : memref<1x1x80xi32, #tpu.memory_space<hbm>> -> memref<80xi32, #tpu.memory_space<hbm>>
        %dma_wait3A_335 = arith.constant 0 : i32
        %dma_wait3A_336 = tpu.memref_slice %arg4[%arg1, %min3A_221, %dma_wait3A_335] : memref<16x250x80xi32, #tpu.memory_space<hbm>> -> memref<1x1x80xi32, #tpu.memory_space<hbm>>
        %dma_wait3A_337 = tpu.memref_squeeze %dma_wait3A_336 : memref<1x1x80xi32, #tpu.memory_space<hbm>> -> memref<80xi32, #tpu.memory_space<hbm>>
        tpu.wait_dma2 semaphore(%run_scoped3A_325 : memref<!tpu.dma_semaphore, #tpu.memory_space<semaphore_mem>>) src(%dma_wait3A_337 : memref<80xi32, #tpu.memory_space<hbm>>) dst(%arg8 : memref<80xi32, #tpu.memory_space<vmem>>)
        tpu.yield
      }) : () -> ()
      %get3A_222 = arith.constant 0 : index
      %get3A_223 = tpu.vector_load %arg8[%get3A_222] {strides = array<i32>} : memref<80xi32, #tpu.memory_space<vmem>>, vector<16xi32>,
      %get3A_224 = vector.shape_cast %get3A_223 : vector<16xi32> to vector<16xi32>
      %sub3A_225 = vector.broadcast %mul3A_0 : i32 to vector<16xi32>
      %sub3A_226 = arith.subi %get3A_224, %sub3A_225 : vector<16xi32>
      %ge3A_227 = arith.constant 0 : i32
      %ge3A_228 = vector.broadcast %ge3A_227 : i32 to vector<16xi32>
      %ge3A_229 = arith.cmpi sge, %sub3A_226, %ge3A_228 : vector<16xi32>
      %lt3A_230 = arith.constant 5120 : i32
      %lt3A_231 = vector.broadcast %lt3A_230 : i32 to vector<16xi32>
      %lt3A_232 = arith.cmpi slt, %sub3A_226, %lt3A_231 : vector<16xi32>
      %and3A_233 = arith.andi %ge3A_229, %lt3A_232 : vector<16xi1>
      %jit3A_234 = arith.constant 5120 : i32
      %broadcast_in_dim3A_235 = vector.broadcast %jit3A_234 : i32 to vector<16xi32>
      %select_n3A_236 = arith.select %and3A_233, %sub3A_226, %broadcast_in_dim3A_235 : vector<16xi1>, vector<16xi32>
      %swap3A_237 = arith.constant 0 : index
      %swap3A_238 = tpu.vector_load %arg10[%swap3A_237] {strides = array<i32>} : memref<80xi32, #tpu.memory_space<vmem>>, vector<16xi32>,
      %swap3A_239 = vector.shape_cast %swap3A_238 : vector<16xi32> to vector<16xi32>
      %swap3A_240 = vector.shape_cast %select_n3A_236 : vector<16xi32> to vector<16xi32>
      tpu.vector_store %arg10[%swap3A_237], %swap3A_240 {strides = array<i32>} : memref<80xi32, #tpu.memory_space<vmem>>, vector<16xi32>,
      %get3A_241 = arith.constant 16 : index
      %get3A_242 = tpu.vector_load %arg8[%get3A_241] {strides = array<i32>} : memref<80xi32, #tpu.memory_space<vmem>>, vector<16xi32>,
      %get3A_243 = vector.shape_cast %get3A_242 : vector<16xi32> to vector<16xi32>
      %sub3A_244 = vector.broadcast %mul3A_0 : i32 to vector<16xi32>
      %sub3A_245 = arith.subi %get3A_243, %sub3A_244 : vector<16xi32>
      %ge3A_246 = arith.constant 0 : i32
      %ge3A_247 = vector.broadcast %ge3A_246 : i32 to vector<16xi32>
      %ge3A_248 = arith.cmpi sge, %sub3A_245, %ge3A_247 : vector<16xi32>
      %lt3A_249 = arith.constant 5120 : i32
      %lt3A_250 = vector.broadcast %lt3A_249 : i32 to vector<16xi32>
      %lt3A_251 = arith.cmpi slt, %sub3A_245, %lt3A_250 : vector<16xi32>
      %and3A_252 = arith.andi %ge3A_248, %lt3A_251 : vector<16xi1>
      %jit3A_253 = arith.constant 5120 : i32
      %broadcast_in_dim3A_254 = vector.broadcast %jit3A_253 : i32 to vector<16xi32>
      %select_n3A_255 = arith.select %and3A_252, %sub3A_245, %broadcast_in_dim3A_254 : vector<16xi1>, vector<16xi32>
      %swap3A_256 = arith.constant 16 : index
      %swap3A_257 = tpu.vector_load %arg10[%swap3A_256] {strides = array<i32>} : memref<80xi32, #tpu.memory_space<vmem>>, vector<16xi32>,
      %swap3A_258 = vector.shape_cast %swap3A_257 : vector<16xi32> to vector<16xi32>
      %swap3A_259 = vector.shape_cast %select_n3A_255 : vector<16xi32> to vector<16xi32>
      tpu.vector_store %arg10[%swap3A_256], %swap3A_259 {strides = array<i32>} : memref<80xi32, #tpu.memory_space<vmem>>, vector<16xi32>,
      %get3A_260 = arith.constant 32 : index
      %get3A_261 = tpu.vector_load %arg8[%get3A_260] {strides = array<i32>} : memref<80xi32, #tpu.memory_space<vmem>>, vector<16xi32>,
      %get3A_262 = vector.shape_cast %get3A_261 : vector<16xi32> to vector<16xi32>
      %sub3A_263 = vector.broadcast %mul3A_0 : i32 to vector<16xi32>
      %sub3A_264 = arith.subi %get3A_262, %sub3A_263 : vector<16xi32>
      %ge3A_265 = arith.constant 0 : i32
      %ge3A_266 = vector.broadcast %ge3A_265 : i32 to vector<16xi32>
      %ge3A_267 = arith.cmpi sge, %sub3A_264, %ge3A_266 : vector<16xi32>
      %lt3A_268 = arith.constant 5120 : i32
      %lt3A_269 = vector.broadcast %lt3A_268 : i32 to vector<16xi32>
      %lt3A_270 = arith.cmpi slt, %sub3A_264, %lt3A_269 : vector<16xi32>
      %and3A_271 = arith.andi %ge3A_267, %lt3A_270 : vector<16xi1>
      %jit3A_272 = arith.constant 5120 : i32
      %broadcast_in_dim3A_273 = vector.broadcast %jit3A_272 : i32 to vector<16xi32>
      %select_n3A_274 = arith.select %and3A_271, %sub3A_264, %broadcast_in_dim3A_273 : vector<16xi1>, vector<16xi32>
      %swap3A_275 = arith.constant 32 : index
      %swap3A_276 = tpu.vector_load %arg10[%swap3A_275] {strides = array<i32>} : memref<80xi32, #tpu.memory_space<vmem>>, vector<16xi32>,
      %swap3A_277 = vector.shape_cast %swap3A_276 : vector<16xi32> to vector<16xi32>
      %swap3A_278 = vector.shape_cast %select_n3A_274 : vector<16xi32> to vector<16xi32>
      tpu.vector_store %arg10[%swap3A_275], %swap3A_278 {strides = array<i32>} : memref<80xi32, #tpu.memory_space<vmem>>, vector<16xi32>,
      %get3A_279 = arith.constant 48 : index
      %get3A_280 = tpu.vector_load %arg8[%get3A_279] {strides = array<i32>} : memref<80xi32, #tpu.memory_space<vmem>>, vector<16xi32>,
      %get3A_281 = vector.shape_cast %get3A_280 : vector<16xi32> to vector<16xi32>
      %sub3A_282 = vector.broadcast %mul3A_0 : i32 to vector<16xi32>
      %sub3A_283 = arith.subi %get3A_281, %sub3A_282 : vector<16xi32>
      %ge3A_284 = arith.constant 0 : i32
      %ge3A_285 = vector.broadcast %ge3A_284 : i32 to vector<16xi32>
      %ge3A_286 = arith.cmpi sge, %sub3A_283, %ge3A_285 : vector<16xi32>
      %lt3A_287 = arith.constant 5120 : i32
      %lt3A_288 = vector.broadcast %lt3A_287 : i32 to vector<16xi32>
      %lt3A_289 = arith.cmpi slt, %sub3A_283, %lt3A_288 : vector<16xi32>
      %and3A_290 = arith.andi %ge3A_286, %lt3A_289 : vector<16xi1>
      %jit3A_291 = arith.constant 5120 : i32
      %broadcast_in_dim3A_292 = vector.broadcast %jit3A_291 : i32 to vector<16xi32>
      %select_n3A_293 = arith.select %and3A_290, %sub3A_283, %broadcast_in_dim3A_292 : vector<16xi1>, vector<16xi32>
      %swap3A_294 = arith.constant 48 : index
      %swap3A_295 = tpu.vector_load %arg10[%swap3A_294] {strides = array<i32>} : memref<80xi32, #tpu.memory_space<vmem>>, vector<16xi32>,
      %swap3A_296 = vector.shape_cast %swap3A_295 : vector<16xi32> to vector<16xi32>
      %swap3A_297 = vector.shape_cast %select_n3A_293 : vector<16xi32> to vector<16xi32>
      tpu.vector_store %arg10[%swap3A_294], %swap3A_297 {strides = array<i32>} : memref<80xi32, #tpu.memory_space<vmem>>, vector<16xi32>,
      %get3A_298 = arith.constant 64 : index
      %get3A_299 = tpu.vector_load %arg8[%get3A_298] {strides = array<i32>} : memref<80xi32, #tpu.memory_space<vmem>>, vector<16xi32>,
      %get3A_300 = vector.shape_cast %get3A_299 : vector<16xi32> to vector<16xi32>
      %sub3A_301 = vector.broadcast %mul3A_0 : i32 to vector<16xi32>
      %sub3A_302 = arith.subi %get3A_300, %sub3A_301 : vector<16xi32>
      %ge3A_303 = arith.constant 0 : i32
      %ge3A_304 = vector.broadcast %ge3A_303 : i32 to vector<16xi32>
      %ge3A_305 = arith.cmpi sge, %sub3A_302, %ge3A_304 : vector<16xi32>
      %lt3A_306 = arith.constant 5120 : i32
      %lt3A_307 = vector.broadcast %lt3A_306 : i32 to vector<16xi32>
      %lt3A_308 = arith.cmpi slt, %sub3A_302, %lt3A_307 : vector<16xi32>
      %and3A_309 = arith.andi %ge3A_305, %lt3A_308 : vector<16xi1>
      %jit3A_310 = arith.constant 5120 : i32
      %broadcast_in_dim3A_311 = vector.broadcast %jit3A_310 : i32 to vector<16xi32>
      %select_n3A_312 = arith.select %and3A_309, %sub3A_302, %broadcast_in_dim3A_311 : vector<16xi1>, vector<16xi32>
      %swap3A_313 = arith.constant 64 : index
      %swap3A_314 = tpu.vector_load %arg10[%swap3A_313] {strides = array<i32>} : memref<80xi32, #tpu.memory_space<vmem>>, vector<16xi32>,
      %swap3A_315 = vector.shape_cast %swap3A_314 : vector<16xi32> to vector<16xi32>
      %swap3A_316 = vector.shape_cast %select_n3A_312 : vector<16xi32> to vector<16xi32>
      tpu.vector_store %arg10[%swap3A_313], %swap3A_316 {strides = array<i32>} : memref<80xi32, #tpu.memory_space<vmem>>, vector<16xi32>,
      %dma_start3A_317 = arith.constant 0 : i32
      %dma_start3A_318 = arith.constant 0 : i32
      %dma_start3A_319 = arith.constant 0 : i32
      %dma_start3A_320 = tpu.memref_slice %arg2[%dma_start3A_317, %dma_start3A_318, %dma_start3A_319] : memref<10240x2x128xf32, #tpu.memory_space<hbm>> -> memref<10240x2x128xf32, #tpu.memory_space<hbm>>
      tpu.enqueue_indirect_dma source(%dma_start3A_320 : memref<10240x2x128xf32, #tpu.memory_space<hbm>>) target(%arg12 : memref<80x2x128xf32, #tpu.memory_space<vmem>>) offsets(%arg6 : memref<80xi32, #tpu.memory_space<vmem>>) semaphore(%arg15 : memref<!tpu.dma_semaphore, #tpu.memory_space<semaphore_mem>>)
      %dma_wait3A_321 = arith.constant 0 : i32
      %dma_wait3A_322 = arith.constant 0 : i32
      %dma_wait3A_323 = arith.constant 0 : i32
      %dma_wait3A_324 = tpu.memref_slice %arg2[%dma_wait3A_321, %dma_wait3A_322, %dma_wait3A_323] : memref<10240x2x128xf32, #tpu.memory_space<hbm>> -> memref<10240x2x128xf32, #tpu.memory_space<hbm>>
      tpu.wait_indirect_dma semaphore(%arg16 : memref<!tpu.dma_semaphore, #tpu.memory_space<semaphore_mem>>) src(%dma_wait3A_324 : memref<10240x2x128xf32, #tpu.memory_space<hbm>>) dst(%arg13 : memref<80x2x128xf32, #tpu.memory_space<vmem>>)
      "tpu.region"() ({
        %run_scoped3A_325 = tpu.sem_alloc : memref<!tpu.dma_semaphore, #tpu.memory_space<semaphore_mem>>
        %dma_start3A_326 = arith.constant 0 : i32
        %dma_start3A_327 = arith.constant 0 : i32
        %dma_start3A_328 = arith.constant 0 : i32
        %dma_start3A_329 = tpu.memref_slice %arg14[%dma_start3A_326, %dma_start3A_327, %dma_start3A_328] : memref<5128x2x128xf32, #tpu.memory_space<vmem_shared>> -> memref<5128x2x128xf32, #tpu.memory_space<vmem_shared>>
        tpu.enqueue_indirect_dma source(%arg13 : memref<80x2x128xf32, #tpu.memory_space<vmem>>) target(%dma_start3A_329 : memref<5128x2x128xf32, #tpu.memory_space<vmem_shared>>) offsets(%arg11 : memref<80xi32, #tpu.memory_space<vmem>>) semaphore(%run_scoped3A_325 : memref<!tpu.dma_semaphore, #tpu.memory_space<semaphore_mem>>) {add = true}
        %dma_wait3A_330 = arith.constant 0 : i32
        %dma_wait3A_331 = arith.constant 0 : i32
        %dma_wait3A_332 = arith.constant 0 : i32
        %dma_wait3A_333 = tpu.memref_slice %arg14[%dma_wait3A_330, %dma_wait3A_331, %dma_wait3A_332] : memref<5128x2x128xf32, #tpu.memory_space<vmem_shared>> -> memref<5128x2x128xf32, #tpu.memory_space<vmem_shared>>
        tpu.wait_indirect_dma semaphore(%run_scoped3A_325 : memref<!tpu.dma_semaphore, #tpu.memory_space<semaphore_mem>>) src(%arg13 : memref<80x2x128xf32, #tpu.memory_space<vmem>>) dst(%dma_wait3A_333 : memref<5128x2x128xf32, #tpu.memory_space<vmem_shared>>)
        tpu.yield
      }) : () -> ()
    }
    %scan3A_99 = arith.constant 125 : i32
    %dma_wait3A = arith.constant 0 : i32
    %dma_wait3A_100 = arith.constant 0 : i32
    %dma_wait3A_101 = arith.constant 0 : i32
    %dma_wait3A_102 = tpu.memref_slice %arg2[%dma_wait3A, %dma_wait3A_100, %dma_wait3A_101] : memref<10240x2x128xf32, #tpu.memory_space<hbm>> -> memref<10240x2x128xf32, #tpu.memory_space<hbm>>
    tpu.wait_indirect_dma semaphore(%arg15 : memref<!tpu.dma_semaphore, #tpu.memory_space<semaphore_mem>>) src(%dma_wait3A_102 : memref<10240x2x128xf32, #tpu.memory_space<hbm>>) dst(%arg12 : memref<80x2x128xf32, #tpu.memory_space<vmem>>)
    %barrier3A_103 = arith.constant 0 : index
    tpu.barrier barrier_id(%barrier3A_103)
    %mul3A_104 = arith.constant 320 : i32
    %mul3A_105 = arith.muli %arg1, %mul3A_104 : i32
    %mul3A_106 = arith.constant 320 : i32
    %mul3A_107 = arith.muli %arg1, %mul3A_106 : i32
    %add3A_108 = arith.addi %mul3A_0, %mul3A_107 : i32
    "tpu.region"() ({
      %run_scoped3A_109 = tpu.sem_alloc : memref<!tpu.dma_semaphore, #tpu.memory_space<semaphore_mem>>
      %dma_start3A_110 = arith.constant 0 : i32
      %dma_start3A_111 = arith.constant 0 : i32
      %dma_start3A_112 = tpu.memref_slice %arg5[%add3A_108, %dma_start3A_110, %dma_start3A_111] : memref<10240x2x128xf32, #tpu.memory_space<hbm>> -> memref<320x2x128xf32, #tpu.memory_space<hbm>>
      %dma_start3A_113 = arith.constant 0 : i32
      %dma_start3A_114 = arith.constant 0 : i32
      %dma_start3A_115 = tpu.memref_slice %arg14[%mul3A_105, %dma_start3A_113, %dma_start3A_114] : memref<5128x2x128xf32, #tpu.memory_space<vmem_shared>> -> memref<320x2x128xf32, #tpu.memory_space<vmem_shared>>
      tpu.enqueue_dma source(%dma_start3A_115 : memref<320x2x128xf32, #tpu.memory_space<vmem_shared>>) target(%dma_start3A_112 : memref<320x2x128xf32, #tpu.memory_space<hbm>>) target_semaphore(%run_scoped3A_109 : memref<!tpu.dma_semaphore, #tpu.memory_space<semaphore_mem>>)
      %dma_wait3A_116 = arith.constant 0 : i32
      %dma_wait3A_117 = arith.constant 0 : i32
      %dma_wait3A_118 = tpu.memref_slice %arg5[%add3A_108, %dma_wait3A_116, %dma_wait3A_117] : memref<10240x2x128xf32, #tpu.memory_space<hbm>> -> memref<320x2x128xf32, #tpu.memory_space<hbm>>
      %dma_wait3A_119 = arith.constant 0 : i32
      %dma_wait3A_120 = arith.constant 0 : i32
      %dma_wait3A_121 = tpu.memref_slice %arg14[%mul3A_105, %dma_wait3A_119, %dma_wait3A_120] : memref<5128x2x128xf32, #tpu.memory_space<vmem_shared>> -> memref<320x2x128xf32, #tpu.memory_space<vmem_shared>>
      tpu.wait_dma2 semaphore(%run_scoped3A_109 : memref<!tpu.dma_semaphore, #tpu.memory_space<semaphore_mem>>) src(%dma_wait3A_121 : memref<320x2x128xf32, #tpu.memory_space<vmem_shared>>) dst(%dma_wait3A_118 : memref<320x2x128xf32, #tpu.memory_space<hbm>>)
      tpu.yield
    }) : () -> ()
    return
  }
}

module attributes {stable_mosaic.version = 14 : i64} {
  func.func @_mm1_body(%arg0: i32, %arg1: memref<640x128xf32, #tpu.memory_space<vmem>>, %arg2: memref<128x256xf32, #tpu.memory_space<vmem>>, %arg3: memref<640x1xf32, #tpu.memory_space<vmem>>, %arg4: memref<640x256xf32, #tpu.memory_space<vmem>>) attributes {dimension_semantics = [#tpu.dimension_semantics<arbitrary>], iteration_bounds = array<i64: 16>, scalar_prefetch = 0 : i64, scratch_operands = 0 : i64, tpu.core_type = #tpu.core_type<tc>, window_params = [{transform_indices = @transform_0, window_bounds = array<i64: 640, 128>}, {pipeline_mode = #tpu.pipeline_mode<synchronous>, transform_indices = @transform_1, window_bounds = array<i64: 128, 256>}, {transform_indices = @transform_2, window_bounds = array<i64: 640, 1>}, {transform_indices = @transform_3, window_bounds = array<i64: 640, 256>}]} {
    %get3A = arith.constant 0 : index
    %get3A_0 = arith.constant 0 : index
    %get3A_1 = vector.load %arg3[%get3A, %get3A_0] : memref<640x1xf32, #tpu.memory_space<vmem>>, vector<640x1xf32>
    %rsqrt3A = math.rsqrt %get3A_1 : vector<640x1xf32>
    %get3A_2 = arith.constant 0 : index
    %get3A_3 = arith.constant 0 : index
    %get3A_4 = vector.load %arg1[%get3A_2, %get3A_3] : memref<640x128xf32, #tpu.memory_space<vmem>>, vector<640x128xf32>
    %get3A_5 = arith.constant 0 : index
    %get3A_6 = arith.constant 0 : index
    %get3A_7 = vector.load %arg2[%get3A_5, %get3A_6] : memref<128x256xf32, #tpu.memory_space<vmem>>, vector<128x256xf32>
    %dot_general3A = arith.constant dense<0.000000e+00> : vector<640x256xf32>
    %dot_general3A_8 = tpu.matmul %get3A_4, %get3A_7, %dot_general3A {dimension_numbers = #tpu.dot_dimension_numbers<[1], [0], [0], [1], [0, 0, 1, 1], [], []>, precision = #tpu.contract_precision<fp32>, transpose_lhs_hint = false} : vector<640x128xf32>, vector<128x256xf32>, vector<640x256xf32> -> vector<640x256xf32>
    %mul3A = vector.broadcast %rsqrt3A : vector<640x1xf32> to vector<640x256xf32>
    %mul3A_9 = arith.mulf %dot_general3A_8, %mul3A : vector<640x256xf32>
    %swap3A = arith.constant 0 : index
    %swap3A_10 = arith.constant 0 : index
    %swap3A_11 = vector.load %arg4[%swap3A, %swap3A_10] : memref<640x256xf32, #tpu.memory_space<vmem>>, vector<640x256xf32>
    tpu.vector_store %arg4[%swap3A, %swap3A_10], %mul3A_9 {strides = array<i32>} : memref<640x256xf32, #tpu.memory_space<vmem>>, vector<640x256xf32>,
    return
  }
  func.func @transform_0(%arg0: i32) -> (i32, i32) {
    %c0_i32 = arith.constant 0 : i32
    %c0_i32_0 = arith.constant 0 : i32
    return %arg0, %c0_i32 : i32, i32
  }
  func.func @transform_1(%arg0: i32) -> (i32, i32) {
    %c0_i32 = arith.constant 0 : i32
    %c0_i32_0 = arith.constant 0 : i32
    %c0_i32_1 = arith.constant 0 : i32
    return %c0_i32, %c0_i32_0 : i32, i32
  }
  func.func @transform_2(%arg0: i32) -> (i32, i32) {
    %c0_i32 = arith.constant 0 : i32
    %c0_i32_0 = arith.constant 0 : i32
    return %arg0, %c0_i32 : i32, i32
  }
  func.func @transform_3(%arg0: i32) -> (i32, i32) {
    %c0_i32 = arith.constant 0 : i32
    %c0_i32_0 = arith.constant 0 : i32
    return %arg0, %c0_i32 : i32, i32
  }
}

module attributes {stable_mosaic.version = 14 : i64} {
  func.func @_post_body(%arg0: i32, %arg1: memref<640x256xf32, #tpu.memory_space<vmem>>, %arg2: memref<640x1xf32, #tpu.memory_space<vmem>>, %arg3: memref<1x256xf32, #tpu.memory_space<vmem>>, %arg4: memref<640x256xf32, #tpu.memory_space<vmem>>, %arg5: memref<1x256xf32, #tpu.memory_space<vmem>>, %arg6: memref<1x256xf32, #tpu.memory_space<vmem>>) attributes {dimension_semantics = [#tpu.dimension_semantics<arbitrary>], iteration_bounds = array<i64: 16>, scalar_prefetch = 0 : i64, scratch_operands = 0 : i64, tpu.core_type = #tpu.core_type<tc>, window_params = [{transform_indices = @transform_0, window_bounds = array<i64: 640, 256>}, {transform_indices = @transform_1, window_bounds = array<i64: 640, 1>}, {pipeline_mode = #tpu.pipeline_mode<synchronous>, transform_indices = @transform_2, window_bounds = array<i64: 1, 256>}, {transform_indices = @transform_3, window_bounds = array<i64: 640, 256>}, {pipeline_mode = #tpu.pipeline_mode<synchronous>, transform_indices = @transform_4, window_bounds = array<i64: 1, 256>}, {pipeline_mode = #tpu.pipeline_mode<synchronous>, transform_indices = @transform_5, window_bounds = array<i64: 1, 256>}]} {
    %get3A = arith.constant 0 : index
    %get3A_0 = arith.constant 0 : index
    %get3A_1 = vector.load %arg2[%get3A, %get3A_0] : memref<640x1xf32, #tpu.memory_space<vmem>>, vector<640x1xf32>
    %rsqrt3A = math.rsqrt %get3A_1 : vector<640x1xf32>
    %get3A_2 = arith.constant 0 : index
    %get3A_3 = arith.constant 0 : index
    %get3A_4 = vector.load %arg1[%get3A_2, %get3A_3] : memref<640x256xf32, #tpu.memory_space<vmem>>, vector<640x256xf32>
    %mul3A = vector.broadcast %rsqrt3A : vector<640x1xf32> to vector<640x256xf32>
    %mul3A_5 = arith.mulf %get3A_4, %mul3A : vector<640x256xf32>
    %get3A_6 = arith.constant 0 : index
    %get3A_7 = arith.constant 0 : index
    %get3A_8 = vector.load %arg3[%get3A_6, %get3A_7] : memref<1x256xf32, #tpu.memory_space<vmem>>, vector<1x256xf32>
    %add3A = vector.broadcast %get3A_8 : vector<1x256xf32> to vector<640x256xf32>
    %add3A_9 = arith.addf %mul3A_5, %add3A : vector<640x256xf32>
    %max3A = arith.constant 0.000000e+00 : f32
    %max3A_10 = vector.broadcast %max3A : f32 to vector<640x256xf32>
    %max3A_11 = arith.maximumf %add3A_9, %max3A_10 : vector<640x256xf32>
    %swap3A = arith.constant 0 : index
    %swap3A_12 = arith.constant 0 : index
    %swap3A_13 = vector.load %arg4[%swap3A, %swap3A_12] : memref<640x256xf32, #tpu.memory_space<vmem>>, vector<640x256xf32>
    tpu.vector_store %arg4[%swap3A, %swap3A_12], %max3A_11 {strides = array<i32>} : memref<640x256xf32, #tpu.memory_space<vmem>>, vector<640x256xf32>,
    %mul3A_14 = arith.constant 640 : i32
    %mul3A_15 = arith.muli %arg0, %mul3A_14 : i32
    %iota3A = tpu.iota {dimensions = array<i32: 0>} : vector<640x1xi32>
    %add3A_16 = vector.broadcast %mul3A_15 : i32 to vector<640x1xi32>
    %add3A_17 = arith.addi %add3A_16, %iota3A : vector<640x1xi32>
    %lt3A = arith.constant 10000 : i32
    %lt3A_18 = vector.broadcast %lt3A : i32 to vector<640x1xi32>
    %lt3A_19 = arith.cmpi slt, %add3A_17, %lt3A_18 : vector<640x1xi32>
    %jit3A = arith.constant 0.000000e+00 : f32
    %broadcast_in_dim3A = vector.shape_cast %lt3A_19 : vector<640x1xi1> to vector<640x1xi1>
    %broadcast_in_dim3A_20 = vector.broadcast %broadcast_in_dim3A : vector<640x1xi1> to vector<640x256xi1>
    %broadcast_in_dim3A_21 = vector.broadcast %jit3A : f32 to vector<640x256xf32>
    %select_n3A = arith.select %broadcast_in_dim3A_20, %max3A_11, %broadcast_in_dim3A_21 : vector<640x256xi1>, vector<640x256xf32>
    %reduce_sum3A = arith.constant dense<0.000000e+00> : vector<256xf32>
    %reduce_sum3A_22 = vector.multi_reduction <add>, %select_n3A, %reduce_sum3A [0] : vector<640x256xf32> to vector<256xf32>
    %broadcast_in_dim3A_23 = vector.shape_cast %reduce_sum3A_22 : vector<256xf32> to vector<1x256xf32>
    %mul3A_24 = arith.mulf %select_n3A, %select_n3A : vector<640x256xf32>
    %reduce_sum3A_25 = arith.constant dense<0.000000e+00> : vector<256xf32>
    %reduce_sum3A_26 = vector.multi_reduction <add>, %mul3A_24, %reduce_sum3A_25 [0] : vector<640x256xf32> to vector<256xf32>
    %broadcast_in_dim3A_27 = vector.shape_cast %reduce_sum3A_26 : vector<256xf32> to vector<1x256xf32>
    %eq3A = arith.constant 0 : i32
    %eq3A_28 = arith.cmpi eq, %arg0, %eq3A : i32
    %convert_element_type3A = arith.extui %eq3A_28 : i1 to i32
    %cond3A = arith.constant 0 : i32
    %cond3A_29 = arith.cmpi ne, %convert_element_type3A, %cond3A : i32
    scf.if %cond3A_29 {
      %swap3A_34 = arith.constant 0 : index
      %swap3A_35 = arith.constant 0 : index
      %swap3A_36 = vector.load %arg5[%swap3A_34, %swap3A_35] : memref<1x256xf32, #tpu.memory_space<vmem>>, vector<1x256xf32>
      tpu.vector_store %arg5[%swap3A_34, %swap3A_35], %broadcast_in_dim3A_23 {strides = array<i32>} : memref<1x256xf32, #tpu.memory_space<vmem>>, vector<1x256xf32>,
      %swap3A_37 = arith.constant 0 : index
      %swap3A_38 = arith.constant 0 : index
      %swap3A_39 = vector.load %arg6[%swap3A_37, %swap3A_38] : memref<1x256xf32, #tpu.memory_space<vmem>>, vector<1x256xf32>
      tpu.vector_store %arg6[%swap3A_37, %swap3A_38], %broadcast_in_dim3A_27 {strides = array<i32>} : memref<1x256xf32, #tpu.memory_space<vmem>>, vector<1x256xf32>,
    } else {
    }
    %gt3A = arith.constant 0 : i32
    %gt3A_30 = arith.cmpi sgt, %arg0, %gt3A : i32
    %convert_element_type3A_31 = arith.extui %gt3A_30 : i1 to i32
    %cond3A_32 = arith.constant 0 : i32
    %cond3A_33 = arith.cmpi ne, %convert_element_type3A_31, %cond3A_32 : i32
    scf.if %cond3A_33 {
      %get3A_34 = arith.constant 0 : index
      %get3A_35 = arith.constant 0 : index
      %get3A_36 = vector.load %arg5[%get3A_34, %get3A_35] : memref<1x256xf32, #tpu.memory_space<vmem>>, vector<1x256xf32>
      %add3A_37 = arith.addf %get3A_36, %broadcast_in_dim3A_23 : vector<1x256xf32>
      %swap3A_38 = arith.constant 0 : index
      %swap3A_39 = arith.constant 0 : index
      %swap3A_40 = vector.load %arg5[%swap3A_38, %swap3A_39] : memref<1x256xf32, #tpu.memory_space<vmem>>, vector<1x256xf32>
      tpu.vector_store %arg5[%swap3A_38, %swap3A_39], %add3A_37 {strides = array<i32>} : memref<1x256xf32, #tpu.memory_space<vmem>>, vector<1x256xf32>,
      %get3A_41 = arith.constant 0 : index
      %get3A_42 = arith.constant 0 : index
      %get3A_43 = vector.load %arg6[%get3A_41, %get3A_42] : memref<1x256xf32, #tpu.memory_space<vmem>>, vector<1x256xf32>
      %add3A_44 = arith.addf %get3A_43, %broadcast_in_dim3A_27 : vector<1x256xf32>
      %swap3A_45 = arith.constant 0 : index
      %swap3A_46 = arith.constant 0 : index
      %swap3A_47 = vector.load %arg6[%swap3A_45, %swap3A_46] : memref<1x256xf32, #tpu.memory_space<vmem>>, vector<1x256xf32>
      tpu.vector_store %arg6[%swap3A_45, %swap3A_46], %add3A_44 {strides = array<i32>} : memref<1x256xf32, #tpu.memory_space<vmem>>, vector<1x256xf32>,
    } else {
    }
    return
  }
  func.func @transform_0(%arg0: i32) -> (i32, i32) {
    %c0_i32 = arith.constant 0 : i32
    %c0_i32_0 = arith.constant 0 : i32
    return %arg0, %c0_i32 : i32, i32
  }
  func.func @transform_1(%arg0: i32) -> (i32, i32) {
    %c0_i32 = arith.constant 0 : i32
    %c0_i32_0 = arith.constant 0 : i32
    return %arg0, %c0_i32 : i32, i32
  }
  func.func @transform_2(%arg0: i32) -> (i32, i32) {
    %c0_i32 = arith.constant 0 : i32
    %c0_i32_0 = arith.constant 0 : i32
    %c0_i32_1 = arith.constant 0 : i32
    return %c0_i32, %c0_i32_0 : i32, i32
  }
  func.func @transform_3(%arg0: i32) -> (i32, i32) {
    %c0_i32 = arith.constant 0 : i32
    %c0_i32_0 = arith.constant 0 : i32
    return %arg0, %c0_i32 : i32, i32
  }
  func.func @transform_4(%arg0: i32) -> (i32, i32) {
    %c0_i32 = arith.constant 0 : i32
    %c0_i32_0 = arith.constant 0 : i32
    %c0_i32_1 = arith.constant 0 : i32
    return %c0_i32, %c0_i32_0 : i32, i32
  }
  func.func @transform_5(%arg0: i32) -> (i32, i32) {
    %c0_i32 = arith.constant 0 : i32
    %c0_i32_0 = arith.constant 0 : i32
    %c0_i32_1 = arith.constant 0 : i32
    return %c0_i32, %c0_i32_0 : i32, i32
  }
}

module attributes {stable_mosaic.version = 14 : i64} {
  func.func @_mm2_body(%arg0: i32, %arg1: memref<640x256xf32, #tpu.memory_space<vmem>>, %arg2: memref<256x256xf32, #tpu.memory_space<vmem>>, %arg3: memref<256x1xf32, #tpu.memory_space<vmem>>, %arg4: memref<1x256xf32, #tpu.memory_space<vmem>>, %arg5: memref<640x1xf32, #tpu.memory_space<vmem>>, %arg6: memref<640x256xf32, #tpu.memory_space<vmem>>) attributes {dimension_semantics = [#tpu.dimension_semantics<arbitrary>], iteration_bounds = array<i64: 16>, scalar_prefetch = 0 : i64, scratch_operands = 0 : i64, tpu.core_type = #tpu.core_type<tc>, window_params = [{transform_indices = @transform_0, window_bounds = array<i64: 640, 256>}, {pipeline_mode = #tpu.pipeline_mode<synchronous>, transform_indices = @transform_1, window_bounds = array<i64: 256, 256>}, {pipeline_mode = #tpu.pipeline_mode<synchronous>, transform_indices = @transform_2, window_bounds = array<i64: 256, 1>}, {pipeline_mode = #tpu.pipeline_mode<synchronous>, transform_indices = @transform_3, window_bounds = array<i64: 1, 256>}, {transform_indices = @transform_4, window_bounds = array<i64: 640, 1>}, {transform_indices = @transform_5, window_bounds = array<i64: 640, 256>}]} {
    %get3A = arith.constant 0 : index
    %get3A_0 = arith.constant 0 : index
    %get3A_1 = vector.load %arg2[%get3A, %get3A_0] : memref<256x256xf32, #tpu.memory_space<vmem>>, vector<256x256xf32>
    %get3A_2 = arith.constant 0 : index
    %get3A_3 = arith.constant 0 : index
    %get3A_4 = vector.load %arg3[%get3A_2, %get3A_3] : memref<256x1xf32, #tpu.memory_space<vmem>>, vector<256x1xf32>
    %mul3A = vector.broadcast %get3A_4 : vector<256x1xf32> to vector<256x256xf32>
    %mul3A_5 = arith.mulf %get3A_1, %mul3A : vector<256x256xf32>
    %get3A_6 = arith.constant 0 : index
    %get3A_7 = arith.constant 0 : index
    %get3A_8 = vector.load %arg1[%get3A_6, %get3A_7] : memref<640x256xf32, #tpu.memory_space<vmem>>, vector<640x256xf32>
    %dot_general3A = arith.constant dense<0.000000e+00> : vector<640x256xf32>
    %dot_general3A_9 = tpu.matmul %get3A_8, %mul3A_5, %dot_general3A {dimension_numbers = #tpu.dot_dimension_numbers<[1], [0], [0], [1], [0, 0, 1, 1], [], []>, precision = #tpu.contract_precision<fp32>, transpose_lhs_hint = false} : vector<640x256xf32>, vector<256x256xf32>, vector<640x256xf32> -> vector<640x256xf32>
    %get3A_10 = arith.constant 0 : index
    %get3A_11 = arith.constant 0 : index
    %get3A_12 = vector.load %arg4[%get3A_10, %get3A_11] : memref<1x256xf32, #tpu.memory_space<vmem>>, vector<1x256xf32>
    %get3A_13 = arith.constant 0 : index
    %get3A_14 = arith.constant 0 : index
    %get3A_15 = vector.load %arg2[%get3A_13, %get3A_14] : memref<256x256xf32, #tpu.memory_space<vmem>>, vector<256x256xf32>
    %dot_general3A_16 = arith.constant dense<0.000000e+00> : vector<1x256xf32>
    %dot_general3A_17 = tpu.matmul %get3A_12, %get3A_15, %dot_general3A_16 {dimension_numbers = #tpu.dot_dimension_numbers<[1], [0], [0], [1], [0, 0, 1, 1], [], []>, precision = #tpu.contract_precision<fp32>, transpose_lhs_hint = false} : vector<1x256xf32>, vector<256x256xf32>, vector<1x256xf32> -> vector<1x256xf32>
    %add3A = vector.broadcast %dot_general3A_17 : vector<1x256xf32> to vector<640x256xf32>
    %add3A_18 = arith.addf %dot_general3A_9, %add3A : vector<640x256xf32>
    %get3A_19 = arith.constant 0 : index
    %get3A_20 = arith.constant 0 : index
    %get3A_21 = vector.load %arg5[%get3A_19, %get3A_20] : memref<640x1xf32, #tpu.memory_space<vmem>>, vector<640x1xf32>
    %rsqrt3A = math.rsqrt %get3A_21 : vector<640x1xf32>
    %mul3A_22 = vector.broadcast %rsqrt3A : vector<640x1xf32> to vector<640x256xf32>
    %mul3A_23 = arith.mulf %add3A_18, %mul3A_22 : vector<640x256xf32>
    %swap3A = arith.constant 0 : index
    %swap3A_24 = arith.constant 0 : index
    %swap3A_25 = vector.load %arg6[%swap3A, %swap3A_24] : memref<640x256xf32, #tpu.memory_space<vmem>>, vector<640x256xf32>
    tpu.vector_store %arg6[%swap3A, %swap3A_24], %mul3A_23 {strides = array<i32>} : memref<640x256xf32, #tpu.memory_space<vmem>>, vector<640x256xf32>,
    return
  }
  func.func @transform_0(%arg0: i32) -> (i32, i32) {
    %c0_i32 = arith.constant 0 : i32
    %c0_i32_0 = arith.constant 0 : i32
    return %arg0, %c0_i32 : i32, i32
  }
  func.func @transform_1(%arg0: i32) -> (i32, i32) {
    %c0_i32 = arith.constant 0 : i32
    %c0_i32_0 = arith.constant 0 : i32
    %c0_i32_1 = arith.constant 0 : i32
    return %c0_i32, %c0_i32_0 : i32, i32
  }
  func.func @transform_2(%arg0: i32) -> (i32, i32) {
    %c0_i32 = arith.constant 0 : i32
    %c0_i32_0 = arith.constant 0 : i32
    %c0_i32_1 = arith.constant 0 : i32
    return %c0_i32, %c0_i32_0 : i32, i32
  }
  func.func @transform_3(%arg0: i32) -> (i32, i32) {
    %c0_i32 = arith.constant 0 : i32
    %c0_i32_0 = arith.constant 0 : i32
    %c0_i32_1 = arith.constant 0 : i32
    return %c0_i32, %c0_i32_0 : i32, i32
  }
  func.func @transform_4(%arg0: i32) -> (i32, i32) {
    %c0_i32 = arith.constant 0 : i32
    %c0_i32_0 = arith.constant 0 : i32
    return %arg0, %c0_i32 : i32, i32
  }
  func.func @transform_5(%arg0: i32) -> (i32, i32) {
    %c0_i32 = arith.constant 0 : i32
    %c0_i32_0 = arith.constant 0 : i32
    return %arg0, %c0_i32 : i32, i32
  }
}

module attributes {stable_mosaic.version = 14 : i64} {
  func.func @_post2_body(%arg0: i32, %arg1: memref<640x256xf32, #tpu.memory_space<vmem>>, %arg2: memref<640x1xf32, #tpu.memory_space<vmem>>, %arg3: memref<1x256xf32, #tpu.memory_space<vmem>>, %arg4: memref<640x1xi32, #tpu.memory_space<vmem>>, %arg5: memref<640x256xf32, #tpu.memory_space<vmem>>, %arg6: memref<1x256xf32, #tpu.memory_space<vmem>>, %arg7: memref<1x256xf32, #tpu.memory_space<vmem>>, %arg8: memref<64x256xf32, #tpu.memory_space<vmem>>, %arg9: memref<1x64xf32, #tpu.memory_space<vmem>>) attributes {dimension_semantics = [#tpu.dimension_semantics<arbitrary>], iteration_bounds = array<i64: 16>, scalar_prefetch = 0 : i64, scratch_operands = 0 : i64, tpu.core_type = #tpu.core_type<tc>, window_params = [{transform_indices = @transform_0, window_bounds = array<i64: 640, 256>}, {transform_indices = @transform_1, window_bounds = array<i64: 640, 1>}, {pipeline_mode = #tpu.pipeline_mode<synchronous>, transform_indices = @transform_2, window_bounds = array<i64: 1, 256>}, {transform_indices = @transform_3, window_bounds = array<i64: 640, 1>}, {transform_indices = @transform_4, window_bounds = array<i64: 640, 256>}, {pipeline_mode = #tpu.pipeline_mode<synchronous>, transform_indices = @transform_5, window_bounds = array<i64: 1, 256>}, {pipeline_mode = #tpu.pipeline_mode<synchronous>, transform_indices = @transform_6, window_bounds = array<i64: 1, 256>}, {pipeline_mode = #tpu.pipeline_mode<synchronous>, transform_indices = @transform_7, window_bounds = array<i64: 64, 256>}, {pipeline_mode = #tpu.pipeline_mode<synchronous>, transform_indices = @transform_8, window_bounds = array<i64: 1, 64>}]} {
    %get3A = arith.constant 0 : index
    %get3A_0 = arith.constant 0 : index
    %get3A_1 = vector.load %arg2[%get3A, %get3A_0] : memref<640x1xf32, #tpu.memory_space<vmem>>, vector<640x1xf32>
    %rsqrt3A = math.rsqrt %get3A_1 : vector<640x1xf32>
    %get3A_2 = arith.constant 0 : index
    %get3A_3 = arith.constant 0 : index
    %get3A_4 = vector.load %arg1[%get3A_2, %get3A_3] : memref<640x256xf32, #tpu.memory_space<vmem>>, vector<640x256xf32>
    %mul3A = vector.broadcast %rsqrt3A : vector<640x1xf32> to vector<640x256xf32>
    %mul3A_5 = arith.mulf %get3A_4, %mul3A : vector<640x256xf32>
    %get3A_6 = arith.constant 0 : index
    %get3A_7 = arith.constant 0 : index
    %get3A_8 = vector.load %arg3[%get3A_6, %get3A_7] : memref<1x256xf32, #tpu.memory_space<vmem>>, vector<1x256xf32>
    %add3A = vector.broadcast %get3A_8 : vector<1x256xf32> to vector<640x256xf32>
    %add3A_9 = arith.addf %mul3A_5, %add3A : vector<640x256xf32>
    %max3A = arith.constant 0.000000e+00 : f32
    %max3A_10 = vector.broadcast %max3A : f32 to vector<640x256xf32>
    %max3A_11 = arith.maximumf %add3A_9, %max3A_10 : vector<640x256xf32>
    %swap3A = arith.constant 0 : index
    %swap3A_12 = arith.constant 0 : index
    %swap3A_13 = vector.load %arg5[%swap3A, %swap3A_12] : memref<640x256xf32, #tpu.memory_space<vmem>>, vector<640x256xf32>
    tpu.vector_store %arg5[%swap3A, %swap3A_12], %max3A_11 {strides = array<i32>} : memref<640x256xf32, #tpu.memory_space<vmem>>, vector<640x256xf32>,
    %mul3A_14 = arith.constant 640 : i32
    %mul3A_15 = arith.muli %arg0, %mul3A_14 : i32
    %iota3A = tpu.iota {dimensions = array<i32: 0>} : vector<640x1xi32>
    %add3A_16 = vector.broadcast %mul3A_15 : i32 to vector<640x1xi32>
    %add3A_17 = arith.addi %add3A_16, %iota3A : vector<640x1xi32>
    %lt3A = arith.constant 10000 : i32
    %lt3A_18 = vector.broadcast %lt3A : i32 to vector<640x1xi32>
    %lt3A_19 = arith.cmpi slt, %add3A_17, %lt3A_18 : vector<640x1xi32>
    %jit3A = arith.constant 0.000000e+00 : f32
    %broadcast_in_dim3A = vector.shape_cast %lt3A_19 : vector<640x1xi1> to vector<640x1xi1>
    %broadcast_in_dim3A_20 = vector.broadcast %broadcast_in_dim3A : vector<640x1xi1> to vector<640x256xi1>
    %broadcast_in_dim3A_21 = vector.broadcast %jit3A : f32 to vector<640x256xf32>
    %select_n3A = arith.select %broadcast_in_dim3A_20, %max3A_11, %broadcast_in_dim3A_21 : vector<640x256xi1>, vector<640x256xf32>
    %reduce_sum3A = arith.constant dense<0.000000e+00> : vector<256xf32>
    %reduce_sum3A_22 = vector.multi_reduction <add>, %select_n3A, %reduce_sum3A [0] : vector<640x256xf32> to vector<256xf32>
    %broadcast_in_dim3A_23 = vector.shape_cast %reduce_sum3A_22 : vector<256xf32> to vector<1x256xf32>
    %mul3A_24 = arith.mulf %select_n3A, %select_n3A : vector<640x256xf32>
    %reduce_sum3A_25 = arith.constant dense<0.000000e+00> : vector<256xf32>
    %reduce_sum3A_26 = vector.multi_reduction <add>, %mul3A_24, %reduce_sum3A_25 [0] : vector<640x256xf32> to vector<256xf32>
    %broadcast_in_dim3A_27 = vector.shape_cast %reduce_sum3A_26 : vector<256xf32> to vector<1x256xf32>
    %iota3A_28 = tpu.iota {dimensions = array<i32: 1>} : vector<1x64xi32>
    %get3A_29 = arith.constant 0 : index
    %get3A_30 = arith.constant 0 : index
    %get3A_31 = vector.load %arg4[%get3A_29, %get3A_30] : memref<640x1xi32, #tpu.memory_space<vmem>>, vector<640x1xi32>
    %eq3A = vector.broadcast %get3A_31 : vector<640x1xi32> to vector<640x64xi32>
    %eq3A_32 = vector.broadcast %iota3A_28 : vector<1x64xi32> to vector<640x64xi32>
    %eq3A_33 = arith.cmpi eq, %eq3A, %eq3A_32 : vector<640x64xi32>
    %convert_element_type3A = arith.extui %eq3A_33 : vector<640x64xi1> to vector<640x64xi32>
    %convert_element_type3A_34 = arith.sitofp %convert_element_type3A : vector<640x64xi32> to vector<640x64xf32>
    %dot_general3A = arith.constant dense<0.000000e+00> : vector<64x256xf32>
    %dot_general3A_35 = tpu.matmul %convert_element_type3A_34, %max3A_11, %dot_general3A {dimension_numbers = #tpu.dot_dimension_numbers<[0], [0], [1], [1], [0, 1, 1, 1], [], []>, precision = #tpu.contract_precision<fp32>, transpose_lhs_hint = false} : vector<640x64xf32>, vector<640x256xf32>, vector<64x256xf32> -> vector<64x256xf32>
    %reduce_sum3A_36 = arith.constant dense<0.000000e+00> : vector<64xf32>
    %reduce_sum3A_37 = vector.multi_reduction <add>, %convert_element_type3A_34, %reduce_sum3A_36 [0] : vector<640x64xf32> to vector<64xf32>
    %broadcast_in_dim3A_38 = vector.shape_cast %reduce_sum3A_37 : vector<64xf32> to vector<1x64xf32>
    %eq3A_39 = arith.constant 0 : i32
    %eq3A_40 = arith.cmpi eq, %arg0, %eq3A_39 : i32
    %convert_element_type3A_41 = arith.extui %eq3A_40 : i1 to i32
    %cond3A = arith.constant 0 : i32
    %cond3A_42 = arith.cmpi ne, %convert_element_type3A_41, %cond3A : i32
    scf.if %cond3A_42 {
      %swap3A_47 = arith.constant 0 : index
      %swap3A_48 = arith.constant 0 : index
      %swap3A_49 = vector.load %arg6[%swap3A_47, %swap3A_48] : memref<1x256xf32, #tpu.memory_space<vmem>>, vector<1x256xf32>
      tpu.vector_store %arg6[%swap3A_47, %swap3A_48], %broadcast_in_dim3A_23 {strides = array<i32>} : memref<1x256xf32, #tpu.memory_space<vmem>>, vector<1x256xf32>,
      %swap3A_50 = arith.constant 0 : index
      %swap3A_51 = arith.constant 0 : index
      %swap3A_52 = vector.load %arg7[%swap3A_50, %swap3A_51] : memref<1x256xf32, #tpu.memory_space<vmem>>, vector<1x256xf32>
      tpu.vector_store %arg7[%swap3A_50, %swap3A_51], %broadcast_in_dim3A_27 {strides = array<i32>} : memref<1x256xf32, #tpu.memory_space<vmem>>, vector<1x256xf32>,
      %swap3A_53 = arith.constant 0 : index
      %swap3A_54 = arith.constant 0 : index
      %swap3A_55 = vector.load %arg8[%swap3A_53, %swap3A_54] : memref<64x256xf32, #tpu.memory_space<vmem>>, vector<64x256xf32>
      tpu.vector_store %arg8[%swap3A_53, %swap3A_54], %dot_general3A_35 {strides = array<i32>} : memref<64x256xf32, #tpu.memory_space<vmem>>, vector<64x256xf32>,
      %swap3A_56 = arith.constant 0 : index
      %swap3A_57 = arith.constant 0 : index
      %swap3A_58 = vector.load %arg9[%swap3A_56, %swap3A_57] : memref<1x64xf32, #tpu.memory_space<vmem>>, vector<1x64xf32>
      tpu.vector_store %arg9[%swap3A_56, %swap3A_57], %broadcast_in_dim3A_38 {strides = array<i32>} : memref<1x64xf32, #tpu.memory_space<vmem>>, vector<1x64xf32>,
    } else {
    }
    %gt3A = arith.constant 0 : i32
    %gt3A_43 = arith.cmpi sgt, %arg0, %gt3A : i32
    %convert_element_type3A_44 = arith.extui %gt3A_43 : i1 to i32
    %cond3A_45 = arith.constant 0 : i32
    %cond3A_46 = arith.cmpi ne, %convert_element_type3A_44, %cond3A_45 : i32
    scf.if %cond3A_46 {
      %get3A_47 = arith.constant 0 : index
      %get3A_48 = arith.constant 0 : index
      %get3A_49 = vector.load %arg6[%get3A_47, %get3A_48] : memref<1x256xf32, #tpu.memory_space<vmem>>, vector<1x256xf32>
      %add3A_50 = arith.addf %get3A_49, %broadcast_in_dim3A_23 : vector<1x256xf32>
      %swap3A_51 = arith.constant 0 : index
      %swap3A_52 = arith.constant 0 : index
      %swap3A_53 = vector.load %arg6[%swap3A_51, %swap3A_52] : memref<1x256xf32, #tpu.memory_space<vmem>>, vector<1x256xf32>
      tpu.vector_store %arg6[%swap3A_51, %swap3A_52], %add3A_50 {strides = array<i32>} : memref<1x256xf32, #tpu.memory_space<vmem>>, vector<1x256xf32>,
      %get3A_54 = arith.constant 0 : index
      %get3A_55 = arith.constant 0 : index
      %get3A_56 = vector.load %arg7[%get3A_54, %get3A_55] : memref<1x256xf32, #tpu.memory_space<vmem>>, vector<1x256xf32>
      %add3A_57 = arith.addf %get3A_56, %broadcast_in_dim3A_27 : vector<1x256xf32>
      %swap3A_58 = arith.constant 0 : index
      %swap3A_59 = arith.constant 0 : index
      %swap3A_60 = vector.load %arg7[%swap3A_58, %swap3A_59] : memref<1x256xf32, #tpu.memory_space<vmem>>, vector<1x256xf32>
      tpu.vector_store %arg7[%swap3A_58, %swap3A_59], %add3A_57 {strides = array<i32>} : memref<1x256xf32, #tpu.memory_space<vmem>>, vector<1x256xf32>,
      %get3A_61 = arith.constant 0 : index
      %get3A_62 = arith.constant 0 : index
      %get3A_63 = vector.load %arg8[%get3A_61, %get3A_62] : memref<64x256xf32, #tpu.memory_space<vmem>>, vector<64x256xf32>
      %add3A_64 = arith.addf %get3A_63, %dot_general3A_35 : vector<64x256xf32>
      %swap3A_65 = arith.constant 0 : index
      %swap3A_66 = arith.constant 0 : index
      %swap3A_67 = vector.load %arg8[%swap3A_65, %swap3A_66] : memref<64x256xf32, #tpu.memory_space<vmem>>, vector<64x256xf32>
      tpu.vector_store %arg8[%swap3A_65, %swap3A_66], %add3A_64 {strides = array<i32>} : memref<64x256xf32, #tpu.memory_space<vmem>>, vector<64x256xf32>,
      %get3A_68 = arith.constant 0 : index
      %get3A_69 = arith.constant 0 : index
      %get3A_70 = vector.load %arg9[%get3A_68, %get3A_69] : memref<1x64xf32, #tpu.memory_space<vmem>>, vector<1x64xf32>
      %add3A_71 = arith.addf %get3A_70, %broadcast_in_dim3A_38 : vector<1x64xf32>
      %swap3A_72 = arith.constant 0 : index
      %swap3A_73 = arith.constant 0 : index
      %swap3A_74 = vector.load %arg9[%swap3A_72, %swap3A_73] : memref<1x64xf32, #tpu.memory_space<vmem>>, vector<1x64xf32>
      tpu.vector_store %arg9[%swap3A_72, %swap3A_73], %add3A_71 {strides = array<i32>} : memref<1x64xf32, #tpu.memory_space<vmem>>, vector<1x64xf32>,
    } else {
    }
    return
  }
  func.func @transform_0(%arg0: i32) -> (i32, i32) {
    %c0_i32 = arith.constant 0 : i32
    %c0_i32_0 = arith.constant 0 : i32
    return %arg0, %c0_i32 : i32, i32
  }
  func.func @transform_1(%arg0: i32) -> (i32, i32) {
    %c0_i32 = arith.constant 0 : i32
    %c0_i32_0 = arith.constant 0 : i32
    return %arg0, %c0_i32 : i32, i32
  }
  func.func @transform_2(%arg0: i32) -> (i32, i32) {
    %c0_i32 = arith.constant 0 : i32
    %c0_i32_0 = arith.constant 0 : i32
    %c0_i32_1 = arith.constant 0 : i32
    return %c0_i32, %c0_i32_0 : i32, i32
  }
  func.func @transform_3(%arg0: i32) -> (i32, i32) {
    %c0_i32 = arith.constant 0 : i32
    %c0_i32_0 = arith.constant 0 : i32
    return %arg0, %c0_i32 : i32, i32
  }
  func.func @transform_4(%arg0: i32) -> (i32, i32) {
    %c0_i32 = arith.constant 0 : i32
    %c0_i32_0 = arith.constant 0 : i32
    return %arg0, %c0_i32 : i32, i32
  }
  func.func @transform_5(%arg0: i32) -> (i32, i32) {
    %c0_i32 = arith.constant 0 : i32
    %c0_i32_0 = arith.constant 0 : i32
    %c0_i32_1 = arith.constant 0 : i32
    return %c0_i32, %c0_i32_0 : i32, i32
  }
  func.func @transform_6(%arg0: i32) -> (i32, i32) {
    %c0_i32 = arith.constant 0 : i32
    %c0_i32_0 = arith.constant 0 : i32
    %c0_i32_1 = arith.constant 0 : i32
    return %c0_i32, %c0_i32_0 : i32, i32
  }
  func.func @transform_7(%arg0: i32) -> (i32, i32) {
    %c0_i32 = arith.constant 0 : i32
    %c0_i32_0 = arith.constant 0 : i32
    %c0_i32_1 = arith.constant 0 : i32
    return %c0_i32, %c0_i32_0 : i32, i32
  }
  func.func @transform_8(%arg0: i32) -> (i32, i32) {
    %c0_i32 = arith.constant 0 : i32
    %c0_i32_0 = arith.constant 0 : i32
    %c0_i32_1 = arith.constant 0 : i32
    return %c0_i32, %c0_i32_0 : i32, i32
  }
}

module attributes {stable_mosaic.version = 14 : i64} {
  func.func @_poolmm_body(%arg0: i32, %arg1: memref<10240x256xf32, #tpu.memory_space<vmem>>, %arg2: memref<1x64xi32, #tpu.memory_space<smem>>, %arg3: memref<1x64xi32, #tpu.memory_space<smem>>, %arg4: memref<8x256xf32, #tpu.memory_space<vmem>>, %arg5: memref<8x256xf32, #tpu.memory_space<vmem>>) attributes {dimension_semantics = [#tpu.dimension_semantics<arbitrary>], iteration_bounds = array<i64: 8>, scalar_prefetch = 0 : i64, scratch_operands = 0 : i64, tpu.core_type = #tpu.core_type<tc>, window_params = [{pipeline_mode = #tpu.pipeline_mode<synchronous>, transform_indices = @transform_0, window_bounds = array<i64: 10240, 256>}, {transform_indices = @transform_1, window_bounds = array<i64: 1, 64>}, {transform_indices = @transform_2, window_bounds = array<i64: 1, 64>}, {transform_indices = @transform_3, window_bounds = array<i64: 8, 256>}, {transform_indices = @transform_4, window_bounds = array<i64: 8, 256>}]} {
    %broadcast_in_dim3A = arith.constant 0xFF800000 : f32
    %broadcast_in_dim3A_0 = vector.broadcast %broadcast_in_dim3A : f32 to vector<32x128xf32>
    %broadcast_in_dim3A_1 = arith.constant 0x7F800000 : f32
    %broadcast_in_dim3A_2 = vector.broadcast %broadcast_in_dim3A_1 : f32 to vector<32x128xf32>
    %mul3A = arith.constant 8 : i32
    %mul3A_3 = arith.muli %arg0, %mul3A : i32
    %add3A = arith.constant 0 : i32
    %add3A_4 = arith.addi %mul3A_3, %add3A : i32
    %get3A = arith.constant 0 : index
    %get3A_5 = arith.index_cast %add3A_4 : i32 to index
    %get3A_6 = memref.load %arg2[%get3A, %get3A_5] : memref<1x64xi32, #tpu.memory_space<smem>>
    %get3A_7 = arith.constant 0 : index
    %get3A_8 = arith.index_cast %add3A_4 : i32 to index
    %get3A_9 = memref.load %arg3[%get3A_7, %get3A_8] : memref<1x64xi32, #tpu.memory_space<smem>>
    %jit3A = arith.constant 8 : i32
    %div3A = arith.divsi %get3A_6, %jit3A : i32
    %sign3A = arith.constant 0 : i32
    %sign3A_10 = arith.cmpi sgt, %get3A_6, %sign3A : i32
    %sign3A_11 = arith.extui %sign3A_10 : i1 to i32
    %sign3A_12 = arith.constant 0 : i32
    %sign3A_13 = arith.cmpi slt, %get3A_6, %sign3A_12 : i32
    %sign3A_14 = arith.extui %sign3A_13 : i1 to i32
    %sign3A_15 = arith.subi %sign3A_11, %sign3A_14 : i32
    %sign3A_16 = arith.constant 0 : i32
    %sign3A_17 = arith.cmpi sgt, %jit3A, %sign3A_16 : i32
    %sign3A_18 = arith.extui %sign3A_17 : i1 to i32
    %sign3A_19 = arith.constant 0 : i32
    %sign3A_20 = arith.cmpi slt, %jit3A, %sign3A_19 : i32
    %sign3A_21 = arith.extui %sign3A_20 : i1 to i32
    %sign3A_22 = arith.subi %sign3A_18, %sign3A_21 : i32
    %ne3A = arith.cmpi ne, %sign3A_15, %sign3A_22 : i32
    %rem3A = arith.remsi %get3A_6, %jit3A : i32
    %ne3A_23 = arith.constant 0 : i32
    %ne3A_24 = arith.cmpi ne, %rem3A, %ne3A_23 : i32
    %and3A = arith.andi %ne3A, %ne3A_24 : i1
    %sub3A = arith.constant 1 : i32
    %sub3A_25 = arith.subi %div3A, %sub3A : i32
    %select_n3A = arith.select %and3A, %sub3A_25, %div3A : i32
    %mul3A_26 = arith.constant 8 : i32
    %mul3A_27 = arith.muli %select_n3A, %mul3A_26 : i32
    %multiple_of3A = tpu.assume_multiple %mul3A_27, 8 : i32
    %add3A_28 = arith.addi %get3A_9, %get3A_6 : i32
    %sub3A_29 = arith.subi %add3A_28, %multiple_of3A : i32
    %add3A_30 = arith.constant 32 : i32
    %add3A_31 = arith.addi %sub3A_29, %add3A_30 : i32
    %sub3A_32 = arith.constant 1 : i32
    %sub3A_33 = arith.subi %add3A_31, %sub3A_32 : i32
    %jit3A_34 = arith.constant 32 : i32
    %div3A_35 = arith.divsi %sub3A_33, %jit3A_34 : i32
    %sign3A_36 = arith.constant 0 : i32
    %sign3A_37 = arith.cmpi sgt, %sub3A_33, %sign3A_36 : i32
    %sign3A_38 = arith.extui %sign3A_37 : i1 to i32
    %sign3A_39 = arith.constant 0 : i32
    %sign3A_40 = arith.cmpi slt, %sub3A_33, %sign3A_39 : i32
    %sign3A_41 = arith.extui %sign3A_40 : i1 to i32
    %sign3A_42 = arith.subi %sign3A_38, %sign3A_41 : i32
    %sign3A_43 = arith.constant 0 : i32
    %sign3A_44 = arith.cmpi sgt, %jit3A_34, %sign3A_43 : i32
    %sign3A_45 = arith.extui %sign3A_44 : i1 to i32
    %sign3A_46 = arith.constant 0 : i32
    %sign3A_47 = arith.cmpi slt, %jit3A_34, %sign3A_46 : i32
    %sign3A_48 = arith.extui %sign3A_47 : i1 to i32
    %sign3A_49 = arith.subi %sign3A_45, %sign3A_48 : i32
    %ne3A_50 = arith.cmpi ne, %sign3A_42, %sign3A_49 : i32
    %rem3A_51 = arith.remsi %sub3A_33, %jit3A_34 : i32
    %ne3A_52 = arith.constant 0 : i32
    %ne3A_53 = arith.cmpi ne, %rem3A_51, %ne3A_52 : i32
    %and3A_54 = arith.andi %ne3A_50, %ne3A_53 : i1
    %sub3A_55 = arith.constant 1 : i32
    %sub3A_56 = arith.subi %div3A_35, %sub3A_55 : i32
    %select_n3A_57 = arith.select %and3A_54, %sub3A_56, %div3A_35 : i32
    %while3A = arith.constant 0 : i32
    %while3A_58 = arith.subi %select_n3A_57, %while3A : i32
    %while3A_59 = arith.addi %while3A, %while3A_58 : i32
    %while3A_60 = arith.constant 1 : i32
    %while3A_61 = arith.divsi %while3A_58, %while3A_60 : i32
    %while3A_62 = arith.muli %while3A_61, %while3A_60 : i32
    %while3A_63 = arith.addi %while3A, %while3A_62 : i32
    %while3A_64 = arith.constant 1 : i32
    %while3A_65:4 = scf.for %while3A_770 = %while3A to %while3A_63 step %while3A_64 iter_args(%while3A_771 = %broadcast_in_dim3A_0, %while3A_772 = %broadcast_in_dim3A_0, %while3A_773 = %broadcast_in_dim3A_2, %while3A_774 = %broadcast_in_dim3A_2) -> (vector<32x128xf32>, vector<32x128xf32>, vector<32x128xf32>, vector<32x128xf32>)  : i32 {
      %mul3A_775 = arith.constant 32 : i32
      %mul3A_776 = arith.muli %while3A_770, %mul3A_775 : i32
      %add3A_777 = arith.addi %multiple_of3A, %mul3A_776 : i32
      %multiple_of3A_778 = tpu.assume_multiple %add3A_777, 8 : i32
      %get3A_779 = arith.index_cast %multiple_of3A_778 : i32 to index
      %get3A_780 = arith.constant 0 : index
      %get3A_781 = vector.load %arg1[%get3A_779, %get3A_780] : memref<10240x256xf32, #tpu.memory_space<vmem>>, vector<32x128xf32>
      %get3A_782 = arith.index_cast %multiple_of3A_778 : i32 to index
      %get3A_783 = arith.constant 128 : index
      %get3A_784 = vector.load %arg1[%get3A_782, %get3A_783] : memref<10240x256xf32, #tpu.memory_space<vmem>>, vector<32x128xf32>
      %iota3A = tpu.iota {dimensions = array<i32: 0>} : vector<32x1xi32>
      %add3A_785 = vector.broadcast %multiple_of3A_778 : i32 to vector<32x1xi32>
      %add3A_786 = arith.addi %add3A_785, %iota3A : vector<32x1xi32>
      %ge3A = vector.broadcast %get3A_6 : i32 to vector<32x1xi32>
      %ge3A_787 = arith.cmpi sge, %add3A_786, %ge3A : vector<32x1xi32>
      %add3A_788 = arith.addi %get3A_6, %get3A_9 : i32
      %lt3A = vector.broadcast %add3A_788 : i32 to vector<32x1xi32>
      %lt3A_789 = arith.cmpi slt, %add3A_786, %lt3A : vector<32x1xi32>
      %and3A_790 = arith.andi %ge3A_787, %lt3A_789 : vector<32x1xi1>
      %jit3A_791 = arith.constant 0xFF800000 : f32
      %broadcast_in_dim3A_792 = vector.shape_cast %and3A_790 : vector<32x1xi1> to vector<32x1xi1>
      %broadcast_in_dim3A_793 = vector.broadcast %broadcast_in_dim3A_792 : vector<32x1xi1> to vector<32x128xi1>
      %broadcast_in_dim3A_794 = vector.broadcast %jit3A_791 : f32 to vector<32x128xf32>
      %select_n3A_795 = arith.select %broadcast_in_dim3A_793, %get3A_781, %broadcast_in_dim3A_794 : vector<32x128xi1>, vector<32x128xf32>
      %max3A = arith.maximumf %while3A_771, %select_n3A_795 : vector<32x128xf32>
      %jit3A_796 = arith.constant 0xFF800000 : f32
      %broadcast_in_dim3A_797 = vector.shape_cast %and3A_790 : vector<32x1xi1> to vector<32x1xi1>
      %broadcast_in_dim3A_798 = vector.broadcast %broadcast_in_dim3A_797 : vector<32x1xi1> to vector<32x128xi1>
      %broadcast_in_dim3A_799 = vector.broadcast %jit3A_796 : f32 to vector<32x128xf32>
      %select_n3A_800 = arith.select %broadcast_in_dim3A_798, %get3A_784, %broadcast_in_dim3A_799 : vector<32x128xi1>, vector<32x128xf32>
      %max3A_801 = arith.maximumf %while3A_772, %select_n3A_800 : vector<32x128xf32>
      %jit3A_802 = arith.constant 0x7F800000 : f32
      %broadcast_in_dim3A_803 = vector.shape_cast %and3A_790 : vector<32x1xi1> to vector<32x1xi1>
      %broadcast_in_dim3A_804 = vector.broadcast %broadcast_in_dim3A_803 : vector<32x1xi1> to vector<32x128xi1>
      %broadcast_in_dim3A_805 = vector.broadcast %jit3A_802 : f32 to vector<32x128xf32>
      %select_n3A_806 = arith.select %broadcast_in_dim3A_804, %get3A_781, %broadcast_in_dim3A_805 : vector<32x128xi1>, vector<32x128xf32>
      %min3A = arith.minimumf %while3A_773, %select_n3A_806 : vector<32x128xf32>
      %jit3A_807 = arith.constant 0x7F800000 : f32
      %broadcast_in_dim3A_808 = vector.shape_cast %and3A_790 : vector<32x1xi1> to vector<32x1xi1>
      %broadcast_in_dim3A_809 = vector.broadcast %broadcast_in_dim3A_808 : vector<32x1xi1> to vector<32x128xi1>
      %broadcast_in_dim3A_810 = vector.broadcast %jit3A_807 : f32 to vector<32x128xf32>
      %select_n3A_811 = arith.select %broadcast_in_dim3A_809, %get3A_784, %broadcast_in_dim3A_810 : vector<32x128xi1>, vector<32x128xf32>
      %min3A_812 = arith.minimumf %while3A_774, %select_n3A_811 : vector<32x128xf32>
      scf.yield %max3A, %max3A_801, %min3A, %min3A_812 : vector<32x128xf32>, vector<32x128xf32>, vector<32x128xf32>, vector<32x128xf32>
    }
    %while3A_66 = arith.constant 1 : i32
    %while3A_67:4 = scf.for %while3A_770 = %while3A_63 to %while3A_59 step %while3A_66 iter_args(%while3A_771 = %while3A_65#0, %while3A_772 = %while3A_65#1, %while3A_773 = %while3A_65#2, %while3A_774 = %while3A_65#3) -> (vector<32x128xf32>, vector<32x128xf32>, vector<32x128xf32>, vector<32x128xf32>)  : i32 {
      %mul3A_775 = arith.constant 32 : i32
      %mul3A_776 = arith.muli %while3A_770, %mul3A_775 : i32
      %add3A_777 = arith.addi %multiple_of3A, %mul3A_776 : i32
      %multiple_of3A_778 = tpu.assume_multiple %add3A_777, 8 : i32
      %get3A_779 = arith.index_cast %multiple_of3A_778 : i32 to index
      %get3A_780 = arith.constant 0 : index
      %get3A_781 = vector.load %arg1[%get3A_779, %get3A_780] : memref<10240x256xf32, #tpu.memory_space<vmem>>, vector<32x128xf32>
      %get3A_782 = arith.index_cast %multiple_of3A_778 : i32 to index
      %get3A_783 = arith.constant 128 : index
      %get3A_784 = vector.load %arg1[%get3A_782, %get3A_783] : memref<10240x256xf32, #tpu.memory_space<vmem>>, vector<32x128xf32>
      %iota3A = tpu.iota {dimensions = array<i32: 0>} : vector<32x1xi32>
      %add3A_785 = vector.broadcast %multiple_of3A_778 : i32 to vector<32x1xi32>
      %add3A_786 = arith.addi %add3A_785, %iota3A : vector<32x1xi32>
      %ge3A = vector.broadcast %get3A_6 : i32 to vector<32x1xi32>
      %ge3A_787 = arith.cmpi sge, %add3A_786, %ge3A : vector<32x1xi32>
      %add3A_788 = arith.addi %get3A_6, %get3A_9 : i32
      %lt3A = vector.broadcast %add3A_788 : i32 to vector<32x1xi32>
      %lt3A_789 = arith.cmpi slt, %add3A_786, %lt3A : vector<32x1xi32>
      %and3A_790 = arith.andi %ge3A_787, %lt3A_789 : vector<32x1xi1>
      %jit3A_791 = arith.constant 0xFF800000 : f32
      %broadcast_in_dim3A_792 = vector.shape_cast %and3A_790 : vector<32x1xi1> to vector<32x1xi1>
      %broadcast_in_dim3A_793 = vector.broadcast %broadcast_in_dim3A_792 : vector<32x1xi1> to vector<32x128xi1>
      %broadcast_in_dim3A_794 = vector.broadcast %jit3A_791 : f32 to vector<32x128xf32>
      %select_n3A_795 = arith.select %broadcast_in_dim3A_793, %get3A_781, %broadcast_in_dim3A_794 : vector<32x128xi1>, vector<32x128xf32>
      %max3A = arith.maximumf %while3A_771, %select_n3A_795 : vector<32x128xf32>
      %jit3A_796 = arith.constant 0xFF800000 : f32
      %broadcast_in_dim3A_797 = vector.shape_cast %and3A_790 : vector<32x1xi1> to vector<32x1xi1>
      %broadcast_in_dim3A_798 = vector.broadcast %broadcast_in_dim3A_797 : vector<32x1xi1> to vector<32x128xi1>
      %broadcast_in_dim3A_799 = vector.broadcast %jit3A_796 : f32 to vector<32x128xf32>
      %select_n3A_800 = arith.select %broadcast_in_dim3A_798, %get3A_784, %broadcast_in_dim3A_799 : vector<32x128xi1>, vector<32x128xf32>
      %max3A_801 = arith.maximumf %while3A_772, %select_n3A_800 : vector<32x128xf32>
      %jit3A_802 = arith.constant 0x7F800000 : f32
      %broadcast_in_dim3A_803 = vector.shape_cast %and3A_790 : vector<32x1xi1> to vector<32x1xi1>
      %broadcast_in_dim3A_804 = vector.broadcast %broadcast_in_dim3A_803 : vector<32x1xi1> to vector<32x128xi1>
      %broadcast_in_dim3A_805 = vector.broadcast %jit3A_802 : f32 to vector<32x128xf32>
      %select_n3A_806 = arith.select %broadcast_in_dim3A_804, %get3A_781, %broadcast_in_dim3A_805 : vector<32x128xi1>, vector<32x128xf32>
      %min3A = arith.minimumf %while3A_773, %select_n3A_806 : vector<32x128xf32>
      %jit3A_807 = arith.constant 0x7F800000 : f32
      %broadcast_in_dim3A_808 = vector.shape_cast %and3A_790 : vector<32x1xi1> to vector<32x1xi1>
      %broadcast_in_dim3A_809 = vector.broadcast %broadcast_in_dim3A_808 : vector<32x1xi1> to vector<32x128xi1>
      %broadcast_in_dim3A_810 = vector.broadcast %jit3A_807 : f32 to vector<32x128xf32>
      %select_n3A_811 = arith.select %broadcast_in_dim3A_809, %get3A_784, %broadcast_in_dim3A_810 : vector<32x128xi1>, vector<32x128xf32>
      %min3A_812 = arith.minimumf %while3A_774, %select_n3A_811 : vector<32x128xf32>
      scf.yield %max3A, %max3A_801, %min3A, %min3A_812 : vector<32x128xf32>, vector<32x128xf32>, vector<32x128xf32>, vector<32x128xf32>
    }
    %reduce_max3A = arith.constant dense<0xFF800000> : vector<128xf32>
    %reduce_max3A_68 = vector.multi_reduction <maximumf>, %while3A_67#0, %reduce_max3A [0] : vector<32x128xf32> to vector<128xf32>
    %broadcast_in_dim3A_69 = vector.shape_cast %reduce_max3A_68 : vector<128xf32> to vector<1x128xf32>
    %reduce_max3A_70 = arith.constant dense<0xFF800000> : vector<128xf32>
    %reduce_max3A_71 = vector.multi_reduction <maximumf>, %while3A_67#1, %reduce_max3A_70 [0] : vector<32x128xf32> to vector<128xf32>
    %broadcast_in_dim3A_72 = vector.shape_cast %reduce_max3A_71 : vector<128xf32> to vector<1x128xf32>
    %concatenate3A = tpu.concatenate %broadcast_in_dim3A_69, %broadcast_in_dim3A_72 in 1 : vector<1x128xf32>, vector<1x128xf32> -> vector<1x256xf32>
    %swap3A = arith.constant 0 : index
    %swap3A_73 = arith.constant 0 : index
    %swap3A_74 = vector.load %arg4[%swap3A, %swap3A_73] : memref<8x256xf32, #tpu.memory_space<vmem>>, vector<1x256xf32>
    tpu.vector_store %arg4[%swap3A, %swap3A_73], %concatenate3A {strides = array<i32>} : memref<8x256xf32, #tpu.memory_space<vmem>>, vector<1x256xf32>,
    %reduce_min3A = arith.constant dense<0x7F800000> : vector<128xf32>
    %reduce_min3A_75 = vector.multi_reduction <minimumf>, %while3A_67#2, %reduce_min3A [0] : vector<32x128xf32> to vector<128xf32>
    %broadcast_in_dim3A_76 = vector.shape_cast %reduce_min3A_75 : vector<128xf32> to vector<1x128xf32>
    %reduce_min3A_77 = arith.constant dense<0x7F800000> : vector<128xf32>
    %reduce_min3A_78 = vector.multi_reduction <minimumf>, %while3A_67#3, %reduce_min3A_77 [0] : vector<32x128xf32> to vector<128xf32>
    %broadcast_in_dim3A_79 = vector.shape_cast %reduce_min3A_78 : vector<128xf32> to vector<1x128xf32>
    %concatenate3A_80 = tpu.concatenate %broadcast_in_dim3A_76, %broadcast_in_dim3A_79 in 1 : vector<1x128xf32>, vector<1x128xf32> -> vector<1x256xf32>
    %swap3A_81 = arith.constant 0 : index
    %swap3A_82 = arith.constant 0 : index
    %swap3A_83 = vector.load %arg5[%swap3A_81, %swap3A_82] : memref<8x256xf32, #tpu.memory_space<vmem>>, vector<1x256xf32>
    tpu.vector_store %arg5[%swap3A_81, %swap3A_82], %concatenate3A_80 {strides = array<i32>} : memref<8x256xf32, #tpu.memory_space<vmem>>, vector<1x256xf32>,
    %mul3A_84 = arith.constant 8 : i32
    %mul3A_85 = arith.muli %arg0, %mul3A_84 : i32
    %add3A_86 = arith.constant 1 : i32
    %add3A_87 = arith.addi %mul3A_85, %add3A_86 : i32
    %get3A_88 = arith.constant 0 : index
    %get3A_89 = arith.index_cast %add3A_87 : i32 to index
    %get3A_90 = memref.load %arg2[%get3A_88, %get3A_89] : memref<1x64xi32, #tpu.memory_space<smem>>
    %get3A_91 = arith.constant 0 : index
    %get3A_92 = arith.index_cast %add3A_87 : i32 to index
    %get3A_93 = memref.load %arg3[%get3A_91, %get3A_92] : memref<1x64xi32, #tpu.memory_space<smem>>
    %jit3A_94 = arith.constant 8 : i32
    %div3A_95 = arith.divsi %get3A_90, %jit3A_94 : i32
    %sign3A_96 = arith.constant 0 : i32
    %sign3A_97 = arith.cmpi sgt, %get3A_90, %sign3A_96 : i32
    %sign3A_98 = arith.extui %sign3A_97 : i1 to i32
    %sign3A_99 = arith.constant 0 : i32
    %sign3A_100 = arith.cmpi slt, %get3A_90, %sign3A_99 : i32
    %sign3A_101 = arith.extui %sign3A_100 : i1 to i32
    %sign3A_102 = arith.subi %sign3A_98, %sign3A_101 : i32
    %sign3A_103 = arith.constant 0 : i32
    %sign3A_104 = arith.cmpi sgt, %jit3A_94, %sign3A_103 : i32
    %sign3A_105 = arith.extui %sign3A_104 : i1 to i32
    %sign3A_106 = arith.constant 0 : i32
    %sign3A_107 = arith.cmpi slt, %jit3A_94, %sign3A_106 : i32
    %sign3A_108 = arith.extui %sign3A_107 : i1 to i32
    %sign3A_109 = arith.subi %sign3A_105, %sign3A_108 : i32
    %ne3A_110 = arith.cmpi ne, %sign3A_102, %sign3A_109 : i32
    %rem3A_111 = arith.remsi %get3A_90, %jit3A_94 : i32
    %ne3A_112 = arith.constant 0 : i32
    %ne3A_113 = arith.cmpi ne, %rem3A_111, %ne3A_112 : i32
    %and3A_114 = arith.andi %ne3A_110, %ne3A_113 : i1
    %sub3A_115 = arith.constant 1 : i32
    %sub3A_116 = arith.subi %div3A_95, %sub3A_115 : i32
    %select_n3A_117 = arith.select %and3A_114, %sub3A_116, %div3A_95 : i32
    %mul3A_118 = arith.constant 8 : i32
    %mul3A_119 = arith.muli %select_n3A_117, %mul3A_118 : i32
    %multiple_of3A_120 = tpu.assume_multiple %mul3A_119, 8 : i32
    %add3A_121 = arith.addi %get3A_93, %get3A_90 : i32
    %sub3A_122 = arith.subi %add3A_121, %multiple_of3A_120 : i32
    %add3A_123 = arith.constant 32 : i32
    %add3A_124 = arith.addi %sub3A_122, %add3A_123 : i32
    %sub3A_125 = arith.constant 1 : i32
    %sub3A_126 = arith.subi %add3A_124, %sub3A_125 : i32
    %jit3A_127 = arith.constant 32 : i32
    %div3A_128 = arith.divsi %sub3A_126, %jit3A_127 : i32
    %sign3A_129 = arith.constant 0 : i32
    %sign3A_130 = arith.cmpi sgt, %sub3A_126, %sign3A_129 : i32
    %sign3A_131 = arith.extui %sign3A_130 : i1 to i32
    %sign3A_132 = arith.constant 0 : i32
    %sign3A_133 = arith.cmpi slt, %sub3A_126, %sign3A_132 : i32
    %sign3A_134 = arith.extui %sign3A_133 : i1 to i32
    %sign3A_135 = arith.subi %sign3A_131, %sign3A_134 : i32
    %sign3A_136 = arith.constant 0 : i32
    %sign3A_137 = arith.cmpi sgt, %jit3A_127, %sign3A_136 : i32
    %sign3A_138 = arith.extui %sign3A_137 : i1 to i32
    %sign3A_139 = arith.constant 0 : i32
    %sign3A_140 = arith.cmpi slt, %jit3A_127, %sign3A_139 : i32
    %sign3A_141 = arith.extui %sign3A_140 : i1 to i32
    %sign3A_142 = arith.subi %sign3A_138, %sign3A_141 : i32
    %ne3A_143 = arith.cmpi ne, %sign3A_135, %sign3A_142 : i32
    %rem3A_144 = arith.remsi %sub3A_126, %jit3A_127 : i32
    %ne3A_145 = arith.constant 0 : i32
    %ne3A_146 = arith.cmpi ne, %rem3A_144, %ne3A_145 : i32
    %and3A_147 = arith.andi %ne3A_143, %ne3A_146 : i1
    %sub3A_148 = arith.constant 1 : i32
    %sub3A_149 = arith.subi %div3A_128, %sub3A_148 : i32
    %select_n3A_150 = arith.select %and3A_147, %sub3A_149, %div3A_128 : i32
    %while3A_151 = arith.constant 0 : i32
    %while3A_152 = arith.subi %select_n3A_150, %while3A_151 : i32
    %while3A_153 = arith.addi %while3A_151, %while3A_152 : i32
    %while3A_154 = arith.constant 1 : i32
    %while3A_155 = arith.divsi %while3A_152, %while3A_154 : i32
    %while3A_156 = arith.muli %while3A_155, %while3A_154 : i32
    %while3A_157 = arith.addi %while3A_151, %while3A_156 : i32
    %while3A_158 = arith.constant 1 : i32
    %while3A_159:4 = scf.for %while3A_770 = %while3A_151 to %while3A_157 step %while3A_158 iter_args(%while3A_771 = %broadcast_in_dim3A_0, %while3A_772 = %broadcast_in_dim3A_0, %while3A_773 = %broadcast_in_dim3A_2, %while3A_774 = %broadcast_in_dim3A_2) -> (vector<32x128xf32>, vector<32x128xf32>, vector<32x128xf32>, vector<32x128xf32>)  : i32 {
      %mul3A_775 = arith.constant 32 : i32
      %mul3A_776 = arith.muli %while3A_770, %mul3A_775 : i32
      %add3A_777 = arith.addi %multiple_of3A_120, %mul3A_776 : i32
      %multiple_of3A_778 = tpu.assume_multiple %add3A_777, 8 : i32
      %get3A_779 = arith.index_cast %multiple_of3A_778 : i32 to index
      %get3A_780 = arith.constant 0 : index
      %get3A_781 = vector.load %arg1[%get3A_779, %get3A_780] : memref<10240x256xf32, #tpu.memory_space<vmem>>, vector<32x128xf32>
      %get3A_782 = arith.index_cast %multiple_of3A_778 : i32 to index
      %get3A_783 = arith.constant 128 : index
      %get3A_784 = vector.load %arg1[%get3A_782, %get3A_783] : memref<10240x256xf32, #tpu.memory_space<vmem>>, vector<32x128xf32>
      %iota3A = tpu.iota {dimensions = array<i32: 0>} : vector<32x1xi32>
      %add3A_785 = vector.broadcast %multiple_of3A_778 : i32 to vector<32x1xi32>
      %add3A_786 = arith.addi %add3A_785, %iota3A : vector<32x1xi32>
      %ge3A = vector.broadcast %get3A_90 : i32 to vector<32x1xi32>
      %ge3A_787 = arith.cmpi sge, %add3A_786, %ge3A : vector<32x1xi32>
      %add3A_788 = arith.addi %get3A_90, %get3A_93 : i32
      %lt3A = vector.broadcast %add3A_788 : i32 to vector<32x1xi32>
      %lt3A_789 = arith.cmpi slt, %add3A_786, %lt3A : vector<32x1xi32>
      %and3A_790 = arith.andi %ge3A_787, %lt3A_789 : vector<32x1xi1>
      %jit3A_791 = arith.constant 0xFF800000 : f32
      %broadcast_in_dim3A_792 = vector.shape_cast %and3A_790 : vector<32x1xi1> to vector<32x1xi1>
      %broadcast_in_dim3A_793 = vector.broadcast %broadcast_in_dim3A_792 : vector<32x1xi1> to vector<32x128xi1>
      %broadcast_in_dim3A_794 = vector.broadcast %jit3A_791 : f32 to vector<32x128xf32>
      %select_n3A_795 = arith.select %broadcast_in_dim3A_793, %get3A_781, %broadcast_in_dim3A_794 : vector<32x128xi1>, vector<32x128xf32>
      %max3A = arith.maximumf %while3A_771, %select_n3A_795 : vector<32x128xf32>
      %jit3A_796 = arith.constant 0xFF800000 : f32
      %broadcast_in_dim3A_797 = vector.shape_cast %and3A_790 : vector<32x1xi1> to vector<32x1xi1>
      %broadcast_in_dim3A_798 = vector.broadcast %broadcast_in_dim3A_797 : vector<32x1xi1> to vector<32x128xi1>
      %broadcast_in_dim3A_799 = vector.broadcast %jit3A_796 : f32 to vector<32x128xf32>
      %select_n3A_800 = arith.select %broadcast_in_dim3A_798, %get3A_784, %broadcast_in_dim3A_799 : vector<32x128xi1>, vector<32x128xf32>
      %max3A_801 = arith.maximumf %while3A_772, %select_n3A_800 : vector<32x128xf32>
      %jit3A_802 = arith.constant 0x7F800000 : f32
      %broadcast_in_dim3A_803 = vector.shape_cast %and3A_790 : vector<32x1xi1> to vector<32x1xi1>
      %broadcast_in_dim3A_804 = vector.broadcast %broadcast_in_dim3A_803 : vector<32x1xi1> to vector<32x128xi1>
      %broadcast_in_dim3A_805 = vector.broadcast %jit3A_802 : f32 to vector<32x128xf32>
      %select_n3A_806 = arith.select %broadcast_in_dim3A_804, %get3A_781, %broadcast_in_dim3A_805 : vector<32x128xi1>, vector<32x128xf32>
      %min3A = arith.minimumf %while3A_773, %select_n3A_806 : vector<32x128xf32>
      %jit3A_807 = arith.constant 0x7F800000 : f32
      %broadcast_in_dim3A_808 = vector.shape_cast %and3A_790 : vector<32x1xi1> to vector<32x1xi1>
      %broadcast_in_dim3A_809 = vector.broadcast %broadcast_in_dim3A_808 : vector<32x1xi1> to vector<32x128xi1>
      %broadcast_in_dim3A_810 = vector.broadcast %jit3A_807 : f32 to vector<32x128xf32>
      %select_n3A_811 = arith.select %broadcast_in_dim3A_809, %get3A_784, %broadcast_in_dim3A_810 : vector<32x128xi1>, vector<32x128xf32>
      %min3A_812 = arith.minimumf %while3A_774, %select_n3A_811 : vector<32x128xf32>
      scf.yield %max3A, %max3A_801, %min3A, %min3A_812 : vector<32x128xf32>, vector<32x128xf32>, vector<32x128xf32>, vector<32x128xf32>
    }
    %while3A_160 = arith.constant 1 : i32
    %while3A_161:4 = scf.for %while3A_770 = %while3A_157 to %while3A_153 step %while3A_160 iter_args(%while3A_771 = %while3A_159#0, %while3A_772 = %while3A_159#1, %while3A_773 = %while3A_159#2, %while3A_774 = %while3A_159#3) -> (vector<32x128xf32>, vector<32x128xf32>, vector<32x128xf32>, vector<32x128xf32>)  : i32 {
      %mul3A_775 = arith.constant 32 : i32
      %mul3A_776 = arith.muli %while3A_770, %mul3A_775 : i32
      %add3A_777 = arith.addi %multiple_of3A_120, %mul3A_776 : i32
      %multiple_of3A_778 = tpu.assume_multiple %add3A_777, 8 : i32
      %get3A_779 = arith.index_cast %multiple_of3A_778 : i32 to index
      %get3A_780 = arith.constant 0 : index
      %get3A_781 = vector.load %arg1[%get3A_779, %get3A_780] : memref<10240x256xf32, #tpu.memory_space<vmem>>, vector<32x128xf32>
      %get3A_782 = arith.index_cast %multiple_of3A_778 : i32 to index
      %get3A_783 = arith.constant 128 : index
      %get3A_784 = vector.load %arg1[%get3A_782, %get3A_783] : memref<10240x256xf32, #tpu.memory_space<vmem>>, vector<32x128xf32>
      %iota3A = tpu.iota {dimensions = array<i32: 0>} : vector<32x1xi32>
      %add3A_785 = vector.broadcast %multiple_of3A_778 : i32 to vector<32x1xi32>
      %add3A_786 = arith.addi %add3A_785, %iota3A : vector<32x1xi32>
      %ge3A = vector.broadcast %get3A_90 : i32 to vector<32x1xi32>
      %ge3A_787 = arith.cmpi sge, %add3A_786, %ge3A : vector<32x1xi32>
      %add3A_788 = arith.addi %get3A_90, %get3A_93 : i32
      %lt3A = vector.broadcast %add3A_788 : i32 to vector<32x1xi32>
      %lt3A_789 = arith.cmpi slt, %add3A_786, %lt3A : vector<32x1xi32>
      %and3A_790 = arith.andi %ge3A_787, %lt3A_789 : vector<32x1xi1>
      %jit3A_791 = arith.constant 0xFF800000 : f32
      %broadcast_in_dim3A_792 = vector.shape_cast %and3A_790 : vector<32x1xi1> to vector<32x1xi1>
      %broadcast_in_dim3A_793 = vector.broadcast %broadcast_in_dim3A_792 : vector<32x1xi1> to vector<32x128xi1>
      %broadcast_in_dim3A_794 = vector.broadcast %jit3A_791 : f32 to vector<32x128xf32>
      %select_n3A_795 = arith.select %broadcast_in_dim3A_793, %get3A_781, %broadcast_in_dim3A_794 : vector<32x128xi1>, vector<32x128xf32>
      %max3A = arith.maximumf %while3A_771, %select_n3A_795 : vector<32x128xf32>
      %jit3A_796 = arith.constant 0xFF800000 : f32
      %broadcast_in_dim3A_797 = vector.shape_cast %and3A_790 : vector<32x1xi1> to vector<32x1xi1>
      %broadcast_in_dim3A_798 = vector.broadcast %broadcast_in_dim3A_797 : vector<32x1xi1> to vector<32x128xi1>
      %broadcast_in_dim3A_799 = vector.broadcast %jit3A_796 : f32 to vector<32x128xf32>
      %select_n3A_800 = arith.select %broadcast_in_dim3A_798, %get3A_784, %broadcast_in_dim3A_799 : vector<32x128xi1>, vector<32x128xf32>
      %max3A_801 = arith.maximumf %while3A_772, %select_n3A_800 : vector<32x128xf32>
      %jit3A_802 = arith.constant 0x7F800000 : f32
      %broadcast_in_dim3A_803 = vector.shape_cast %and3A_790 : vector<32x1xi1> to vector<32x1xi1>
      %broadcast_in_dim3A_804 = vector.broadcast %broadcast_in_dim3A_803 : vector<32x1xi1> to vector<32x128xi1>
      %broadcast_in_dim3A_805 = vector.broadcast %jit3A_802 : f32 to vector<32x128xf32>
      %select_n3A_806 = arith.select %broadcast_in_dim3A_804, %get3A_781, %broadcast_in_dim3A_805 : vector<32x128xi1>, vector<32x128xf32>
      %min3A = arith.minimumf %while3A_773, %select_n3A_806 : vector<32x128xf32>
      %jit3A_807 = arith.constant 0x7F800000 : f32
      %broadcast_in_dim3A_808 = vector.shape_cast %and3A_790 : vector<32x1xi1> to vector<32x1xi1>
      %broadcast_in_dim3A_809 = vector.broadcast %broadcast_in_dim3A_808 : vector<32x1xi1> to vector<32x128xi1>
      %broadcast_in_dim3A_810 = vector.broadcast %jit3A_807 : f32 to vector<32x128xf32>
      %select_n3A_811 = arith.select %broadcast_in_dim3A_809, %get3A_784, %broadcast_in_dim3A_810 : vector<32x128xi1>, vector<32x128xf32>
      %min3A_812 = arith.minimumf %while3A_774, %select_n3A_811 : vector<32x128xf32>
      scf.yield %max3A, %max3A_801, %min3A, %min3A_812 : vector<32x128xf32>, vector<32x128xf32>, vector<32x128xf32>, vector<32x128xf32>
    }
    %reduce_max3A_162 = arith.constant dense<0xFF800000> : vector<128xf32>
    %reduce_max3A_163 = vector.multi_reduction <maximumf>, %while3A_161#0, %reduce_max3A_162 [0] : vector<32x128xf32> to vector<128xf32>
    %broadcast_in_dim3A_164 = vector.shape_cast %reduce_max3A_163 : vector<128xf32> to vector<1x128xf32>
    %reduce_max3A_165 = arith.constant dense<0xFF800000> : vector<128xf32>
    %reduce_max3A_166 = vector.multi_reduction <maximumf>, %while3A_161#1, %reduce_max3A_165 [0] : vector<32x128xf32> to vector<128xf32>
    %broadcast_in_dim3A_167 = vector.shape_cast %reduce_max3A_166 : vector<128xf32> to vector<1x128xf32>
    %concatenate3A_168 = tpu.concatenate %broadcast_in_dim3A_164, %broadcast_in_dim3A_167 in 1 : vector<1x128xf32>, vector<1x128xf32> -> vector<1x256xf32>
    %swap3A_169 = arith.constant 1 : index
    %swap3A_170 = arith.constant 0 : index
    %swap3A_171 = vector.load %arg4[%swap3A_169, %swap3A_170] : memref<8x256xf32, #tpu.memory_space<vmem>>, vector<1x256xf32>
    tpu.vector_store %arg4[%swap3A_169, %swap3A_170], %concatenate3A_168 {strides = array<i32>} : memref<8x256xf32, #tpu.memory_space<vmem>>, vector<1x256xf32>,
    %reduce_min3A_172 = arith.constant dense<0x7F800000> : vector<128xf32>
    %reduce_min3A_173 = vector.multi_reduction <minimumf>, %while3A_161#2, %reduce_min3A_172 [0] : vector<32x128xf32> to vector<128xf32>
    %broadcast_in_dim3A_174 = vector.shape_cast %reduce_min3A_173 : vector<128xf32> to vector<1x128xf32>
    %reduce_min3A_175 = arith.constant dense<0x7F800000> : vector<128xf32>
    %reduce_min3A_176 = vector.multi_reduction <minimumf>, %while3A_161#3, %reduce_min3A_175 [0] : vector<32x128xf32> to vector<128xf32>
    %broadcast_in_dim3A_177 = vector.shape_cast %reduce_min3A_176 : vector<128xf32> to vector<1x128xf32>
    %concatenate3A_178 = tpu.concatenate %broadcast_in_dim3A_174, %broadcast_in_dim3A_177 in 1 : vector<1x128xf32>, vector<1x128xf32> -> vector<1x256xf32>
    %swap3A_179 = arith.constant 1 : index
    %swap3A_180 = arith.constant 0 : index
    %swap3A_181 = vector.load %arg5[%swap3A_179, %swap3A_180] : memref<8x256xf32, #tpu.memory_space<vmem>>, vector<1x256xf32>
    tpu.vector_store %arg5[%swap3A_179, %swap3A_180], %concatenate3A_178 {strides = array<i32>} : memref<8x256xf32, #tpu.memory_space<vmem>>, vector<1x256xf32>,
    %mul3A_182 = arith.constant 8 : i32
    %mul3A_183 = arith.muli %arg0, %mul3A_182 : i32
    %add3A_184 = arith.constant 2 : i32
    %add3A_185 = arith.addi %mul3A_183, %add3A_184 : i32
    %get3A_186 = arith.constant 0 : index
    %get3A_187 = arith.index_cast %add3A_185 : i32 to index
    %get3A_188 = memref.load %arg2[%get3A_186, %get3A_187] : memref<1x64xi32, #tpu.memory_space<smem>>
    %get3A_189 = arith.constant 0 : index
    %get3A_190 = arith.index_cast %add3A_185 : i32 to index
    %get3A_191 = memref.load %arg3[%get3A_189, %get3A_190] : memref<1x64xi32, #tpu.memory_space<smem>>
    %jit3A_192 = arith.constant 8 : i32
    %div3A_193 = arith.divsi %get3A_188, %jit3A_192 : i32
    %sign3A_194 = arith.constant 0 : i32
    %sign3A_195 = arith.cmpi sgt, %get3A_188, %sign3A_194 : i32
    %sign3A_196 = arith.extui %sign3A_195 : i1 to i32
    %sign3A_197 = arith.constant 0 : i32
    %sign3A_198 = arith.cmpi slt, %get3A_188, %sign3A_197 : i32
    %sign3A_199 = arith.extui %sign3A_198 : i1 to i32
    %sign3A_200 = arith.subi %sign3A_196, %sign3A_199 : i32
    %sign3A_201 = arith.constant 0 : i32
    %sign3A_202 = arith.cmpi sgt, %jit3A_192, %sign3A_201 : i32
    %sign3A_203 = arith.extui %sign3A_202 : i1 to i32
    %sign3A_204 = arith.constant 0 : i32
    %sign3A_205 = arith.cmpi slt, %jit3A_192, %sign3A_204 : i32
    %sign3A_206 = arith.extui %sign3A_205 : i1 to i32
    %sign3A_207 = arith.subi %sign3A_203, %sign3A_206 : i32
    %ne3A_208 = arith.cmpi ne, %sign3A_200, %sign3A_207 : i32
    %rem3A_209 = arith.remsi %get3A_188, %jit3A_192 : i32
    %ne3A_210 = arith.constant 0 : i32
    %ne3A_211 = arith.cmpi ne, %rem3A_209, %ne3A_210 : i32
    %and3A_212 = arith.andi %ne3A_208, %ne3A_211 : i1
    %sub3A_213 = arith.constant 1 : i32
    %sub3A_214 = arith.subi %div3A_193, %sub3A_213 : i32
    %select_n3A_215 = arith.select %and3A_212, %sub3A_214, %div3A_193 : i32
    %mul3A_216 = arith.constant 8 : i32
    %mul3A_217 = arith.muli %select_n3A_215, %mul3A_216 : i32
    %multiple_of3A_218 = tpu.assume_multiple %mul3A_217, 8 : i32
    %add3A_219 = arith.addi %get3A_191, %get3A_188 : i32
    %sub3A_220 = arith.subi %add3A_219, %multiple_of3A_218 : i32
    %add3A_221 = arith.constant 32 : i32
    %add3A_222 = arith.addi %sub3A_220, %add3A_221 : i32
    %sub3A_223 = arith.constant 1 : i32
    %sub3A_224 = arith.subi %add3A_222, %sub3A_223 : i32
    %jit3A_225 = arith.constant 32 : i32
    %div3A_226 = arith.divsi %sub3A_224, %jit3A_225 : i32
    %sign3A_227 = arith.constant 0 : i32
    %sign3A_228 = arith.cmpi sgt, %sub3A_224, %sign3A_227 : i32
    %sign3A_229 = arith.extui %sign3A_228 : i1 to i32
    %sign3A_230 = arith.constant 0 : i32
    %sign3A_231 = arith.cmpi slt, %sub3A_224, %sign3A_230 : i32
    %sign3A_232 = arith.extui %sign3A_231 : i1 to i32
    %sign3A_233 = arith.subi %sign3A_229, %sign3A_232 : i32
    %sign3A_234 = arith.constant 0 : i32
    %sign3A_235 = arith.cmpi sgt, %jit3A_225, %sign3A_234 : i32
    %sign3A_236 = arith.extui %sign3A_235 : i1 to i32
    %sign3A_237 = arith.constant 0 : i32
    %sign3A_238 = arith.cmpi slt, %jit3A_225, %sign3A_237 : i32
    %sign3A_239 = arith.extui %sign3A_238 : i1 to i32
    %sign3A_240 = arith.subi %sign3A_236, %sign3A_239 : i32
    %ne3A_241 = arith.cmpi ne, %sign3A_233, %sign3A_240 : i32
    %rem3A_242 = arith.remsi %sub3A_224, %jit3A_225 : i32
    %ne3A_243 = arith.constant 0 : i32
    %ne3A_244 = arith.cmpi ne, %rem3A_242, %ne3A_243 : i32
    %and3A_245 = arith.andi %ne3A_241, %ne3A_244 : i1
    %sub3A_246 = arith.constant 1 : i32
    %sub3A_247 = arith.subi %div3A_226, %sub3A_246 : i32
    %select_n3A_248 = arith.select %and3A_245, %sub3A_247, %div3A_226 : i32
    %while3A_249 = arith.constant 0 : i32
    %while3A_250 = arith.subi %select_n3A_248, %while3A_249 : i32
    %while3A_251 = arith.addi %while3A_249, %while3A_250 : i32
    %while3A_252 = arith.constant 1 : i32
    %while3A_253 = arith.divsi %while3A_250, %while3A_252 : i32
    %while3A_254 = arith.muli %while3A_253, %while3A_252 : i32
    %while3A_255 = arith.addi %while3A_249, %while3A_254 : i32
    %while3A_256 = arith.constant 1 : i32
    %while3A_257:4 = scf.for %while3A_770 = %while3A_249 to %while3A_255 step %while3A_256 iter_args(%while3A_771 = %broadcast_in_dim3A_0, %while3A_772 = %broadcast_in_dim3A_0, %while3A_773 = %broadcast_in_dim3A_2, %while3A_774 = %broadcast_in_dim3A_2) -> (vector<32x128xf32>, vector<32x128xf32>, vector<32x128xf32>, vector<32x128xf32>)  : i32 {
      %mul3A_775 = arith.constant 32 : i32
      %mul3A_776 = arith.muli %while3A_770, %mul3A_775 : i32
      %add3A_777 = arith.addi %multiple_of3A_218, %mul3A_776 : i32
      %multiple_of3A_778 = tpu.assume_multiple %add3A_777, 8 : i32
      %get3A_779 = arith.index_cast %multiple_of3A_778 : i32 to index
      %get3A_780 = arith.constant 0 : index
      %get3A_781 = vector.load %arg1[%get3A_779, %get3A_780] : memref<10240x256xf32, #tpu.memory_space<vmem>>, vector<32x128xf32>
      %get3A_782 = arith.index_cast %multiple_of3A_778 : i32 to index
      %get3A_783 = arith.constant 128 : index
      %get3A_784 = vector.load %arg1[%get3A_782, %get3A_783] : memref<10240x256xf32, #tpu.memory_space<vmem>>, vector<32x128xf32>
      %iota3A = tpu.iota {dimensions = array<i32: 0>} : vector<32x1xi32>
      %add3A_785 = vector.broadcast %multiple_of3A_778 : i32 to vector<32x1xi32>
      %add3A_786 = arith.addi %add3A_785, %iota3A : vector<32x1xi32>
      %ge3A = vector.broadcast %get3A_188 : i32 to vector<32x1xi32>
      %ge3A_787 = arith.cmpi sge, %add3A_786, %ge3A : vector<32x1xi32>
      %add3A_788 = arith.addi %get3A_188, %get3A_191 : i32
      %lt3A = vector.broadcast %add3A_788 : i32 to vector<32x1xi32>
      %lt3A_789 = arith.cmpi slt, %add3A_786, %lt3A : vector<32x1xi32>
      %and3A_790 = arith.andi %ge3A_787, %lt3A_789 : vector<32x1xi1>
      %jit3A_791 = arith.constant 0xFF800000 : f32
      %broadcast_in_dim3A_792 = vector.shape_cast %and3A_790 : vector<32x1xi1> to vector<32x1xi1>
      %broadcast_in_dim3A_793 = vector.broadcast %broadcast_in_dim3A_792 : vector<32x1xi1> to vector<32x128xi1>
      %broadcast_in_dim3A_794 = vector.broadcast %jit3A_791 : f32 to vector<32x128xf32>
      %select_n3A_795 = arith.select %broadcast_in_dim3A_793, %get3A_781, %broadcast_in_dim3A_794 : vector<32x128xi1>, vector<32x128xf32>
      %max3A = arith.maximumf %while3A_771, %select_n3A_795 : vector<32x128xf32>
      %jit3A_796 = arith.constant 0xFF800000 : f32
      %broadcast_in_dim3A_797 = vector.shape_cast %and3A_790 : vector<32x1xi1> to vector<32x1xi1>
      %broadcast_in_dim3A_798 = vector.broadcast %broadcast_in_dim3A_797 : vector<32x1xi1> to vector<32x128xi1>
      %broadcast_in_dim3A_799 = vector.broadcast %jit3A_796 : f32 to vector<32x128xf32>
      %select_n3A_800 = arith.select %broadcast_in_dim3A_798, %get3A_784, %broadcast_in_dim3A_799 : vector<32x128xi1>, vector<32x128xf32>
      %max3A_801 = arith.maximumf %while3A_772, %select_n3A_800 : vector<32x128xf32>
      %jit3A_802 = arith.constant 0x7F800000 : f32
      %broadcast_in_dim3A_803 = vector.shape_cast %and3A_790 : vector<32x1xi1> to vector<32x1xi1>
      %broadcast_in_dim3A_804 = vector.broadcast %broadcast_in_dim3A_803 : vector<32x1xi1> to vector<32x128xi1>
      %broadcast_in_dim3A_805 = vector.broadcast %jit3A_802 : f32 to vector<32x128xf32>
      %select_n3A_806 = arith.select %broadcast_in_dim3A_804, %get3A_781, %broadcast_in_dim3A_805 : vector<32x128xi1>, vector<32x128xf32>
      %min3A = arith.minimumf %while3A_773, %select_n3A_806 : vector<32x128xf32>
      %jit3A_807 = arith.constant 0x7F800000 : f32
      %broadcast_in_dim3A_808 = vector.shape_cast %and3A_790 : vector<32x1xi1> to vector<32x1xi1>
      %broadcast_in_dim3A_809 = vector.broadcast %broadcast_in_dim3A_808 : vector<32x1xi1> to vector<32x128xi1>
      %broadcast_in_dim3A_810 = vector.broadcast %jit3A_807 : f32 to vector<32x128xf32>
      %select_n3A_811 = arith.select %broadcast_in_dim3A_809, %get3A_784, %broadcast_in_dim3A_810 : vector<32x128xi1>, vector<32x128xf32>
      %min3A_812 = arith.minimumf %while3A_774, %select_n3A_811 : vector<32x128xf32>
      scf.yield %max3A, %max3A_801, %min3A, %min3A_812 : vector<32x128xf32>, vector<32x128xf32>, vector<32x128xf32>, vector<32x128xf32>
    }
    %while3A_258 = arith.constant 1 : i32
    %while3A_259:4 = scf.for %while3A_770 = %while3A_255 to %while3A_251 step %while3A_258 iter_args(%while3A_771 = %while3A_257#0, %while3A_772 = %while3A_257#1, %while3A_773 = %while3A_257#2, %while3A_774 = %while3A_257#3) -> (vector<32x128xf32>, vector<32x128xf32>, vector<32x128xf32>, vector<32x128xf32>)  : i32 {
      %mul3A_775 = arith.constant 32 : i32
      %mul3A_776 = arith.muli %while3A_770, %mul3A_775 : i32
      %add3A_777 = arith.addi %multiple_of3A_218, %mul3A_776 : i32
      %multiple_of3A_778 = tpu.assume_multiple %add3A_777, 8 : i32
      %get3A_779 = arith.index_cast %multiple_of3A_778 : i32 to index
      %get3A_780 = arith.constant 0 : index
      %get3A_781 = vector.load %arg1[%get3A_779, %get3A_780] : memref<10240x256xf32, #tpu.memory_space<vmem>>, vector<32x128xf32>
      %get3A_782 = arith.index_cast %multiple_of3A_778 : i32 to index
      %get3A_783 = arith.constant 128 : index
      %get3A_784 = vector.load %arg1[%get3A_782, %get3A_783] : memref<10240x256xf32, #tpu.memory_space<vmem>>, vector<32x128xf32>
      %iota3A = tpu.iota {dimensions = array<i32: 0>} : vector<32x1xi32>
      %add3A_785 = vector.broadcast %multiple_of3A_778 : i32 to vector<32x1xi32>
      %add3A_786 = arith.addi %add3A_785, %iota3A : vector<32x1xi32>
      %ge3A = vector.broadcast %get3A_188 : i32 to vector<32x1xi32>
      %ge3A_787 = arith.cmpi sge, %add3A_786, %ge3A : vector<32x1xi32>
      %add3A_788 = arith.addi %get3A_188, %get3A_191 : i32
      %lt3A = vector.broadcast %add3A_788 : i32 to vector<32x1xi32>
      %lt3A_789 = arith.cmpi slt, %add3A_786, %lt3A : vector<32x1xi32>
      %and3A_790 = arith.andi %ge3A_787, %lt3A_789 : vector<32x1xi1>
      %jit3A_791 = arith.constant 0xFF800000 : f32
      %broadcast_in_dim3A_792 = vector.shape_cast %and3A_790 : vector<32x1xi1> to vector<32x1xi1>
      %broadcast_in_dim3A_793 = vector.broadcast %broadcast_in_dim3A_792 : vector<32x1xi1> to vector<32x128xi1>
      %broadcast_in_dim3A_794 = vector.broadcast %jit3A_791 : f32 to vector<32x128xf32>
      %select_n3A_795 = arith.select %broadcast_in_dim3A_793, %get3A_781, %broadcast_in_dim3A_794 : vector<32x128xi1>, vector<32x128xf32>
      %max3A = arith.maximumf %while3A_771, %select_n3A_795 : vector<32x128xf32>
      %jit3A_796 = arith.constant 0xFF800000 : f32
      %broadcast_in_dim3A_797 = vector.shape_cast %and3A_790 : vector<32x1xi1> to vector<32x1xi1>
      %broadcast_in_dim3A_798 = vector.broadcast %broadcast_in_dim3A_797 : vector<32x1xi1> to vector<32x128xi1>
      %broadcast_in_dim3A_799 = vector.broadcast %jit3A_796 : f32 to vector<32x128xf32>
      %select_n3A_800 = arith.select %broadcast_in_dim3A_798, %get3A_784, %broadcast_in_dim3A_799 : vector<32x128xi1>, vector<32x128xf32>
      %max3A_801 = arith.maximumf %while3A_772, %select_n3A_800 : vector<32x128xf32>
      %jit3A_802 = arith.constant 0x7F800000 : f32
      %broadcast_in_dim3A_803 = vector.shape_cast %and3A_790 : vector<32x1xi1> to vector<32x1xi1>
      %broadcast_in_dim3A_804 = vector.broadcast %broadcast_in_dim3A_803 : vector<32x1xi1> to vector<32x128xi1>
      %broadcast_in_dim3A_805 = vector.broadcast %jit3A_802 : f32 to vector<32x128xf32>
      %select_n3A_806 = arith.select %broadcast_in_dim3A_804, %get3A_781, %broadcast_in_dim3A_805 : vector<32x128xi1>, vector<32x128xf32>
      %min3A = arith.minimumf %while3A_773, %select_n3A_806 : vector<32x128xf32>
      %jit3A_807 = arith.constant 0x7F800000 : f32
      %broadcast_in_dim3A_808 = vector.shape_cast %and3A_790 : vector<32x1xi1> to vector<32x1xi1>
      %broadcast_in_dim3A_809 = vector.broadcast %broadcast_in_dim3A_808 : vector<32x1xi1> to vector<32x128xi1>
      %broadcast_in_dim3A_810 = vector.broadcast %jit3A_807 : f32 to vector<32x128xf32>
      %select_n3A_811 = arith.select %broadcast_in_dim3A_809, %get3A_784, %broadcast_in_dim3A_810 : vector<32x128xi1>, vector<32x128xf32>
      %min3A_812 = arith.minimumf %while3A_774, %select_n3A_811 : vector<32x128xf32>
      scf.yield %max3A, %max3A_801, %min3A, %min3A_812 : vector<32x128xf32>, vector<32x128xf32>, vector<32x128xf32>, vector<32x128xf32>
    }
    %reduce_max3A_260 = arith.constant dense<0xFF800000> : vector<128xf32>
    %reduce_max3A_261 = vector.multi_reduction <maximumf>, %while3A_259#0, %reduce_max3A_260 [0] : vector<32x128xf32> to vector<128xf32>
    %broadcast_in_dim3A_262 = vector.shape_cast %reduce_max3A_261 : vector<128xf32> to vector<1x128xf32>
    %reduce_max3A_263 = arith.constant dense<0xFF800000> : vector<128xf32>
    %reduce_max3A_264 = vector.multi_reduction <maximumf>, %while3A_259#1, %reduce_max3A_263 [0] : vector<32x128xf32> to vector<128xf32>
    %broadcast_in_dim3A_265 = vector.shape_cast %reduce_max3A_264 : vector<128xf32> to vector<1x128xf32>
    %concatenate3A_266 = tpu.concatenate %broadcast_in_dim3A_262, %broadcast_in_dim3A_265 in 1 : vector<1x128xf32>, vector<1x128xf32> -> vector<1x256xf32>
    %swap3A_267 = arith.constant 2 : index
    %swap3A_268 = arith.constant 0 : index
    %swap3A_269 = vector.load %arg4[%swap3A_267, %swap3A_268] : memref<8x256xf32, #tpu.memory_space<vmem>>, vector<1x256xf32>
    tpu.vector_store %arg4[%swap3A_267, %swap3A_268], %concatenate3A_266 {strides = array<i32>} : memref<8x256xf32, #tpu.memory_space<vmem>>, vector<1x256xf32>,
    %reduce_min3A_270 = arith.constant dense<0x7F800000> : vector<128xf32>
    %reduce_min3A_271 = vector.multi_reduction <minimumf>, %while3A_259#2, %reduce_min3A_270 [0] : vector<32x128xf32> to vector<128xf32>
    %broadcast_in_dim3A_272 = vector.shape_cast %reduce_min3A_271 : vector<128xf32> to vector<1x128xf32>
    %reduce_min3A_273 = arith.constant dense<0x7F800000> : vector<128xf32>
    %reduce_min3A_274 = vector.multi_reduction <minimumf>, %while3A_259#3, %reduce_min3A_273 [0] : vector<32x128xf32> to vector<128xf32>
    %broadcast_in_dim3A_275 = vector.shape_cast %reduce_min3A_274 : vector<128xf32> to vector<1x128xf32>
    %concatenate3A_276 = tpu.concatenate %broadcast_in_dim3A_272, %broadcast_in_dim3A_275 in 1 : vector<1x128xf32>, vector<1x128xf32> -> vector<1x256xf32>
    %swap3A_277 = arith.constant 2 : index
    %swap3A_278 = arith.constant 0 : index
    %swap3A_279 = vector.load %arg5[%swap3A_277, %swap3A_278] : memref<8x256xf32, #tpu.memory_space<vmem>>, vector<1x256xf32>
    tpu.vector_store %arg5[%swap3A_277, %swap3A_278], %concatenate3A_276 {strides = array<i32>} : memref<8x256xf32, #tpu.memory_space<vmem>>, vector<1x256xf32>,
    %mul3A_280 = arith.constant 8 : i32
    %mul3A_281 = arith.muli %arg0, %mul3A_280 : i32
    %add3A_282 = arith.constant 3 : i32
    %add3A_283 = arith.addi %mul3A_281, %add3A_282 : i32
    %get3A_284 = arith.constant 0 : index
    %get3A_285 = arith.index_cast %add3A_283 : i32 to index
    %get3A_286 = memref.load %arg2[%get3A_284, %get3A_285] : memref<1x64xi32, #tpu.memory_space<smem>>
    %get3A_287 = arith.constant 0 : index
    %get3A_288 = arith.index_cast %add3A_283 : i32 to index
    %get3A_289 = memref.load %arg3[%get3A_287, %get3A_288] : memref<1x64xi32, #tpu.memory_space<smem>>
    %jit3A_290 = arith.constant 8 : i32
    %div3A_291 = arith.divsi %get3A_286, %jit3A_290 : i32
    %sign3A_292 = arith.constant 0 : i32
    %sign3A_293 = arith.cmpi sgt, %get3A_286, %sign3A_292 : i32
    %sign3A_294 = arith.extui %sign3A_293 : i1 to i32
    %sign3A_295 = arith.constant 0 : i32
    %sign3A_296 = arith.cmpi slt, %get3A_286, %sign3A_295 : i32
    %sign3A_297 = arith.extui %sign3A_296 : i1 to i32
    %sign3A_298 = arith.subi %sign3A_294, %sign3A_297 : i32
    %sign3A_299 = arith.constant 0 : i32
    %sign3A_300 = arith.cmpi sgt, %jit3A_290, %sign3A_299 : i32
    %sign3A_301 = arith.extui %sign3A_300 : i1 to i32
    %sign3A_302 = arith.constant 0 : i32
    %sign3A_303 = arith.cmpi slt, %jit3A_290, %sign3A_302 : i32
    %sign3A_304 = arith.extui %sign3A_303 : i1 to i32
    %sign3A_305 = arith.subi %sign3A_301, %sign3A_304 : i32
    %ne3A_306 = arith.cmpi ne, %sign3A_298, %sign3A_305 : i32
    %rem3A_307 = arith.remsi %get3A_286, %jit3A_290 : i32
    %ne3A_308 = arith.constant 0 : i32
    %ne3A_309 = arith.cmpi ne, %rem3A_307, %ne3A_308 : i32
    %and3A_310 = arith.andi %ne3A_306, %ne3A_309 : i1
    %sub3A_311 = arith.constant 1 : i32
    %sub3A_312 = arith.subi %div3A_291, %sub3A_311 : i32
    %select_n3A_313 = arith.select %and3A_310, %sub3A_312, %div3A_291 : i32
    %mul3A_314 = arith.constant 8 : i32
    %mul3A_315 = arith.muli %select_n3A_313, %mul3A_314 : i32
    %multiple_of3A_316 = tpu.assume_multiple %mul3A_315, 8 : i32
    %add3A_317 = arith.addi %get3A_289, %get3A_286 : i32
    %sub3A_318 = arith.subi %add3A_317, %multiple_of3A_316 : i32
    %add3A_319 = arith.constant 32 : i32
    %add3A_320 = arith.addi %sub3A_318, %add3A_319 : i32
    %sub3A_321 = arith.constant 1 : i32
    %sub3A_322 = arith.subi %add3A_320, %sub3A_321 : i32
    %jit3A_323 = arith.constant 32 : i32
    %div3A_324 = arith.divsi %sub3A_322, %jit3A_323 : i32
    %sign3A_325 = arith.constant 0 : i32
    %sign3A_326 = arith.cmpi sgt, %sub3A_322, %sign3A_325 : i32
    %sign3A_327 = arith.extui %sign3A_326 : i1 to i32
    %sign3A_328 = arith.constant 0 : i32
    %sign3A_329 = arith.cmpi slt, %sub3A_322, %sign3A_328 : i32
    %sign3A_330 = arith.extui %sign3A_329 : i1 to i32
    %sign3A_331 = arith.subi %sign3A_327, %sign3A_330 : i32
    %sign3A_332 = arith.constant 0 : i32
    %sign3A_333 = arith.cmpi sgt, %jit3A_323, %sign3A_332 : i32
    %sign3A_334 = arith.extui %sign3A_333 : i1 to i32
    %sign3A_335 = arith.constant 0 : i32
    %sign3A_336 = arith.cmpi slt, %jit3A_323, %sign3A_335 : i32
    %sign3A_337 = arith.extui %sign3A_336 : i1 to i32
    %sign3A_338 = arith.subi %sign3A_334, %sign3A_337 : i32
    %ne3A_339 = arith.cmpi ne, %sign3A_331, %sign3A_338 : i32
    %rem3A_340 = arith.remsi %sub3A_322, %jit3A_323 : i32
    %ne3A_341 = arith.constant 0 : i32
    %ne3A_342 = arith.cmpi ne, %rem3A_340, %ne3A_341 : i32
    %and3A_343 = arith.andi %ne3A_339, %ne3A_342 : i1
    %sub3A_344 = arith.constant 1 : i32
    %sub3A_345 = arith.subi %div3A_324, %sub3A_344 : i32
    %select_n3A_346 = arith.select %and3A_343, %sub3A_345, %div3A_324 : i32
    %while3A_347 = arith.constant 0 : i32
    %while3A_348 = arith.subi %select_n3A_346, %while3A_347 : i32
    %while3A_349 = arith.addi %while3A_347, %while3A_348 : i32
    %while3A_350 = arith.constant 1 : i32
    %while3A_351 = arith.divsi %while3A_348, %while3A_350 : i32
    %while3A_352 = arith.muli %while3A_351, %while3A_350 : i32
    %while3A_353 = arith.addi %while3A_347, %while3A_352 : i32
    %while3A_354 = arith.constant 1 : i32
    %while3A_355:4 = scf.for %while3A_770 = %while3A_347 to %while3A_353 step %while3A_354 iter_args(%while3A_771 = %broadcast_in_dim3A_0, %while3A_772 = %broadcast_in_dim3A_0, %while3A_773 = %broadcast_in_dim3A_2, %while3A_774 = %broadcast_in_dim3A_2) -> (vector<32x128xf32>, vector<32x128xf32>, vector<32x128xf32>, vector<32x128xf32>)  : i32 {
      %mul3A_775 = arith.constant 32 : i32
      %mul3A_776 = arith.muli %while3A_770, %mul3A_775 : i32
      %add3A_777 = arith.addi %multiple_of3A_316, %mul3A_776 : i32
      %multiple_of3A_778 = tpu.assume_multiple %add3A_777, 8 : i32
      %get3A_779 = arith.index_cast %multiple_of3A_778 : i32 to index
      %get3A_780 = arith.constant 0 : index
      %get3A_781 = vector.load %arg1[%get3A_779, %get3A_780] : memref<10240x256xf32, #tpu.memory_space<vmem>>, vector<32x128xf32>
      %get3A_782 = arith.index_cast %multiple_of3A_778 : i32 to index
      %get3A_783 = arith.constant 128 : index
      %get3A_784 = vector.load %arg1[%get3A_782, %get3A_783] : memref<10240x256xf32, #tpu.memory_space<vmem>>, vector<32x128xf32>
      %iota3A = tpu.iota {dimensions = array<i32: 0>} : vector<32x1xi32>
      %add3A_785 = vector.broadcast %multiple_of3A_778 : i32 to vector<32x1xi32>
      %add3A_786 = arith.addi %add3A_785, %iota3A : vector<32x1xi32>
      %ge3A = vector.broadcast %get3A_286 : i32 to vector<32x1xi32>
      %ge3A_787 = arith.cmpi sge, %add3A_786, %ge3A : vector<32x1xi32>
      %add3A_788 = arith.addi %get3A_286, %get3A_289 : i32
      %lt3A = vector.broadcast %add3A_788 : i32 to vector<32x1xi32>
      %lt3A_789 = arith.cmpi slt, %add3A_786, %lt3A : vector<32x1xi32>
      %and3A_790 = arith.andi %ge3A_787, %lt3A_789 : vector<32x1xi1>
      %jit3A_791 = arith.constant 0xFF800000 : f32
      %broadcast_in_dim3A_792 = vector.shape_cast %and3A_790 : vector<32x1xi1> to vector<32x1xi1>
      %broadcast_in_dim3A_793 = vector.broadcast %broadcast_in_dim3A_792 : vector<32x1xi1> to vector<32x128xi1>
      %broadcast_in_dim3A_794 = vector.broadcast %jit3A_791 : f32 to vector<32x128xf32>
      %select_n3A_795 = arith.select %broadcast_in_dim3A_793, %get3A_781, %broadcast_in_dim3A_794 : vector<32x128xi1>, vector<32x128xf32>
      %max3A = arith.maximumf %while3A_771, %select_n3A_795 : vector<32x128xf32>
      %jit3A_796 = arith.constant 0xFF800000 : f32
      %broadcast_in_dim3A_797 = vector.shape_cast %and3A_790 : vector<32x1xi1> to vector<32x1xi1>
      %broadcast_in_dim3A_798 = vector.broadcast %broadcast_in_dim3A_797 : vector<32x1xi1> to vector<32x128xi1>
      %broadcast_in_dim3A_799 = vector.broadcast %jit3A_796 : f32 to vector<32x128xf32>
      %select_n3A_800 = arith.select %broadcast_in_dim3A_798, %get3A_784, %broadcast_in_dim3A_799 : vector<32x128xi1>, vector<32x128xf32>
      %max3A_801 = arith.maximumf %while3A_772, %select_n3A_800 : vector<32x128xf32>
      %jit3A_802 = arith.constant 0x7F800000 : f32
      %broadcast_in_dim3A_803 = vector.shape_cast %and3A_790 : vector<32x1xi1> to vector<32x1xi1>
      %broadcast_in_dim3A_804 = vector.broadcast %broadcast_in_dim3A_803 : vector<32x1xi1> to vector<32x128xi1>
      %broadcast_in_dim3A_805 = vector.broadcast %jit3A_802 : f32 to vector<32x128xf32>
      %select_n3A_806 = arith.select %broadcast_in_dim3A_804, %get3A_781, %broadcast_in_dim3A_805 : vector<32x128xi1>, vector<32x128xf32>
      %min3A = arith.minimumf %while3A_773, %select_n3A_806 : vector<32x128xf32>
      %jit3A_807 = arith.constant 0x7F800000 : f32
      %broadcast_in_dim3A_808 = vector.shape_cast %and3A_790 : vector<32x1xi1> to vector<32x1xi1>
      %broadcast_in_dim3A_809 = vector.broadcast %broadcast_in_dim3A_808 : vector<32x1xi1> to vector<32x128xi1>
      %broadcast_in_dim3A_810 = vector.broadcast %jit3A_807 : f32 to vector<32x128xf32>
      %select_n3A_811 = arith.select %broadcast_in_dim3A_809, %get3A_784, %broadcast_in_dim3A_810 : vector<32x128xi1>, vector<32x128xf32>
      %min3A_812 = arith.minimumf %while3A_774, %select_n3A_811 : vector<32x128xf32>
      scf.yield %max3A, %max3A_801, %min3A, %min3A_812 : vector<32x128xf32>, vector<32x128xf32>, vector<32x128xf32>, vector<32x128xf32>
    }
    %while3A_356 = arith.constant 1 : i32
    %while3A_357:4 = scf.for %while3A_770 = %while3A_353 to %while3A_349 step %while3A_356 iter_args(%while3A_771 = %while3A_355#0, %while3A_772 = %while3A_355#1, %while3A_773 = %while3A_355#2, %while3A_774 = %while3A_355#3) -> (vector<32x128xf32>, vector<32x128xf32>, vector<32x128xf32>, vector<32x128xf32>)  : i32 {
      %mul3A_775 = arith.constant 32 : i32
      %mul3A_776 = arith.muli %while3A_770, %mul3A_775 : i32
      %add3A_777 = arith.addi %multiple_of3A_316, %mul3A_776 : i32
      %multiple_of3A_778 = tpu.assume_multiple %add3A_777, 8 : i32
      %get3A_779 = arith.index_cast %multiple_of3A_778 : i32 to index
      %get3A_780 = arith.constant 0 : index
      %get3A_781 = vector.load %arg1[%get3A_779, %get3A_780] : memref<10240x256xf32, #tpu.memory_space<vmem>>, vector<32x128xf32>
      %get3A_782 = arith.index_cast %multiple_of3A_778 : i32 to index
      %get3A_783 = arith.constant 128 : index
      %get3A_784 = vector.load %arg1[%get3A_782, %get3A_783] : memref<10240x256xf32, #tpu.memory_space<vmem>>, vector<32x128xf32>
      %iota3A = tpu.iota {dimensions = array<i32: 0>} : vector<32x1xi32>
      %add3A_785 = vector.broadcast %multiple_of3A_778 : i32 to vector<32x1xi32>
      %add3A_786 = arith.addi %add3A_785, %iota3A : vector<32x1xi32>
      %ge3A = vector.broadcast %get3A_286 : i32 to vector<32x1xi32>
      %ge3A_787 = arith.cmpi sge, %add3A_786, %ge3A : vector<32x1xi32>
      %add3A_788 = arith.addi %get3A_286, %get3A_289 : i32
      %lt3A = vector.broadcast %add3A_788 : i32 to vector<32x1xi32>
      %lt3A_789 = arith.cmpi slt, %add3A_786, %lt3A : vector<32x1xi32>
      %and3A_790 = arith.andi %ge3A_787, %lt3A_789 : vector<32x1xi1>
      %jit3A_791 = arith.constant 0xFF800000 : f32
      %broadcast_in_dim3A_792 = vector.shape_cast %and3A_790 : vector<32x1xi1> to vector<32x1xi1>
      %broadcast_in_dim3A_793 = vector.broadcast %broadcast_in_dim3A_792 : vector<32x1xi1> to vector<32x128xi1>
      %broadcast_in_dim3A_794 = vector.broadcast %jit3A_791 : f32 to vector<32x128xf32>
      %select_n3A_795 = arith.select %broadcast_in_dim3A_793, %get3A_781, %broadcast_in_dim3A_794 : vector<32x128xi1>, vector<32x128xf32>
      %max3A = arith.maximumf %while3A_771, %select_n3A_795 : vector<32x128xf32>
      %jit3A_796 = arith.constant 0xFF800000 : f32
      %broadcast_in_dim3A_797 = vector.shape_cast %and3A_790 : vector<32x1xi1> to vector<32x1xi1>
      %broadcast_in_dim3A_798 = vector.broadcast %broadcast_in_dim3A_797 : vector<32x1xi1> to vector<32x128xi1>
      %broadcast_in_dim3A_799 = vector.broadcast %jit3A_796 : f32 to vector<32x128xf32>
      %select_n3A_800 = arith.select %broadcast_in_dim3A_798, %get3A_784, %broadcast_in_dim3A_799 : vector<32x128xi1>, vector<32x128xf32>
      %max3A_801 = arith.maximumf %while3A_772, %select_n3A_800 : vector<32x128xf32>
      %jit3A_802 = arith.constant 0x7F800000 : f32
      %broadcast_in_dim3A_803 = vector.shape_cast %and3A_790 : vector<32x1xi1> to vector<32x1xi1>
      %broadcast_in_dim3A_804 = vector.broadcast %broadcast_in_dim3A_803 : vector<32x1xi1> to vector<32x128xi1>
      %broadcast_in_dim3A_805 = vector.broadcast %jit3A_802 : f32 to vector<32x128xf32>
      %select_n3A_806 = arith.select %broadcast_in_dim3A_804, %get3A_781, %broadcast_in_dim3A_805 : vector<32x128xi1>, vector<32x128xf32>
      %min3A = arith.minimumf %while3A_773, %select_n3A_806 : vector<32x128xf32>
      %jit3A_807 = arith.constant 0x7F800000 : f32
      %broadcast_in_dim3A_808 = vector.shape_cast %and3A_790 : vector<32x1xi1> to vector<32x1xi1>
      %broadcast_in_dim3A_809 = vector.broadcast %broadcast_in_dim3A_808 : vector<32x1xi1> to vector<32x128xi1>
      %broadcast_in_dim3A_810 = vector.broadcast %jit3A_807 : f32 to vector<32x128xf32>
      %select_n3A_811 = arith.select %broadcast_in_dim3A_809, %get3A_784, %broadcast_in_dim3A_810 : vector<32x128xi1>, vector<32x128xf32>
      %min3A_812 = arith.minimumf %while3A_774, %select_n3A_811 : vector<32x128xf32>
      scf.yield %max3A, %max3A_801, %min3A, %min3A_812 : vector<32x128xf32>, vector<32x128xf32>, vector<32x128xf32>, vector<32x128xf32>
    }
    %reduce_max3A_358 = arith.constant dense<0xFF800000> : vector<128xf32>
    %reduce_max3A_359 = vector.multi_reduction <maximumf>, %while3A_357#0, %reduce_max3A_358 [0] : vector<32x128xf32> to vector<128xf32>
    %broadcast_in_dim3A_360 = vector.shape_cast %reduce_max3A_359 : vector<128xf32> to vector<1x128xf32>
    %reduce_max3A_361 = arith.constant dense<0xFF800000> : vector<128xf32>
    %reduce_max3A_362 = vector.multi_reduction <maximumf>, %while3A_357#1, %reduce_max3A_361 [0] : vector<32x128xf32> to vector<128xf32>
    %broadcast_in_dim3A_363 = vector.shape_cast %reduce_max3A_362 : vector<128xf32> to vector<1x128xf32>
    %concatenate3A_364 = tpu.concatenate %broadcast_in_dim3A_360, %broadcast_in_dim3A_363 in 1 : vector<1x128xf32>, vector<1x128xf32> -> vector<1x256xf32>
    %swap3A_365 = arith.constant 3 : index
    %swap3A_366 = arith.constant 0 : index
    %swap3A_367 = vector.load %arg4[%swap3A_365, %swap3A_366] : memref<8x256xf32, #tpu.memory_space<vmem>>, vector<1x256xf32>
    tpu.vector_store %arg4[%swap3A_365, %swap3A_366], %concatenate3A_364 {strides = array<i32>} : memref<8x256xf32, #tpu.memory_space<vmem>>, vector<1x256xf32>,
    %reduce_min3A_368 = arith.constant dense<0x7F800000> : vector<128xf32>
    %reduce_min3A_369 = vector.multi_reduction <minimumf>, %while3A_357#2, %reduce_min3A_368 [0] : vector<32x128xf32> to vector<128xf32>
    %broadcast_in_dim3A_370 = vector.shape_cast %reduce_min3A_369 : vector<128xf32> to vector<1x128xf32>
    %reduce_min3A_371 = arith.constant dense<0x7F800000> : vector<128xf32>
    %reduce_min3A_372 = vector.multi_reduction <minimumf>, %while3A_357#3, %reduce_min3A_371 [0] : vector<32x128xf32> to vector<128xf32>
    %broadcast_in_dim3A_373 = vector.shape_cast %reduce_min3A_372 : vector<128xf32> to vector<1x128xf32>
    %concatenate3A_374 = tpu.concatenate %broadcast_in_dim3A_370, %broadcast_in_dim3A_373 in 1 : vector<1x128xf32>, vector<1x128xf32> -> vector<1x256xf32>
    %swap3A_375 = arith.constant 3 : index
    %swap3A_376 = arith.constant 0 : index
    %swap3A_377 = vector.load %arg5[%swap3A_375, %swap3A_376] : memref<8x256xf32, #tpu.memory_space<vmem>>, vector<1x256xf32>
    tpu.vector_store %arg5[%swap3A_375, %swap3A_376], %concatenate3A_374 {strides = array<i32>} : memref<8x256xf32, #tpu.memory_space<vmem>>, vector<1x256xf32>,
    %mul3A_378 = arith.constant 8 : i32
    %mul3A_379 = arith.muli %arg0, %mul3A_378 : i32
    %add3A_380 = arith.constant 4 : i32
    %add3A_381 = arith.addi %mul3A_379, %add3A_380 : i32
    %get3A_382 = arith.constant 0 : index
    %get3A_383 = arith.index_cast %add3A_381 : i32 to index
    %get3A_384 = memref.load %arg2[%get3A_382, %get3A_383] : memref<1x64xi32, #tpu.memory_space<smem>>
    %get3A_385 = arith.constant 0 : index
    %get3A_386 = arith.index_cast %add3A_381 : i32 to index
    %get3A_387 = memref.load %arg3[%get3A_385, %get3A_386] : memref<1x64xi32, #tpu.memory_space<smem>>
    %jit3A_388 = arith.constant 8 : i32
    %div3A_389 = arith.divsi %get3A_384, %jit3A_388 : i32
    %sign3A_390 = arith.constant 0 : i32
    %sign3A_391 = arith.cmpi sgt, %get3A_384, %sign3A_390 : i32
    %sign3A_392 = arith.extui %sign3A_391 : i1 to i32
    %sign3A_393 = arith.constant 0 : i32
    %sign3A_394 = arith.cmpi slt, %get3A_384, %sign3A_393 : i32
    %sign3A_395 = arith.extui %sign3A_394 : i1 to i32
    %sign3A_396 = arith.subi %sign3A_392, %sign3A_395 : i32
    %sign3A_397 = arith.constant 0 : i32
    %sign3A_398 = arith.cmpi sgt, %jit3A_388, %sign3A_397 : i32
    %sign3A_399 = arith.extui %sign3A_398 : i1 to i32
    %sign3A_400 = arith.constant 0 : i32
    %sign3A_401 = arith.cmpi slt, %jit3A_388, %sign3A_400 : i32
    %sign3A_402 = arith.extui %sign3A_401 : i1 to i32
    %sign3A_403 = arith.subi %sign3A_399, %sign3A_402 : i32
    %ne3A_404 = arith.cmpi ne, %sign3A_396, %sign3A_403 : i32
    %rem3A_405 = arith.remsi %get3A_384, %jit3A_388 : i32
    %ne3A_406 = arith.constant 0 : i32
    %ne3A_407 = arith.cmpi ne, %rem3A_405, %ne3A_406 : i32
    %and3A_408 = arith.andi %ne3A_404, %ne3A_407 : i1
    %sub3A_409 = arith.constant 1 : i32
    %sub3A_410 = arith.subi %div3A_389, %sub3A_409 : i32
    %select_n3A_411 = arith.select %and3A_408, %sub3A_410, %div3A_389 : i32
    %mul3A_412 = arith.constant 8 : i32
    %mul3A_413 = arith.muli %select_n3A_411, %mul3A_412 : i32
    %multiple_of3A_414 = tpu.assume_multiple %mul3A_413, 8 : i32
    %add3A_415 = arith.addi %get3A_387, %get3A_384 : i32
    %sub3A_416 = arith.subi %add3A_415, %multiple_of3A_414 : i32
    %add3A_417 = arith.constant 32 : i32
    %add3A_418 = arith.addi %sub3A_416, %add3A_417 : i32
    %sub3A_419 = arith.constant 1 : i32
    %sub3A_420 = arith.subi %add3A_418, %sub3A_419 : i32
    %jit3A_421 = arith.constant 32 : i32
    %div3A_422 = arith.divsi %sub3A_420, %jit3A_421 : i32
    %sign3A_423 = arith.constant 0 : i32
    %sign3A_424 = arith.cmpi sgt, %sub3A_420, %sign3A_423 : i32
    %sign3A_425 = arith.extui %sign3A_424 : i1 to i32
    %sign3A_426 = arith.constant 0 : i32
    %sign3A_427 = arith.cmpi slt, %sub3A_420, %sign3A_426 : i32
    %sign3A_428 = arith.extui %sign3A_427 : i1 to i32
    %sign3A_429 = arith.subi %sign3A_425, %sign3A_428 : i32
    %sign3A_430 = arith.constant 0 : i32
    %sign3A_431 = arith.cmpi sgt, %jit3A_421, %sign3A_430 : i32
    %sign3A_432 = arith.extui %sign3A_431 : i1 to i32
    %sign3A_433 = arith.constant 0 : i32
    %sign3A_434 = arith.cmpi slt, %jit3A_421, %sign3A_433 : i32
    %sign3A_435 = arith.extui %sign3A_434 : i1 to i32
    %sign3A_436 = arith.subi %sign3A_432, %sign3A_435 : i32
    %ne3A_437 = arith.cmpi ne, %sign3A_429, %sign3A_436 : i32
    %rem3A_438 = arith.remsi %sub3A_420, %jit3A_421 : i32
    %ne3A_439 = arith.constant 0 : i32
    %ne3A_440 = arith.cmpi ne, %rem3A_438, %ne3A_439 : i32
    %and3A_441 = arith.andi %ne3A_437, %ne3A_440 : i1
    %sub3A_442 = arith.constant 1 : i32
    %sub3A_443 = arith.subi %div3A_422, %sub3A_442 : i32
    %select_n3A_444 = arith.select %and3A_441, %sub3A_443, %div3A_422 : i32
    %while3A_445 = arith.constant 0 : i32
    %while3A_446 = arith.subi %select_n3A_444, %while3A_445 : i32
    %while3A_447 = arith.addi %while3A_445, %while3A_446 : i32
    %while3A_448 = arith.constant 1 : i32
    %while3A_449 = arith.divsi %while3A_446, %while3A_448 : i32
    %while3A_450 = arith.muli %while3A_449, %while3A_448 : i32
    %while3A_451 = arith.addi %while3A_445, %while3A_450 : i32
    %while3A_452 = arith.constant 1 : i32
    %while3A_453:4 = scf.for %while3A_770 = %while3A_445 to %while3A_451 step %while3A_452 iter_args(%while3A_771 = %broadcast_in_dim3A_0, %while3A_772 = %broadcast_in_dim3A_0, %while3A_773 = %broadcast_in_dim3A_2, %while3A_774 = %broadcast_in_dim3A_2) -> (vector<32x128xf32>, vector<32x128xf32>, vector<32x128xf32>, vector<32x128xf32>)  : i32 {
      %mul3A_775 = arith.constant 32 : i32
      %mul3A_776 = arith.muli %while3A_770, %mul3A_775 : i32
      %add3A_777 = arith.addi %multiple_of3A_414, %mul3A_776 : i32
      %multiple_of3A_778 = tpu.assume_multiple %add3A_777, 8 : i32
      %get3A_779 = arith.index_cast %multiple_of3A_778 : i32 to index
      %get3A_780 = arith.constant 0 : index
      %get3A_781 = vector.load %arg1[%get3A_779, %get3A_780] : memref<10240x256xf32, #tpu.memory_space<vmem>>, vector<32x128xf32>
      %get3A_782 = arith.index_cast %multiple_of3A_778 : i32 to index
      %get3A_783 = arith.constant 128 : index
      %get3A_784 = vector.load %arg1[%get3A_782, %get3A_783] : memref<10240x256xf32, #tpu.memory_space<vmem>>, vector<32x128xf32>
      %iota3A = tpu.iota {dimensions = array<i32: 0>} : vector<32x1xi32>
      %add3A_785 = vector.broadcast %multiple_of3A_778 : i32 to vector<32x1xi32>
      %add3A_786 = arith.addi %add3A_785, %iota3A : vector<32x1xi32>
      %ge3A = vector.broadcast %get3A_384 : i32 to vector<32x1xi32>
      %ge3A_787 = arith.cmpi sge, %add3A_786, %ge3A : vector<32x1xi32>
      %add3A_788 = arith.addi %get3A_384, %get3A_387 : i32
      %lt3A = vector.broadcast %add3A_788 : i32 to vector<32x1xi32>
      %lt3A_789 = arith.cmpi slt, %add3A_786, %lt3A : vector<32x1xi32>
      %and3A_790 = arith.andi %ge3A_787, %lt3A_789 : vector<32x1xi1>
      %jit3A_791 = arith.constant 0xFF800000 : f32
      %broadcast_in_dim3A_792 = vector.shape_cast %and3A_790 : vector<32x1xi1> to vector<32x1xi1>
      %broadcast_in_dim3A_793 = vector.broadcast %broadcast_in_dim3A_792 : vector<32x1xi1> to vector<32x128xi1>
      %broadcast_in_dim3A_794 = vector.broadcast %jit3A_791 : f32 to vector<32x128xf32>
      %select_n3A_795 = arith.select %broadcast_in_dim3A_793, %get3A_781, %broadcast_in_dim3A_794 : vector<32x128xi1>, vector<32x128xf32>
      %max3A = arith.maximumf %while3A_771, %select_n3A_795 : vector<32x128xf32>
      %jit3A_796 = arith.constant 0xFF800000 : f32
      %broadcast_in_dim3A_797 = vector.shape_cast %and3A_790 : vector<32x1xi1> to vector<32x1xi1>
      %broadcast_in_dim3A_798 = vector.broadcast %broadcast_in_dim3A_797 : vector<32x1xi1> to vector<32x128xi1>
      %broadcast_in_dim3A_799 = vector.broadcast %jit3A_796 : f32 to vector<32x128xf32>
      %select_n3A_800 = arith.select %broadcast_in_dim3A_798, %get3A_784, %broadcast_in_dim3A_799 : vector<32x128xi1>, vector<32x128xf32>
      %max3A_801 = arith.maximumf %while3A_772, %select_n3A_800 : vector<32x128xf32>
      %jit3A_802 = arith.constant 0x7F800000 : f32
      %broadcast_in_dim3A_803 = vector.shape_cast %and3A_790 : vector<32x1xi1> to vector<32x1xi1>
      %broadcast_in_dim3A_804 = vector.broadcast %broadcast_in_dim3A_803 : vector<32x1xi1> to vector<32x128xi1>
      %broadcast_in_dim3A_805 = vector.broadcast %jit3A_802 : f32 to vector<32x128xf32>
      %select_n3A_806 = arith.select %broadcast_in_dim3A_804, %get3A_781, %broadcast_in_dim3A_805 : vector<32x128xi1>, vector<32x128xf32>
      %min3A = arith.minimumf %while3A_773, %select_n3A_806 : vector<32x128xf32>
      %jit3A_807 = arith.constant 0x7F800000 : f32
      %broadcast_in_dim3A_808 = vector.shape_cast %and3A_790 : vector<32x1xi1> to vector<32x1xi1>
      %broadcast_in_dim3A_809 = vector.broadcast %broadcast_in_dim3A_808 : vector<32x1xi1> to vector<32x128xi1>
      %broadcast_in_dim3A_810 = vector.broadcast %jit3A_807 : f32 to vector<32x128xf32>
      %select_n3A_811 = arith.select %broadcast_in_dim3A_809, %get3A_784, %broadcast_in_dim3A_810 : vector<32x128xi1>, vector<32x128xf32>
      %min3A_812 = arith.minimumf %while3A_774, %select_n3A_811 : vector<32x128xf32>
      scf.yield %max3A, %max3A_801, %min3A, %min3A_812 : vector<32x128xf32>, vector<32x128xf32>, vector<32x128xf32>, vector<32x128xf32>
    }
    %while3A_454 = arith.constant 1 : i32
    %while3A_455:4 = scf.for %while3A_770 = %while3A_451 to %while3A_447 step %while3A_454 iter_args(%while3A_771 = %while3A_453#0, %while3A_772 = %while3A_453#1, %while3A_773 = %while3A_453#2, %while3A_774 = %while3A_453#3) -> (vector<32x128xf32>, vector<32x128xf32>, vector<32x128xf32>, vector<32x128xf32>)  : i32 {
      %mul3A_775 = arith.constant 32 : i32
      %mul3A_776 = arith.muli %while3A_770, %mul3A_775 : i32
      %add3A_777 = arith.addi %multiple_of3A_414, %mul3A_776 : i32
      %multiple_of3A_778 = tpu.assume_multiple %add3A_777, 8 : i32
      %get3A_779 = arith.index_cast %multiple_of3A_778 : i32 to index
      %get3A_780 = arith.constant 0 : index
      %get3A_781 = vector.load %arg1[%get3A_779, %get3A_780] : memref<10240x256xf32, #tpu.memory_space<vmem>>, vector<32x128xf32>
      %get3A_782 = arith.index_cast %multiple_of3A_778 : i32 to index
      %get3A_783 = arith.constant 128 : index
      %get3A_784 = vector.load %arg1[%get3A_782, %get3A_783] : memref<10240x256xf32, #tpu.memory_space<vmem>>, vector<32x128xf32>
      %iota3A = tpu.iota {dimensions = array<i32: 0>} : vector<32x1xi32>
      %add3A_785 = vector.broadcast %multiple_of3A_778 : i32 to vector<32x1xi32>
      %add3A_786 = arith.addi %add3A_785, %iota3A : vector<32x1xi32>
      %ge3A = vector.broadcast %get3A_384 : i32 to vector<32x1xi32>
      %ge3A_787 = arith.cmpi sge, %add3A_786, %ge3A : vector<32x1xi32>
      %add3A_788 = arith.addi %get3A_384, %get3A_387 : i32
      %lt3A = vector.broadcast %add3A_788 : i32 to vector<32x1xi32>
      %lt3A_789 = arith.cmpi slt, %add3A_786, %lt3A : vector<32x1xi32>
      %and3A_790 = arith.andi %ge3A_787, %lt3A_789 : vector<32x1xi1>
      %jit3A_791 = arith.constant 0xFF800000 : f32
      %broadcast_in_dim3A_792 = vector.shape_cast %and3A_790 : vector<32x1xi1> to vector<32x1xi1>
      %broadcast_in_dim3A_793 = vector.broadcast %broadcast_in_dim3A_792 : vector<32x1xi1> to vector<32x128xi1>
      %broadcast_in_dim3A_794 = vector.broadcast %jit3A_791 : f32 to vector<32x128xf32>
      %select_n3A_795 = arith.select %broadcast_in_dim3A_793, %get3A_781, %broadcast_in_dim3A_794 : vector<32x128xi1>, vector<32x128xf32>
      %max3A = arith.maximumf %while3A_771, %select_n3A_795 : vector<32x128xf32>
      %jit3A_796 = arith.constant 0xFF800000 : f32
      %broadcast_in_dim3A_797 = vector.shape_cast %and3A_790 : vector<32x1xi1> to vector<32x1xi1>
      %broadcast_in_dim3A_798 = vector.broadcast %broadcast_in_dim3A_797 : vector<32x1xi1> to vector<32x128xi1>
      %broadcast_in_dim3A_799 = vector.broadcast %jit3A_796 : f32 to vector<32x128xf32>
      %select_n3A_800 = arith.select %broadcast_in_dim3A_798, %get3A_784, %broadcast_in_dim3A_799 : vector<32x128xi1>, vector<32x128xf32>
      %max3A_801 = arith.maximumf %while3A_772, %select_n3A_800 : vector<32x128xf32>
      %jit3A_802 = arith.constant 0x7F800000 : f32
      %broadcast_in_dim3A_803 = vector.shape_cast %and3A_790 : vector<32x1xi1> to vector<32x1xi1>
      %broadcast_in_dim3A_804 = vector.broadcast %broadcast_in_dim3A_803 : vector<32x1xi1> to vector<32x128xi1>
      %broadcast_in_dim3A_805 = vector.broadcast %jit3A_802 : f32 to vector<32x128xf32>
      %select_n3A_806 = arith.select %broadcast_in_dim3A_804, %get3A_781, %broadcast_in_dim3A_805 : vector<32x128xi1>, vector<32x128xf32>
      %min3A = arith.minimumf %while3A_773, %select_n3A_806 : vector<32x128xf32>
      %jit3A_807 = arith.constant 0x7F800000 : f32
      %broadcast_in_dim3A_808 = vector.shape_cast %and3A_790 : vector<32x1xi1> to vector<32x1xi1>
      %broadcast_in_dim3A_809 = vector.broadcast %broadcast_in_dim3A_808 : vector<32x1xi1> to vector<32x128xi1>
      %broadcast_in_dim3A_810 = vector.broadcast %jit3A_807 : f32 to vector<32x128xf32>
      %select_n3A_811 = arith.select %broadcast_in_dim3A_809, %get3A_784, %broadcast_in_dim3A_810 : vector<32x128xi1>, vector<32x128xf32>
      %min3A_812 = arith.minimumf %while3A_774, %select_n3A_811 : vector<32x128xf32>
      scf.yield %max3A, %max3A_801, %min3A, %min3A_812 : vector<32x128xf32>, vector<32x128xf32>, vector<32x128xf32>, vector<32x128xf32>
    }
    %reduce_max3A_456 = arith.constant dense<0xFF800000> : vector<128xf32>
    %reduce_max3A_457 = vector.multi_reduction <maximumf>, %while3A_455#0, %reduce_max3A_456 [0] : vector<32x128xf32> to vector<128xf32>
    %broadcast_in_dim3A_458 = vector.shape_cast %reduce_max3A_457 : vector<128xf32> to vector<1x128xf32>
    %reduce_max3A_459 = arith.constant dense<0xFF800000> : vector<128xf32>
    %reduce_max3A_460 = vector.multi_reduction <maximumf>, %while3A_455#1, %reduce_max3A_459 [0] : vector<32x128xf32> to vector<128xf32>
    %broadcast_in_dim3A_461 = vector.shape_cast %reduce_max3A_460 : vector<128xf32> to vector<1x128xf32>
    %concatenate3A_462 = tpu.concatenate %broadcast_in_dim3A_458, %broadcast_in_dim3A_461 in 1 : vector<1x128xf32>, vector<1x128xf32> -> vector<1x256xf32>
    %swap3A_463 = arith.constant 4 : index
    %swap3A_464 = arith.constant 0 : index
    %swap3A_465 = vector.load %arg4[%swap3A_463, %swap3A_464] : memref<8x256xf32, #tpu.memory_space<vmem>>, vector<1x256xf32>
    tpu.vector_store %arg4[%swap3A_463, %swap3A_464], %concatenate3A_462 {strides = array<i32>} : memref<8x256xf32, #tpu.memory_space<vmem>>, vector<1x256xf32>,
    %reduce_min3A_466 = arith.constant dense<0x7F800000> : vector<128xf32>
    %reduce_min3A_467 = vector.multi_reduction <minimumf>, %while3A_455#2, %reduce_min3A_466 [0] : vector<32x128xf32> to vector<128xf32>
    %broadcast_in_dim3A_468 = vector.shape_cast %reduce_min3A_467 : vector<128xf32> to vector<1x128xf32>
    %reduce_min3A_469 = arith.constant dense<0x7F800000> : vector<128xf32>
    %reduce_min3A_470 = vector.multi_reduction <minimumf>, %while3A_455#3, %reduce_min3A_469 [0] : vector<32x128xf32> to vector<128xf32>
    %broadcast_in_dim3A_471 = vector.shape_cast %reduce_min3A_470 : vector<128xf32> to vector<1x128xf32>
    %concatenate3A_472 = tpu.concatenate %broadcast_in_dim3A_468, %broadcast_in_dim3A_471 in 1 : vector<1x128xf32>, vector<1x128xf32> -> vector<1x256xf32>
    %swap3A_473 = arith.constant 4 : index
    %swap3A_474 = arith.constant 0 : index
    %swap3A_475 = vector.load %arg5[%swap3A_473, %swap3A_474] : memref<8x256xf32, #tpu.memory_space<vmem>>, vector<1x256xf32>
    tpu.vector_store %arg5[%swap3A_473, %swap3A_474], %concatenate3A_472 {strides = array<i32>} : memref<8x256xf32, #tpu.memory_space<vmem>>, vector<1x256xf32>,
    %mul3A_476 = arith.constant 8 : i32
    %mul3A_477 = arith.muli %arg0, %mul3A_476 : i32
    %add3A_478 = arith.constant 5 : i32
    %add3A_479 = arith.addi %mul3A_477, %add3A_478 : i32
    %get3A_480 = arith.constant 0 : index
    %get3A_481 = arith.index_cast %add3A_479 : i32 to index
    %get3A_482 = memref.load %arg2[%get3A_480, %get3A_481] : memref<1x64xi32, #tpu.memory_space<smem>>
    %get3A_483 = arith.constant 0 : index
    %get3A_484 = arith.index_cast %add3A_479 : i32 to index
    %get3A_485 = memref.load %arg3[%get3A_483, %get3A_484] : memref<1x64xi32, #tpu.memory_space<smem>>
    %jit3A_486 = arith.constant 8 : i32
    %div3A_487 = arith.divsi %get3A_482, %jit3A_486 : i32
    %sign3A_488 = arith.constant 0 : i32
    %sign3A_489 = arith.cmpi sgt, %get3A_482, %sign3A_488 : i32
    %sign3A_490 = arith.extui %sign3A_489 : i1 to i32
    %sign3A_491 = arith.constant 0 : i32
    %sign3A_492 = arith.cmpi slt, %get3A_482, %sign3A_491 : i32
    %sign3A_493 = arith.extui %sign3A_492 : i1 to i32
    %sign3A_494 = arith.subi %sign3A_490, %sign3A_493 : i32
    %sign3A_495 = arith.constant 0 : i32
    %sign3A_496 = arith.cmpi sgt, %jit3A_486, %sign3A_495 : i32
    %sign3A_497 = arith.extui %sign3A_496 : i1 to i32
    %sign3A_498 = arith.constant 0 : i32
    %sign3A_499 = arith.cmpi slt, %jit3A_486, %sign3A_498 : i32
    %sign3A_500 = arith.extui %sign3A_499 : i1 to i32
    %sign3A_501 = arith.subi %sign3A_497, %sign3A_500 : i32
    %ne3A_502 = arith.cmpi ne, %sign3A_494, %sign3A_501 : i32
    %rem3A_503 = arith.remsi %get3A_482, %jit3A_486 : i32
    %ne3A_504 = arith.constant 0 : i32
    %ne3A_505 = arith.cmpi ne, %rem3A_503, %ne3A_504 : i32
    %and3A_506 = arith.andi %ne3A_502, %ne3A_505 : i1
    %sub3A_507 = arith.constant 1 : i32
    %sub3A_508 = arith.subi %div3A_487, %sub3A_507 : i32
    %select_n3A_509 = arith.select %and3A_506, %sub3A_508, %div3A_487 : i32
    %mul3A_510 = arith.constant 8 : i32
    %mul3A_511 = arith.muli %select_n3A_509, %mul3A_510 : i32
    %multiple_of3A_512 = tpu.assume_multiple %mul3A_511, 8 : i32
    %add3A_513 = arith.addi %get3A_485, %get3A_482 : i32
    %sub3A_514 = arith.subi %add3A_513, %multiple_of3A_512 : i32
    %add3A_515 = arith.constant 32 : i32
    %add3A_516 = arith.addi %sub3A_514, %add3A_515 : i32
    %sub3A_517 = arith.constant 1 : i32
    %sub3A_518 = arith.subi %add3A_516, %sub3A_517 : i32
    %jit3A_519 = arith.constant 32 : i32
    %div3A_520 = arith.divsi %sub3A_518, %jit3A_519 : i32
    %sign3A_521 = arith.constant 0 : i32
    %sign3A_522 = arith.cmpi sgt, %sub3A_518, %sign3A_521 : i32
    %sign3A_523 = arith.extui %sign3A_522 : i1 to i32
    %sign3A_524 = arith.constant 0 : i32
    %sign3A_525 = arith.cmpi slt, %sub3A_518, %sign3A_524 : i32
    %sign3A_526 = arith.extui %sign3A_525 : i1 to i32
    %sign3A_527 = arith.subi %sign3A_523, %sign3A_526 : i32
    %sign3A_528 = arith.constant 0 : i32
    %sign3A_529 = arith.cmpi sgt, %jit3A_519, %sign3A_528 : i32
    %sign3A_530 = arith.extui %sign3A_529 : i1 to i32
    %sign3A_531 = arith.constant 0 : i32
    %sign3A_532 = arith.cmpi slt, %jit3A_519, %sign3A_531 : i32
    %sign3A_533 = arith.extui %sign3A_532 : i1 to i32
    %sign3A_534 = arith.subi %sign3A_530, %sign3A_533 : i32
    %ne3A_535 = arith.cmpi ne, %sign3A_527, %sign3A_534 : i32
    %rem3A_536 = arith.remsi %sub3A_518, %jit3A_519 : i32
    %ne3A_537 = arith.constant 0 : i32
    %ne3A_538 = arith.cmpi ne, %rem3A_536, %ne3A_537 : i32
    %and3A_539 = arith.andi %ne3A_535, %ne3A_538 : i1
    %sub3A_540 = arith.constant 1 : i32
    %sub3A_541 = arith.subi %div3A_520, %sub3A_540 : i32
    %select_n3A_542 = arith.select %and3A_539, %sub3A_541, %div3A_520 : i32
    %while3A_543 = arith.constant 0 : i32
    %while3A_544 = arith.subi %select_n3A_542, %while3A_543 : i32
    %while3A_545 = arith.addi %while3A_543, %while3A_544 : i32
    %while3A_546 = arith.constant 1 : i32
    %while3A_547 = arith.divsi %while3A_544, %while3A_546 : i32
    %while3A_548 = arith.muli %while3A_547, %while3A_546 : i32
    %while3A_549 = arith.addi %while3A_543, %while3A_548 : i32
    %while3A_550 = arith.constant 1 : i32
    %while3A_551:4 = scf.for %while3A_770 = %while3A_543 to %while3A_549 step %while3A_550 iter_args(%while3A_771 = %broadcast_in_dim3A_0, %while3A_772 = %broadcast_in_dim3A_0, %while3A_773 = %broadcast_in_dim3A_2, %while3A_774 = %broadcast_in_dim3A_2) -> (vector<32x128xf32>, vector<32x128xf32>, vector<32x128xf32>, vector<32x128xf32>)  : i32 {
      %mul3A_775 = arith.constant 32 : i32
      %mul3A_776 = arith.muli %while3A_770, %mul3A_775 : i32
      %add3A_777 = arith.addi %multiple_of3A_512, %mul3A_776 : i32
      %multiple_of3A_778 = tpu.assume_multiple %add3A_777, 8 : i32
      %get3A_779 = arith.index_cast %multiple_of3A_778 : i32 to index
      %get3A_780 = arith.constant 0 : index
      %get3A_781 = vector.load %arg1[%get3A_779, %get3A_780] : memref<10240x256xf32, #tpu.memory_space<vmem>>, vector<32x128xf32>
      %get3A_782 = arith.index_cast %multiple_of3A_778 : i32 to index
      %get3A_783 = arith.constant 128 : index
      %get3A_784 = vector.load %arg1[%get3A_782, %get3A_783] : memref<10240x256xf32, #tpu.memory_space<vmem>>, vector<32x128xf32>
      %iota3A = tpu.iota {dimensions = array<i32: 0>} : vector<32x1xi32>
      %add3A_785 = vector.broadcast %multiple_of3A_778 : i32 to vector<32x1xi32>
      %add3A_786 = arith.addi %add3A_785, %iota3A : vector<32x1xi32>
      %ge3A = vector.broadcast %get3A_482 : i32 to vector<32x1xi32>
      %ge3A_787 = arith.cmpi sge, %add3A_786, %ge3A : vector<32x1xi32>
      %add3A_788 = arith.addi %get3A_482, %get3A_485 : i32
      %lt3A = vector.broadcast %add3A_788 : i32 to vector<32x1xi32>
      %lt3A_789 = arith.cmpi slt, %add3A_786, %lt3A : vector<32x1xi32>
      %and3A_790 = arith.andi %ge3A_787, %lt3A_789 : vector<32x1xi1>
      %jit3A_791 = arith.constant 0xFF800000 : f32
      %broadcast_in_dim3A_792 = vector.shape_cast %and3A_790 : vector<32x1xi1> to vector<32x1xi1>
      %broadcast_in_dim3A_793 = vector.broadcast %broadcast_in_dim3A_792 : vector<32x1xi1> to vector<32x128xi1>
      %broadcast_in_dim3A_794 = vector.broadcast %jit3A_791 : f32 to vector<32x128xf32>
      %select_n3A_795 = arith.select %broadcast_in_dim3A_793, %get3A_781, %broadcast_in_dim3A_794 : vector<32x128xi1>, vector<32x128xf32>
      %max3A = arith.maximumf %while3A_771, %select_n3A_795 : vector<32x128xf32>
      %jit3A_796 = arith.constant 0xFF800000 : f32
      %broadcast_in_dim3A_797 = vector.shape_cast %and3A_790 : vector<32x1xi1> to vector<32x1xi1>
      %broadcast_in_dim3A_798 = vector.broadcast %broadcast_in_dim3A_797 : vector<32x1xi1> to vector<32x128xi1>
      %broadcast_in_dim3A_799 = vector.broadcast %jit3A_796 : f32 to vector<32x128xf32>
      %select_n3A_800 = arith.select %broadcast_in_dim3A_798, %get3A_784, %broadcast_in_dim3A_799 : vector<32x128xi1>, vector<32x128xf32>
      %max3A_801 = arith.maximumf %while3A_772, %select_n3A_800 : vector<32x128xf32>
      %jit3A_802 = arith.constant 0x7F800000 : f32
      %broadcast_in_dim3A_803 = vector.shape_cast %and3A_790 : vector<32x1xi1> to vector<32x1xi1>
      %broadcast_in_dim3A_804 = vector.broadcast %broadcast_in_dim3A_803 : vector<32x1xi1> to vector<32x128xi1>
      %broadcast_in_dim3A_805 = vector.broadcast %jit3A_802 : f32 to vector<32x128xf32>
      %select_n3A_806 = arith.select %broadcast_in_dim3A_804, %get3A_781, %broadcast_in_dim3A_805 : vector<32x128xi1>, vector<32x128xf32>
      %min3A = arith.minimumf %while3A_773, %select_n3A_806 : vector<32x128xf32>
      %jit3A_807 = arith.constant 0x7F800000 : f32
      %broadcast_in_dim3A_808 = vector.shape_cast %and3A_790 : vector<32x1xi1> to vector<32x1xi1>
      %broadcast_in_dim3A_809 = vector.broadcast %broadcast_in_dim3A_808 : vector<32x1xi1> to vector<32x128xi1>
      %broadcast_in_dim3A_810 = vector.broadcast %jit3A_807 : f32 to vector<32x128xf32>
      %select_n3A_811 = arith.select %broadcast_in_dim3A_809, %get3A_784, %broadcast_in_dim3A_810 : vector<32x128xi1>, vector<32x128xf32>
      %min3A_812 = arith.minimumf %while3A_774, %select_n3A_811 : vector<32x128xf32>
      scf.yield %max3A, %max3A_801, %min3A, %min3A_812 : vector<32x128xf32>, vector<32x128xf32>, vector<32x128xf32>, vector<32x128xf32>
    }
    %while3A_552 = arith.constant 1 : i32
    %while3A_553:4 = scf.for %while3A_770 = %while3A_549 to %while3A_545 step %while3A_552 iter_args(%while3A_771 = %while3A_551#0, %while3A_772 = %while3A_551#1, %while3A_773 = %while3A_551#2, %while3A_774 = %while3A_551#3) -> (vector<32x128xf32>, vector<32x128xf32>, vector<32x128xf32>, vector<32x128xf32>)  : i32 {
      %mul3A_775 = arith.constant 32 : i32
      %mul3A_776 = arith.muli %while3A_770, %mul3A_775 : i32
      %add3A_777 = arith.addi %multiple_of3A_512, %mul3A_776 : i32
      %multiple_of3A_778 = tpu.assume_multiple %add3A_777, 8 : i32
      %get3A_779 = arith.index_cast %multiple_of3A_778 : i32 to index
      %get3A_780 = arith.constant 0 : index
      %get3A_781 = vector.load %arg1[%get3A_779, %get3A_780] : memref<10240x256xf32, #tpu.memory_space<vmem>>, vector<32x128xf32>
      %get3A_782 = arith.index_cast %multiple_of3A_778 : i32 to index
      %get3A_783 = arith.constant 128 : index
      %get3A_784 = vector.load %arg1[%get3A_782, %get3A_783] : memref<10240x256xf32, #tpu.memory_space<vmem>>, vector<32x128xf32>
      %iota3A = tpu.iota {dimensions = array<i32: 0>} : vector<32x1xi32>
      %add3A_785 = vector.broadcast %multiple_of3A_778 : i32 to vector<32x1xi32>
      %add3A_786 = arith.addi %add3A_785, %iota3A : vector<32x1xi32>
      %ge3A = vector.broadcast %get3A_482 : i32 to vector<32x1xi32>
      %ge3A_787 = arith.cmpi sge, %add3A_786, %ge3A : vector<32x1xi32>
      %add3A_788 = arith.addi %get3A_482, %get3A_485 : i32
      %lt3A = vector.broadcast %add3A_788 : i32 to vector<32x1xi32>
      %lt3A_789 = arith.cmpi slt, %add3A_786, %lt3A : vector<32x1xi32>
      %and3A_790 = arith.andi %ge3A_787, %lt3A_789 : vector<32x1xi1>
      %jit3A_791 = arith.constant 0xFF800000 : f32
      %broadcast_in_dim3A_792 = vector.shape_cast %and3A_790 : vector<32x1xi1> to vector<32x1xi1>
      %broadcast_in_dim3A_793 = vector.broadcast %broadcast_in_dim3A_792 : vector<32x1xi1> to vector<32x128xi1>
      %broadcast_in_dim3A_794 = vector.broadcast %jit3A_791 : f32 to vector<32x128xf32>
      %select_n3A_795 = arith.select %broadcast_in_dim3A_793, %get3A_781, %broadcast_in_dim3A_794 : vector<32x128xi1>, vector<32x128xf32>
      %max3A = arith.maximumf %while3A_771, %select_n3A_795 : vector<32x128xf32>
      %jit3A_796 = arith.constant 0xFF800000 : f32
      %broadcast_in_dim3A_797 = vector.shape_cast %and3A_790 : vector<32x1xi1> to vector<32x1xi1>
      %broadcast_in_dim3A_798 = vector.broadcast %broadcast_in_dim3A_797 : vector<32x1xi1> to vector<32x128xi1>
      %broadcast_in_dim3A_799 = vector.broadcast %jit3A_796 : f32 to vector<32x128xf32>
      %select_n3A_800 = arith.select %broadcast_in_dim3A_798, %get3A_784, %broadcast_in_dim3A_799 : vector<32x128xi1>, vector<32x128xf32>
      %max3A_801 = arith.maximumf %while3A_772, %select_n3A_800 : vector<32x128xf32>
      %jit3A_802 = arith.constant 0x7F800000 : f32
      %broadcast_in_dim3A_803 = vector.shape_cast %and3A_790 : vector<32x1xi1> to vector<32x1xi1>
      %broadcast_in_dim3A_804 = vector.broadcast %broadcast_in_dim3A_803 : vector<32x1xi1> to vector<32x128xi1>
      %broadcast_in_dim3A_805 = vector.broadcast %jit3A_802 : f32 to vector<32x128xf32>
      %select_n3A_806 = arith.select %broadcast_in_dim3A_804, %get3A_781, %broadcast_in_dim3A_805 : vector<32x128xi1>, vector<32x128xf32>
      %min3A = arith.minimumf %while3A_773, %select_n3A_806 : vector<32x128xf32>
      %jit3A_807 = arith.constant 0x7F800000 : f32
      %broadcast_in_dim3A_808 = vector.shape_cast %and3A_790 : vector<32x1xi1> to vector<32x1xi1>
      %broadcast_in_dim3A_809 = vector.broadcast %broadcast_in_dim3A_808 : vector<32x1xi1> to vector<32x128xi1>
      %broadcast_in_dim3A_810 = vector.broadcast %jit3A_807 : f32 to vector<32x128xf32>
      %select_n3A_811 = arith.select %broadcast_in_dim3A_809, %get3A_784, %broadcast_in_dim3A_810 : vector<32x128xi1>, vector<32x128xf32>
      %min3A_812 = arith.minimumf %while3A_774, %select_n3A_811 : vector<32x128xf32>
      scf.yield %max3A, %max3A_801, %min3A, %min3A_812 : vector<32x128xf32>, vector<32x128xf32>, vector<32x128xf32>, vector<32x128xf32>
    }
    %reduce_max3A_554 = arith.constant dense<0xFF800000> : vector<128xf32>
    %reduce_max3A_555 = vector.multi_reduction <maximumf>, %while3A_553#0, %reduce_max3A_554 [0] : vector<32x128xf32> to vector<128xf32>
    %broadcast_in_dim3A_556 = vector.shape_cast %reduce_max3A_555 : vector<128xf32> to vector<1x128xf32>
    %reduce_max3A_557 = arith.constant dense<0xFF800000> : vector<128xf32>
    %reduce_max3A_558 = vector.multi_reduction <maximumf>, %while3A_553#1, %reduce_max3A_557 [0] : vector<32x128xf32> to vector<128xf32>
    %broadcast_in_dim3A_559 = vector.shape_cast %reduce_max3A_558 : vector<128xf32> to vector<1x128xf32>
    %concatenate3A_560 = tpu.concatenate %broadcast_in_dim3A_556, %broadcast_in_dim3A_559 in 1 : vector<1x128xf32>, vector<1x128xf32> -> vector<1x256xf32>
    %swap3A_561 = arith.constant 5 : index
    %swap3A_562 = arith.constant 0 : index
    %swap3A_563 = vector.load %arg4[%swap3A_561, %swap3A_562] : memref<8x256xf32, #tpu.memory_space<vmem>>, vector<1x256xf32>
    tpu.vector_store %arg4[%swap3A_561, %swap3A_562], %concatenate3A_560 {strides = array<i32>} : memref<8x256xf32, #tpu.memory_space<vmem>>, vector<1x256xf32>,
    %reduce_min3A_564 = arith.constant dense<0x7F800000> : vector<128xf32>
    %reduce_min3A_565 = vector.multi_reduction <minimumf>, %while3A_553#2, %reduce_min3A_564 [0] : vector<32x128xf32> to vector<128xf32>
    %broadcast_in_dim3A_566 = vector.shape_cast %reduce_min3A_565 : vector<128xf32> to vector<1x128xf32>
    %reduce_min3A_567 = arith.constant dense<0x7F800000> : vector<128xf32>
    %reduce_min3A_568 = vector.multi_reduction <minimumf>, %while3A_553#3, %reduce_min3A_567 [0] : vector<32x128xf32> to vector<128xf32>
    %broadcast_in_dim3A_569 = vector.shape_cast %reduce_min3A_568 : vector<128xf32> to vector<1x128xf32>
    %concatenate3A_570 = tpu.concatenate %broadcast_in_dim3A_566, %broadcast_in_dim3A_569 in 1 : vector<1x128xf32>, vector<1x128xf32> -> vector<1x256xf32>
    %swap3A_571 = arith.constant 5 : index
    %swap3A_572 = arith.constant 0 : index
    %swap3A_573 = vector.load %arg5[%swap3A_571, %swap3A_572] : memref<8x256xf32, #tpu.memory_space<vmem>>, vector<1x256xf32>
    tpu.vector_store %arg5[%swap3A_571, %swap3A_572], %concatenate3A_570 {strides = array<i32>} : memref<8x256xf32, #tpu.memory_space<vmem>>, vector<1x256xf32>,
    %mul3A_574 = arith.constant 8 : i32
    %mul3A_575 = arith.muli %arg0, %mul3A_574 : i32
    %add3A_576 = arith.constant 6 : i32
    %add3A_577 = arith.addi %mul3A_575, %add3A_576 : i32
    %get3A_578 = arith.constant 0 : index
    %get3A_579 = arith.index_cast %add3A_577 : i32 to index
    %get3A_580 = memref.load %arg2[%get3A_578, %get3A_579] : memref<1x64xi32, #tpu.memory_space<smem>>
    %get3A_581 = arith.constant 0 : index
    %get3A_582 = arith.index_cast %add3A_577 : i32 to index
    %get3A_583 = memref.load %arg3[%get3A_581, %get3A_582] : memref<1x64xi32, #tpu.memory_space<smem>>
    %jit3A_584 = arith.constant 8 : i32
    %div3A_585 = arith.divsi %get3A_580, %jit3A_584 : i32
    %sign3A_586 = arith.constant 0 : i32
    %sign3A_587 = arith.cmpi sgt, %get3A_580, %sign3A_586 : i32
    %sign3A_588 = arith.extui %sign3A_587 : i1 to i32
    %sign3A_589 = arith.constant 0 : i32
    %sign3A_590 = arith.cmpi slt, %get3A_580, %sign3A_589 : i32
    %sign3A_591 = arith.extui %sign3A_590 : i1 to i32
    %sign3A_592 = arith.subi %sign3A_588, %sign3A_591 : i32
    %sign3A_593 = arith.constant 0 : i32
    %sign3A_594 = arith.cmpi sgt, %jit3A_584, %sign3A_593 : i32
    %sign3A_595 = arith.extui %sign3A_594 : i1 to i32
    %sign3A_596 = arith.constant 0 : i32
    %sign3A_597 = arith.cmpi slt, %jit3A_584, %sign3A_596 : i32
    %sign3A_598 = arith.extui %sign3A_597 : i1 to i32
    %sign3A_599 = arith.subi %sign3A_595, %sign3A_598 : i32
    %ne3A_600 = arith.cmpi ne, %sign3A_592, %sign3A_599 : i32
    %rem3A_601 = arith.remsi %get3A_580, %jit3A_584 : i32
    %ne3A_602 = arith.constant 0 : i32
    %ne3A_603 = arith.cmpi ne, %rem3A_601, %ne3A_602 : i32
    %and3A_604 = arith.andi %ne3A_600, %ne3A_603 : i1
    %sub3A_605 = arith.constant 1 : i32
    %sub3A_606 = arith.subi %div3A_585, %sub3A_605 : i32
    %select_n3A_607 = arith.select %and3A_604, %sub3A_606, %div3A_585 : i32
    %mul3A_608 = arith.constant 8 : i32
    %mul3A_609 = arith.muli %select_n3A_607, %mul3A_608 : i32
    %multiple_of3A_610 = tpu.assume_multiple %mul3A_609, 8 : i32
    %add3A_611 = arith.addi %get3A_583, %get3A_580 : i32
    %sub3A_612 = arith.subi %add3A_611, %multiple_of3A_610 : i32
    %add3A_613 = arith.constant 32 : i32
    %add3A_614 = arith.addi %sub3A_612, %add3A_613 : i32
    %sub3A_615 = arith.constant 1 : i32
    %sub3A_616 = arith.subi %add3A_614, %sub3A_615 : i32
    %jit3A_617 = arith.constant 32 : i32
    %div3A_618 = arith.divsi %sub3A_616, %jit3A_617 : i32
    %sign3A_619 = arith.constant 0 : i32
    %sign3A_620 = arith.cmpi sgt, %sub3A_616, %sign3A_619 : i32
    %sign3A_621 = arith.extui %sign3A_620 : i1 to i32
    %sign3A_622 = arith.constant 0 : i32
    %sign3A_623 = arith.cmpi slt, %sub3A_616, %sign3A_622 : i32
    %sign3A_624 = arith.extui %sign3A_623 : i1 to i32
    %sign3A_625 = arith.subi %sign3A_621, %sign3A_624 : i32
    %sign3A_626 = arith.constant 0 : i32
    %sign3A_627 = arith.cmpi sgt, %jit3A_617, %sign3A_626 : i32
    %sign3A_628 = arith.extui %sign3A_627 : i1 to i32
    %sign3A_629 = arith.constant 0 : i32
    %sign3A_630 = arith.cmpi slt, %jit3A_617, %sign3A_629 : i32
    %sign3A_631 = arith.extui %sign3A_630 : i1 to i32
    %sign3A_632 = arith.subi %sign3A_628, %sign3A_631 : i32
    %ne3A_633 = arith.cmpi ne, %sign3A_625, %sign3A_632 : i32
    %rem3A_634 = arith.remsi %sub3A_616, %jit3A_617 : i32
    %ne3A_635 = arith.constant 0 : i32
    %ne3A_636 = arith.cmpi ne, %rem3A_634, %ne3A_635 : i32
    %and3A_637 = arith.andi %ne3A_633, %ne3A_636 : i1
    %sub3A_638 = arith.constant 1 : i32
    %sub3A_639 = arith.subi %div3A_618, %sub3A_638 : i32
    %select_n3A_640 = arith.select %and3A_637, %sub3A_639, %div3A_618 : i32
    %while3A_641 = arith.constant 0 : i32
    %while3A_642 = arith.subi %select_n3A_640, %while3A_641 : i32
    %while3A_643 = arith.addi %while3A_641, %while3A_642 : i32
    %while3A_644 = arith.constant 1 : i32
    %while3A_645 = arith.divsi %while3A_642, %while3A_644 : i32
    %while3A_646 = arith.muli %while3A_645, %while3A_644 : i32
    %while3A_647 = arith.addi %while3A_641, %while3A_646 : i32
    %while3A_648 = arith.constant 1 : i32
    %while3A_649:4 = scf.for %while3A_770 = %while3A_641 to %while3A_647 step %while3A_648 iter_args(%while3A_771 = %broadcast_in_dim3A_0, %while3A_772 = %broadcast_in_dim3A_0, %while3A_773 = %broadcast_in_dim3A_2, %while3A_774 = %broadcast_in_dim3A_2) -> (vector<32x128xf32>, vector<32x128xf32>, vector<32x128xf32>, vector<32x128xf32>)  : i32 {
      %mul3A_775 = arith.constant 32 : i32
      %mul3A_776 = arith.muli %while3A_770, %mul3A_775 : i32
      %add3A_777 = arith.addi %multiple_of3A_610, %mul3A_776 : i32
      %multiple_of3A_778 = tpu.assume_multiple %add3A_777, 8 : i32
      %get3A_779 = arith.index_cast %multiple_of3A_778 : i32 to index
      %get3A_780 = arith.constant 0 : index
      %get3A_781 = vector.load %arg1[%get3A_779, %get3A_780] : memref<10240x256xf32, #tpu.memory_space<vmem>>, vector<32x128xf32>
      %get3A_782 = arith.index_cast %multiple_of3A_778 : i32 to index
      %get3A_783 = arith.constant 128 : index
      %get3A_784 = vector.load %arg1[%get3A_782, %get3A_783] : memref<10240x256xf32, #tpu.memory_space<vmem>>, vector<32x128xf32>
      %iota3A = tpu.iota {dimensions = array<i32: 0>} : vector<32x1xi32>
      %add3A_785 = vector.broadcast %multiple_of3A_778 : i32 to vector<32x1xi32>
      %add3A_786 = arith.addi %add3A_785, %iota3A : vector<32x1xi32>
      %ge3A = vector.broadcast %get3A_580 : i32 to vector<32x1xi32>
      %ge3A_787 = arith.cmpi sge, %add3A_786, %ge3A : vector<32x1xi32>
      %add3A_788 = arith.addi %get3A_580, %get3A_583 : i32
      %lt3A = vector.broadcast %add3A_788 : i32 to vector<32x1xi32>
      %lt3A_789 = arith.cmpi slt, %add3A_786, %lt3A : vector<32x1xi32>
      %and3A_790 = arith.andi %ge3A_787, %lt3A_789 : vector<32x1xi1>
      %jit3A_791 = arith.constant 0xFF800000 : f32
      %broadcast_in_dim3A_792 = vector.shape_cast %and3A_790 : vector<32x1xi1> to vector<32x1xi1>
      %broadcast_in_dim3A_793 = vector.broadcast %broadcast_in_dim3A_792 : vector<32x1xi1> to vector<32x128xi1>
      %broadcast_in_dim3A_794 = vector.broadcast %jit3A_791 : f32 to vector<32x128xf32>
      %select_n3A_795 = arith.select %broadcast_in_dim3A_793, %get3A_781, %broadcast_in_dim3A_794 : vector<32x128xi1>, vector<32x128xf32>
      %max3A = arith.maximumf %while3A_771, %select_n3A_795 : vector<32x128xf32>
      %jit3A_796 = arith.constant 0xFF800000 : f32
      %broadcast_in_dim3A_797 = vector.shape_cast %and3A_790 : vector<32x1xi1> to vector<32x1xi1>
      %broadcast_in_dim3A_798 = vector.broadcast %broadcast_in_dim3A_797 : vector<32x1xi1> to vector<32x128xi1>
      %broadcast_in_dim3A_799 = vector.broadcast %jit3A_796 : f32 to vector<32x128xf32>
      %select_n3A_800 = arith.select %broadcast_in_dim3A_798, %get3A_784, %broadcast_in_dim3A_799 : vector<32x128xi1>, vector<32x128xf32>
      %max3A_801 = arith.maximumf %while3A_772, %select_n3A_800 : vector<32x128xf32>
      %jit3A_802 = arith.constant 0x7F800000 : f32
      %broadcast_in_dim3A_803 = vector.shape_cast %and3A_790 : vector<32x1xi1> to vector<32x1xi1>
      %broadcast_in_dim3A_804 = vector.broadcast %broadcast_in_dim3A_803 : vector<32x1xi1> to vector<32x128xi1>
      %broadcast_in_dim3A_805 = vector.broadcast %jit3A_802 : f32 to vector<32x128xf32>
      %select_n3A_806 = arith.select %broadcast_in_dim3A_804, %get3A_781, %broadcast_in_dim3A_805 : vector<32x128xi1>, vector<32x128xf32>
      %min3A = arith.minimumf %while3A_773, %select_n3A_806 : vector<32x128xf32>
      %jit3A_807 = arith.constant 0x7F800000 : f32
      %broadcast_in_dim3A_808 = vector.shape_cast %and3A_790 : vector<32x1xi1> to vector<32x1xi1>
      %broadcast_in_dim3A_809 = vector.broadcast %broadcast_in_dim3A_808 : vector<32x1xi1> to vector<32x128xi1>
      %broadcast_in_dim3A_810 = vector.broadcast %jit3A_807 : f32 to vector<32x128xf32>
      %select_n3A_811 = arith.select %broadcast_in_dim3A_809, %get3A_784, %broadcast_in_dim3A_810 : vector<32x128xi1>, vector<32x128xf32>
      %min3A_812 = arith.minimumf %while3A_774, %select_n3A_811 : vector<32x128xf32>
      scf.yield %max3A, %max3A_801, %min3A, %min3A_812 : vector<32x128xf32>, vector<32x128xf32>, vector<32x128xf32>, vector<32x128xf32>
    }
    %while3A_650 = arith.constant 1 : i32
    %while3A_651:4 = scf.for %while3A_770 = %while3A_647 to %while3A_643 step %while3A_650 iter_args(%while3A_771 = %while3A_649#0, %while3A_772 = %while3A_649#1, %while3A_773 = %while3A_649#2, %while3A_774 = %while3A_649#3) -> (vector<32x128xf32>, vector<32x128xf32>, vector<32x128xf32>, vector<32x128xf32>)  : i32 {
      %mul3A_775 = arith.constant 32 : i32
      %mul3A_776 = arith.muli %while3A_770, %mul3A_775 : i32
      %add3A_777 = arith.addi %multiple_of3A_610, %mul3A_776 : i32
      %multiple_of3A_778 = tpu.assume_multiple %add3A_777, 8 : i32
      %get3A_779 = arith.index_cast %multiple_of3A_778 : i32 to index
      %get3A_780 = arith.constant 0 : index
      %get3A_781 = vector.load %arg1[%get3A_779, %get3A_780] : memref<10240x256xf32, #tpu.memory_space<vmem>>, vector<32x128xf32>
      %get3A_782 = arith.index_cast %multiple_of3A_778 : i32 to index
      %get3A_783 = arith.constant 128 : index
      %get3A_784 = vector.load %arg1[%get3A_782, %get3A_783] : memref<10240x256xf32, #tpu.memory_space<vmem>>, vector<32x128xf32>
      %iota3A = tpu.iota {dimensions = array<i32: 0>} : vector<32x1xi32>
      %add3A_785 = vector.broadcast %multiple_of3A_778 : i32 to vector<32x1xi32>
      %add3A_786 = arith.addi %add3A_785, %iota3A : vector<32x1xi32>
      %ge3A = vector.broadcast %get3A_580 : i32 to vector<32x1xi32>
      %ge3A_787 = arith.cmpi sge, %add3A_786, %ge3A : vector<32x1xi32>
      %add3A_788 = arith.addi %get3A_580, %get3A_583 : i32
      %lt3A = vector.broadcast %add3A_788 : i32 to vector<32x1xi32>
      %lt3A_789 = arith.cmpi slt, %add3A_786, %lt3A : vector<32x1xi32>
      %and3A_790 = arith.andi %ge3A_787, %lt3A_789 : vector<32x1xi1>
      %jit3A_791 = arith.constant 0xFF800000 : f32
      %broadcast_in_dim3A_792 = vector.shape_cast %and3A_790 : vector<32x1xi1> to vector<32x1xi1>
      %broadcast_in_dim3A_793 = vector.broadcast %broadcast_in_dim3A_792 : vector<32x1xi1> to vector<32x128xi1>
      %broadcast_in_dim3A_794 = vector.broadcast %jit3A_791 : f32 to vector<32x128xf32>
      %select_n3A_795 = arith.select %broadcast_in_dim3A_793, %get3A_781, %broadcast_in_dim3A_794 : vector<32x128xi1>, vector<32x128xf32>
      %max3A = arith.maximumf %while3A_771, %select_n3A_795 : vector<32x128xf32>
      %jit3A_796 = arith.constant 0xFF800000 : f32
      %broadcast_in_dim3A_797 = vector.shape_cast %and3A_790 : vector<32x1xi1> to vector<32x1xi1>
      %broadcast_in_dim3A_798 = vector.broadcast %broadcast_in_dim3A_797 : vector<32x1xi1> to vector<32x128xi1>
      %broadcast_in_dim3A_799 = vector.broadcast %jit3A_796 : f32 to vector<32x128xf32>
      %select_n3A_800 = arith.select %broadcast_in_dim3A_798, %get3A_784, %broadcast_in_dim3A_799 : vector<32x128xi1>, vector<32x128xf32>
      %max3A_801 = arith.maximumf %while3A_772, %select_n3A_800 : vector<32x128xf32>
      %jit3A_802 = arith.constant 0x7F800000 : f32
      %broadcast_in_dim3A_803 = vector.shape_cast %and3A_790 : vector<32x1xi1> to vector<32x1xi1>
      %broadcast_in_dim3A_804 = vector.broadcast %broadcast_in_dim3A_803 : vector<32x1xi1> to vector<32x128xi1>
      %broadcast_in_dim3A_805 = vector.broadcast %jit3A_802 : f32 to vector<32x128xf32>
      %select_n3A_806 = arith.select %broadcast_in_dim3A_804, %get3A_781, %broadcast_in_dim3A_805 : vector<32x128xi1>, vector<32x128xf32>
      %min3A = arith.minimumf %while3A_773, %select_n3A_806 : vector<32x128xf32>
      %jit3A_807 = arith.constant 0x7F800000 : f32
      %broadcast_in_dim3A_808 = vector.shape_cast %and3A_790 : vector<32x1xi1> to vector<32x1xi1>
      %broadcast_in_dim3A_809 = vector.broadcast %broadcast_in_dim3A_808 : vector<32x1xi1> to vector<32x128xi1>
      %broadcast_in_dim3A_810 = vector.broadcast %jit3A_807 : f32 to vector<32x128xf32>
      %select_n3A_811 = arith.select %broadcast_in_dim3A_809, %get3A_784, %broadcast_in_dim3A_810 : vector<32x128xi1>, vector<32x128xf32>
      %min3A_812 = arith.minimumf %while3A_774, %select_n3A_811 : vector<32x128xf32>
      scf.yield %max3A, %max3A_801, %min3A, %min3A_812 : vector<32x128xf32>, vector<32x128xf32>, vector<32x128xf32>, vector<32x128xf32>
    }
    %reduce_max3A_652 = arith.constant dense<0xFF800000> : vector<128xf32>
    %reduce_max3A_653 = vector.multi_reduction <maximumf>, %while3A_651#0, %reduce_max3A_652 [0] : vector<32x128xf32> to vector<128xf32>
    %broadcast_in_dim3A_654 = vector.shape_cast %reduce_max3A_653 : vector<128xf32> to vector<1x128xf32>
    %reduce_max3A_655 = arith.constant dense<0xFF800000> : vector<128xf32>
    %reduce_max3A_656 = vector.multi_reduction <maximumf>, %while3A_651#1, %reduce_max3A_655 [0] : vector<32x128xf32> to vector<128xf32>
    %broadcast_in_dim3A_657 = vector.shape_cast %reduce_max3A_656 : vector<128xf32> to vector<1x128xf32>
    %concatenate3A_658 = tpu.concatenate %broadcast_in_dim3A_654, %broadcast_in_dim3A_657 in 1 : vector<1x128xf32>, vector<1x128xf32> -> vector<1x256xf32>
    %swap3A_659 = arith.constant 6 : index
    %swap3A_660 = arith.constant 0 : index
    %swap3A_661 = vector.load %arg4[%swap3A_659, %swap3A_660] : memref<8x256xf32, #tpu.memory_space<vmem>>, vector<1x256xf32>
    tpu.vector_store %arg4[%swap3A_659, %swap3A_660], %concatenate3A_658 {strides = array<i32>} : memref<8x256xf32, #tpu.memory_space<vmem>>, vector<1x256xf32>,
    %reduce_min3A_662 = arith.constant dense<0x7F800000> : vector<128xf32>
    %reduce_min3A_663 = vector.multi_reduction <minimumf>, %while3A_651#2, %reduce_min3A_662 [0] : vector<32x128xf32> to vector<128xf32>
    %broadcast_in_dim3A_664 = vector.shape_cast %reduce_min3A_663 : vector<128xf32> to vector<1x128xf32>
    %reduce_min3A_665 = arith.constant dense<0x7F800000> : vector<128xf32>
    %reduce_min3A_666 = vector.multi_reduction <minimumf>, %while3A_651#3, %reduce_min3A_665 [0] : vector<32x128xf32> to vector<128xf32>
    %broadcast_in_dim3A_667 = vector.shape_cast %reduce_min3A_666 : vector<128xf32> to vector<1x128xf32>
    %concatenate3A_668 = tpu.concatenate %broadcast_in_dim3A_664, %broadcast_in_dim3A_667 in 1 : vector<1x128xf32>, vector<1x128xf32> -> vector<1x256xf32>
    %swap3A_669 = arith.constant 6 : index
    %swap3A_670 = arith.constant 0 : index
    %swap3A_671 = vector.load %arg5[%swap3A_669, %swap3A_670] : memref<8x256xf32, #tpu.memory_space<vmem>>, vector<1x256xf32>
    tpu.vector_store %arg5[%swap3A_669, %swap3A_670], %concatenate3A_668 {strides = array<i32>} : memref<8x256xf32, #tpu.memory_space<vmem>>, vector<1x256xf32>,
    %mul3A_672 = arith.constant 8 : i32
    %mul3A_673 = arith.muli %arg0, %mul3A_672 : i32
    %add3A_674 = arith.constant 7 : i32
    %add3A_675 = arith.addi %mul3A_673, %add3A_674 : i32
    %get3A_676 = arith.constant 0 : index
    %get3A_677 = arith.index_cast %add3A_675 : i32 to index
    %get3A_678 = memref.load %arg2[%get3A_676, %get3A_677] : memref<1x64xi32, #tpu.memory_space<smem>>
    %get3A_679 = arith.constant 0 : index
    %get3A_680 = arith.index_cast %add3A_675 : i32 to index
    %get3A_681 = memref.load %arg3[%get3A_679, %get3A_680] : memref<1x64xi32, #tpu.memory_space<smem>>
    %jit3A_682 = arith.constant 8 : i32
    %div3A_683 = arith.divsi %get3A_678, %jit3A_682 : i32
    %sign3A_684 = arith.constant 0 : i32
    %sign3A_685 = arith.cmpi sgt, %get3A_678, %sign3A_684 : i32
    %sign3A_686 = arith.extui %sign3A_685 : i1 to i32
    %sign3A_687 = arith.constant 0 : i32
    %sign3A_688 = arith.cmpi slt, %get3A_678, %sign3A_687 : i32
    %sign3A_689 = arith.extui %sign3A_688 : i1 to i32
    %sign3A_690 = arith.subi %sign3A_686, %sign3A_689 : i32
    %sign3A_691 = arith.constant 0 : i32
    %sign3A_692 = arith.cmpi sgt, %jit3A_682, %sign3A_691 : i32
    %sign3A_693 = arith.extui %sign3A_692 : i1 to i32
    %sign3A_694 = arith.constant 0 : i32
    %sign3A_695 = arith.cmpi slt, %jit3A_682, %sign3A_694 : i32
    %sign3A_696 = arith.extui %sign3A_695 : i1 to i32
    %sign3A_697 = arith.subi %sign3A_693, %sign3A_696 : i32
    %ne3A_698 = arith.cmpi ne, %sign3A_690, %sign3A_697 : i32
    %rem3A_699 = arith.remsi %get3A_678, %jit3A_682 : i32
    %ne3A_700 = arith.constant 0 : i32
    %ne3A_701 = arith.cmpi ne, %rem3A_699, %ne3A_700 : i32
    %and3A_702 = arith.andi %ne3A_698, %ne3A_701 : i1
    %sub3A_703 = arith.constant 1 : i32
    %sub3A_704 = arith.subi %div3A_683, %sub3A_703 : i32
    %select_n3A_705 = arith.select %and3A_702, %sub3A_704, %div3A_683 : i32
    %mul3A_706 = arith.constant 8 : i32
    %mul3A_707 = arith.muli %select_n3A_705, %mul3A_706 : i32
    %multiple_of3A_708 = tpu.assume_multiple %mul3A_707, 8 : i32
    %add3A_709 = arith.addi %get3A_681, %get3A_678 : i32
    %sub3A_710 = arith.subi %add3A_709, %multiple_of3A_708 : i32
    %add3A_711 = arith.constant 32 : i32
    %add3A_712 = arith.addi %sub3A_710, %add3A_711 : i32
    %sub3A_713 = arith.constant 1 : i32
    %sub3A_714 = arith.subi %add3A_712, %sub3A_713 : i32
    %jit3A_715 = arith.constant 32 : i32
    %div3A_716 = arith.divsi %sub3A_714, %jit3A_715 : i32
    %sign3A_717 = arith.constant 0 : i32
    %sign3A_718 = arith.cmpi sgt, %sub3A_714, %sign3A_717 : i32
    %sign3A_719 = arith.extui %sign3A_718 : i1 to i32
    %sign3A_720 = arith.constant 0 : i32
    %sign3A_721 = arith.cmpi slt, %sub3A_714, %sign3A_720 : i32
    %sign3A_722 = arith.extui %sign3A_721 : i1 to i32
    %sign3A_723 = arith.subi %sign3A_719, %sign3A_722 : i32
    %sign3A_724 = arith.constant 0 : i32
    %sign3A_725 = arith.cmpi sgt, %jit3A_715, %sign3A_724 : i32
    %sign3A_726 = arith.extui %sign3A_725 : i1 to i32
    %sign3A_727 = arith.constant 0 : i32
    %sign3A_728 = arith.cmpi slt, %jit3A_715, %sign3A_727 : i32
    %sign3A_729 = arith.extui %sign3A_728 : i1 to i32
    %sign3A_730 = arith.subi %sign3A_726, %sign3A_729 : i32
    %ne3A_731 = arith.cmpi ne, %sign3A_723, %sign3A_730 : i32
    %rem3A_732 = arith.remsi %sub3A_714, %jit3A_715 : i32
    %ne3A_733 = arith.constant 0 : i32
    %ne3A_734 = arith.cmpi ne, %rem3A_732, %ne3A_733 : i32
    %and3A_735 = arith.andi %ne3A_731, %ne3A_734 : i1
    %sub3A_736 = arith.constant 1 : i32
    %sub3A_737 = arith.subi %div3A_716, %sub3A_736 : i32
    %select_n3A_738 = arith.select %and3A_735, %sub3A_737, %div3A_716 : i32
    %while3A_739 = arith.constant 0 : i32
    %while3A_740 = arith.subi %select_n3A_738, %while3A_739 : i32
    %while3A_741 = arith.addi %while3A_739, %while3A_740 : i32
    %while3A_742 = arith.constant 1 : i32
    %while3A_743 = arith.divsi %while3A_740, %while3A_742 : i32
    %while3A_744 = arith.muli %while3A_743, %while3A_742 : i32
    %while3A_745 = arith.addi %while3A_739, %while3A_744 : i32
    %while3A_746 = arith.constant 1 : i32
    %while3A_747:4 = scf.for %while3A_770 = %while3A_739 to %while3A_745 step %while3A_746 iter_args(%while3A_771 = %broadcast_in_dim3A_0, %while3A_772 = %broadcast_in_dim3A_0, %while3A_773 = %broadcast_in_dim3A_2, %while3A_774 = %broadcast_in_dim3A_2) -> (vector<32x128xf32>, vector<32x128xf32>, vector<32x128xf32>, vector<32x128xf32>)  : i32 {
      %mul3A_775 = arith.constant 32 : i32
      %mul3A_776 = arith.muli %while3A_770, %mul3A_775 : i32
      %add3A_777 = arith.addi %multiple_of3A_708, %mul3A_776 : i32
      %multiple_of3A_778 = tpu.assume_multiple %add3A_777, 8 : i32
      %get3A_779 = arith.index_cast %multiple_of3A_778 : i32 to index
      %get3A_780 = arith.constant 0 : index
      %get3A_781 = vector.load %arg1[%get3A_779, %get3A_780] : memref<10240x256xf32, #tpu.memory_space<vmem>>, vector<32x128xf32>
      %get3A_782 = arith.index_cast %multiple_of3A_778 : i32 to index
      %get3A_783 = arith.constant 128 : index
      %get3A_784 = vector.load %arg1[%get3A_782, %get3A_783] : memref<10240x256xf32, #tpu.memory_space<vmem>>, vector<32x128xf32>
      %iota3A = tpu.iota {dimensions = array<i32: 0>} : vector<32x1xi32>
      %add3A_785 = vector.broadcast %multiple_of3A_778 : i32 to vector<32x1xi32>
      %add3A_786 = arith.addi %add3A_785, %iota3A : vector<32x1xi32>
      %ge3A = vector.broadcast %get3A_678 : i32 to vector<32x1xi32>
      %ge3A_787 = arith.cmpi sge, %add3A_786, %ge3A : vector<32x1xi32>
      %add3A_788 = arith.addi %get3A_678, %get3A_681 : i32
      %lt3A = vector.broadcast %add3A_788 : i32 to vector<32x1xi32>
      %lt3A_789 = arith.cmpi slt, %add3A_786, %lt3A : vector<32x1xi32>
      %and3A_790 = arith.andi %ge3A_787, %lt3A_789 : vector<32x1xi1>
      %jit3A_791 = arith.constant 0xFF800000 : f32
      %broadcast_in_dim3A_792 = vector.shape_cast %and3A_790 : vector<32x1xi1> to vector<32x1xi1>
      %broadcast_in_dim3A_793 = vector.broadcast %broadcast_in_dim3A_792 : vector<32x1xi1> to vector<32x128xi1>
      %broadcast_in_dim3A_794 = vector.broadcast %jit3A_791 : f32 to vector<32x128xf32>
      %select_n3A_795 = arith.select %broadcast_in_dim3A_793, %get3A_781, %broadcast_in_dim3A_794 : vector<32x128xi1>, vector<32x128xf32>
      %max3A = arith.maximumf %while3A_771, %select_n3A_795 : vector<32x128xf32>
      %jit3A_796 = arith.constant 0xFF800000 : f32
      %broadcast_in_dim3A_797 = vector.shape_cast %and3A_790 : vector<32x1xi1> to vector<32x1xi1>
      %broadcast_in_dim3A_798 = vector.broadcast %broadcast_in_dim3A_797 : vector<32x1xi1> to vector<32x128xi1>
      %broadcast_in_dim3A_799 = vector.broadcast %jit3A_796 : f32 to vector<32x128xf32>
      %select_n3A_800 = arith.select %broadcast_in_dim3A_798, %get3A_784, %broadcast_in_dim3A_799 : vector<32x128xi1>, vector<32x128xf32>
      %max3A_801 = arith.maximumf %while3A_772, %select_n3A_800 : vector<32x128xf32>
      %jit3A_802 = arith.constant 0x7F800000 : f32
      %broadcast_in_dim3A_803 = vector.shape_cast %and3A_790 : vector<32x1xi1> to vector<32x1xi1>
      %broadcast_in_dim3A_804 = vector.broadcast %broadcast_in_dim3A_803 : vector<32x1xi1> to vector<32x128xi1>
      %broadcast_in_dim3A_805 = vector.broadcast %jit3A_802 : f32 to vector<32x128xf32>
      %select_n3A_806 = arith.select %broadcast_in_dim3A_804, %get3A_781, %broadcast_in_dim3A_805 : vector<32x128xi1>, vector<32x128xf32>
      %min3A = arith.minimumf %while3A_773, %select_n3A_806 : vector<32x128xf32>
      %jit3A_807 = arith.constant 0x7F800000 : f32
      %broadcast_in_dim3A_808 = vector.shape_cast %and3A_790 : vector<32x1xi1> to vector<32x1xi1>
      %broadcast_in_dim3A_809 = vector.broadcast %broadcast_in_dim3A_808 : vector<32x1xi1> to vector<32x128xi1>
      %broadcast_in_dim3A_810 = vector.broadcast %jit3A_807 : f32 to vector<32x128xf32>
      %select_n3A_811 = arith.select %broadcast_in_dim3A_809, %get3A_784, %broadcast_in_dim3A_810 : vector<32x128xi1>, vector<32x128xf32>
      %min3A_812 = arith.minimumf %while3A_774, %select_n3A_811 : vector<32x128xf32>
      scf.yield %max3A, %max3A_801, %min3A, %min3A_812 : vector<32x128xf32>, vector<32x128xf32>, vector<32x128xf32>, vector<32x128xf32>
    }
    %while3A_748 = arith.constant 1 : i32
    %while3A_749:4 = scf.for %while3A_770 = %while3A_745 to %while3A_741 step %while3A_748 iter_args(%while3A_771 = %while3A_747#0, %while3A_772 = %while3A_747#1, %while3A_773 = %while3A_747#2, %while3A_774 = %while3A_747#3) -> (vector<32x128xf32>, vector<32x128xf32>, vector<32x128xf32>, vector<32x128xf32>)  : i32 {
      %mul3A_775 = arith.constant 32 : i32
      %mul3A_776 = arith.muli %while3A_770, %mul3A_775 : i32
      %add3A_777 = arith.addi %multiple_of3A_708, %mul3A_776 : i32
      %multiple_of3A_778 = tpu.assume_multiple %add3A_777, 8 : i32
      %get3A_779 = arith.index_cast %multiple_of3A_778 : i32 to index
      %get3A_780 = arith.constant 0 : index
      %get3A_781 = vector.load %arg1[%get3A_779, %get3A_780] : memref<10240x256xf32, #tpu.memory_space<vmem>>, vector<32x128xf32>
      %get3A_782 = arith.index_cast %multiple_of3A_778 : i32 to index
      %get3A_783 = arith.constant 128 : index
      %get3A_784 = vector.load %arg1[%get3A_782, %get3A_783] : memref<10240x256xf32, #tpu.memory_space<vmem>>, vector<32x128xf32>
      %iota3A = tpu.iota {dimensions = array<i32: 0>} : vector<32x1xi32>
      %add3A_785 = vector.broadcast %multiple_of3A_778 : i32 to vector<32x1xi32>
      %add3A_786 = arith.addi %add3A_785, %iota3A : vector<32x1xi32>
      %ge3A = vector.broadcast %get3A_678 : i32 to vector<32x1xi32>
      %ge3A_787 = arith.cmpi sge, %add3A_786, %ge3A : vector<32x1xi32>
      %add3A_788 = arith.addi %get3A_678, %get3A_681 : i32
      %lt3A = vector.broadcast %add3A_788 : i32 to vector<32x1xi32>
      %lt3A_789 = arith.cmpi slt, %add3A_786, %lt3A : vector<32x1xi32>
      %and3A_790 = arith.andi %ge3A_787, %lt3A_789 : vector<32x1xi1>
      %jit3A_791 = arith.constant 0xFF800000 : f32
      %broadcast_in_dim3A_792 = vector.shape_cast %and3A_790 : vector<32x1xi1> to vector<32x1xi1>
      %broadcast_in_dim3A_793 = vector.broadcast %broadcast_in_dim3A_792 : vector<32x1xi1> to vector<32x128xi1>
      %broadcast_in_dim3A_794 = vector.broadcast %jit3A_791 : f32 to vector<32x128xf32>
      %select_n3A_795 = arith.select %broadcast_in_dim3A_793, %get3A_781, %broadcast_in_dim3A_794 : vector<32x128xi1>, vector<32x128xf32>
      %max3A = arith.maximumf %while3A_771, %select_n3A_795 : vector<32x128xf32>
      %jit3A_796 = arith.constant 0xFF800000 : f32
      %broadcast_in_dim3A_797 = vector.shape_cast %and3A_790 : vector<32x1xi1> to vector<32x1xi1>
      %broadcast_in_dim3A_798 = vector.broadcast %broadcast_in_dim3A_797 : vector<32x1xi1> to vector<32x128xi1>
      %broadcast_in_dim3A_799 = vector.broadcast %jit3A_796 : f32 to vector<32x128xf32>
      %select_n3A_800 = arith.select %broadcast_in_dim3A_798, %get3A_784, %broadcast_in_dim3A_799 : vector<32x128xi1>, vector<32x128xf32>
      %max3A_801 = arith.maximumf %while3A_772, %select_n3A_800 : vector<32x128xf32>
      %jit3A_802 = arith.constant 0x7F800000 : f32
      %broadcast_in_dim3A_803 = vector.shape_cast %and3A_790 : vector<32x1xi1> to vector<32x1xi1>
      %broadcast_in_dim3A_804 = vector.broadcast %broadcast_in_dim3A_803 : vector<32x1xi1> to vector<32x128xi1>
      %broadcast_in_dim3A_805 = vector.broadcast %jit3A_802 : f32 to vector<32x128xf32>
      %select_n3A_806 = arith.select %broadcast_in_dim3A_804, %get3A_781, %broadcast_in_dim3A_805 : vector<32x128xi1>, vector<32x128xf32>
      %min3A = arith.minimumf %while3A_773, %select_n3A_806 : vector<32x128xf32>
      %jit3A_807 = arith.constant 0x7F800000 : f32
      %broadcast_in_dim3A_808 = vector.shape_cast %and3A_790 : vector<32x1xi1> to vector<32x1xi1>
      %broadcast_in_dim3A_809 = vector.broadcast %broadcast_in_dim3A_808 : vector<32x1xi1> to vector<32x128xi1>
      %broadcast_in_dim3A_810 = vector.broadcast %jit3A_807 : f32 to vector<32x128xf32>
      %select_n3A_811 = arith.select %broadcast_in_dim3A_809, %get3A_784, %broadcast_in_dim3A_810 : vector<32x128xi1>, vector<32x128xf32>
      %min3A_812 = arith.minimumf %while3A_774, %select_n3A_811 : vector<32x128xf32>
      scf.yield %max3A, %max3A_801, %min3A, %min3A_812 : vector<32x128xf32>, vector<32x128xf32>, vector<32x128xf32>, vector<32x128xf32>
    }
    %reduce_max3A_750 = arith.constant dense<0xFF800000> : vector<128xf32>
    %reduce_max3A_751 = vector.multi_reduction <maximumf>, %while3A_749#0, %reduce_max3A_750 [0] : vector<32x128xf32> to vector<128xf32>
    %broadcast_in_dim3A_752 = vector.shape_cast %reduce_max3A_751 : vector<128xf32> to vector<1x128xf32>
    %reduce_max3A_753 = arith.constant dense<0xFF800000> : vector<128xf32>
    %reduce_max3A_754 = vector.multi_reduction <maximumf>, %while3A_749#1, %reduce_max3A_753 [0] : vector<32x128xf32> to vector<128xf32>
    %broadcast_in_dim3A_755 = vector.shape_cast %reduce_max3A_754 : vector<128xf32> to vector<1x128xf32>
    %concatenate3A_756 = tpu.concatenate %broadcast_in_dim3A_752, %broadcast_in_dim3A_755 in 1 : vector<1x128xf32>, vector<1x128xf32> -> vector<1x256xf32>
    %swap3A_757 = arith.constant 7 : index
    %swap3A_758 = arith.constant 0 : index
    %swap3A_759 = vector.load %arg4[%swap3A_757, %swap3A_758] : memref<8x256xf32, #tpu.memory_space<vmem>>, vector<1x256xf32>
    tpu.vector_store %arg4[%swap3A_757, %swap3A_758], %concatenate3A_756 {strides = array<i32>} : memref<8x256xf32, #tpu.memory_space<vmem>>, vector<1x256xf32>,
    %reduce_min3A_760 = arith.constant dense<0x7F800000> : vector<128xf32>
    %reduce_min3A_761 = vector.multi_reduction <minimumf>, %while3A_749#2, %reduce_min3A_760 [0] : vector<32x128xf32> to vector<128xf32>
    %broadcast_in_dim3A_762 = vector.shape_cast %reduce_min3A_761 : vector<128xf32> to vector<1x128xf32>
    %reduce_min3A_763 = arith.constant dense<0x7F800000> : vector<128xf32>
    %reduce_min3A_764 = vector.multi_reduction <minimumf>, %while3A_749#3, %reduce_min3A_763 [0] : vector<32x128xf32> to vector<128xf32>
    %broadcast_in_dim3A_765 = vector.shape_cast %reduce_min3A_764 : vector<128xf32> to vector<1x128xf32>
    %concatenate3A_766 = tpu.concatenate %broadcast_in_dim3A_762, %broadcast_in_dim3A_765 in 1 : vector<1x128xf32>, vector<1x128xf32> -> vector<1x256xf32>
    %swap3A_767 = arith.constant 7 : index
    %swap3A_768 = arith.constant 0 : index
    %swap3A_769 = vector.load %arg5[%swap3A_767, %swap3A_768] : memref<8x256xf32, #tpu.memory_space<vmem>>, vector<1x256xf32>
    tpu.vector_store %arg5[%swap3A_767, %swap3A_768], %concatenate3A_766 {strides = array<i32>} : memref<8x256xf32, #tpu.memory_space<vmem>>, vector<1x256xf32>,
    return
  }
  func.func @transform_0(%arg0: i32) -> (i32, i32) {
    %c0_i32 = arith.constant 0 : i32
    %c0_i32_0 = arith.constant 0 : i32
    %c0_i32_1 = arith.constant 0 : i32
    return %c0_i32, %c0_i32_0 : i32, i32
  }
  func.func @transform_1(%arg0: i32) -> (i32, i32) {
    %c0_i32 = arith.constant 0 : i32
    %c0_i32_0 = arith.constant 0 : i32
    %c0_i32_1 = arith.constant 0 : i32
    return %c0_i32, %c0_i32_0 : i32, i32
  }
  func.func @transform_2(%arg0: i32) -> (i32, i32) {
    %c0_i32 = arith.constant 0 : i32
    %c0_i32_0 = arith.constant 0 : i32
    %c0_i32_1 = arith.constant 0 : i32
    return %c0_i32, %c0_i32_0 : i32, i32
  }
  func.func @transform_3(%arg0: i32) -> (i32, i32) {
    %c0_i32 = arith.constant 0 : i32
    %c0_i32_0 = arith.constant 0 : i32
    return %arg0, %c0_i32 : i32, i32
  }
  func.func @transform_4(%arg0: i32) -> (i32, i32) {
    %c0_i32 = arith.constant 0 : i32
    %c0_i32_0 = arith.constant 0 : i32
    return %arg0, %c0_i32 : i32, i32
  }
}

module attributes {stable_mosaic.version = 14 : i64} {
  func.func @_head_body(%arg0: memref<64x256xf32, #tpu.memory_space<vmem>>, %arg1: memref<64x256xf32, #tpu.memory_space<vmem>>, %arg2: memref<64x256xf32, #tpu.memory_space<vmem>>, %arg3: memref<64x1xf32, #tpu.memory_space<vmem>>, %arg4: memref<1x256xf32, #tpu.memory_space<vmem>>, %arg5: memref<1x256xf32, #tpu.memory_space<vmem>>, %arg6: memref<768x128xf32, #tpu.memory_space<vmem>>, %arg7: memref<1x128xf32, #tpu.memory_space<vmem>>, %arg8: memref<64x128xf32, #tpu.memory_space<vmem>>) attributes {dimension_semantics = [], scalar_prefetch = 0 : i64, scratch_operands = 0 : i64, tpu.core_type = #tpu.core_type<tc>} {
    %get3A = arith.constant 0 : index
    %get3A_0 = arith.constant 0 : index
    %get3A_1 = vector.load %arg4[%get3A, %get3A_0] : memref<1x256xf32, #tpu.memory_space<vmem>>, vector<1x256xf32>
    %get3A_2 = arith.constant 0 : index
    %get3A_3 = arith.constant 0 : index
    %get3A_4 = vector.load %arg5[%get3A_2, %get3A_3] : memref<1x256xf32, #tpu.memory_space<vmem>>, vector<1x256xf32>
    %get3A_5 = arith.constant 0 : index
    %get3A_6 = arith.constant 0 : index
    %get3A_7 = vector.load %arg3[%get3A_5, %get3A_6] : memref<64x1xf32, #tpu.memory_space<vmem>>, vector<64x1xf32>
    %get3A_8 = arith.constant 0 : index
    %get3A_9 = arith.constant 0 : index
    %get3A_10 = vector.load %arg0[%get3A_8, %get3A_9] : memref<64x256xf32, #tpu.memory_space<vmem>>, vector<64x256xf32>
    %mul3A = vector.broadcast %get3A_1 : vector<1x256xf32> to vector<64x256xf32>
    %mul3A_11 = arith.mulf %get3A_10, %mul3A : vector<64x256xf32>
    %mul3A_12 = vector.broadcast %get3A_7 : vector<64x1xf32> to vector<64x256xf32>
    %mul3A_13 = vector.broadcast %get3A_4 : vector<1x256xf32> to vector<64x256xf32>
    %mul3A_14 = arith.mulf %mul3A_12, %mul3A_13 : vector<64x256xf32>
    %add3A = arith.addf %mul3A_11, %mul3A_14 : vector<64x256xf32>
    %max3A = arith.constant 1.000000e+00 : f32
    %max3A_15 = vector.broadcast %max3A : f32 to vector<64x1xf32>
    %max3A_16 = arith.maximumf %get3A_7, %max3A_15 : vector<64x1xf32>
    %div3A = vector.broadcast %max3A_16 : vector<64x1xf32> to vector<64x256xf32>
    %div3A_17 = arith.divf %add3A, %div3A : vector<64x256xf32>
    %gt3A = arith.constant 0.000000e+00 : f32
    %gt3A_18 = vector.broadcast %gt3A : f32 to vector<1x256xf32>
    %gt3A_19 = arith.cmpf ogt, %get3A_1, %gt3A_18 : vector<1x256xf32>
    %get3A_20 = arith.constant 0 : index
    %get3A_21 = arith.constant 0 : index
    %get3A_22 = vector.load %arg1[%get3A_20, %get3A_21] : memref<64x256xf32, #tpu.memory_space<vmem>>, vector<64x256xf32>
    %mul3A_23 = vector.broadcast %get3A_1 : vector<1x256xf32> to vector<64x256xf32>
    %mul3A_24 = arith.mulf %get3A_22, %mul3A_23 : vector<64x256xf32>
    %add3A_25 = vector.broadcast %get3A_4 : vector<1x256xf32> to vector<64x256xf32>
    %add3A_26 = arith.addf %mul3A_24, %add3A_25 : vector<64x256xf32>
    %lt3A = arith.constant 0.000000e+00 : f32
    %lt3A_27 = vector.broadcast %lt3A : f32 to vector<1x256xf32>
    %lt3A_28 = arith.cmpf olt, %get3A_1, %lt3A_27 : vector<1x256xf32>
    %get3A_29 = arith.constant 0 : index
    %get3A_30 = arith.constant 0 : index
    %get3A_31 = vector.load %arg2[%get3A_29, %get3A_30] : memref<64x256xf32, #tpu.memory_space<vmem>>, vector<64x256xf32>
    %mul3A_32 = vector.broadcast %get3A_1 : vector<1x256xf32> to vector<64x256xf32>
    %mul3A_33 = arith.mulf %get3A_31, %mul3A_32 : vector<64x256xf32>
    %add3A_34 = vector.broadcast %get3A_4 : vector<1x256xf32> to vector<64x256xf32>
    %add3A_35 = arith.addf %mul3A_33, %add3A_34 : vector<64x256xf32>
    %broadcast_in_dim3A = vector.shape_cast %lt3A_28 : vector<1x256xi1> to vector<1x256xi1>
    %broadcast_in_dim3A_36 = vector.broadcast %broadcast_in_dim3A : vector<1x256xi1> to vector<64x256xi1>
    %broadcast_in_dim3A_37 = vector.shape_cast %get3A_4 : vector<1x256xf32> to vector<1x256xf32>
    %broadcast_in_dim3A_38 = vector.broadcast %broadcast_in_dim3A_37 : vector<1x256xf32> to vector<64x256xf32>
    %select_n3A = arith.select %broadcast_in_dim3A_36, %add3A_35, %broadcast_in_dim3A_38 : vector<64x256xi1>, vector<64x256xf32>
    %broadcast_in_dim3A_39 = vector.shape_cast %gt3A_19 : vector<1x256xi1> to vector<1x256xi1>
    %broadcast_in_dim3A_40 = vector.broadcast %broadcast_in_dim3A_39 : vector<1x256xi1> to vector<64x256xi1>
    %select_n3A_41 = arith.select %broadcast_in_dim3A_40, %add3A_26, %select_n3A : vector<64x256xi1>, vector<64x256xf32>
    %get3A_42 = arith.constant 0 : index
    %get3A_43 = arith.constant 0 : index
    %get3A_44 = vector.load %arg6[%get3A_42, %get3A_43] : memref<768x128xf32, #tpu.memory_space<vmem>>, vector<256x128xf32>
    %dot_general3A = arith.constant dense<0.000000e+00> : vector<64x128xf32>
    %dot_general3A_45 = tpu.matmul %add3A, %get3A_44, %dot_general3A {dimension_numbers = #tpu.dot_dimension_numbers<[1], [0], [0], [1], [0, 0, 1, 1], [], []>, precision = #tpu.contract_precision<fp32>, transpose_lhs_hint = false} : vector<64x256xf32>, vector<256x128xf32>, vector<64x128xf32> -> vector<64x128xf32>
    %get3A_46 = arith.constant 256 : index
    %get3A_47 = arith.constant 0 : index
    %get3A_48 = vector.load %arg6[%get3A_46, %get3A_47] : memref<768x128xf32, #tpu.memory_space<vmem>>, vector<256x128xf32>
    %dot_general3A_49 = arith.constant dense<0.000000e+00> : vector<64x128xf32>
    %dot_general3A_50 = tpu.matmul %div3A_17, %get3A_48, %dot_general3A_49 {dimension_numbers = #tpu.dot_dimension_numbers<[1], [0], [0], [1], [0, 0, 1, 1], [], []>, precision = #tpu.contract_precision<fp32>, transpose_lhs_hint = false} : vector<64x256xf32>, vector<256x128xf32>, vector<64x128xf32> -> vector<64x128xf32>
    %add3A_51 = arith.addf %dot_general3A_45, %dot_general3A_50 : vector<64x128xf32>
    %get3A_52 = arith.constant 512 : index
    %get3A_53 = arith.constant 0 : index
    %get3A_54 = vector.load %arg6[%get3A_52, %get3A_53] : memref<768x128xf32, #tpu.memory_space<vmem>>, vector<256x128xf32>
    %dot_general3A_55 = arith.constant dense<0.000000e+00> : vector<64x128xf32>
    %dot_general3A_56 = tpu.matmul %select_n3A_41, %get3A_54, %dot_general3A_55 {dimension_numbers = #tpu.dot_dimension_numbers<[1], [0], [0], [1], [0, 0, 1, 1], [], []>, precision = #tpu.contract_precision<fp32>, transpose_lhs_hint = false} : vector<64x256xf32>, vector<256x128xf32>, vector<64x128xf32> -> vector<64x128xf32>
    %add3A_57 = arith.addf %add3A_51, %dot_general3A_56 : vector<64x128xf32>
    %get3A_58 = arith.constant 0 : index
    %get3A_59 = arith.constant 0 : index
    %get3A_60 = vector.load %arg7[%get3A_58, %get3A_59] : memref<1x128xf32, #tpu.memory_space<vmem>>, vector<1x128xf32>
    %add3A_61 = vector.broadcast %get3A_60 : vector<1x128xf32> to vector<64x128xf32>
    %add3A_62 = arith.addf %add3A_57, %add3A_61 : vector<64x128xf32>
    %swap3A = arith.constant 0 : index
    %swap3A_63 = arith.constant 0 : index
    %swap3A_64 = vector.load %arg8[%swap3A, %swap3A_63] : memref<64x128xf32, #tpu.memory_space<vmem>>, vector<64x128xf32>
    tpu.vector_store %arg8[%swap3A, %swap3A_63], %add3A_62 {strides = array<i32>} : memref<64x128xf32, #tpu.memory_space<vmem>>, vector<64x128xf32>,
    return
  }
}

</mosaic_0001>

<sc_bundles>
// kernel: kernel.11.cloned.1.call-start
scs
__scs_entry_jumppad:
0x0: {  	(pc) =	sbr.rel $0x88, $3  }
0x1: {  	(tag) =	ssettag $0x0;
	lr =	simm.s32 $0x1  }
0x2: {  	[smem:$0x3F94] =	sst lr;
	_ =	strace $0xD0000000  }
0x3: {  	_ = 	snop  }
0x4: {  	_ = 	snop  }
0x5: {  	_ = 	snop  }
0x6: {  	_ = 	snop  }
0x7: {  	_ = 	snop  }
__scs_overlays_trampoline_lowered:
0x8: {  	[smem:$0x3FA3] =	sst s0  }
0x9: {  	[smem:$0x3FA4] =	sst s1  }
0xa: {  	[smem:$0x3FA5] =	sst s2  }
0xb: {  	[smem:$0x3FA6] =	sst s3  }
0xc: {  	[smem:$0x3FA7] =	sst s4  }
0xd: {  	[smem:$0x3FA8] =	sst s5  }
0xe: {  	[smem:$0x3FA9] =	sst s6  }
0xf: {  	[smem:$0x3FAA] =	sst s7  }
0x10: {  	[smem:$0x3FAB] =	sst s8  }
0x11: {  	[smem:$0x3FAC] =	sst s9;
	s0 =	simm.s32 @!p0 $0x0  }
0x12: {  	s1 =	sld [smem:$0x3F92];
	s0 =	simm.s32 @p0 $0x1  }
0x13: {  	[smem:$0x3FAD] =	sst s0;
	s0 =	simm.s32 @!p1 $0x0  }
0x14: {  	s2 =	sld [smem:$0x3F91];
	s0 =	simm.s32 @p1 $0x1  }
0x15: {  	[smem:$0x3FAE] =	sst s0;
	s0 =	simm.s32 @!p2 $0x0  }
0x16: {  	s3 =	sld [smem:$0x3FDB];
	s0 =	simm.s32 @p2 $0x1  }
0x17: {  	s4 =	simm.s32 $0x1BF5;
	[smem:$0x3FB0] =	sst s0  }
0x18: {  	s0 =	sld [smem:$0x3F93];
	_ =	swait.ge [sflag:s4], $0x0  }
0x19: {  	s7 =	sld [smem:$0x3F94]  }
0x1a: {  	s8 =	sadd.s32 $0xFFFFE003, lr  }
0x1b: {  	s9 =	sadd.s32 $0xFFFFFEF7, lr;
	s5 =	simm.s32 $0xFFFFFFFF;
	p2 =	slt.u32 s8, $0xFFFFF086  }
0x1c: {  	p1 =	slt.u32 s9, $0xF7A;
	s5 =	simm.s32 @!p2 $0x0  }
0x1d: {  	s5 =	simm.s32 @p1 $0x1;
	p0 =	seq.s32 s7, s2  }
0x1e: {  	s7 =	smul.u32 @!p0 $0xF7A, s2;
	p2 =	seq.s32 @!p0 s5, $0x0  }
0x1f: {  	s9 =	smul.u32 $0xF7A, s1;
	s8 =	simm.s32 @!p0 $0x1BF5;
	p2 =	por !p2, p0  }
0x20: {  	[sflag:s8] =	ssyncset.s32 @!p0 $0xFFFFF086;
	s6 =	sadd.s32 @!p0 s3, s7;
	s7 =	simm.s32 @!p0 $0x108  }
0x21: {  	s3 =	sadd.s32 s3, s9;
	s6 =	sadd.s32 @!p0 $0x88, s6;
	s7 =	simm.s32 @p2 $0x1082  }
0x22: {  	[simem:s7], [sflag:s8] =	dma.local @!p0 [hbm:s6], $0xF7A  }
0x23: {  	s9 =	sor.u32 $0xD0000000, s2;
	s6 =	simm.s32 $0x108;
	_ =	swait.ge @!p0 [sflag:s8], $0x0  }
0x24: {  	s3 =	sadd.s32 $0x88, s3;
	s6 =	simm.s32 @!p1 $0x1082;
	[sflag:s4] =	ssyncset.s32 $0xFFFFF086  }
0x25: {  	[simem:s6], [sflag:s4] =	dma.local [hbm:s3], $0xF7A  }
0x26: {  	[smem:$0x3F94] =	sst s1;
	(tag) =	ssettag s2;
	_ =	strace s9  }
0x27: {  	s1 =	sld [smem:$0x3FA4]  }
0x28: {  	s2 =	sld [smem:$0x3FA5]  }
0x29: {  	s4 =	sld [smem:$0x3FA7]  }
0x2a: {  	p0 =	seq.s32 s5, $0x0;
	s5 =	sld [smem:$0x3FA8]  }
0x2b: {  	s6 =	sld [smem:$0x3FA9]  }
0x2c: {  	s7 =	sld [smem:$0x3FAA]  }
0x2d: {  	s3 =	simm.s32 $0x108;
	s8 =	sld [smem:$0x3FAB]  }
0x2e: {  	s3 =	simm.s32 @!p0 $0x1082;
	s9 =	sld [smem:$0x3FAC]  }
0x2f: {  	lr =	sadd.s32 s0, s3;
	s0 =	sld [smem:$0x3FA3]  }
0x30: {  	s3 =	sld [smem:$0x3FA6]  }
0x31: {  	[smem:$0x3FAF] =	sst s10  }
0x32: {  	s10 =	sld [smem:$0x3FAD];
	_ =	sdelay $0x3  }
0x33: {  	p0 =	seq.s32 s10, $0x1;
	s10 =	sld [smem:$0x3FAF];
	_ =	sdelay $0x3  }
0x34: {  	[smem:$0x3FAF] =	sst s10  }
0x35: {  	s10 =	sld [smem:$0x3FAE];
	_ =	sdelay $0x3  }
0x36: {  	p1 =	seq.s32 s10, $0x1;
	s10 =	sld [smem:$0x3FAF];
	_ =	sdelay $0x3  }
0x37: {  	[smem:$0x3FAF] =	sst s10  }
0x38: {  	s10 =	sld [smem:$0x3FB0]  }
0x39: {  	_ = 	snop;
	(pc) =	sbr.ind lr, $3  }
0x3a: {  	_ = 	snop  }
0x3b: {  	_ = 	snop  }
0x3c: {  	p2 =	seq.s32 s10, $0x1;
	s10 =	sld [smem:$0x3FAF]  }
0x3d: {  	_ =	shalt  }
0x3e: {  	_ =	shalt  }
0x3f: {  	_ =	shalt  }
0x40: {  	_ =	shalt  }
0x41: {  	_ =	shalt  }
0x42: {  	_ =	shalt  }
0x43: {  	_ =	shalt  }
0x44: {  	_ =	shalt  }
0x45: {  	_ =	shalt  }
0x46: {  	_ =	shalt  }
0x47: {  	_ =	shalt  }
0x48: {  	_ =	shalt  }
0x49: {  	_ =	shalt  }
0x4a: {  	_ =	shalt  }
0x4b: {  	_ =	shalt  }
0x4c: {  	_ =	shalt  }
0x4d: {  	_ =	shalt  }
0x4e: {  	_ =	shalt  }
0x4f: {  	_ =	shalt  }
0x50: {  	_ =	shalt  }
0x51: {  	_ =	shalt  }
0x52: {  	_ =	shalt  }
0x53: {  	_ =	shalt  }
0x54: {  	_ =	shalt  }
0x55: {  	_ =	shalt  }
0x56: {  	_ =	shalt  }
0x57: {  	_ =	shalt  }
0x58: {  	_ =	shalt  }
0x59: {  	_ =	shalt  }
0x5a: {  	_ =	shalt  }
0x5b: {  	_ =	shalt  }
0x5c: {  	_ =	shalt  }
0x5d: {  	_ =	shalt  }
0x5e: {  	_ =	shalt  }
0x5f: {  	_ =	shalt  }
0x60: {  	_ =	shalt  }
0x61: {  	_ =	shalt  }
0x62: {  	_ =	shalt  }
0x63: {  	_ =	shalt  }
0x64: {  	_ =	shalt  }
0x65: {  	_ =	shalt  }
0x66: {  	_ =	shalt  }
0x67: {  	_ =	shalt  }
0x68: {  	_ =	shalt  }
0x69: {  	_ =	shalt  }
0x6a: {  	_ =	shalt  }
0x6b: {  	_ =	shalt  }
0x6c: {  	_ =	shalt  }
0x6d: {  	_ =	shalt  }
0x6e: {  	_ =	shalt  }
0x6f: {  	_ =	shalt  }
0x70: {  	_ =	shalt  }
0x71: {  	_ =	shalt  }
0x72: {  	_ =	shalt  }
0x73: {  	_ =	shalt  }
0x74: {  	_ =	shalt  }
0x75: {  	_ =	shalt  }
0x76: {  	_ =	shalt  }
0x77: {  	_ =	shalt  }
0x78: {  	_ =	shalt  }
0x79: {  	_ =	shalt  }
0x7a: {  	_ =	shalt  }
0x7b: {  	_ =	shalt  }
0x7c: {  	_ =	shalt  }
0x7d: {  	_ =	shalt  }
0x7e: {  	_ =	shalt  }
0x7f: {  	_ =	shalt  }
0x80: {  	_ =	shalt  }
0x81: {  	_ =	shalt  }
0x82: {  	_ =	shalt  }
0x83: {  	_ =	shalt  }
0x84: {  	_ =	shalt  }
0x85: {  	_ =	shalt  }
0x86: {  	_ =	shalt  }
0x87: {  	_ =	shalt  }
.Lfunc_end0:
.L_simem_size_0:
called_computation_lowered:
.L_overlay_start_0:
0x88: {  	s2 =	sld [smem:$0x3FD9]  }
0x89: {  	s3 =	sld [smem:$0x3FFE];
	_ =	sdelay $0x1  }
0x8a: {  	s1 =	srdreg.scid  }
0x8b: {  	s0 =	sand.u32 $0x1, s1  }
0x8c: {  	s16 =	sshll.u32 s0, $0xA;
	s2 =	sadd.s32 s3, s2  }
0x8d: {  	s2 =	sadd.s32 s2, s16  }
0x8e: {  	[smem:$0x3FBB] =	sst s2  }
0x8f: {  	_ = 	snop  }
0x90: {  	(tm) =	ssettm $0x1  }
0x91: {  	s17 =	sld [smem:$0x3FFB];
	_ =	sdelay $0x3  }
0x92: {  	_ =	strace s17  }
0x93: {  	s2 =	sld [smem:$0x3FFC];
	_ =	sdelay $0x3  }
0x94: {  	_ =	strace s2  }
0x95: {  	s2 =	sld [smem:$0x3FFD];
	_ =	sdelay $0x3  }
0x96: {  	_ =	strace s2  }
0x97: {  	_ =	strace $0x8FFFFFFF  }
0x98: {  	s18 =	sld [smem:$0x3FDB];
	_ =	sdelay $0x1  }
0x99: {  	s19 =	simm.s32 $_scs_section_size  }
0x9a: {  	s4 =	simm.s32 $_size__tile_overlayer_lowered;
	s5 =	simm.s32 $_tile_overlayer_lowered  }
0x9b: {  	s22 =	simm.s32 $0x1BFF;
	s21 =	sshll.u32 s5, $0x1;
	s2 =	sadd.s32 s19, s18  }
0x9c: {  	s6 =	simm.s32 $0x0;
	s20 =	sshll.u32 s4, $0x1;
	s4 =	sadd.s32 s21, s2  }
0x9d: {  	[timem:s6], [sflag:s22] =	dma.local [hbm:s4], s20  }
0x9e: {  	_ =	swait.ge [sflag:s22], s20  }
0x9f: {  	s3 =	ssub.s32 $0x0, s20;
	[sflag:s22] =	ssyncset.done $0x0  }
0xa0: {  	[sflag:s22] =	ssyncadd.s32 s3;
	_ =	sdelay $0x1  }
0xa1: {  	s23 =	simm.s32 $0x1B8B  }
0xa2: {  	_ =	swait.ge [sflag:s23], $0x1  }
0xa3: {  	[sflag:s23] =	ssyncset.done $0x0  }
0xa4: {  	s25 =	simm.s32 $0x1B8E;
	s24 =	sld [smem:$0x3FFE];
	[sflag:s23] =	ssyncadd.s32 $0xFFFFFFFF  }
0xa5: {  	s26 =	simm.s32 $execute0_lowered;
	[smem:$0x3FD2] =	sst s25  }
0xa6: {  	s4 =	sshll.u32 s26, $0x1;
	_ =	strace $0x80000046;
	[dreg:$0x1] =	wrdreg $0xFFFFFFFF  }
0xa7: {  	s28 =	simm.s32 $_size_execute0_lowered;
	s2 =	sadd.s32 s2, s4;
	[dreg:$0x0] =	wrdreg $0x0  }
0xa8: {  	s4 =	sshll.u32 s28, $0x1;
	[dreg:$0x2] =	wrdreg s2  }
0xa9: {  	[dreg:$0x3] =	wrdreg s4  }
0xaa: {  	[dreg:$0x4] =	wrdreg $0xC0  }
0xab: {  	_ =	task [dreg:s6], $0x5FFFF  }
0xac: {  	[dreg:$0x1] =	wrdreg $0xFFFFFFFF  }
0xad: {  	[dreg:$0x0] =	wrdreg $0x60  }
0xae: {  	[dreg:$0x2] =	wrdreg s24  }
0xaf: {  	[dreg:$0x3] =	wrdreg $0x43000  }
0xb0: {  	[dreg:$0x4] =	wrdreg $0x9  }
0xb1: {  	_ =	task.clear_ibuf [dreg:s6], $0x5FFFF;
	_ =	strace $0x90000046  }
0xb2: {  	s29 =	simm.s32 $0x9;
	_ =	strace $0x80000048  }
0xb3: {  	_ =	swait.ge [sflag:s29], $0x1  }
0xb4: {  	[sflag:s29] =	ssyncadd.s32 $0xFFFFFFFF  }
0xb5: {  	_ =	strace $0x90000048  }
0xb6: {  	_ =	sfence  }
0xb7: {  	s30 =	sld [smem:$0x0];
	_ =	sdelay $0x2  }
0xb8: {  	s31 =	sshll.u32 s1, $0xD;
	s1 =	sshrl.u32 s1, $0x2  }
0xb9: {  	s3 =	sand.u32 $0x4000, s31;
	s1 =	sadd.s32 s1, s30  }
0xba: {  	s0 =	sor.u32 s3, s0;
	s1 =	sshll.u32 s1, $0x11  }
0xbb: {  	s0 =	sor.u32 s1, s0  }
0xbc: {  	s0 =	sadd.s32 $0x8F2B, s0  }
0xbd: {  	[sflag:s0] =	ssyncadd.remote.s32 $0x1  }
0xbe: {  	_ =	sfence.sel $0xFFFF  }
0xbf: {  	[dreg:$0x0] =	wrdreg $0xFFFFFFFF;
	(pc) =	sbr.abs _section_cstart, $3  }
0xc0: {  	[dreg:$0x1] =	wrdreg $0xFFFFFFFF  }
0xc1: {  	_ =	task.clear_ibuf [dreg:s6], $0x2FFFF;
	_ =	strace $0x9FFFFFFF  }
0xc2: {  	(tm) =	ssettm $0x7FFFFFFF  }
0xc3: {  	_ =	shalt  }
tec
execute0_lowered:
.L_overlay_start_1:
0x0: {  	(tag) =	ssettag $0x1  }
0x1: {  	s4 =	rddreg [dreg:$0x0]  }
0x2: {  	s0 =	stileid.u32;
	s1 =	srdreg.scid  }
0x3: {  	s2 =	rddreg [dreg:$0x1];
	s3 =	simm.s32 $0x0;
	s12 =	simm.f32 $1.000000000e+00  }
0x4: {  	s10 =	simm.s32 $0x50;
	s11 =	simm.s32 $0x4000;
	s14 =	simm.s32 $0x0  }
0x5: {  	s5 =	sand.u32 $0x1, s1;
	s6 =	smul.u32 $0x280, s0;
	s1 =	rddreg [dreg:$0x2]  }
0x6: {  	[smem:$0x7FF] =	sst s3;
	s8 =	sshll.u32 s0, $0xB;
	s13 =	sshll.u32 s0, $0x6  }
0x7: {  	s7 =	smul.u32 $0x2800, s5;
	_ =	strace $0x80000047;
	s9 =	ssub.s32 $0x2, s5  }
0x8: {  	s8 =	sadd.s32 s8, s4;
	p0 =	seq.s32 s5, $0x0;
	s5 =	sshll.u32 s5, $0xF  }
0x9: {  	s31 =	sshrl.u32 s9, $0x1;
	s12 =	simm.s32 @!p0 $0x0;
	s7 =	sadd.s32 s6, s7  }
0xa: {  	s5 =	sadd.s32 s5, s8;
	s8 =	simm.s32 $0x4080;
	s7 =	sshrl.u32 s7, $0x3  }
0xb: {  	s9 =	ssub.s32 s9, s31;
	s5 =	sadd.s32 $0x2A00, s5;
	s7 =	sadd.s32 s7, s4  }
0xc: {  	v0 =	vmov s12;
	s12 =	sor.u32 $0x1C01, s13;
	s4 =	sadd.s32 s6, s2;
	s6 =	sadd.s32 $0x12A00, s7  }
0xd: {  	v1 =	vimm.f32 $1.000000000e+00;
	s7 =	smax.u32 s9, $0x1;
	s9 =	simm.s32 $0x1;
	s13 =	sshrl.u32 s4, $0x3  }
.LBB2_1:
0xe: {  	[tilespmem:$0x4000] =	vst v1  }
0xf: {  	[tilespmem:$0x4010] =	vst v1  }
0x10: {  	[tilespmem:$0x4020] =	vst v1  }
0x11: {  	[tilespmem:$0x4030] =	vst v1  }
0x12: {  	[tilespmem:$0x4040] =	vst v1  }
0x13: {  	[tilespmem:$0x4080] =	vst v0  }
0x14: {  	[tilespmem:$0x4090] =	vst v0  }
0x15: {  	[tilespmem:$0x40A0] =	vst v0  }
0x16: {  	[tilespmem:$0x40B0] =	vst v0  }
0x17: {  	[tilespmem:$0x40C0] =	vst v0  }
0x18: {  	[tilespmem:$0x40D0] =	vst v0  }
0x19: {  	[tilespmem:$0x40E0] =	vst v0  }
0x1a: {  	[tilespmem:$0x40F0] =	vst v0  }
0x1b: {  	[tilespmem:$0x4100] =	vst v0  }
0x1c: {  	[tilespmem:$0x4110] =	vst v0  }
0x1d: {  	[tilespmem:$0x4120] =	vst v0  }
0x1e: {  	[tilespmem:$0x4130] =	vst v0  }
0x1f: {  	[tilespmem:$0x4140] =	vst v0  }
0x20: {  	[tilespmem:$0x4150] =	vst v0  }
0x21: {  	[tilespmem:$0x4160] =	vst v0  }
0x22: {  	[tilespmem:$0x4170] =	vst v0  }
0x23: {  	[tilespmem:$0x4180] =	vst v0  }
0x24: {  	[tilespmem:$0x4190] =	vst v0  }
0x25: {  	[tilespmem:$0x41A0] =	vst v0  }
0x26: {  	[tilespmem:$0x41B0] =	vst v0  }
0x27: {  	[tilespmem:$0x41C0] =	vst v0  }
0x28: {  	[tilespmem:$0x41D0] =	vst v0  }
0x29: {  	[tilespmem:$0x41E0] =	vst v0  }
0x2a: {  	[tilespmem:$0x41F0] =	vst v0  }
0x2b: {  	[tilespmem:$0x4200] =	vst v0  }
0x2c: {  	[tilespmem:$0x4210] =	vst v0  }
0x2d: {  	[tilespmem:$0x4220] =	vst v0  }
0x2e: {  	[tilespmem:$0x4230] =	vst v0  }
0x2f: {  	[tilespmem:$0x4240] =	vst v0  }
0x30: {  	[tilespmem:$0x4250] =	vst v0  }
0x31: {  	[tilespmem:$0x4260] =	vst v0  }
0x32: {  	[tilespmem:$0x4270] =	vst v0  }
0x33: {  	[tilespmem:$0x4280] =	vst v0  }
0x34: {  	[tilespmem:$0x4290] =	vst v0  }
0x35: {  	[tilespmem:$0x42A0] =	vst v0  }
0x36: {  	[tilespmem:$0x42B0] =	vst v0  }
0x37: {  	[tilespmem:$0x42C0] =	vst v0  }
0x38: {  	[tilespmem:$0x42D0] =	vst v0  }
0x39: {  	[tilespmem:$0x42E0] =	vst v0  }
0x3a: {  	[tilespmem:$0x42F0] =	vst v0  }
0x3b: {  	[spmem:s4] =	stream.linear.scatter [tilespmem:s8], [sflag:$0x1], $0x280, $0x38;
	[tilespmem:$0x4580] =	vst v63  }
0x3c: {  	_ =	swait.ge [sflag:s9], $0x280  }
0x3d: {  	[sflag:s9] =	ssyncset.done $0x0  }
0x3e: {  	[sflag:s9] =	ssyncadd.s32 $0xFFFFFD80  }
0x3f: {  	[tilespmem:s3], [sflag:$0x1] =	stream.linear.gather [hbm4b:s5+s3], $0x3E80, $0x38;
	[tilespmem:$0x4580] =	vst v63  }
0x40: {  	_ =	swait.ge [sflag:s9], $0x3E80  }
0x41: {  	[sflag:s9] =	ssyncset.done $0x0  }
0x42: {  	[sflag:s9] =	ssyncadd.s32 $0xFFFFC180  }
0x43: {  	s15 =	simm.s32 $0x0;
	[bflag:$0x0] =	sbarrier.arrive $0xFFFF  }
0x44: {  	[spmem:s2] =	stream.indirect.scatter.add.f32 [tilespmem:s11], [sflag:$0x1], $0x1, s15, s10, $0xb8;
	[tilespmem:$0x4580] =	vst v63  }
0x45: {  	_ =	swait.ge [sflag:s9], $0x50  }
0x46: {  	s15 =	simm.s32 $0x200;
	[sflag:s9] =	ssyncset.done $0x0  }
.LBB2_2:
0x47: {  	s16 =	sshra.s32 s15, $0x2;
	[sflag:s9] =	ssyncadd.s32 $0xFFFFFFB0;
	p0 =	sne.s32 s15, $0xF800  }
0x48: {  	[spmem:s2] =	stream.indirect.scatter.add.f32 [tilespmem:s11], [sflag:$0x1], $0x1, s16, s10, $0xb8;
	[tilespmem:$0x4580] =	vst v63  }
.Ltmp0:
0x49: {  	_ = 	snop;
	(pc) =	sbr.rel @p0 .LBB2_2-.Ltmp0, $4  }
0x4a: {  	_ = 	snop  }
0x4b: {  	s15 =	sadd.s32 $0x200, s15  }
0x4c: {  	_ =	swait.ge [sflag:s9], $0x50  }
0x4d: {  	[sflag:s9] =	ssyncset.done $0x0  }
0x4e: {  	s14 =	sadd.s32 $0x1, s14  }
0x4f: {  	[sflag:s9] =	ssyncadd.s32 $0xFFFFFFB0;
	p0 =	sne.s32 s14, s7  }
.Ltmp1:
0x50: {  	[bflag:$0x0] =	sbarrier.arrive $0xFFFF;
	(pc) =	sbr.rel @p0 .LBB2_1-.Ltmp1, $4  }
0x51: {  	[hbm:s6], [sflag:s12] =	dma.local [spmem:s13], $0x50  }
0x52: {  	_ =	swait.ge [sflag:s9], $0x50  }
0x53: {  	[sflag:s9] =	ssyncset.done $0x0  }
0x54: {  	[sflag:s9] =	ssyncadd.s32 $0xFFFFFFB0  }
0x55: {  	_ =	sfence.sel $0x180000  }
0x56: {  	[bflag:$0x0] =	sbarrier.arrive $0xFFFF  }
0x57: {  	p0 =	sne.s32 s0, $0x0;
	_ =	strace $0x90000047  }
0x58: {  	s0 =	sadd.s32 @!p0 $0x100000, s1;
	[bflag:$0x2] =	sbarrier.arrive $0xFFFF  }
0x59: {  	[sflag:s0] =	ssyncadd.tile.s32 @!p0 $0x1;
	_ =	shalt  }
.Lfunc_end2:
_tile_overlayer_lowered:
.L_overlay_start_2:
0x5a: {  	(tag) =	ssettag $0x2  }
0x5b: {  	s0 =	rddreg [dreg:$0x0];
	s2 =	stileid.u32  }
0x5c: {  	s1 =	rddreg [dreg:$0x1];
	p0 =	sne.s32 s2, $0x0  }
0x5d: {  	s3 =	rddreg [dreg:$0x2];
	[bflag:$0x3] =	sbarrier.arrive $0xFFFF;
	s2 =	simm.s32 @!p0 $0x1C01  }
0x5e: {  	[timem:s3], [sflag:s2] =	dma.local @!p0 [hbm:s0], s1  }
0x5f: {  	s0 =	simm.s32 @!p0 $0x1  }
0x60: {  	_ =	swait.ge @!p0 [sflag:s0], s1  }
0x61: {  	s1 =	ssub.s32 @!p0 $0x0, s1;
	[sflag:s0] =	ssyncset.done @!p0 $0x0  }
0x62: {  	[sflag:s0] =	ssyncadd.s32 @!p0 s1  }
0x63: {  	[bflag:$0x3] =	sbarrier.arrive $0xFFFF  }
0x64: {  	_ =	shalt  }

// kernel: kernel.14.cloned.1.call-start
scs
__scs_entry_jumppad:
0x0: {  	(pc) =	sbr.rel $0x88, $3  }
0x1: {  	(tag) =	ssettag $0x0;
	lr =	simm.s32 $0x1  }
0x2: {  	[smem:$0x3F94] =	sst lr;
	_ =	strace $0xD0000000  }
0x3: {  	_ = 	snop  }
0x4: {  	_ = 	snop  }
0x5: {  	_ = 	snop  }
0x6: {  	_ = 	snop  }
0x7: {  	_ = 	snop  }
__scs_overlays_trampoline_lowered:
0x8: {  	[smem:$0x3FA3] =	sst s0  }
0x9: {  	[smem:$0x3FA4] =	sst s1  }
0xa: {  	[smem:$0x3FA5] =	sst s2  }
0xb: {  	[smem:$0x3FA6] =	sst s3  }
0xc: {  	[smem:$0x3FA7] =	sst s4  }
0xd: {  	[smem:$0x3FA8] =	sst s5  }
0xe: {  	[smem:$0x3FA9] =	sst s6  }
0xf: {  	[smem:$0x3FAA] =	sst s7  }
0x10: {  	[smem:$0x3FAB] =	sst s8  }
0x11: {  	[smem:$0x3FAC] =	sst s9;
	s0 =	simm.s32 @!p0 $0x0  }
0x12: {  	s1 =	sld [smem:$0x3F92];
	s0 =	simm.s32 @p0 $0x1  }
0x13: {  	[smem:$0x3FAD] =	sst s0;
	s0 =	simm.s32 @!p1 $0x0  }
0x14: {  	s2 =	sld [smem:$0x3F91];
	s0 =	simm.s32 @p1 $0x1  }
0x15: {  	[smem:$0x3FAE] =	sst s0;
	s0 =	simm.s32 @!p2 $0x0  }
0x16: {  	s3 =	sld [smem:$0x3FDB];
	s0 =	simm.s32 @p2 $0x1  }
0x17: {  	s4 =	simm.s32 $0x1BF5;
	[smem:$0x3FB0] =	sst s0  }
0x18: {  	s0 =	sld [smem:$0x3F93];
	_ =	swait.ge [sflag:s4], $0x0  }
0x19: {  	s7 =	sld [smem:$0x3F94]  }
0x1a: {  	s8 =	sadd.s32 $0xFFFFE003, lr  }
0x1b: {  	s9 =	sadd.s32 $0xFFFFFEF7, lr;
	s5 =	simm.s32 $0xFFFFFFFF;
	p2 =	slt.u32 s8, $0xFFFFF086  }
0x1c: {  	p1 =	slt.u32 s9, $0xF7A;
	s5 =	simm.s32 @!p2 $0x0  }
0x1d: {  	s5 =	simm.s32 @p1 $0x1;
	p0 =	seq.s32 s7, s2  }
0x1e: {  	s7 =	smul.u32 @!p0 $0xF7A, s2;
	p2 =	seq.s32 @!p0 s5, $0x0  }
0x1f: {  	s9 =	smul.u32 $0xF7A, s1;
	s8 =	simm.s32 @!p0 $0x1BF5;
	p2 =	por !p2, p0  }
0x20: {  	[sflag:s8] =	ssyncset.s32 @!p0 $0xFFFFF086;
	s6 =	sadd.s32 @!p0 s3, s7;
	s7 =	simm.s32 @!p0 $0x108  }
0x21: {  	s3 =	sadd.s32 s3, s9;
	s6 =	sadd.s32 @!p0 $0x88, s6;
	s7 =	simm.s32 @p2 $0x1082  }
0x22: {  	[simem:s7], [sflag:s8] =	dma.local @!p0 [hbm:s6], $0xF7A  }
0x23: {  	s9 =	sor.u32 $0xD0000000, s2;
	s6 =	simm.s32 $0x108;
	_ =	swait.ge @!p0 [sflag:s8], $0x0  }
0x24: {  	s3 =	sadd.s32 $0x88, s3;
	s6 =	simm.s32 @!p1 $0x1082;
	[sflag:s4] =	ssyncset.s32 $0xFFFFF086  }
0x25: {  	[simem:s6], [sflag:s4] =	dma.local [hbm:s3], $0xF7A  }
0x26: {  	[smem:$0x3F94] =	sst s1;
	(tag) =	ssettag s2;
	_ =	strace s9  }
0x27: {  	s1 =	sld [smem:$0x3FA4]  }
0x28: {  	s2 =	sld [smem:$0x3FA5]  }
0x29: {  	s4 =	sld [smem:$0x3FA7]  }
0x2a: {  	p0 =	seq.s32 s5, $0x0;
	s5 =	sld [smem:$0x3FA8]  }
0x2b: {  	s6 =	sld [smem:$0x3FA9]  }
0x2c: {  	s7 =	sld [smem:$0x3FAA]  }
0x2d: {  	s3 =	simm.s32 $0x108;
	s8 =	sld [smem:$0x3FAB]  }
0x2e: {  	s3 =	simm.s32 @!p0 $0x1082;
	s9 =	sld [smem:$0x3FAC]  }
0x2f: {  	lr =	sadd.s32 s0, s3;
	s0 =	sld [smem:$0x3FA3]  }
0x30: {  	s3 =	sld [smem:$0x3FA6]  }
0x31: {  	[smem:$0x3FAF] =	sst s10  }
0x32: {  	s10 =	sld [smem:$0x3FAD];
	_ =	sdelay $0x3  }
0x33: {  	p0 =	seq.s32 s10, $0x1;
	s10 =	sld [smem:$0x3FAF];
	_ =	sdelay $0x3  }
0x34: {  	[smem:$0x3FAF] =	sst s10  }
0x35: {  	s10 =	sld [smem:$0x3FAE];
	_ =	sdelay $0x3  }
0x36: {  	p1 =	seq.s32 s10, $0x1;
	s10 =	sld [smem:$0x3FAF];
	_ =	sdelay $0x3  }
0x37: {  	[smem:$0x3FAF] =	sst s10  }
0x38: {  	s10 =	sld [smem:$0x3FB0]  }
0x39: {  	_ = 	snop;
	(pc) =	sbr.ind lr, $3  }
0x3a: {  	_ = 	snop  }
0x3b: {  	_ = 	snop  }
0x3c: {  	p2 =	seq.s32 s10, $0x1;
	s10 =	sld [smem:$0x3FAF]  }
0x3d: {  	_ =	shalt  }
0x3e: {  	_ =	shalt  }
0x3f: {  	_ =	shalt  }
0x40: {  	_ =	shalt  }
0x41: {  	_ =	shalt  }
0x42: {  	_ =	shalt  }
0x43: {  	_ =	shalt  }
0x44: {  	_ =	shalt  }
0x45: {  	_ =	shalt  }
0x46: {  	_ =	shalt  }
0x47: {  	_ =	shalt  }
0x48: {  	_ =	shalt  }
0x49: {  	_ =	shalt  }
0x4a: {  	_ =	shalt  }
0x4b: {  	_ =	shalt  }
0x4c: {  	_ =	shalt  }
0x4d: {  	_ =	shalt  }
0x4e: {  	_ =	shalt  }
0x4f: {  	_ =	shalt  }
0x50: {  	_ =	shalt  }
0x51: {  	_ =	shalt  }
0x52: {  	_ =	shalt  }
0x53: {  	_ =	shalt  }
0x54: {  	_ =	shalt  }
0x55: {  	_ =	shalt  }
0x56: {  	_ =	shalt  }
0x57: {  	_ =	shalt  }
0x58: {  	_ =	shalt  }
0x59: {  	_ =	shalt  }
0x5a: {  	_ =	shalt  }
0x5b: {  	_ =	shalt  }
0x5c: {  	_ =	shalt  }
0x5d: {  	_ =	shalt  }
0x5e: {  	_ =	shalt  }
0x5f: {  	_ =	shalt  }
0x60: {  	_ =	shalt  }
0x61: {  	_ =	shalt  }
0x62: {  	_ =	shalt  }
0x63: {  	_ =	shalt  }
0x64: {  	_ =	shalt  }
0x65: {  	_ =	shalt  }
0x66: {  	_ =	shalt  }
0x67: {  	_ =	shalt  }
0x68: {  	_ =	shalt  }
0x69: {  	_ =	shalt  }
0x6a: {  	_ =	shalt  }
0x6b: {  	_ =	shalt  }
0x6c: {  	_ =	shalt  }
0x6d: {  	_ =	shalt  }
0x6e: {  	_ =	shalt  }
0x6f: {  	_ =	shalt  }
0x70: {  	_ =	shalt  }
0x71: {  	_ =	shalt  }
0x72: {  	_ =	shalt  }
0x73: {  	_ =	shalt  }
0x74: {  	_ =	shalt  }
0x75: {  	_ =	shalt  }
0x76: {  	_ =	shalt  }
0x77: {  	_ =	shalt  }
0x78: {  	_ =	shalt  }
0x79: {  	_ =	shalt  }
0x7a: {  	_ =	shalt  }
0x7b: {  	_ =	shalt  }
0x7c: {  	_ =	shalt  }
0x7d: {  	_ =	shalt  }
0x7e: {  	_ =	shalt  }
0x7f: {  	_ =	shalt  }
0x80: {  	_ =	shalt  }
0x81: {  	_ =	shalt  }
0x82: {  	_ =	shalt  }
0x83: {  	_ =	shalt  }
0x84: {  	_ =	shalt  }
0x85: {  	_ =	shalt  }
0x86: {  	_ =	shalt  }
0x87: {  	_ =	shalt  }
.Lfunc_end0:
.L_simem_size_0:
called_computation.1_lowered:
.L_overlay_start_0:
0x88: {  	s2 =	sld [smem:$0x3FD9]  }
0x89: {  	s3 =	sld [smem:$0x3FFE];
	_ =	sdelay $0x1  }
0x8a: {  	s1 =	srdreg.scid  }
0x8b: {  	s0 =	sand.u32 $0x1, s1  }
0x8c: {  	s16 =	sshll.u32 s0, $0xA;
	s2 =	sadd.s32 s3, s2  }
0x8d: {  	s2 =	sadd.s32 s2, s16  }
0x8e: {  	[smem:$0x3FBB] =	sst s2  }
0x8f: {  	_ = 	snop  }
0x90: {  	(tm) =	ssettm $0x1  }
0x91: {  	s17 =	sld [smem:$0x3FFB];
	_ =	sdelay $0x3  }
0x92: {  	_ =	strace s17  }
0x93: {  	s2 =	sld [smem:$0x3FFC];
	_ =	sdelay $0x3  }
0x94: {  	_ =	strace s2  }
0x95: {  	s2 =	sld [smem:$0x3FFD];
	_ =	sdelay $0x3  }
0x96: {  	_ =	strace s2  }
0x97: {  	_ =	strace $0x8FFFFFFF  }
0x98: {  	s18 =	sld [smem:$0x3FDB];
	_ =	sdelay $0x1  }
0x99: {  	s19 =	simm.s32 $_scs_section_size  }
0x9a: {  	s4 =	simm.s32 $_size__tile_overlayer_lowered;
	s5 =	simm.s32 $_tile_overlayer_lowered  }
0x9b: {  	s22 =	simm.s32 $0x1BFF;
	s21 =	sshll.u32 s5, $0x1;
	s2 =	sadd.s32 s19, s18  }
0x9c: {  	s6 =	simm.s32 $0x0;
	s20 =	sshll.u32 s4, $0x1;
	s4 =	sadd.s32 s21, s2  }
0x9d: {  	[timem:s6], [sflag:s22] =	dma.local [hbm:s4], s20  }
0x9e: {  	_ =	swait.ge [sflag:s22], s20  }
0x9f: {  	s3 =	ssub.s32 $0x0, s20;
	[sflag:s22] =	ssyncset.done $0x0  }
0xa0: {  	[sflag:s22] =	ssyncadd.s32 s3;
	_ =	sdelay $0x1  }
0xa1: {  	s23 =	simm.s32 $0x1B8B  }
0xa2: {  	_ =	swait.ge [sflag:s23], $0x1  }
0xa3: {  	[sflag:s23] =	ssyncset.done $0x0  }
0xa4: {  	s25 =	simm.s32 $0x1B8E;
	s24 =	sld [smem:$0x3FFE];
	[sflag:s23] =	ssyncadd.s32 $0xFFFFFFFF  }
0xa5: {  	s26 =	simm.s32 $execute0_lowered;
	[smem:$0x3FD2] =	sst s25  }
0xa6: {  	s4 =	sshll.u32 s26, $0x1;
	_ =	strace $0x80000049;
	[dreg:$0x1] =	wrdreg $0xFFFFFFFF  }
0xa7: {  	s28 =	simm.s32 $_size_execute0_lowered;
	s2 =	sadd.s32 s2, s4;
	[dreg:$0x0] =	wrdreg $0x0  }
0xa8: {  	s4 =	sshll.u32 s28, $0x1;
	[dreg:$0x2] =	wrdreg s2  }
0xa9: {  	[dreg:$0x3] =	wrdreg s4  }
0xaa: {  	[dreg:$0x4] =	wrdreg $0xC0  }
0xab: {  	_ =	task [dreg:s6], $0x5FFFF  }
0xac: {  	[dreg:$0x1] =	wrdreg $0xFFFFFFFF  }
0xad: {  	[dreg:$0x0] =	wrdreg $0x60  }
0xae: {  	[dreg:$0x2] =	wrdreg s24  }
0xaf: {  	[dreg:$0x3] =	wrdreg $0xA3000  }
0xb0: {  	[dreg:$0x4] =	wrdreg $0x9  }
0xb1: {  	_ =	task.clear_ibuf [dreg:s6], $0x5FFFF;
	_ =	strace $0x90000049  }
0xb2: {  	s29 =	simm.s32 $0x9;
	_ =	strace $0x8000004B  }
0xb3: {  	_ =	swait.ge [sflag:s29], $0x1  }
0xb4: {  	[sflag:s29] =	ssyncadd.s32 $0xFFFFFFFF  }
0xb5: {  	_ =	strace $0x9000004B  }
0xb6: {  	_ =	sfence  }
0xb7: {  	s30 =	sld [smem:$0x0];
	_ =	sdelay $0x2  }
0xb8: {  	s31 =	sshll.u32 s1, $0xD;
	s1 =	sshrl.u32 s1, $0x2  }
0xb9: {  	s3 =	sand.u32 $0x4000, s31;
	s1 =	sadd.s32 s1, s30  }
0xba: {  	s0 =	sor.u32 s3, s0;
	s1 =	sshll.u32 s1, $0x11  }
0xbb: {  	s0 =	sor.u32 s1, s0  }
0xbc: {  	s0 =	sadd.s32 $0x8F2B, s0  }
0xbd: {  	[sflag:s0] =	ssyncadd.remote.s32 $0x1  }
0xbe: {  	_ =	sfence.sel $0xFFFF  }
0xbf: {  	[dreg:$0x0] =	wrdreg $0xFFFFFFFF;
	(pc) =	sbr.abs _section_cstart, $3  }
0xc0: {  	[dreg:$0x1] =	wrdreg $0xFFFFFFFF  }
0xc1: {  	_ =	task.clear_ibuf [dreg:s6], $0x2FFFF;
	_ =	strace $0x9FFFFFFF  }
0xc2: {  	(tm) =	ssettm $0x7FFFFFFF  }
0xc3: {  	_ =	shalt  }
tec
execute0_lowered:
.L_overlay_start_1:
0x0: {  	(tag) =	ssettag $0x1  }
0x1: {  	s0 =	rddreg [dreg:$0x0]  }
0x2: {  	s1 =	rddreg [dreg:$0x1];
	s2 =	srdreg.scid  }
0x3: {  	s3 =	simm.s32 $0x0;
	s24 =	stileid.u32;
	s16 =	simm.s32 $0x3  }
0x4: {  	s17 =	simm.s32 $0x100;
	s18 =	simm.s32 $0x50;
	s19 =	simm.s32 $0x300  }
0x5: {  	s20 =	simm.s32 $0x80;
	s21 =	simm.s32 $0x180;
	s22 =	simm.s32 $0x5300  }
0x6: {  	s23 =	simm.s32 $0x1;
	s28 =	simm.s32 $0x0;
	s7 =	sand.u32 $0x1, s2  }
0x7: {  	[smem:$0x7FF] =	sst s3;
	s6 =	smul.u32 $0x140, s24;
	s4 =	sadd.s32 $0x33400, s0  }
0x8: {  	s5 =	sadd.s32 $0x23400, s0;
	s9 =	smul.u32 $0x50000, s24;
	s29 =	sshll.u32 s24, $0x6  }
0x9: {  	s30 =	sshll.u32 s24, $0xF;
	s31 =	sshll.u32 s24, $0xC;
	s24 =	simm.s32 $0x200  }
0xa: {  	s25 =	smul.u32 $0x1400, s7;
	_ =	strace $0x8000004A;
	s7 =	ssub.s32 $0x2, s7  }
0xb: {  	[dreg:$0x3] =	wrdreg s30;
	s10 =	sshrl.u32 s7, $0x1;
	s9 =	sshrl.u32 s9, $0x2  }
0xc: {  	s8 =	sadd.s32 s6, s25;
	s6 =	sadd.s32 $0x13400, s0;
	s12 =	ssub.s32 s7, s10  }
0xd: {  	s15 =	sadd.s32 s9, s1;
	s9 =	sadd.s32 s5, s31;
	v0 =	vmov s25;
	s25 =	simm.s32 $0x2  }
0xe: {  	s8 =	sshll.u32 s8, $0x5;
	s10 =	sadd.s32 s6, s31;
	s12 =	smax.u32 s12, $0x1  }
0xf: {  	s13 =	sadd.s32 $0x10, s9;
	s15 =	sshrl.u32 s15, $0x3;
	s0 =	sadd.s32 s8, s0  }
0x10: {  	s26 =	sadd.s32 s4, s8;
	s8 =	sor.u32 $0x1C03, s29;
	s14 =	sadd.s32 $0x10, s10  }
0x11: {  	[dreg:$0x4] =	wrdreg s26;
	s11 =	sadd.s32 $0x83400, s0;
	s26 =	simm.s32 $0x280  }
.LBB2_1:
0x12: {  	s0 =	rddreg [dreg:$0x4]  }
0x13: {  	[spmem:s15], [sflag:s8] =	dma.local [hbm:s0], $0x2800  }
0x14: {  	_ =	swait.ge [sflag:s16], $0x2800  }
0x15: {  	[sflag:s16] =	ssyncset.done $0x0  }
0x16: {  	[sflag:s16] =	ssyncadd.s32 $0xFFFFD800  }
0x17: {  	[bflag:$0x0] =	sbarrier.arrive $0xFFFF  }
0x18: {  	[tilespmem:s3], [sflag:$0x3] =	stream.linear.gather [hbm4b:s9+s3], $0x80, $0x38;
	[tilespmem:$0x1E380] =	vst v63  }
0x19: {  	_ =	swait.ge [sflag:s16], $0x80  }
0x1a: {  	[sflag:s16] =	ssyncset.done $0x0  }
0x1b: {  	[sflag:s16] =	ssyncadd.s32 $0xFFFFFF80  }
0x1c: {  	[tilespmem:s17], [sflag:$0x3] =	stream.linear.gather [hbm4b:s10+s3], $0x80, $0x38;
	[tilespmem:$0x1E380] =	vst v63  }
0x1d: {  	_ =	swait.ge [sflag:s16], $0x80  }
0x1e: {  	[sflag:s16] =	ssyncset.done $0x0  }
0x1f: {  	[sflag:s16] =	ssyncadd.s32 $0xFFFFFF80  }
0x20: {  	v1 =	vld [tilespmem:$0x100]  }
0x21: {  	v2 =	vld [tilespmem:$0x110]  }
0x22: {  	v3 =	vld [tilespmem:$0x120]  }
0x23: {  	v4 =	vld [tilespmem:$0x130]  }
0x24: {  	v5 =	vld [tilespmem:$0x140]  }
0x25: {  	v1 =	vsub.s32 v1, v0  }
0x26: {  	v2 =	vsub.s32 v2, v0;
	v1 =	vmin.u32 v1, $0x1400  }
0x27: {  	[tilespmem:$0x200] =	vst v1;
	v1 =	vmin.u32 v2, $0x1400;
	v2 =	vsub.s32 v3, v0  }
0x28: {  	[tilespmem:$0x210] =	vst v1;
	v1 =	vmin.u32 v2, $0x1400;
	v2 =	vsub.s32 v4, v0  }
0x29: {  	[tilespmem:$0x220] =	vst v1;
	v1 =	vmin.u32 v2, $0x1400;
	v2 =	vsub.s32 v5, v0  }
0x2a: {  	[tilespmem:$0x230] =	vst v1;
	v1 =	vmin.u32 v2, $0x1400  }
0x2b: {  	[tilespmem:$0x240] =	vst v1  }
0x2c: {  	[tilespmem:s19], [sflag:$0x1] =	stream.indirect.gather [hbm4b:s4+s18], $0x100, s3, s18, $0xb8;
	[tilespmem:$0x1E380] =	vst v63  }
0x2d: {  	_ = 	snop  }
0x2e: {  	[tilespmem:s20], [sflag:$0x3] =	stream.linear.gather [hbm4b:s13+s3], $0x80, $0x38;
	[tilespmem:$0x1E380] =	vst v63  }
0x2f: {  	_ =	swait.ge [sflag:s16], $0x80  }
0x30: {  	[sflag:s16] =	ssyncset.done $0x0  }
0x31: {  	[sflag:s16] =	ssyncadd.s32 $0xFFFFFF80  }
0x32: {  	[tilespmem:s21], [sflag:$0x3] =	stream.linear.gather [hbm4b:s14+s3], $0x80, $0x38;
	[tilespmem:$0x1E380] =	vst v63  }
0x33: {  	_ =	swait.ge [sflag:s16], $0x80  }
0x34: {  	[sflag:s16] =	ssyncset.done $0x0  }
0x35: {  	[sflag:s16] =	ssyncadd.s32 $0xFFFFFF80  }
0x36: {  	v1 =	vld [tilespmem:$0x1B0]  }
0x37: {  	v2 =	vld [tilespmem:$0x190]  }
0x38: {  	v3 =	vld [tilespmem:$0x180]  }
0x39: {  	v59 =	vld [tilespmem:$0x1A0]  }
0x3a: {  	v60 =	vld [tilespmem:$0x1C0]  }
0x3b: {  	v1 =	vsub.s32 v1, v0  }
0x3c: {  	v2 =	vsub.s32 v2, v0;
	v1 =	vmin.u32 v1, $0x1400  }
0x3d: {  	v3 =	vsub.s32 v3, v0;
	v2 =	vmin.u32 v2, $0x1400;
	[tilespmem:$0x2B0] =	vst v1  }
0x3e: {  	v1 =	vmin.u32 v3, $0x1400;
	[tilespmem:$0x290] =	vst v2;
	v2 =	vsub.s32 v59, v0  }
0x3f: {  	[tilespmem:$0x280] =	vst v1;
	v1 =	vmin.u32 v2, $0x1400;
	v2 =	vsub.s32 v60, v0  }
0x40: {  	[tilespmem:$0x2A0] =	vst v1;
	v1 =	vmin.u32 v2, $0x1400  }
0x41: {  	[tilespmem:$0x2C0] =	vst v1  }
0x42: {  	[tilespmem:s22], [sflag:$0x2] =	stream.indirect.gather [hbm4b:s4+s18], $0x100, s20, s18, $0xb8;
	[tilespmem:$0x1E380] =	vst v63  }
0x43: {  	_ =	swait.ge [sflag:s23], $0x5000  }
0x44: {  	s7 =	smin.u32 s3, $0xF7;
	[sflag:s23] =	ssyncset.done $0x0  }
0x45: {  	s0 =	sshll.u32 s7, $0x7;
	[sflag:s23] =	ssyncadd.s32 $0xFFFFB000  }
0x46: {  	[spmem:s1] =	stream.indirect.scatter.add.f32 [tilespmem:s19], [sflag:$0x3], $0x100, s24, s18, $0xb8;
	[tilespmem:$0x1E380] =	vst v63  }
0x47: {  	s0 =	sadd.s32 $0x100, s0;
	_ =	swait.ge [sflag:s16], $0x5000  }
0x48: {  	s30 =	sand.u32 $0xFC00, s0;
	s29 =	rddreg [dreg:$0x3]  }
0x49: {  	s0 =	sand.u32 $0x380, s0;
	s29 =	sadd.s32 s29, s30  }
0x4a: {  	s0 =	sor.u32 s0, s29  }
0x4b: {  	[sflag:s16] =	ssyncset.done $0x0;
	s0 =	sshrl.u32 s0, $0x3  }
0x4c: {  	[sflag:s16] =	ssyncadd.s32 $0xFFFFB000;
	s29 =	sadd.s32 s5, s0  }
0x4d: {  	[tilespmem:s3], [sflag:$0x3] =	stream.linear.gather [hbm4b:s29+s3], $0x80, $0x38;
	[tilespmem:$0x1E380] =	vst v63  }
0x4e: {  	_ =	swait.ge [sflag:s16], $0x80  }
0x4f: {  	[sflag:s16] =	ssyncset.done $0x0  }
0x50: {  	s0 =	sadd.s32 s6, s0;
	[sflag:s16] =	ssyncadd.s32 $0xFFFFFF80  }
0x51: {  	[tilespmem:s17], [sflag:$0x3] =	stream.linear.gather [hbm4b:s0+s3], $0x80, $0x38;
	[tilespmem:$0x1E380] =	vst v63  }
0x52: {  	_ =	swait.ge [sflag:s16], $0x80  }
0x53: {  	[sflag:s16] =	ssyncset.done $0x0  }
0x54: {  	[sflag:s16] =	ssyncadd.s32 $0xFFFFFF80  }
0x55: {  	v1 =	vld [tilespmem:$0x100]  }
0x56: {  	v2 =	vld [tilespmem:$0x140]  }
0x57: {  	v3 =	vld [tilespmem:$0x130]  }
0x58: {  	v61 =	vld [tilespmem:$0x110]  }
0x59: {  	v62 =	vld [tilespmem:$0x120]  }
0x5a: {  	v1 =	vsub.s32 v1, v0  }
0x5b: {  	v2 =	vsub.s32 v2, v0;
	v1 =	vmin.u32 v1, $0x1400  }
0x5c: {  	v2 =	vmin.u32 v2, $0x1400;
	[tilespmem:$0x200] =	vst v1;
	v1 =	vsub.s32 v3, v0  }
0x5d: {  	v3 =	vsub.s32 v61, v0;
	[tilespmem:$0x240] =	vst v2;
	v63 =	vmin.u32 v1, $0x1400  }
0x5e: {  	s31 =	smov.u32 s14;
	s30 =	smov.u32 s13;
	s29 =	simm.s32 $0x2;
	v2 =	vsub.s32 v62, v0;
	v1 =	vmin.u32 v3, $0x1400;
	[tilespmem:$0x230] =	vst v63  }
.LBB2_2:
0x5f: {  	[tilespmem:$0x210] =	vst v1;
	v1 =	vmin.u32 v2, $0x1400  }
0x60: {  	[tilespmem:$0x220] =	vst v1  }
0x61: {  	[tilespmem:s19], [sflag:$0x1] =	stream.indirect.gather [hbm4b:s4+s18], $0x100, s3, s18, $0xb8;
	[tilespmem:$0x1E380] =	vst v63  }
0x62: {  	_ =	swait.ge [sflag:s25], $0x5000  }
0x63: {  	[sflag:s25] =	ssyncset.done $0x0  }
0x64: {  	[sflag:s25] =	ssyncadd.s32 $0xFFFFB000  }
0x65: {  	[spmem:s1] =	stream.indirect.scatter.add.f32 [tilespmem:s22], [sflag:$0x3], $0x100, s26, s18, $0xb8;
	[tilespmem:$0x1E380] =	vst v63  }
0x66: {  	_ =	swait.ge [sflag:s16], $0x5000  }
0x67: {  	[sflag:s16] =	ssyncset.done $0x0  }
0x68: {  	s30 =	sadd.s32 $0x20, s30;
	[sflag:s16] =	ssyncadd.s32 $0xFFFFB000  }
0x69: {  	[tilespmem:s20], [sflag:$0x3] =	stream.linear.gather [hbm4b:s30+s3], $0x80, $0x38;
	[tilespmem:$0x1E380] =	vst v63  }
0x6a: {  	_ =	swait.ge [sflag:s16], $0x80  }
0x6b: {  	[sflag:s16] =	ssyncset.done $0x0  }
0x6c: {  	s31 =	sadd.s32 $0x20, s31;
	[sflag:s16] =	ssyncadd.s32 $0xFFFFFF80  }
0x6d: {  	[tilespmem:s21], [sflag:$0x3] =	stream.linear.gather [hbm4b:s31+s3], $0x80, $0x38;
	[tilespmem:$0x1E380] =	vst v63  }
0x6e: {  	_ =	swait.ge [sflag:s16], $0x80  }
0x6f: {  	[sflag:s16] =	ssyncset.done $0x0  }
0x70: {  	[sflag:s16] =	ssyncadd.s32 $0xFFFFFF80  }
0x71: {  	v1 =	vld [tilespmem:$0x1B0]  }
0x72: {  	v2 =	vld [tilespmem:$0x190]  }
0x73: {  	v3 =	vld [tilespmem:$0x180]  }
0x74: {  	v4 =	vld [tilespmem:$0x1A0]  }
0x75: {  	v5 =	vld [tilespmem:$0x1C0]  }
0x76: {  	v1 =	vsub.s32 v1, v0  }
0x77: {  	v2 =	vsub.s32 v2, v0;
	v1 =	vmin.u32 v1, $0x1400  }
0x78: {  	v3 =	vsub.s32 v3, v0;
	v2 =	vmin.u32 v2, $0x1400;
	[tilespmem:$0x2B0] =	vst v1  }
0x79: {  	v1 =	vmin.u32 v3, $0x1400;
	[tilespmem:$0x290] =	vst v2;
	v2 =	vsub.s32 v4, v0  }
0x7a: {  	[tilespmem:$0x280] =	vst v1;
	v1 =	vmin.u32 v2, $0x1400;
	v2 =	vsub.s32 v5, v0  }
0x7b: {  	[tilespmem:$0x2A0] =	vst v1;
	v1 =	vmin.u32 v2, $0x1400  }
0x7c: {  	[tilespmem:$0x2C0] =	vst v1  }
0x7d: {  	[tilespmem:s22], [sflag:$0x2] =	stream.indirect.gather [hbm4b:s4+s18], $0x100, s20, s18, $0xb8;
	[tilespmem:$0x1E380] =	vst v63  }
0x7e: {  	s0 =	smov.u32 s29;
	_ =	swait.ge [sflag:s23], $0x5000  }
0x7f: {  	s0 =	smin.u32 s0, $0xF7;
	[sflag:s23] =	ssyncset.done $0x0  }
0x80: {  	s0 =	sshll.u32 s0, $0x7;
	[sflag:s23] =	ssyncadd.s32 $0xFFFFB000  }
0x81: {  	[spmem:s1] =	stream.indirect.scatter.add.f32 [tilespmem:s19], [sflag:$0x3], $0x100, s24, s18, $0xb8;
	[tilespmem:$0x1E380] =	vst v63  }
0x82: {  	s0 =	sadd.s32 $0x100, s0;
	_ =	swait.ge [sflag:s16], $0x5000  }
0x83: {  	s7 =	sand.u32 $0xFC00, s0;
	s2 =	rddreg [dreg:$0x3]  }
0x84: {  	s0 =	sand.u32 $0x380, s0;
	s2 =	sadd.s32 s2, s7  }
0x85: {  	s0 =	sor.u32 s0, s2  }
0x86: {  	[sflag:s16] =	ssyncset.done $0x0;
	s0 =	sshrl.u32 s0, $0x3  }
0x87: {  	[sflag:s16] =	ssyncadd.s32 $0xFFFFB000;
	s7 =	sadd.s32 s5, s0  }
0x88: {  	[tilespmem:s3], [sflag:$0x3] =	stream.linear.gather [hbm4b:s7+s3], $0x80, $0x38;
	[tilespmem:$0x1E380] =	vst v63  }
0x89: {  	_ =	swait.ge [sflag:s16], $0x80  }
0x8a: {  	[sflag:s16] =	ssyncset.done $0x0  }
0x8b: {  	s0 =	sadd.s32 s6, s0;
	[sflag:s16] =	ssyncadd.s32 $0xFFFFFF80  }
0x8c: {  	[tilespmem:s17], [sflag:$0x3] =	stream.linear.gather [hbm4b:s0+s3], $0x80, $0x38;
	[tilespmem:$0x1E380] =	vst v63  }
0x8d: {  	_ =	swait.ge [sflag:s16], $0x80  }
0x8e: {  	[sflag:s16] =	ssyncset.done $0x0  }
0x8f: {  	[sflag:s16] =	ssyncadd.s32 $0xFFFFFF80  }
0x90: {  	v1 =	vld [tilespmem:$0x100]  }
0x91: {  	v2 =	vld [tilespmem:$0x140]  }
0x92: {  	v3 =	vld [tilespmem:$0x130]  }
0x93: {  	v61 =	vld [tilespmem:$0x110]  }
0x94: {  	p0 =	sne.s32 s29, $0xF8;
	v62 =	vld [tilespmem:$0x120]  }
.Ltmp0:
0x95: {  	v1 =	vsub.s32 v1, v0;
	(pc) =	sbr.rel @p0 .LBB2_2-.Ltmp0, $4  }
0x96: {  	v2 =	vsub.s32 v2, v0;
	v1 =	vmin.u32 v1, $0x1400  }
0x97: {  	v2 =	vmin.u32 v2, $0x1400;
	[tilespmem:$0x200] =	vst v1;
	v1 =	vsub.s32 v3, v0  }
0x98: {  	v3 =	vsub.s32 v61, v0;
	[tilespmem:$0x240] =	vst v2;
	v63 =	vmin.u32 v1, $0x1400  }
0x99: {  	s29 =	sadd.s32 $0x2, s29;
	v2 =	vsub.s32 v62, v0;
	v1 =	vmin.u32 v3, $0x1400;
	[tilespmem:$0x230] =	vst v63  }
0x9a: {  	[tilespmem:$0x210] =	vst v1;
	v1 =	vmin.u32 v2, $0x1400  }
0x9b: {  	[tilespmem:$0x220] =	vst v1  }
0x9c: {  	[tilespmem:s19], [sflag:$0x1] =	stream.indirect.gather [hbm4b:s4+s18], $0x100, s3, s18, $0xb8;
	[tilespmem:$0x1E380] =	vst v63  }
0x9d: {  	_ =	swait.ge [sflag:s25], $0x5000  }
0x9e: {  	[sflag:s25] =	ssyncset.done $0x0  }
0x9f: {  	[sflag:s25] =	ssyncadd.s32 $0xFFFFB000  }
0xa0: {  	[spmem:s1] =	stream.indirect.scatter.add.f32 [tilespmem:s22], [sflag:$0x3], $0x100, s26, s18, $0xb8;
	[tilespmem:$0x1E380] =	vst v63  }
0xa1: {  	_ =	swait.ge [sflag:s16], $0x5000  }
0xa2: {  	[sflag:s16] =	ssyncset.done $0x0  }
0xa3: {  	[sflag:s16] =	ssyncadd.s32 $0xFFFFB000  }
0xa4: {  	_ =	swait.ge [sflag:s23], $0x5000  }
0xa5: {  	s28 =	sadd.s32 $0x1, s28;
	[sflag:s23] =	ssyncset.done $0x0  }
0xa6: {  	p0 =	sne.s32 s28, s12;
	[sflag:s23] =	ssyncadd.s32 $0xFFFFB000  }
.Ltmp1:
0xa7: {  	[bflag:$0x0] =	sbarrier.arrive $0xFFFF;
	(pc) =	sbr.rel @p0 .LBB2_1-.Ltmp1, $4  }
0xa8: {  	[hbm:s11], [sflag:s8] =	dma.local [spmem:s15], $0x2800  }
0xa9: {  	_ =	swait.ge [sflag:s16], $0x2800  }
0xaa: {  	[sflag:s16] =	ssyncset.done $0x0  }
0xab: {  	[sflag:s16] =	ssyncadd.s32 $0xFFFFD800  }
0xac: {  	_ =	sfence.sel $0x180000  }
0xad: {  	[bflag:$0x0] =	sbarrier.arrive $0xFFFF  }
0xae: {  	_ =	strace $0x9000004A  }
0xaf: {  	s0 =	stileid.u32;
	[bflag:$0x2] =	sbarrier.arrive $0xFFFF  }
0xb0: {  	p0 =	sne.s32 s0, $0x0;
	s0 =	rddreg [dreg:$0x2]  }
0xb1: {  	s0 =	sadd.s32 @!p0 $0x100000, s0  }
0xb2: {  	[sflag:s0] =	ssyncadd.tile.s32 @!p0 $0x1;
	_ =	shalt  }
.Lfunc_end2:
_tile_overlayer_lowered:
.L_overlay_start_2:
0xb3: {  	(tag) =	ssettag $0x2  }
0xb4: {  	s0 =	rddreg [dreg:$0x0];
	s2 =	stileid.u32  }
0xb5: {  	s1 =	rddreg [dreg:$0x1];
	p0 =	sne.s32 s2, $0x0  }
0xb6: {  	s3 =	rddreg [dreg:$0x2];
	[bflag:$0x3] =	sbarrier.arrive $0xFFFF;
	s2 =	simm.s32 @!p0 $0x1C03  }
0xb7: {  	[timem:s3], [sflag:s2] =	dma.local @!p0 [hbm:s0], s1  }
0xb8: {  	s0 =	simm.s32 @!p0 $0x3  }
0xb9: {  	_ =	swait.ge @!p0 [sflag:s0], s1  }
0xba: {  	s1 =	ssub.s32 @!p0 $0x0, s1;
	[sflag:s0] =	ssyncset.done @!p0 $0x0  }
0xbb: {  	[sflag:s0] =	ssyncadd.s32 @!p0 s1  }
0xbc: {  	[bflag:$0x3] =	sbarrier.arrive $0xFFFF  }
0xbd: {  	_ =	shalt  }

// kernel: kernel.17.cloned.1.call-start
scs
__scs_entry_jumppad:
0x0: {  	(pc) =	sbr.rel $0x88, $3  }
0x1: {  	(tag) =	ssettag $0x0;
	lr =	simm.s32 $0x1  }
0x2: {  	[smem:$0x3F94] =	sst lr;
	_ =	strace $0xD0000000  }
0x3: {  	_ = 	snop  }
0x4: {  	_ = 	snop  }
0x5: {  	_ = 	snop  }
0x6: {  	_ = 	snop  }
0x7: {  	_ = 	snop  }
__scs_overlays_trampoline_lowered:
0x8: {  	[smem:$0x3FA3] =	sst s0  }
0x9: {  	[smem:$0x3FA4] =	sst s1  }
0xa: {  	[smem:$0x3FA5] =	sst s2  }
0xb: {  	[smem:$0x3FA6] =	sst s3  }
0xc: {  	[smem:$0x3FA7] =	sst s4  }
0xd: {  	[smem:$0x3FA8] =	sst s5  }
0xe: {  	[smem:$0x3FA9] =	sst s6  }
0xf: {  	[smem:$0x3FAA] =	sst s7  }
0x10: {  	[smem:$0x3FAB] =	sst s8  }
0x11: {  	[smem:$0x3FAC] =	sst s9;
	s0 =	simm.s32 @!p0 $0x0  }
0x12: {  	s1 =	sld [smem:$0x3F92];
	s0 =	simm.s32 @p0 $0x1  }
0x13: {  	[smem:$0x3FAD] =	sst s0;
	s0 =	simm.s32 @!p1 $0x0  }
0x14: {  	s2 =	sld [smem:$0x3F91];
	s0 =	simm.s32 @p1 $0x1  }
0x15: {  	[smem:$0x3FAE] =	sst s0;
	s0 =	simm.s32 @!p2 $0x0  }
0x16: {  	s3 =	sld [smem:$0x3FDB];
	s0 =	simm.s32 @p2 $0x1  }
0x17: {  	s4 =	simm.s32 $0x1BF5;
	[smem:$0x3FB0] =	sst s0  }
0x18: {  	s0 =	sld [smem:$0x3F93];
	_ =	swait.ge [sflag:s4], $0x0  }
0x19: {  	s7 =	sld [smem:$0x3F94]  }
0x1a: {  	s8 =	sadd.s32 $0xFFFFE003, lr  }
0x1b: {  	s9 =	sadd.s32 $0xFFFFFEF7, lr;
	s5 =	simm.s32 $0xFFFFFFFF;
	p2 =	slt.u32 s8, $0xFFFFF086  }
0x1c: {  	p1 =	slt.u32 s9, $0xF7A;
	s5 =	simm.s32 @!p2 $0x0  }
0x1d: {  	s5 =	simm.s32 @p1 $0x1;
	p0 =	seq.s32 s7, s2  }
0x1e: {  	s7 =	smul.u32 @!p0 $0xF7A, s2;
	p2 =	seq.s32 @!p0 s5, $0x0  }
0x1f: {  	s9 =	smul.u32 $0xF7A, s1;
	s8 =	simm.s32 @!p0 $0x1BF5;
	p2 =	por !p2, p0  }
0x20: {  	[sflag:s8] =	ssyncset.s32 @!p0 $0xFFFFF086;
	s6 =	sadd.s32 @!p0 s3, s7;
	s7 =	simm.s32 @!p0 $0x108  }
0x21: {  	s3 =	sadd.s32 s3, s9;
	s6 =	sadd.s32 @!p0 $0x88, s6;
	s7 =	simm.s32 @p2 $0x1082  }
0x22: {  	[simem:s7], [sflag:s8] =	dma.local @!p0 [hbm:s6], $0xF7A  }
0x23: {  	s9 =	sor.u32 $0xD0000000, s2;
	s6 =	simm.s32 $0x108;
	_ =	swait.ge @!p0 [sflag:s8], $0x0  }
0x24: {  	s3 =	sadd.s32 $0x88, s3;
	s6 =	simm.s32 @!p1 $0x1082;
	[sflag:s4] =	ssyncset.s32 $0xFFFFF086  }
0x25: {  	[simem:s6], [sflag:s4] =	dma.local [hbm:s3], $0xF7A  }
0x26: {  	[smem:$0x3F94] =	sst s1;
	(tag) =	ssettag s2;
	_ =	strace s9  }
0x27: {  	s1 =	sld [smem:$0x3FA4]  }
0x28: {  	s2 =	sld [smem:$0x3FA5]  }
0x29: {  	s4 =	sld [smem:$0x3FA7]  }
0x2a: {  	p0 =	seq.s32 s5, $0x0;
	s5 =	sld [smem:$0x3FA8]  }
0x2b: {  	s6 =	sld [smem:$0x3FA9]  }
0x2c: {  	s7 =	sld [smem:$0x3FAA]  }
0x2d: {  	s3 =	simm.s32 $0x108;
	s8 =	sld [smem:$0x3FAB]  }
0x2e: {  	s3 =	simm.s32 @!p0 $0x1082;
	s9 =	sld [smem:$0x3FAC]  }
0x2f: {  	lr =	sadd.s32 s0, s3;
	s0 =	sld [smem:$0x3FA3]  }
0x30: {  	s3 =	sld [smem:$0x3FA6]  }
0x31: {  	[smem:$0x3FAF] =	sst s10  }
0x32: {  	s10 =	sld [smem:$0x3FAD];
	_ =	sdelay $0x3  }
0x33: {  	p0 =	seq.s32 s10, $0x1;
	s10 =	sld [smem:$0x3FAF];
	_ =	sdelay $0x3  }
0x34: {  	[smem:$0x3FAF] =	sst s10  }
0x35: {  	s10 =	sld [smem:$0x3FAE];
	_ =	sdelay $0x3  }
0x36: {  	p1 =	seq.s32 s10, $0x1;
	s10 =	sld [smem:$0x3FAF];
	_ =	sdelay $0x3  }
0x37: {  	[smem:$0x3FAF] =	sst s10  }
0x38: {  	s10 =	sld [smem:$0x3FB0]  }
0x39: {  	_ = 	snop;
	(pc) =	sbr.ind lr, $3  }
0x3a: {  	_ = 	snop  }
0x3b: {  	_ = 	snop  }
0x3c: {  	p2 =	seq.s32 s10, $0x1;
	s10 =	sld [smem:$0x3FAF]  }
0x3d: {  	_ =	shalt  }
0x3e: {  	_ =	shalt  }
0x3f: {  	_ =	shalt  }
0x40: {  	_ =	shalt  }
0x41: {  	_ =	shalt  }
0x42: {  	_ =	shalt  }
0x43: {  	_ =	shalt  }
0x44: {  	_ =	shalt  }
0x45: {  	_ =	shalt  }
0x46: {  	_ =	shalt  }
0x47: {  	_ =	shalt  }
0x48: {  	_ =	shalt  }
0x49: {  	_ =	shalt  }
0x4a: {  	_ =	shalt  }
0x4b: {  	_ =	shalt  }
0x4c: {  	_ =	shalt  }
0x4d: {  	_ =	shalt  }
0x4e: {  	_ =	shalt  }
0x4f: {  	_ =	shalt  }
0x50: {  	_ =	shalt  }
0x51: {  	_ =	shalt  }
0x52: {  	_ =	shalt  }
0x53: {  	_ =	shalt  }
0x54: {  	_ =	shalt  }
0x55: {  	_ =	shalt  }
0x56: {  	_ =	shalt  }
0x57: {  	_ =	shalt  }
0x58: {  	_ =	shalt  }
0x59: {  	_ =	shalt  }
0x5a: {  	_ =	shalt  }
0x5b: {  	_ =	shalt  }
0x5c: {  	_ =	shalt  }
0x5d: {  	_ =	shalt  }
0x5e: {  	_ =	shalt  }
0x5f: {  	_ =	shalt  }
0x60: {  	_ =	shalt  }
0x61: {  	_ =	shalt  }
0x62: {  	_ =	shalt  }
0x63: {  	_ =	shalt  }
0x64: {  	_ =	shalt  }
0x65: {  	_ =	shalt  }
0x66: {  	_ =	shalt  }
0x67: {  	_ =	shalt  }
0x68: {  	_ =	shalt  }
0x69: {  	_ =	shalt  }
0x6a: {  	_ =	shalt  }
0x6b: {  	_ =	shalt  }
0x6c: {  	_ =	shalt  }
0x6d: {  	_ =	shalt  }
0x6e: {  	_ =	shalt  }
0x6f: {  	_ =	shalt  }
0x70: {  	_ =	shalt  }
0x71: {  	_ =	shalt  }
0x72: {  	_ =	shalt  }
0x73: {  	_ =	shalt  }
0x74: {  	_ =	shalt  }
0x75: {  	_ =	shalt  }
0x76: {  	_ =	shalt  }
0x77: {  	_ =	shalt  }
0x78: {  	_ =	shalt  }
0x79: {  	_ =	shalt  }
0x7a: {  	_ =	shalt  }
0x7b: {  	_ =	shalt  }
0x7c: {  	_ =	shalt  }
0x7d: {  	_ =	shalt  }
0x7e: {  	_ =	shalt  }
0x7f: {  	_ =	shalt  }
0x80: {  	_ =	shalt  }
0x81: {  	_ =	shalt  }
0x82: {  	_ =	shalt  }
0x83: {  	_ =	shalt  }
0x84: {  	_ =	shalt  }
0x85: {  	_ =	shalt  }
0x86: {  	_ =	shalt  }
0x87: {  	_ =	shalt  }
.Lfunc_end0:
.L_simem_size_0:
called_computation.2_lowered:
.L_overlay_start_0:
0x88: {  	s2 =	sld [smem:$0x3FD9]  }
0x89: {  	s3 =	sld [smem:$0x3FFE];
	_ =	sdelay $0x1  }
0x8a: {  	s1 =	srdreg.scid  }
0x8b: {  	s0 =	sand.u32 $0x1, s1  }
0x8c: {  	s16 =	sshll.u32 s0, $0xA;
	s2 =	sadd.s32 s3, s2  }
0x8d: {  	s2 =	sadd.s32 s2, s16  }
0x8e: {  	[smem:$0x3FBB] =	sst s2  }
0x8f: {  	_ = 	snop  }
0x90: {  	(tm) =	ssettm $0x1  }
0x91: {  	s17 =	sld [smem:$0x3FFB];
	_ =	sdelay $0x3  }
0x92: {  	_ =	strace s17  }
0x93: {  	s2 =	sld [smem:$0x3FFC];
	_ =	sdelay $0x3  }
0x94: {  	_ =	strace s2  }
0x95: {  	s2 =	sld [smem:$0x3FFD];
	_ =	sdelay $0x3  }
0x96: {  	_ =	strace s2  }
0x97: {  	_ =	strace $0x8FFFFFFF  }
0x98: {  	s18 =	sld [smem:$0x3FDB];
	_ =	sdelay $0x1  }
0x99: {  	s19 =	simm.s32 $_scs_section_size  }
0x9a: {  	s4 =	simm.s32 $_size__tile_overlayer_lowered;
	s5 =	simm.s32 $_tile_overlayer_lowered  }
0x9b: {  	s22 =	simm.s32 $0x1BFF;
	s21 =	sshll.u32 s5, $0x1;
	s2 =	sadd.s32 s19, s18  }
0x9c: {  	s6 =	simm.s32 $0x0;
	s20 =	sshll.u32 s4, $0x1;
	s4 =	sadd.s32 s21, s2  }
0x9d: {  	[timem:s6], [sflag:s22] =	dma.local [hbm:s4], s20  }
0x9e: {  	_ =	swait.ge [sflag:s22], s20  }
0x9f: {  	s3 =	ssub.s32 $0x0, s20;
	[sflag:s22] =	ssyncset.done $0x0  }
0xa0: {  	[sflag:s22] =	ssyncadd.s32 s3;
	_ =	sdelay $0x1  }
0xa1: {  	s23 =	simm.s32 $0x1B8B  }
0xa2: {  	_ =	swait.ge [sflag:s23], $0x1  }
0xa3: {  	[sflag:s23] =	ssyncset.done $0x0  }
0xa4: {  	s25 =	simm.s32 $0x1B8E;
	s24 =	sld [smem:$0x3FFE];
	[sflag:s23] =	ssyncadd.s32 $0xFFFFFFFF  }
0xa5: {  	s26 =	simm.s32 $execute0_lowered;
	[smem:$0x3FD2] =	sst s25  }
0xa6: {  	s4 =	sshll.u32 s26, $0x1;
	_ =	strace $0x8000004C;
	[dreg:$0x1] =	wrdreg $0xFFFFFFFF  }
0xa7: {  	s28 =	simm.s32 $_size_execute0_lowered;
	s2 =	sadd.s32 s2, s4;
	[dreg:$0x0] =	wrdreg $0x0  }
0xa8: {  	s4 =	sshll.u32 s28, $0x1;
	[dreg:$0x2] =	wrdreg s2  }
0xa9: {  	[dreg:$0x3] =	wrdreg s4  }
0xaa: {  	[dreg:$0x4] =	wrdreg $0xC0  }
0xab: {  	_ =	task [dreg:s6], $0x5FFFF  }
0xac: {  	[dreg:$0x1] =	wrdreg $0xFFFFFFFF  }
0xad: {  	[dreg:$0x0] =	wrdreg $0x60  }
0xae: {  	[dreg:$0x2] =	wrdreg s24  }
0xaf: {  	[dreg:$0x3] =	wrdreg $0xA3000  }
0xb0: {  	[dreg:$0x4] =	wrdreg $0x9  }
0xb1: {  	_ =	task.clear_ibuf [dreg:s6], $0x5FFFF;
	_ =	strace $0x9000004C  }
0xb2: {  	s29 =	simm.s32 $0x9;
	_ =	strace $0x8000004E  }
0xb3: {  	_ =	swait.ge [sflag:s29], $0x1  }
0xb4: {  	[sflag:s29] =	ssyncadd.s32 $0xFFFFFFFF  }
0xb5: {  	_ =	strace $0x9000004E  }
0xb6: {  	_ =	sfence  }
0xb7: {  	s30 =	sld [smem:$0x0];
	_ =	sdelay $0x2  }
0xb8: {  	s31 =	sshll.u32 s1, $0xD;
	s1 =	sshrl.u32 s1, $0x2  }
0xb9: {  	s3 =	sand.u32 $0x4000, s31;
	s1 =	sadd.s32 s1, s30  }
0xba: {  	s0 =	sor.u32 s3, s0;
	s1 =	sshll.u32 s1, $0x11  }
0xbb: {  	s0 =	sor.u32 s1, s0  }
0xbc: {  	s0 =	sadd.s32 $0x8F2B, s0  }
0xbd: {  	[sflag:s0] =	ssyncadd.remote.s32 $0x1  }
0xbe: {  	_ =	sfence.sel $0xFFFF  }
0xbf: {  	[dreg:$0x0] =	wrdreg $0xFFFFFFFF;
	(pc) =	sbr.abs _section_cstart, $3  }
0xc0: {  	[dreg:$0x1] =	wrdreg $0xFFFFFFFF  }
0xc1: {  	_ =	task.clear_ibuf [dreg:s6], $0x2FFFF;
	_ =	strace $0x9FFFFFFF  }
0xc2: {  	(tm) =	ssettm $0x7FFFFFFF  }
0xc3: {  	_ =	shalt  }
tec
execute0_lowered:
.L_overlay_start_1:
0x0: {  	(tag) =	ssettag $0x1  }
0x1: {  	s0 =	rddreg [dreg:$0x0]  }
0x2: {  	s1 =	rddreg [dreg:$0x1];
	s2 =	srdreg.scid  }
0x3: {  	s3 =	simm.s32 $0x0;
	s24 =	stileid.u32;
	s16 =	simm.s32 $0x3  }
0x4: {  	s17 =	simm.s32 $0x100;
	s18 =	simm.s32 $0x50;
	s19 =	simm.s32 $0x300  }
0x5: {  	s20 =	simm.s32 $0x80;
	s21 =	simm.s32 $0x180;
	s22 =	simm.s32 $0x5300  }
0x6: {  	s23 =	simm.s32 $0x1;
	s28 =	simm.s32 $0x0;
	s7 =	sand.u32 $0x1, s2  }
0x7: {  	[smem:$0x7FF] =	sst s3;
	s6 =	smul.u32 $0x140, s24;
	s4 =	sadd.s32 $0x33400, s0  }
0x8: {  	s5 =	sadd.s32 $0x23400, s0;
	s9 =	smul.u32 $0x50000, s24;
	s29 =	sshll.u32 s24, $0x6  }
0x9: {  	s30 =	sshll.u32 s24, $0xF;
	s31 =	sshll.u32 s24, $0xC;
	s24 =	simm.s32 $0x200  }
0xa: {  	s25 =	smul.u32 $0x1400, s7;
	_ =	strace $0x8000004D;
	s7 =	ssub.s32 $0x2, s7  }
0xb: {  	[dreg:$0x3] =	wrdreg s30;
	s10 =	sshrl.u32 s7, $0x1;
	s9 =	sshrl.u32 s9, $0x2  }
0xc: {  	s8 =	sadd.s32 s6, s25;
	s6 =	sadd.s32 $0x13400, s0;
	s12 =	ssub.s32 s7, s10  }
0xd: {  	s15 =	sadd.s32 s9, s1;
	s9 =	sadd.s32 s5, s31;
	v0 =	vmov s25;
	s25 =	simm.s32 $0x2  }
0xe: {  	s8 =	sshll.u32 s8, $0x5;
	s10 =	sadd.s32 s6, s31;
	s12 =	smax.u32 s12, $0x1  }
0xf: {  	s13 =	sadd.s32 $0x10, s9;
	s15 =	sshrl.u32 s15, $0x3;
	s0 =	sadd.s32 s8, s0  }
0x10: {  	s26 =	sadd.s32 s4, s8;
	s8 =	sor.u32 $0x1C03, s29;
	s14 =	sadd.s32 $0x10, s10  }
0x11: {  	[dreg:$0x4] =	wrdreg s26;
	s11 =	sadd.s32 $0x83400, s0;
	s26 =	simm.s32 $0x280  }
.LBB2_1:
0x12: {  	s0 =	rddreg [dreg:$0x4]  }
0x13: {  	[spmem:s15], [sflag:s8] =	dma.local [hbm:s0], $0x2800  }
0x14: {  	_ =	swait.ge [sflag:s16], $0x2800  }
0x15: {  	[sflag:s16] =	ssyncset.done $0x0  }
0x16: {  	[sflag:s16] =	ssyncadd.s32 $0xFFFFD800  }
0x17: {  	[bflag:$0x0] =	sbarrier.arrive $0xFFFF  }
0x18: {  	[tilespmem:s3], [sflag:$0x3] =	stream.linear.gather [hbm4b:s9+s3], $0x80, $0x38;
	[tilespmem:$0x1E380] =	vst v63  }
0x19: {  	_ =	swait.ge [sflag:s16], $0x80  }
0x1a: {  	[sflag:s16] =	ssyncset.done $0x0  }
0x1b: {  	[sflag:s16] =	ssyncadd.s32 $0xFFFFFF80  }
0x1c: {  	[tilespmem:s17], [sflag:$0x3] =	stream.linear.gather [hbm4b:s10+s3], $0x80, $0x38;
	[tilespmem:$0x1E380] =	vst v63  }
0x1d: {  	_ =	swait.ge [sflag:s16], $0x80  }
0x1e: {  	[sflag:s16] =	ssyncset.done $0x0  }
0x1f: {  	[sflag:s16] =	ssyncadd.s32 $0xFFFFFF80  }
0x20: {  	v1 =	vld [tilespmem:$0x100]  }
0x21: {  	v2 =	vld [tilespmem:$0x110]  }
0x22: {  	v3 =	vld [tilespmem:$0x120]  }
0x23: {  	v4 =	vld [tilespmem:$0x130]  }
0x24: {  	v5 =	vld [tilespmem:$0x140]  }
0x25: {  	v1 =	vsub.s32 v1, v0  }
0x26: {  	v2 =	vsub.s32 v2, v0;
	v1 =	vmin.u32 v1, $0x1400  }
0x27: {  	[tilespmem:$0x200] =	vst v1;
	v1 =	vmin.u32 v2, $0x1400;
	v2 =	vsub.s32 v3, v0  }
0x28: {  	[tilespmem:$0x210] =	vst v1;
	v1 =	vmin.u32 v2, $0x1400;
	v2 =	vsub.s32 v4, v0  }
0x29: {  	[tilespmem:$0x220] =	vst v1;
	v1 =	vmin.u32 v2, $0x1400;
	v2 =	vsub.s32 v5, v0  }
0x2a: {  	[tilespmem:$0x230] =	vst v1;
	v1 =	vmin.u32 v2, $0x1400  }
0x2b: {  	[tilespmem:$0x240] =	vst v1  }
0x2c: {  	[tilespmem:s19], [sflag:$0x1] =	stream.indirect.gather [hbm4b:s4+s18], $0x100, s3, s18, $0xb8;
	[tilespmem:$0x1E380] =	vst v63  }
0x2d: {  	_ = 	snop  }
0x2e: {  	[tilespmem:s20], [sflag:$0x3] =	stream.linear.gather [hbm4b:s13+s3], $0x80, $0x38;
	[tilespmem:$0x1E380] =	vst v63  }
0x2f: {  	_ =	swait.ge [sflag:s16], $0x80  }
0x30: {  	[sflag:s16] =	ssyncset.done $0x0  }
0x31: {  	[sflag:s16] =	ssyncadd.s32 $0xFFFFFF80  }
0x32: {  	[tilespmem:s21], [sflag:$0x3] =	stream.linear.gather [hbm4b:s14+s3], $0x80, $0x38;
	[tilespmem:$0x1E380] =	vst v63  }
0x33: {  	_ =	swait.ge [sflag:s16], $0x80  }
0x34: {  	[sflag:s16] =	ssyncset.done $0x0  }
0x35: {  	[sflag:s16] =	ssyncadd.s32 $0xFFFFFF80  }
0x36: {  	v1 =	vld [tilespmem:$0x1B0]  }
0x37: {  	v2 =	vld [tilespmem:$0x190]  }
0x38: {  	v3 =	vld [tilespmem:$0x180]  }
0x39: {  	v59 =	vld [tilespmem:$0x1A0]  }
0x3a: {  	v60 =	vld [tilespmem:$0x1C0]  }
0x3b: {  	v1 =	vsub.s32 v1, v0  }
0x3c: {  	v2 =	vsub.s32 v2, v0;
	v1 =	vmin.u32 v1, $0x1400  }
0x3d: {  	v3 =	vsub.s32 v3, v0;
	v2 =	vmin.u32 v2, $0x1400;
	[tilespmem:$0x2B0] =	vst v1  }
0x3e: {  	v1 =	vmin.u32 v3, $0x1400;
	[tilespmem:$0x290] =	vst v2;
	v2 =	vsub.s32 v59, v0  }
0x3f: {  	[tilespmem:$0x280] =	vst v1;
	v1 =	vmin.u32 v2, $0x1400;
	v2 =	vsub.s32 v60, v0  }
0x40: {  	[tilespmem:$0x2A0] =	vst v1;
	v1 =	vmin.u32 v2, $0x1400  }
0x41: {  	[tilespmem:$0x2C0] =	vst v1  }
0x42: {  	[tilespmem:s22], [sflag:$0x2] =	stream.indirect.gather [hbm4b:s4+s18], $0x100, s20, s18, $0xb8;
	[tilespmem:$0x1E380] =	vst v63  }
0x43: {  	_ =	swait.ge [sflag:s23], $0x5000  }
0x44: {  	s7 =	smin.u32 s3, $0xF7;
	[sflag:s23] =	ssyncset.done $0x0  }
0x45: {  	s0 =	sshll.u32 s7, $0x7;
	[sflag:s23] =	ssyncadd.s32 $0xFFFFB000  }
0x46: {  	[spmem:s1] =	stream.indirect.scatter.add.f32 [tilespmem:s19], [sflag:$0x3], $0x100, s24, s18, $0xb8;
	[tilespmem:$0x1E380] =	vst v63  }
0x47: {  	s0 =	sadd.s32 $0x100, s0;
	_ =	swait.ge [sflag:s16], $0x5000  }
0x48: {  	s30 =	sand.u32 $0xFC00, s0;
	s29 =	rddreg [dreg:$0x3]  }
0x49: {  	s0 =	sand.u32 $0x380, s0;
	s29 =	sadd.s32 s29, s30  }
0x4a: {  	s0 =	sor.u32 s0, s29  }
0x4b: {  	[sflag:s16] =	ssyncset.done $0x0;
	s0 =	sshrl.u32 s0, $0x3  }
0x4c: {  	[sflag:s16] =	ssyncadd.s32 $0xFFFFB000;
	s29 =	sadd.s32 s5, s0  }
0x4d: {  	[tilespmem:s3], [sflag:$0x3] =	stream.linear.gather [hbm4b:s29+s3], $0x80, $0x38;
	[tilespmem:$0x1E380] =	vst v63  }
0x4e: {  	_ =	swait.ge [sflag:s16], $0x80  }
0x4f: {  	[sflag:s16] =	ssyncset.done $0x0  }
0x50: {  	s0 =	sadd.s32 s6, s0;
	[sflag:s16] =	ssyncadd.s32 $0xFFFFFF80  }
0x51: {  	[tilespmem:s17], [sflag:$0x3] =	stream.linear.gather [hbm4b:s0+s3], $0x80, $0x38;
	[tilespmem:$0x1E380] =	vst v63  }
0x52: {  	_ =	swait.ge [sflag:s16], $0x80  }
0x53: {  	[sflag:s16] =	ssyncset.done $0x0  }
0x54: {  	[sflag:s16] =	ssyncadd.s32 $0xFFFFFF80  }
0x55: {  	v1 =	vld [tilespmem:$0x100]  }
0x56: {  	v2 =	vld [tilespmem:$0x140]  }
0x57: {  	v3 =	vld [tilespmem:$0x130]  }
0x58: {  	v61 =	vld [tilespmem:$0x110]  }
0x59: {  	v62 =	vld [tilespmem:$0x120]  }
0x5a: {  	v1 =	vsub.s32 v1, v0  }
0x5b: {  	v2 =	vsub.s32 v2, v0;
	v1 =	vmin.u32 v1, $0x1400  }
0x5c: {  	v2 =	vmin.u32 v2, $0x1400;
	[tilespmem:$0x200] =	vst v1;
	v1 =	vsub.s32 v3, v0  }
0x5d: {  	v3 =	vsub.s32 v61, v0;
	[tilespmem:$0x240] =	vst v2;
	v63 =	vmin.u32 v1, $0x1400  }
0x5e: {  	s31 =	smov.u32 s14;
	s30 =	smov.u32 s13;
	s29 =	simm.s32 $0x2;
	v2 =	vsub.s32 v62, v0;
	v1 =	vmin.u32 v3, $0x1400;
	[tilespmem:$0x230] =	vst v63  }
.LBB2_2:
0x5f: {  	[tilespmem:$0x210] =	vst v1;
	v1 =	vmin.u32 v2, $0x1400  }
0x60: {  	[tilespmem:$0x220] =	vst v1  }
0x61: {  	[tilespmem:s19], [sflag:$0x1] =	stream.indirect.gather [hbm4b:s4+s18], $0x100, s3, s18, $0xb8;
	[tilespmem:$0x1E380] =	vst v63  }
0x62: {  	_ =	swait.ge [sflag:s25], $0x5000  }
0x63: {  	[sflag:s25] =	ssyncset.done $0x0  }
0x64: {  	[sflag:s25] =	ssyncadd.s32 $0xFFFFB000  }
0x65: {  	[spmem:s1] =	stream.indirect.scatter.add.f32 [tilespmem:s22], [sflag:$0x3], $0x100, s26, s18, $0xb8;
	[tilespmem:$0x1E380] =	vst v63  }
0x66: {  	_ =	swait.ge [sflag:s16], $0x5000  }
0x67: {  	[sflag:s16] =	ssyncset.done $0x0  }
0x68: {  	s30 =	sadd.s32 $0x20, s30;
	[sflag:s16] =	ssyncadd.s32 $0xFFFFB000  }
0x69: {  	[tilespmem:s20], [sflag:$0x3] =	stream.linear.gather [hbm4b:s30+s3], $0x80, $0x38;
	[tilespmem:$0x1E380] =	vst v63  }
0x6a: {  	_ =	swait.ge [sflag:s16], $0x80  }
0x6b: {  	[sflag:s16] =	ssyncset.done $0x0  }
0x6c: {  	s31 =	sadd.s32 $0x20, s31;
	[sflag:s16] =	ssyncadd.s32 $0xFFFFFF80  }
0x6d: {  	[tilespmem:s21], [sflag:$0x3] =	stream.linear.gather [hbm4b:s31+s3], $0x80, $0x38;
	[tilespmem:$0x1E380] =	vst v63  }
0x6e: {  	_ =	swait.ge [sflag:s16], $0x80  }
0x6f: {  	[sflag:s16] =	ssyncset.done $0x0  }
0x70: {  	[sflag:s16] =	ssyncadd.s32 $0xFFFFFF80  }
0x71: {  	v1 =	vld [tilespmem:$0x1B0]  }
0x72: {  	v2 =	vld [tilespmem:$0x190]  }
0x73: {  	v3 =	vld [tilespmem:$0x180]  }
0x74: {  	v4 =	vld [tilespmem:$0x1A0]  }
0x75: {  	v5 =	vld [tilespmem:$0x1C0]  }
0x76: {  	v1 =	vsub.s32 v1, v0  }
0x77: {  	v2 =	vsub.s32 v2, v0;
	v1 =	vmin.u32 v1, $0x1400  }
0x78: {  	v3 =	vsub.s32 v3, v0;
	v2 =	vmin.u32 v2, $0x1400;
	[tilespmem:$0x2B0] =	vst v1  }
0x79: {  	v1 =	vmin.u32 v3, $0x1400;
	[tilespmem:$0x290] =	vst v2;
	v2 =	vsub.s32 v4, v0  }
0x7a: {  	[tilespmem:$0x280] =	vst v1;
	v1 =	vmin.u32 v2, $0x1400;
	v2 =	vsub.s32 v5, v0  }
0x7b: {  	[tilespmem:$0x2A0] =	vst v1;
	v1 =	vmin.u32 v2, $0x1400  }
0x7c: {  	[tilespmem:$0x2C0] =	vst v1  }
0x7d: {  	[tilespmem:s22], [sflag:$0x2] =	stream.indirect.gather [hbm4b:s4+s18], $0x100, s20, s18, $0xb8;
	[tilespmem:$0x1E380] =	vst v63  }
0x7e: {  	s0 =	smov.u32 s29;
	_ =	swait.ge [sflag:s23], $0x5000  }
0x7f: {  	s0 =	smin.u32 s0, $0xF7;
	[sflag:s23] =	ssyncset.done $0x0  }
0x80: {  	s0 =	sshll.u32 s0, $0x7;
	[sflag:s23] =	ssyncadd.s32 $0xFFFFB000  }
0x81: {  	[spmem:s1] =	stream.indirect.scatter.add.f32 [tilespmem:s19], [sflag:$0x3], $0x100, s24, s18, $0xb8;
	[tilespmem:$0x1E380] =	vst v63  }
0x82: {  	s0 =	sadd.s32 $0x100, s0;
	_ =	swait.ge [sflag:s16], $0x5000  }
0x83: {  	s7 =	sand.u32 $0xFC00, s0;
	s2 =	rddreg [dreg:$0x3]  }
0x84: {  	s0 =	sand.u32 $0x380, s0;
	s2 =	sadd.s32 s2, s7  }
0x85: {  	s0 =	sor.u32 s0, s2  }
0x86: {  	[sflag:s16] =	ssyncset.done $0x0;
	s0 =	sshrl.u32 s0, $0x3  }
0x87: {  	[sflag:s16] =	ssyncadd.s32 $0xFFFFB000;
	s7 =	sadd.s32 s5, s0  }
0x88: {  	[tilespmem:s3], [sflag:$0x3] =	stream.linear.gather [hbm4b:s7+s3], $0x80, $0x38;
	[tilespmem:$0x1E380] =	vst v63  }
0x89: {  	_ =	swait.ge [sflag:s16], $0x80  }
0x8a: {  	[sflag:s16] =	ssyncset.done $0x0  }
0x8b: {  	s0 =	sadd.s32 s6, s0;
	[sflag:s16] =	ssyncadd.s32 $0xFFFFFF80  }
0x8c: {  	[tilespmem:s17], [sflag:$0x3] =	stream.linear.gather [hbm4b:s0+s3], $0x80, $0x38;
	[tilespmem:$0x1E380] =	vst v63  }
0x8d: {  	_ =	swait.ge [sflag:s16], $0x80  }
0x8e: {  	[sflag:s16] =	ssyncset.done $0x0  }
0x8f: {  	[sflag:s16] =	ssyncadd.s32 $0xFFFFFF80  }
0x90: {  	v1 =	vld [tilespmem:$0x100]  }
0x91: {  	v2 =	vld [tilespmem:$0x140]  }
0x92: {  	v3 =	vld [tilespmem:$0x130]  }
0x93: {  	v61 =	vld [tilespmem:$0x110]  }
0x94: {  	p0 =	sne.s32 s29, $0xF8;
	v62 =	vld [tilespmem:$0x120]  }
.Ltmp0:
0x95: {  	v1 =	vsub.s32 v1, v0;
	(pc) =	sbr.rel @p0 .LBB2_2-.Ltmp0, $4  }
0x96: {  	v2 =	vsub.s32 v2, v0;
	v1 =	vmin.u32 v1, $0x1400  }
0x97: {  	v2 =	vmin.u32 v2, $0x1400;
	[tilespmem:$0x200] =	vst v1;
	v1 =	vsub.s32 v3, v0  }
0x98: {  	v3 =	vsub.s32 v61, v0;
	[tilespmem:$0x240] =	vst v2;
	v63 =	vmin.u32 v1, $0x1400  }
0x99: {  	s29 =	sadd.s32 $0x2, s29;
	v2 =	vsub.s32 v62, v0;
	v1 =	vmin.u32 v3, $0x1400;
	[tilespmem:$0x230] =	vst v63  }
0x9a: {  	[tilespmem:$0x210] =	vst v1;
	v1 =	vmin.u32 v2, $0x1400  }
0x9b: {  	[tilespmem:$0x220] =	vst v1  }
0x9c: {  	[tilespmem:s19], [sflag:$0x1] =	stream.indirect.gather [hbm4b:s4+s18], $0x100, s3, s18, $0xb8;
	[tilespmem:$0x1E380] =	vst v63  }
0x9d: {  	_ =	swait.ge [sflag:s25], $0x5000  }
0x9e: {  	[sflag:s25] =	ssyncset.done $0x0  }
0x9f: {  	[sflag:s25] =	ssyncadd.s32 $0xFFFFB000  }
0xa0: {  	[spmem:s1] =	stream.indirect.scatter.add.f32 [tilespmem:s22], [sflag:$0x3], $0x100, s26, s18, $0xb8;
	[tilespmem:$0x1E380] =	vst v63  }
0xa1: {  	_ =	swait.ge [sflag:s16], $0x5000  }
0xa2: {  	[sflag:s16] =	ssyncset.done $0x0  }
0xa3: {  	[sflag:s16] =	ssyncadd.s32 $0xFFFFB000  }
0xa4: {  	_ =	swait.ge [sflag:s23], $0x5000  }
0xa5: {  	s28 =	sadd.s32 $0x1, s28;
	[sflag:s23] =	ssyncset.done $0x0  }
0xa6: {  	p0 =	sne.s32 s28, s12;
	[sflag:s23] =	ssyncadd.s32 $0xFFFFB000  }
.Ltmp1:
0xa7: {  	[bflag:$0x0] =	sbarrier.arrive $0xFFFF;
	(pc) =	sbr.rel @p0 .LBB2_1-.Ltmp1, $4  }
0xa8: {  	[hbm:s11], [sflag:s8] =	dma.local [spmem:s15], $0x2800  }
0xa9: {  	_ =	swait.ge [sflag:s16], $0x2800  }
0xaa: {  	[sflag:s16] =	ssyncset.done $0x0  }
0xab: {  	[sflag:s16] =	ssyncadd.s32 $0xFFFFD800  }
0xac: {  	_ =	sfence.sel $0x180000  }
0xad: {  	[bflag:$0x0] =	sbarrier.arrive $0xFFFF  }
0xae: {  	_ =	strace $0x9000004D  }
0xaf: {  	s0 =	stileid.u32;
	[bflag:$0x2] =	sbarrier.arrive $0xFFFF  }
0xb0: {  	p0 =	sne.s32 s0, $0x0;
	s0 =	rddreg [dreg:$0x2]  }
0xb1: {  	s0 =	sadd.s32 @!p0 $0x100000, s0  }
0xb2: {  	[sflag:s0] =	ssyncadd.tile.s32 @!p0 $0x1;
	_ =	shalt  }
.Lfunc_end2:
_tile_overlayer_lowered:
.L_overlay_start_2:
0xb3: {  	(tag) =	ssettag $0x2  }
0xb4: {  	s0 =	rddreg [dreg:$0x0];
	s2 =	stileid.u32  }
0xb5: {  	s1 =	rddreg [dreg:$0x1];
	p0 =	sne.s32 s2, $0x0  }
0xb6: {  	s3 =	rddreg [dreg:$0x2];
	[bflag:$0x3] =	sbarrier.arrive $0xFFFF;
	s2 =	simm.s32 @!p0 $0x1C03  }
0xb7: {  	[timem:s3], [sflag:s2] =	dma.local @!p0 [hbm:s0], s1  }
0xb8: {  	s0 =	simm.s32 @!p0 $0x3  }
0xb9: {  	_ =	swait.ge @!p0 [sflag:s0], s1  }
0xba: {  	s1 =	ssub.s32 @!p0 $0x0, s1;
	[sflag:s0] =	ssyncset.done @!p0 $0x0  }
0xbb: {  	[sflag:s0] =	ssyncadd.s32 @!p0 s1  }
0xbc: {  	[bflag:$0x3] =	sbarrier.arrive $0xFFFF  }
0xbd: {  	_ =	shalt  }

</sc_bundles>
